<compile_context>
chip_gen: v7x
topology: tpu7x:2x2x1
jax: 0.10.2.dev20260603
libtpu: 0.0.44.dev20260713+nightly
codegen_flags: <defaults>
</compile_context>

<pallas_src>
import functools

import jax
import jax.numpy as jnp
from jax import lax
from jax.experimental import pallas as pl
from jax.experimental.pallas import tpu as pltpu
from jax.experimental.pallas import tpu_sc as plsc

H = 128
HEADS = 4

NC = 2
NS = 16
NW = NC * NS

_MESH = functools.partial(plsc.VectorSubcoreMesh,
                          core_axis_name="c", subcore_axis_name="s")


def _f32(*shape):
    return jax.ShapeDtypeStruct(shape, jnp.float32)



def _sc_gather(table, idx):
    n, d = table.shape
    ip = idx.shape[0]
    pw = ip // NW
    ch = 800
    nch = pw // ch
    assert nch * ch == pw and ch % 8 == 0

    @functools.partial(
        pl.kernel,
        out_type=_f32(ip, d),
        mesh=_MESH(),
        scratch_types=[
            pltpu.VMEM((ch,), jnp.int32),
            pltpu.VMEM((ch, d), jnp.float32),
            pltpu.SemaphoreType.DMA,
        ],
    )
    def k(tab, ix, out, idx_v, rows_v, sem):
        c = lax.axis_index("c")
        s = lax.axis_index("s")
        w = c * NS + s
        for kk in range(nch):
            base = w * pw + kk * ch
            pltpu.sync_copy(ix.at[pl.ds(base, ch)], idx_v)
            pltpu.async_copy(tab.at[idx_v], rows_v, sem).wait()
            pltpu.sync_copy(rows_v, out.at[pl.ds(base, ch)])

    return k(table, idx)



_AGG_CACHE = {}


def _sc_gcn_agg(t, src, dst, zeros_hbm):
    n, d = t.shape
    np_ = zeros_hbm.shape[0] * 2 - 16
    hr = np_ // 2
    e = src.shape[0]
    ept = e // NS
    ch = 400
    nch = ept // ch
    assert nch * ch == ept and hr % (8 * NS) == 0
    key = (np_, d, e)
    if key in _AGG_CACHE:
        return _AGG_CACHE[key](t, src, dst, zeros_hbm)

    @functools.partial(
        pl.kernel,
        out_type=_f32(np_, d),
        mesh=_MESH(),
        scratch_types=[
            pltpu.VMEM((ch,), jnp.int32),
            pltpu.VMEM((ch,), jnp.int32),
            pltpu.VMEM((ch, d), jnp.float32),
            pltpu.SemaphoreType.DMA,
            pltpu.VMEM_SHARED((hr + 8, d), jnp.float32),
        ],
    )
    def k(tab, sx, dx, zz, out, idx_s, idx_d, rows_v, sem, acc_sh):
        c = lax.axis_index("c")
        s = lax.axis_index("s")

        @pl.when(s == 0)
        def _():
            pltpu.sync_copy(zz, acc_sh)

        plsc.subcore_barrier()
        lo = c * hr

        for kk in range(nch):
            base = s * ept + kk * ch
            pltpu.sync_copy(sx.at[pl.ds(base, ch)], idx_s)
            pltpu.sync_copy(dx.at[pl.ds(base, ch)], idx_d)

            def remap(i, _):
                v = idx_d[pl.ds(i * 16, 16)] - lo
                ok = (v >= 0) & (v < hr)
                idx_d[pl.ds(i * 16, 16)] = jnp.where(ok, v, hr)
                return 0

            lax.fori_loop(0, ch // 16, remap, 0)
            pltpu.async_copy(tab.at[idx_s], rows_v, sem).wait()
            pltpu.sync_copy(rows_v, acc_sh.at[idx_d], add=True)
        plsc.subcore_barrier()
        rpt = hr // NS
        r0 = s * rpt
        pltpu.sync_copy(acc_sh.at[pl.ds(r0, rpt)],
                        out.at[pl.ds(lo + r0, rpt)])

    _AGG_CACHE[key] = k
    return k(t, src, dst, zeros_hbm)



def kernel(x, edge_index, edge_label_index, W_pre, b_pre, Wg1, bg1, Wgat,
           a_src, a_dst, bgat, Wg2, bg2, g1, be1, g2, be2, g3, be3,
           W1, b1, W2, b2, W3, b3, W4, b4):
    n = x.shape[0]
    src, dst = edge_index[0], edge_index[1]
    hr = 5120
    zeros128 = jnp.zeros((hr + 8, H), jnp.float32)

    ones_e = jnp.ones(src.shape[0], jnp.float32)
    indeg = jax.ops.segment_sum(ones_e, dst, n)
    dis_x = lax.rsqrt(indeg[:, None] + 1.0)

    def _xbn(raw, g, be):
        mu = jnp.mean(raw, axis=0)
        var = jnp.mean((raw - mu) ** 2, axis=0)
        return g * (raw - mu) * lax.rsqrt(var + 1e-5) + be

    h0 = x @ W_pre + b_pre
    t1 = dis_x * (h0 @ Wg1)
    loop_i = jnp.arange(n, dtype=src.dtype)
    s2 = jnp.concatenate([src, loop_i])
    d2 = jnp.concatenate([dst, loop_i])
    nrm = (dis_x[:, 0][s2] * dis_x[:, 0][d2])[:, None]
    agg1x = jax.ops.segment_sum(nrm * (h0 @ Wg1)[s2], d2, n)
    h1 = jnp.maximum(_xbn(agg1x + bg1, g1, be1), 0.0) + h0

    def _gat(xx, W, a_s, a_d, b):
        h = (xx @ W).reshape(n, HEADS, H)
        al_s = jnp.sum(h * a_s, axis=-1)
        al_d = jnp.sum(h * a_d, axis=-1)
        loop = jnp.arange(n, dtype=src.dtype)
        s2 = jnp.concatenate([src, loop])
        d2 = jnp.concatenate([dst, loop])
        alpha = jax.nn.leaky_relu(al_s[s2] + al_d[d2], 0.2)
        m = jax.ops.segment_max(alpha, d2, n)
        e = jnp.exp(alpha - m[d2])
        den = jax.ops.segment_sum(e, d2, n)
        coef = e / (den[d2] + 1e-16)
        out = jax.ops.segment_sum(coef[:, :, None] * h[s2], d2, n)
        return jnp.mean(out, axis=1) + b

    h2 = jnp.maximum(_xbn(_gat(h1, Wgat, a_src, a_dst, bgat), g2, be2),
                     0.0) + h1

    agg2x = jax.ops.segment_sum(nrm * (h2 @ Wg2)[s2], d2, n)
    h3 = jnp.maximum(_xbn(agg2x + bg2, g3, be3), 0.0) + h2

    sl, dl = edge_label_index[0], edge_label_index[1]
    el = sl.shape[0]
    ip = NW * 12800
    idx = jnp.concatenate([sl, dl, jnp.zeros((ip - 2 * el,), jnp.int32)])
    uv = _sc_gather(h3, idx)
    u = uv[:el]
    v = uv[el:2 * el]
    e = jnp.maximum(u @ W1[:H] + v @ W1[H:] + b1, 0.0)
    e = jnp.maximum(e @ W2 + b2, 0.0)
    e = jnp.maximum(e @ W3 + b3, 0.0)
    return e @ W4 + b4

# --- scband reference (transcript-rebuilt; emitter-appended) ---
"""Pipeline reference for scband-gcnedge-prediction-32916629357275 (READ-ONLY COPY).

The authoritative reference and input builder live on the scoring server;
editing this copy changes nothing except your own understanding.
"""

import jax, jax.numpy as jnp
import numpy as np

N = 10000
E = 320000
EL = 200000
D = 128
H = 128
HEADS = 4


def _glorot(k, shape):
    fan_in, fan_out = shape[0], shape[-1]
    s = np.sqrt(6.0 / (fan_in + fan_out))
    return jax.random.uniform(k, shape, jnp.float32, -s, s)


def setup_inputs(seed: int = 0):
    key = jax.random.key(seed)
    ks = jax.random.split(key, 16)
    inp = {}
    inp["x"] = jax.random.normal(ks[0], (N, D), jnp.float32)
    inp["edge_index"] = jax.random.randint(ks[1], (2, E), 0, N, jnp.int32)
    inp["edge_label_index"] = jax.random.randint(ks[2], (2, EL), 0, N, jnp.int32)
    inp["W_pre"] = _glorot(ks[3], (D, H)); inp["b_pre"] = jnp.zeros((H,), jnp.float32)
    inp["Wg1"] = _glorot(ks[4], (H, H)); inp["bg1"] = jnp.zeros((H,), jnp.float32)
    inp["Wgat"] = _glorot(ks[5], (H, HEADS * H))
    inp["a_src"] = _glorot(ks[6], (HEADS, H))
    inp["a_dst"] = _glorot(ks[7], (HEADS, H))
    inp["bgat"] = jnp.zeros((H,), jnp.float32)
    inp["Wg2"] = _glorot(ks[8], (H, H)); inp["bg2"] = jnp.zeros((H,), jnp.float32)
    for nm in ["1", "2", "3"]:
        inp["g" + nm] = jnp.ones((H,), jnp.float32)
        inp["be" + nm] = jnp.zeros((H,), jnp.float32)
    inp["W1"] = _glorot(ks[9], (2 * H, H)); inp["b1"] = jnp.zeros((H,), jnp.float32)
    inp["W2"] = _glorot(ks[10], (H, H // 2)); inp["b2"] = jnp.zeros((H // 2,), jnp.float32)
    inp["W3"] = _glorot(ks[11], (H // 2, H // 4)); inp["b3"] = jnp.zeros((H // 4,), jnp.float32)
    inp["W4"] = _glorot(ks[12], (H // 4, 1)); inp["b4"] = jnp.zeros((1,), jnp.float32)
    return inp


def _bn(x, g, b):
    mu = jnp.mean(x, axis=0)
    var = jnp.var(x, axis=0)
    return g * (x - mu) * jax.lax.rsqrt(var + 1e-5) + b


def _add_self_loops(src, dst, n):
    loop = jnp.arange(n, dtype=src.dtype)
    return jnp.concatenate([src, loop]), jnp.concatenate([dst, loop])


def _gcn(x, W, b, src, dst, n):
    h = x @ W
    s2, d2 = _add_self_loops(src, dst, n)
    deg = jax.ops.segment_sum(jnp.ones(s2.shape[0], x.dtype), d2, n)
    dis = jax.lax.rsqrt(jnp.maximum(deg, 1.0))
    norm = dis[s2] * dis[d2]
    out = jax.ops.segment_sum(norm[:, None] * h[s2], d2, n)
    return out + b


def _gat(x, W, a_s, a_d, b, src, dst, n):
    h = (x @ W).reshape(n, HEADS, H)
    al_s = jnp.sum(h * a_s, axis=-1)
    al_d = jnp.sum(h * a_d, axis=-1)
    s2, d2 = _add_self_loops(src, dst, n)
    alpha = jax.nn.leaky_relu(al_s[s2] + al_d[d2], 0.2)
    m = jax.ops.segment_max(alpha, d2, n)
    e = jnp.exp(alpha - m[d2])
    den = jax.ops.segment_sum(e, d2, n)
    coef = e / (den[d2] + 1e-16)
    out = jax.ops.segment_sum(coef[:, :, None] * h[s2], d2, n)
    return jnp.mean(out, axis=1) + b


def reference(x, edge_index, edge_label_index, W_pre, b_pre, Wg1, bg1, Wgat, a_src, a_dst, bgat, Wg2, bg2, g1, be1, g2, be2, g3, be3, W1, b1, W2, b2, W3, b3, W4, b4):
    n = x.shape[0]
    src, dst = edge_index[0], edge_index[1]
    h = x @ W_pre + b_pre
    r = h
    h = jax.nn.relu(_bn(_gcn(h, Wg1, bg1, src, dst, n), g1, be1)) + r
    r = h
    h = jax.nn.relu(_bn(_gat(h, Wgat, a_src, a_dst, bgat, src, dst, n), g2, be2)) + r
    r = h
    h = jax.nn.relu(_bn(_gcn(h, Wg2, bg2, src, dst, n), g3, be3)) + r
    sl, dl = edge_label_index[0], edge_label_index[1]
    e = jnp.concatenate([h[sl], h[dl]], axis=1)
    e = jax.nn.relu(e @ W1 + b1)
    e = jax.nn.relu(e @ W2 + b2)
    e = jax.nn.relu(e @ W3 + b3)
    return e @ W4 + b4

if __name__ == "__main__":
    import jax
    _d = setup_inputs()
    print(jax.jit(kernel)(*tuple(_d.values())))

</pallas_src>

<mosaic_0001>
#map = affine_map<(d0, d1) -> (0, 0)>
#map1 = affine_map<(d0, d1) -> (0)>
module attributes {stable_mosaic.version = 14 : i64} {
  func.func @k(%arg0: i32, %arg1: i32, %arg2: memref<10000x128xf32, #tpu.memory_space<hbm>>, %arg3: memref<409600xi32, #tpu.memory_space<hbm>>, %arg4: memref<409600x128xf32, #tpu.memory_space<hbm>>, %arg5: memref<800xi32, #tpu.memory_space<vmem>>, %arg6: memref<800x128xf32, #tpu.memory_space<vmem>>, %arg7: memref<!tpu.dma_semaphore, #tpu.memory_space<semaphore_mem>>) attributes {dimension_semantics = [#tpu.dimension_semantics<core_parallel>, #tpu.dimension_semantics<subcore_parallel>], iteration_bounds = array<i64: 2, 16>, scalar_prefetch = 0 : i64, scratch_operands = 3 : i64, tpu.core_type = #tpu.core_type<sc_vector_subcore>, window_params = [{transform_indices = #map}, {transform_indices = #map1}, {transform_indices = #map}]} {
    %mul3A = arith.constant 16 : i32
    %mul3A_0 = arith.muli %arg0, %mul3A : i32
    %add3A = arith.addi %mul3A_0, %arg1 : i32
    %mul3A_1 = arith.constant 12800 : i32
    %mul3A_2 = arith.muli %add3A, %mul3A_1 : i32
    %add3A_3 = arith.constant 0 : i32
    %add3A_4 = arith.addi %mul3A_2, %add3A_3 : i32
    "tpu.region"() ({
      %run_scoped3A = tpu.sem_alloc : memref<!tpu.dma_semaphore, #tpu.memory_space<semaphore_mem>>
      %dma_start3A_159 = tpu.memref_slice %arg3[%add3A_4] : memref<409600xi32, #tpu.memory_space<hbm>> -> memref<800xi32, #tpu.memory_space<hbm>>
      %dma_start3A_160 = tpu.memref_slice %arg3[%add3A_4] : memref<409600xi32, #tpu.memory_space<hbm>> -> memref<800xi32, #tpu.memory_space<hbm>>
      tpu.enqueue_dma source(%dma_start3A_160 : memref<800xi32, #tpu.memory_space<hbm>>) target(%arg5 : memref<800xi32, #tpu.memory_space<vmem>>) target_semaphore(%run_scoped3A : memref<!tpu.dma_semaphore, #tpu.memory_space<semaphore_mem>>)
      %dma_wait3A_161 = tpu.memref_slice %arg3[%add3A_4] : memref<409600xi32, #tpu.memory_space<hbm>> -> memref<800xi32, #tpu.memory_space<hbm>>
      %dma_wait3A_162 = tpu.memref_slice %arg3[%add3A_4] : memref<409600xi32, #tpu.memory_space<hbm>> -> memref<800xi32, #tpu.memory_space<hbm>>
      tpu.wait_dma2 semaphore(%run_scoped3A : memref<!tpu.dma_semaphore, #tpu.memory_space<semaphore_mem>>) src(%dma_wait3A_162 : memref<800xi32, #tpu.memory_space<hbm>>) dst(%arg5 : memref<800xi32, #tpu.memory_space<vmem>>)
      tpu.yield
    }) : () -> ()
    %dma_start3A = arith.constant 0 : i32
    %dma_start3A_5 = arith.constant 0 : i32
    %dma_start3A_6 = tpu.memref_slice %arg2[%dma_start3A, %dma_start3A_5] : memref<10000x128xf32, #tpu.memory_space<hbm>> -> memref<10000x128xf32, #tpu.memory_space<hbm>>
    tpu.enqueue_indirect_dma source(%dma_start3A_6 : memref<10000x128xf32, #tpu.memory_space<hbm>>) target(%arg6 : memref<800x128xf32, #tpu.memory_space<vmem>>) offsets(%arg5 : memref<800xi32, #tpu.memory_space<vmem>>) semaphore(%arg7 : memref<!tpu.dma_semaphore, #tpu.memory_space<semaphore_mem>>)
    %dma_wait3A = arith.constant 0 : i32
    %dma_wait3A_7 = arith.constant 0 : i32
    %dma_wait3A_8 = tpu.memref_slice %arg2[%dma_wait3A, %dma_wait3A_7] : memref<10000x128xf32, #tpu.memory_space<hbm>> -> memref<10000x128xf32, #tpu.memory_space<hbm>>
    tpu.wait_indirect_dma semaphore(%arg7 : memref<!tpu.dma_semaphore, #tpu.memory_space<semaphore_mem>>) src(%dma_wait3A_8 : memref<10000x128xf32, #tpu.memory_space<hbm>>) dst(%arg6 : memref<800x128xf32, #tpu.memory_space<vmem>>)
    "tpu.region"() ({
      %run_scoped3A = tpu.sem_alloc : memref<!tpu.dma_semaphore, #tpu.memory_space<semaphore_mem>>
      %dma_start3A_159 = arith.constant 0 : i32
      %dma_start3A_160 = tpu.memref_slice %arg4[%add3A_4, %dma_start3A_159] : memref<409600x128xf32, #tpu.memory_space<hbm>> -> memref<800x128xf32, #tpu.memory_space<hbm>>
      %dma_start3A_161 = arith.constant 0 : i32
      %dma_start3A_162 = tpu.memref_slice %arg4[%add3A_4, %dma_start3A_161] : memref<409600x128xf32, #tpu.memory_space<hbm>> -> memref<800x128xf32, #tpu.memory_space<hbm>>
      tpu.enqueue_dma source(%arg6 : memref<800x128xf32, #tpu.memory_space<vmem>>) target(%dma_start3A_162 : memref<800x128xf32, #tpu.memory_space<hbm>>) target_semaphore(%run_scoped3A : memref<!tpu.dma_semaphore, #tpu.memory_space<semaphore_mem>>)
      %dma_wait3A_163 = arith.constant 0 : i32
      %dma_wait3A_164 = tpu.memref_slice %arg4[%add3A_4, %dma_wait3A_163] : memref<409600x128xf32, #tpu.memory_space<hbm>> -> memref<800x128xf32, #tpu.memory_space<hbm>>
      %dma_wait3A_165 = arith.constant 0 : i32
      %dma_wait3A_166 = tpu.memref_slice %arg4[%add3A_4, %dma_wait3A_165] : memref<409600x128xf32, #tpu.memory_space<hbm>> -> memref<800x128xf32, #tpu.memory_space<hbm>>
      tpu.wait_dma2 semaphore(%run_scoped3A : memref<!tpu.dma_semaphore, #tpu.memory_space<semaphore_mem>>) src(%arg6 : memref<800x128xf32, #tpu.memory_space<vmem>>) dst(%dma_wait3A_166 : memref<800x128xf32, #tpu.memory_space<hbm>>)
      tpu.yield
    }) : () -> ()
    %mul3A_9 = arith.constant 12800 : i32
    %mul3A_10 = arith.muli %add3A, %mul3A_9 : i32
    %add3A_11 = arith.constant 800 : i32
    %add3A_12 = arith.addi %mul3A_10, %add3A_11 : i32
    "tpu.region"() ({
      %run_scoped3A = tpu.sem_alloc : memref<!tpu.dma_semaphore, #tpu.memory_space<semaphore_mem>>
      %dma_start3A_159 = tpu.memref_slice %arg3[%add3A_12] : memref<409600xi32, #tpu.memory_space<hbm>> -> memref<800xi32, #tpu.memory_space<hbm>>
      %dma_start3A_160 = tpu.memref_slice %arg3[%add3A_12] : memref<409600xi32, #tpu.memory_space<hbm>> -> memref<800xi32, #tpu.memory_space<hbm>>
      tpu.enqueue_dma source(%dma_start3A_160 : memref<800xi32, #tpu.memory_space<hbm>>) target(%arg5 : memref<800xi32, #tpu.memory_space<vmem>>) target_semaphore(%run_scoped3A : memref<!tpu.dma_semaphore, #tpu.memory_space<semaphore_mem>>)
      %dma_wait3A_161 = tpu.memref_slice %arg3[%add3A_12] : memref<409600xi32, #tpu.memory_space<hbm>> -> memref<800xi32, #tpu.memory_space<hbm>>
      %dma_wait3A_162 = tpu.memref_slice %arg3[%add3A_12] : memref<409600xi32, #tpu.memory_space<hbm>> -> memref<800xi32, #tpu.memory_space<hbm>>
      tpu.wait_dma2 semaphore(%run_scoped3A : memref<!tpu.dma_semaphore, #tpu.memory_space<semaphore_mem>>) src(%dma_wait3A_162 : memref<800xi32, #tpu.memory_space<hbm>>) dst(%arg5 : memref<800xi32, #tpu.memory_space<vmem>>)
      tpu.yield
    }) : () -> ()
    %dma_start3A_13 = arith.constant 0 : i32
    %dma_start3A_14 = arith.constant 0 : i32
    %dma_start3A_15 = tpu.memref_slice %arg2[%dma_start3A_13, %dma_start3A_14] : memref<10000x128xf32, #tpu.memory_space<hbm>> -> memref<10000x128xf32, #tpu.memory_space<hbm>>
    tpu.enqueue_indirect_dma source(%dma_start3A_15 : memref<10000x128xf32, #tpu.memory_space<hbm>>) target(%arg6 : memref<800x128xf32, #tpu.memory_space<vmem>>) offsets(%arg5 : memref<800xi32, #tpu.memory_space<vmem>>) semaphore(%arg7 : memref<!tpu.dma_semaphore, #tpu.memory_space<semaphore_mem>>)
    %dma_wait3A_16 = arith.constant 0 : i32
    %dma_wait3A_17 = arith.constant 0 : i32
    %dma_wait3A_18 = tpu.memref_slice %arg2[%dma_wait3A_16, %dma_wait3A_17] : memref<10000x128xf32, #tpu.memory_space<hbm>> -> memref<10000x128xf32, #tpu.memory_space<hbm>>
    tpu.wait_indirect_dma semaphore(%arg7 : memref<!tpu.dma_semaphore, #tpu.memory_space<semaphore_mem>>) src(%dma_wait3A_18 : memref<10000x128xf32, #tpu.memory_space<hbm>>) dst(%arg6 : memref<800x128xf32, #tpu.memory_space<vmem>>)
    "tpu.region"() ({
      %run_scoped3A = tpu.sem_alloc : memref<!tpu.dma_semaphore, #tpu.memory_space<semaphore_mem>>
      %dma_start3A_159 = arith.constant 0 : i32
      %dma_start3A_160 = tpu.memref_slice %arg4[%add3A_12, %dma_start3A_159] : memref<409600x128xf32, #tpu.memory_space<hbm>> -> memref<800x128xf32, #tpu.memory_space<hbm>>
      %dma_start3A_161 = arith.constant 0 : i32
      %dma_start3A_162 = tpu.memref_slice %arg4[%add3A_12, %dma_start3A_161] : memref<409600x128xf32, #tpu.memory_space<hbm>> -> memref<800x128xf32, #tpu.memory_space<hbm>>
      tpu.enqueue_dma source(%arg6 : memref<800x128xf32, #tpu.memory_space<vmem>>) target(%dma_start3A_162 : memref<800x128xf32, #tpu.memory_space<hbm>>) target_semaphore(%run_scoped3A : memref<!tpu.dma_semaphore, #tpu.memory_space<semaphore_mem>>)
      %dma_wait3A_163 = arith.constant 0 : i32
      %dma_wait3A_164 = tpu.memref_slice %arg4[%add3A_12, %dma_wait3A_163] : memref<409600x128xf32, #tpu.memory_space<hbm>> -> memref<800x128xf32, #tpu.memory_space<hbm>>
      %dma_wait3A_165 = arith.constant 0 : i32
      %dma_wait3A_166 = tpu.memref_slice %arg4[%add3A_12, %dma_wait3A_165] : memref<409600x128xf32, #tpu.memory_space<hbm>> -> memref<800x128xf32, #tpu.memory_space<hbm>>
      tpu.wait_dma2 semaphore(%run_scoped3A : memref<!tpu.dma_semaphore, #tpu.memory_space<semaphore_mem>>) src(%arg6 : memref<800x128xf32, #tpu.memory_space<vmem>>) dst(%dma_wait3A_166 : memref<800x128xf32, #tpu.memory_space<hbm>>)
      tpu.yield
    }) : () -> ()
    %mul3A_19 = arith.constant 12800 : i32
    %mul3A_20 = arith.muli %add3A, %mul3A_19 : i32
    %add3A_21 = arith.constant 1600 : i32
    %add3A_22 = arith.addi %mul3A_20, %add3A_21 : i32
    "tpu.region"() ({
      %run_scoped3A = tpu.sem_alloc : memref<!tpu.dma_semaphore, #tpu.memory_space<semaphore_mem>>
      %dma_start3A_159 = tpu.memref_slice %arg3[%add3A_22] : memref<409600xi32, #tpu.memory_space<hbm>> -> memref<800xi32, #tpu.memory_space<hbm>>
      %dma_start3A_160 = tpu.memref_slice %arg3[%add3A_22] : memref<409600xi32, #tpu.memory_space<hbm>> -> memref<800xi32, #tpu.memory_space<hbm>>
      tpu.enqueue_dma source(%dma_start3A_160 : memref<800xi32, #tpu.memory_space<hbm>>) target(%arg5 : memref<800xi32, #tpu.memory_space<vmem>>) target_semaphore(%run_scoped3A : memref<!tpu.dma_semaphore, #tpu.memory_space<semaphore_mem>>)
      %dma_wait3A_161 = tpu.memref_slice %arg3[%add3A_22] : memref<409600xi32, #tpu.memory_space<hbm>> -> memref<800xi32, #tpu.memory_space<hbm>>
      %dma_wait3A_162 = tpu.memref_slice %arg3[%add3A_22] : memref<409600xi32, #tpu.memory_space<hbm>> -> memref<800xi32, #tpu.memory_space<hbm>>
      tpu.wait_dma2 semaphore(%run_scoped3A : memref<!tpu.dma_semaphore, #tpu.memory_space<semaphore_mem>>) src(%dma_wait3A_162 : memref<800xi32, #tpu.memory_space<hbm>>) dst(%arg5 : memref<800xi32, #tpu.memory_space<vmem>>)
      tpu.yield
    }) : () -> ()
    %dma_start3A_23 = arith.constant 0 : i32
    %dma_start3A_24 = arith.constant 0 : i32
    %dma_start3A_25 = tpu.memref_slice %arg2[%dma_start3A_23, %dma_start3A_24] : memref<10000x128xf32, #tpu.memory_space<hbm>> -> memref<10000x128xf32, #tpu.memory_space<hbm>>
    tpu.enqueue_indirect_dma source(%dma_start3A_25 : memref<10000x128xf32, #tpu.memory_space<hbm>>) target(%arg6 : memref<800x128xf32, #tpu.memory_space<vmem>>) offsets(%arg5 : memref<800xi32, #tpu.memory_space<vmem>>) semaphore(%arg7 : memref<!tpu.dma_semaphore, #tpu.memory_space<semaphore_mem>>)
    %dma_wait3A_26 = arith.constant 0 : i32
    %dma_wait3A_27 = arith.constant 0 : i32
    %dma_wait3A_28 = tpu.memref_slice %arg2[%dma_wait3A_26, %dma_wait3A_27] : memref<10000x128xf32, #tpu.memory_space<hbm>> -> memref<10000x128xf32, #tpu.memory_space<hbm>>
    tpu.wait_indirect_dma semaphore(%arg7 : memref<!tpu.dma_semaphore, #tpu.memory_space<semaphore_mem>>) src(%dma_wait3A_28 : memref<10000x128xf32, #tpu.memory_space<hbm>>) dst(%arg6 : memref<800x128xf32, #tpu.memory_space<vmem>>)
    "tpu.region"() ({
      %run_scoped3A = tpu.sem_alloc : memref<!tpu.dma_semaphore, #tpu.memory_space<semaphore_mem>>
      %dma_start3A_159 = arith.constant 0 : i32
      %dma_start3A_160 = tpu.memref_slice %arg4[%add3A_22, %dma_start3A_159] : memref<409600x128xf32, #tpu.memory_space<hbm>> -> memref<800x128xf32, #tpu.memory_space<hbm>>
      %dma_start3A_161 = arith.constant 0 : i32
      %dma_start3A_162 = tpu.memref_slice %arg4[%add3A_22, %dma_start3A_161] : memref<409600x128xf32, #tpu.memory_space<hbm>> -> memref<800x128xf32, #tpu.memory_space<hbm>>
      tpu.enqueue_dma source(%arg6 : memref<800x128xf32, #tpu.memory_space<vmem>>) target(%dma_start3A_162 : memref<800x128xf32, #tpu.memory_space<hbm>>) target_semaphore(%run_scoped3A : memref<!tpu.dma_semaphore, #tpu.memory_space<semaphore_mem>>)
      %dma_wait3A_163 = arith.constant 0 : i32
      %dma_wait3A_164 = tpu.memref_slice %arg4[%add3A_22, %dma_wait3A_163] : memref<409600x128xf32, #tpu.memory_space<hbm>> -> memref<800x128xf32, #tpu.memory_space<hbm>>
      %dma_wait3A_165 = arith.constant 0 : i32
      %dma_wait3A_166 = tpu.memref_slice %arg4[%add3A_22, %dma_wait3A_165] : memref<409600x128xf32, #tpu.memory_space<hbm>> -> memref<800x128xf32, #tpu.memory_space<hbm>>
      tpu.wait_dma2 semaphore(%run_scoped3A : memref<!tpu.dma_semaphore, #tpu.memory_space<semaphore_mem>>) src(%arg6 : memref<800x128xf32, #tpu.memory_space<vmem>>) dst(%dma_wait3A_166 : memref<800x128xf32, #tpu.memory_space<hbm>>)
      tpu.yield
    }) : () -> ()
    %mul3A_29 = arith.constant 12800 : i32
    %mul3A_30 = arith.muli %add3A, %mul3A_29 : i32
    %add3A_31 = arith.constant 2400 : i32
    %add3A_32 = arith.addi %mul3A_30, %add3A_31 : i32
    "tpu.region"() ({
      %run_scoped3A = tpu.sem_alloc : memref<!tpu.dma_semaphore, #tpu.memory_space<semaphore_mem>>
      %dma_start3A_159 = tpu.memref_slice %arg3[%add3A_32] : memref<409600xi32, #tpu.memory_space<hbm>> -> memref<800xi32, #tpu.memory_space<hbm>>
      %dma_start3A_160 = tpu.memref_slice %arg3[%add3A_32] : memref<409600xi32, #tpu.memory_space<hbm>> -> memref<800xi32, #tpu.memory_space<hbm>>
      tpu.enqueue_dma source(%dma_start3A_160 : memref<800xi32, #tpu.memory_space<hbm>>) target(%arg5 : memref<800xi32, #tpu.memory_space<vmem>>) target_semaphore(%run_scoped3A : memref<!tpu.dma_semaphore, #tpu.memory_space<semaphore_mem>>)
      %dma_wait3A_161 = tpu.memref_slice %arg3[%add3A_32] : memref<409600xi32, #tpu.memory_space<hbm>> -> memref<800xi32, #tpu.memory_space<hbm>>
      %dma_wait3A_162 = tpu.memref_slice %arg3[%add3A_32] : memref<409600xi32, #tpu.memory_space<hbm>> -> memref<800xi32, #tpu.memory_space<hbm>>
      tpu.wait_dma2 semaphore(%run_scoped3A : memref<!tpu.dma_semaphore, #tpu.memory_space<semaphore_mem>>) src(%dma_wait3A_162 : memref<800xi32, #tpu.memory_space<hbm>>) dst(%arg5 : memref<800xi32, #tpu.memory_space<vmem>>)
      tpu.yield
    }) : () -> ()
    %dma_start3A_33 = arith.constant 0 : i32
    %dma_start3A_34 = arith.constant 0 : i32
    %dma_start3A_35 = tpu.memref_slice %arg2[%dma_start3A_33, %dma_start3A_34] : memref<10000x128xf32, #tpu.memory_space<hbm>> -> memref<10000x128xf32, #tpu.memory_space<hbm>>
    tpu.enqueue_indirect_dma source(%dma_start3A_35 : memref<10000x128xf32, #tpu.memory_space<hbm>>) target(%arg6 : memref<800x128xf32, #tpu.memory_space<vmem>>) offsets(%arg5 : memref<800xi32, #tpu.memory_space<vmem>>) semaphore(%arg7 : memref<!tpu.dma_semaphore, #tpu.memory_space<semaphore_mem>>)
    %dma_wait3A_36 = arith.constant 0 : i32
    %dma_wait3A_37 = arith.constant 0 : i32
    %dma_wait3A_38 = tpu.memref_slice %arg2[%dma_wait3A_36, %dma_wait3A_37] : memref<10000x128xf32, #tpu.memory_space<hbm>> -> memref<10000x128xf32, #tpu.memory_space<hbm>>
    tpu.wait_indirect_dma semaphore(%arg7 : memref<!tpu.dma_semaphore, #tpu.memory_space<semaphore_mem>>) src(%dma_wait3A_38 : memref<10000x128xf32, #tpu.memory_space<hbm>>) dst(%arg6 : memref<800x128xf32, #tpu.memory_space<vmem>>)
    "tpu.region"() ({
      %run_scoped3A = tpu.sem_alloc : memref<!tpu.dma_semaphore, #tpu.memory_space<semaphore_mem>>
      %dma_start3A_159 = arith.constant 0 : i32
      %dma_start3A_160 = tpu.memref_slice %arg4[%add3A_32, %dma_start3A_159] : memref<409600x128xf32, #tpu.memory_space<hbm>> -> memref<800x128xf32, #tpu.memory_space<hbm>>
      %dma_start3A_161 = arith.constant 0 : i32
      %dma_start3A_162 = tpu.memref_slice %arg4[%add3A_32, %dma_start3A_161] : memref<409600x128xf32, #tpu.memory_space<hbm>> -> memref<800x128xf32, #tpu.memory_space<hbm>>
      tpu.enqueue_dma source(%arg6 : memref<800x128xf32, #tpu.memory_space<vmem>>) target(%dma_start3A_162 : memref<800x128xf32, #tpu.memory_space<hbm>>) target_semaphore(%run_scoped3A : memref<!tpu.dma_semaphore, #tpu.memory_space<semaphore_mem>>)
      %dma_wait3A_163 = arith.constant 0 : i32
      %dma_wait3A_164 = tpu.memref_slice %arg4[%add3A_32, %dma_wait3A_163] : memref<409600x128xf32, #tpu.memory_space<hbm>> -> memref<800x128xf32, #tpu.memory_space<hbm>>
      %dma_wait3A_165 = arith.constant 0 : i32
      %dma_wait3A_166 = tpu.memref_slice %arg4[%add3A_32, %dma_wait3A_165] : memref<409600x128xf32, #tpu.memory_space<hbm>> -> memref<800x128xf32, #tpu.memory_space<hbm>>
      tpu.wait_dma2 semaphore(%run_scoped3A : memref<!tpu.dma_semaphore, #tpu.memory_space<semaphore_mem>>) src(%arg6 : memref<800x128xf32, #tpu.memory_space<vmem>>) dst(%dma_wait3A_166 : memref<800x128xf32, #tpu.memory_space<hbm>>)
      tpu.yield
    }) : () -> ()
    %mul3A_39 = arith.constant 12800 : i32
    %mul3A_40 = arith.muli %add3A, %mul3A_39 : i32
    %add3A_41 = arith.constant 3200 : i32
    %add3A_42 = arith.addi %mul3A_40, %add3A_41 : i32
    "tpu.region"() ({
      %run_scoped3A = tpu.sem_alloc : memref<!tpu.dma_semaphore, #tpu.memory_space<semaphore_mem>>
      %dma_start3A_159 = tpu.memref_slice %arg3[%add3A_42] : memref<409600xi32, #tpu.memory_space<hbm>> -> memref<800xi32, #tpu.memory_space<hbm>>
      %dma_start3A_160 = tpu.memref_slice %arg3[%add3A_42] : memref<409600xi32, #tpu.memory_space<hbm>> -> memref<800xi32, #tpu.memory_space<hbm>>
      tpu.enqueue_dma source(%dma_start3A_160 : memref<800xi32, #tpu.memory_space<hbm>>) target(%arg5 : memref<800xi32, #tpu.memory_space<vmem>>) target_semaphore(%run_scoped3A : memref<!tpu.dma_semaphore, #tpu.memory_space<semaphore_mem>>)
      %dma_wait3A_161 = tpu.memref_slice %arg3[%add3A_42] : memref<409600xi32, #tpu.memory_space<hbm>> -> memref<800xi32, #tpu.memory_space<hbm>>
      %dma_wait3A_162 = tpu.memref_slice %arg3[%add3A_42] : memref<409600xi32, #tpu.memory_space<hbm>> -> memref<800xi32, #tpu.memory_space<hbm>>
      tpu.wait_dma2 semaphore(%run_scoped3A : memref<!tpu.dma_semaphore, #tpu.memory_space<semaphore_mem>>) src(%dma_wait3A_162 : memref<800xi32, #tpu.memory_space<hbm>>) dst(%arg5 : memref<800xi32, #tpu.memory_space<vmem>>)
      tpu.yield
    }) : () -> ()
    %dma_start3A_43 = arith.constant 0 : i32
    %dma_start3A_44 = arith.constant 0 : i32
    %dma_start3A_45 = tpu.memref_slice %arg2[%dma_start3A_43, %dma_start3A_44] : memref<10000x128xf32, #tpu.memory_space<hbm>> -> memref<10000x128xf32, #tpu.memory_space<hbm>>
    tpu.enqueue_indirect_dma source(%dma_start3A_45 : memref<10000x128xf32, #tpu.memory_space<hbm>>) target(%arg6 : memref<800x128xf32, #tpu.memory_space<vmem>>) offsets(%arg5 : memref<800xi32, #tpu.memory_space<vmem>>) semaphore(%arg7 : memref<!tpu.dma_semaphore, #tpu.memory_space<semaphore_mem>>)
    %dma_wait3A_46 = arith.constant 0 : i32
    %dma_wait3A_47 = arith.constant 0 : i32
    %dma_wait3A_48 = tpu.memref_slice %arg2[%dma_wait3A_46, %dma_wait3A_47] : memref<10000x128xf32, #tpu.memory_space<hbm>> -> memref<10000x128xf32, #tpu.memory_space<hbm>>
    tpu.wait_indirect_dma semaphore(%arg7 : memref<!tpu.dma_semaphore, #tpu.memory_space<semaphore_mem>>) src(%dma_wait3A_48 : memref<10000x128xf32, #tpu.memory_space<hbm>>) dst(%arg6 : memref<800x128xf32, #tpu.memory_space<vmem>>)
    "tpu.region"() ({
      %run_scoped3A = tpu.sem_alloc : memref<!tpu.dma_semaphore, #tpu.memory_space<semaphore_mem>>
      %dma_start3A_159 = arith.constant 0 : i32
      %dma_start3A_160 = tpu.memref_slice %arg4[%add3A_42, %dma_start3A_159] : memref<409600x128xf32, #tpu.memory_space<hbm>> -> memref<800x128xf32, #tpu.memory_space<hbm>>
      %dma_start3A_161 = arith.constant 0 : i32
      %dma_start3A_162 = tpu.memref_slice %arg4[%add3A_42, %dma_start3A_161] : memref<409600x128xf32, #tpu.memory_space<hbm>> -> memref<800x128xf32, #tpu.memory_space<hbm>>
      tpu.enqueue_dma source(%arg6 : memref<800x128xf32, #tpu.memory_space<vmem>>) target(%dma_start3A_162 : memref<800x128xf32, #tpu.memory_space<hbm>>) target_semaphore(%run_scoped3A : memref<!tpu.dma_semaphore, #tpu.memory_space<semaphore_mem>>)
      %dma_wait3A_163 = arith.constant 0 : i32
      %dma_wait3A_164 = tpu.memref_slice %arg4[%add3A_42, %dma_wait3A_163] : memref<409600x128xf32, #tpu.memory_space<hbm>> -> memref<800x128xf32, #tpu.memory_space<hbm>>
      %dma_wait3A_165 = arith.constant 0 : i32
      %dma_wait3A_166 = tpu.memref_slice %arg4[%add3A_42, %dma_wait3A_165] : memref<409600x128xf32, #tpu.memory_space<hbm>> -> memref<800x128xf32, #tpu.memory_space<hbm>>
      tpu.wait_dma2 semaphore(%run_scoped3A : memref<!tpu.dma_semaphore, #tpu.memory_space<semaphore_mem>>) src(%arg6 : memref<800x128xf32, #tpu.memory_space<vmem>>) dst(%dma_wait3A_166 : memref<800x128xf32, #tpu.memory_space<hbm>>)
      tpu.yield
    }) : () -> ()
    %mul3A_49 = arith.constant 12800 : i32
    %mul3A_50 = arith.muli %add3A, %mul3A_49 : i32
    %add3A_51 = arith.constant 4000 : i32
    %add3A_52 = arith.addi %mul3A_50, %add3A_51 : i32
    "tpu.region"() ({
      %run_scoped3A = tpu.sem_alloc : memref<!tpu.dma_semaphore, #tpu.memory_space<semaphore_mem>>
      %dma_start3A_159 = tpu.memref_slice %arg3[%add3A_52] : memref<409600xi32, #tpu.memory_space<hbm>> -> memref<800xi32, #tpu.memory_space<hbm>>
      %dma_start3A_160 = tpu.memref_slice %arg3[%add3A_52] : memref<409600xi32, #tpu.memory_space<hbm>> -> memref<800xi32, #tpu.memory_space<hbm>>
      tpu.enqueue_dma source(%dma_start3A_160 : memref<800xi32, #tpu.memory_space<hbm>>) target(%arg5 : memref<800xi32, #tpu.memory_space<vmem>>) target_semaphore(%run_scoped3A : memref<!tpu.dma_semaphore, #tpu.memory_space<semaphore_mem>>)
      %dma_wait3A_161 = tpu.memref_slice %arg3[%add3A_52] : memref<409600xi32, #tpu.memory_space<hbm>> -> memref<800xi32, #tpu.memory_space<hbm>>
      %dma_wait3A_162 = tpu.memref_slice %arg3[%add3A_52] : memref<409600xi32, #tpu.memory_space<hbm>> -> memref<800xi32, #tpu.memory_space<hbm>>
      tpu.wait_dma2 semaphore(%run_scoped3A : memref<!tpu.dma_semaphore, #tpu.memory_space<semaphore_mem>>) src(%dma_wait3A_162 : memref<800xi32, #tpu.memory_space<hbm>>) dst(%arg5 : memref<800xi32, #tpu.memory_space<vmem>>)
      tpu.yield
    }) : () -> ()
    %dma_start3A_53 = arith.constant 0 : i32
    %dma_start3A_54 = arith.constant 0 : i32
    %dma_start3A_55 = tpu.memref_slice %arg2[%dma_start3A_53, %dma_start3A_54] : memref<10000x128xf32, #tpu.memory_space<hbm>> -> memref<10000x128xf32, #tpu.memory_space<hbm>>
    tpu.enqueue_indirect_dma source(%dma_start3A_55 : memref<10000x128xf32, #tpu.memory_space<hbm>>) target(%arg6 : memref<800x128xf32, #tpu.memory_space<vmem>>) offsets(%arg5 : memref<800xi32, #tpu.memory_space<vmem>>) semaphore(%arg7 : memref<!tpu.dma_semaphore, #tpu.memory_space<semaphore_mem>>)
    %dma_wait3A_56 = arith.constant 0 : i32
    %dma_wait3A_57 = arith.constant 0 : i32
    %dma_wait3A_58 = tpu.memref_slice %arg2[%dma_wait3A_56, %dma_wait3A_57] : memref<10000x128xf32, #tpu.memory_space<hbm>> -> memref<10000x128xf32, #tpu.memory_space<hbm>>
    tpu.wait_indirect_dma semaphore(%arg7 : memref<!tpu.dma_semaphore, #tpu.memory_space<semaphore_mem>>) src(%dma_wait3A_58 : memref<10000x128xf32, #tpu.memory_space<hbm>>) dst(%arg6 : memref<800x128xf32, #tpu.memory_space<vmem>>)
    "tpu.region"() ({
      %run_scoped3A = tpu.sem_alloc : memref<!tpu.dma_semaphore, #tpu.memory_space<semaphore_mem>>
      %dma_start3A_159 = arith.constant 0 : i32
      %dma_start3A_160 = tpu.memref_slice %arg4[%add3A_52, %dma_start3A_159] : memref<409600x128xf32, #tpu.memory_space<hbm>> -> memref<800x128xf32, #tpu.memory_space<hbm>>
      %dma_start3A_161 = arith.constant 0 : i32
      %dma_start3A_162 = tpu.memref_slice %arg4[%add3A_52, %dma_start3A_161] : memref<409600x128xf32, #tpu.memory_space<hbm>> -> memref<800x128xf32, #tpu.memory_space<hbm>>
      tpu.enqueue_dma source(%arg6 : memref<800x128xf32, #tpu.memory_space<vmem>>) target(%dma_start3A_162 : memref<800x128xf32, #tpu.memory_space<hbm>>) target_semaphore(%run_scoped3A : memref<!tpu.dma_semaphore, #tpu.memory_space<semaphore_mem>>)
      %dma_wait3A_163 = arith.constant 0 : i32
      %dma_wait3A_164 = tpu.memref_slice %arg4[%add3A_52, %dma_wait3A_163] : memref<409600x128xf32, #tpu.memory_space<hbm>> -> memref<800x128xf32, #tpu.memory_space<hbm>>
      %dma_wait3A_165 = arith.constant 0 : i32
      %dma_wait3A_166 = tpu.memref_slice %arg4[%add3A_52, %dma_wait3A_165] : memref<409600x128xf32, #tpu.memory_space<hbm>> -> memref<800x128xf32, #tpu.memory_space<hbm>>
      tpu.wait_dma2 semaphore(%run_scoped3A : memref<!tpu.dma_semaphore, #tpu.memory_space<semaphore_mem>>) src(%arg6 : memref<800x128xf32, #tpu.memory_space<vmem>>) dst(%dma_wait3A_166 : memref<800x128xf32, #tpu.memory_space<hbm>>)
      tpu.yield
    }) : () -> ()
    %mul3A_59 = arith.constant 12800 : i32
    %mul3A_60 = arith.muli %add3A, %mul3A_59 : i32
    %add3A_61 = arith.constant 4800 : i32
    %add3A_62 = arith.addi %mul3A_60, %add3A_61 : i32
    "tpu.region"() ({
      %run_scoped3A = tpu.sem_alloc : memref<!tpu.dma_semaphore, #tpu.memory_space<semaphore_mem>>
      %dma_start3A_159 = tpu.memref_slice %arg3[%add3A_62] : memref<409600xi32, #tpu.memory_space<hbm>> -> memref<800xi32, #tpu.memory_space<hbm>>
      %dma_start3A_160 = tpu.memref_slice %arg3[%add3A_62] : memref<409600xi32, #tpu.memory_space<hbm>> -> memref<800xi32, #tpu.memory_space<hbm>>
      tpu.enqueue_dma source(%dma_start3A_160 : memref<800xi32, #tpu.memory_space<hbm>>) target(%arg5 : memref<800xi32, #tpu.memory_space<vmem>>) target_semaphore(%run_scoped3A : memref<!tpu.dma_semaphore, #tpu.memory_space<semaphore_mem>>)
      %dma_wait3A_161 = tpu.memref_slice %arg3[%add3A_62] : memref<409600xi32, #tpu.memory_space<hbm>> -> memref<800xi32, #tpu.memory_space<hbm>>
      %dma_wait3A_162 = tpu.memref_slice %arg3[%add3A_62] : memref<409600xi32, #tpu.memory_space<hbm>> -> memref<800xi32, #tpu.memory_space<hbm>>
      tpu.wait_dma2 semaphore(%run_scoped3A : memref<!tpu.dma_semaphore, #tpu.memory_space<semaphore_mem>>) src(%dma_wait3A_162 : memref<800xi32, #tpu.memory_space<hbm>>) dst(%arg5 : memref<800xi32, #tpu.memory_space<vmem>>)
      tpu.yield
    }) : () -> ()
    %dma_start3A_63 = arith.constant 0 : i32
    %dma_start3A_64 = arith.constant 0 : i32
    %dma_start3A_65 = tpu.memref_slice %arg2[%dma_start3A_63, %dma_start3A_64] : memref<10000x128xf32, #tpu.memory_space<hbm>> -> memref<10000x128xf32, #tpu.memory_space<hbm>>
    tpu.enqueue_indirect_dma source(%dma_start3A_65 : memref<10000x128xf32, #tpu.memory_space<hbm>>) target(%arg6 : memref<800x128xf32, #tpu.memory_space<vmem>>) offsets(%arg5 : memref<800xi32, #tpu.memory_space<vmem>>) semaphore(%arg7 : memref<!tpu.dma_semaphore, #tpu.memory_space<semaphore_mem>>)
    %dma_wait3A_66 = arith.constant 0 : i32
    %dma_wait3A_67 = arith.constant 0 : i32
    %dma_wait3A_68 = tpu.memref_slice %arg2[%dma_wait3A_66, %dma_wait3A_67] : memref<10000x128xf32, #tpu.memory_space<hbm>> -> memref<10000x128xf32, #tpu.memory_space<hbm>>
    tpu.wait_indirect_dma semaphore(%arg7 : memref<!tpu.dma_semaphore, #tpu.memory_space<semaphore_mem>>) src(%dma_wait3A_68 : memref<10000x128xf32, #tpu.memory_space<hbm>>) dst(%arg6 : memref<800x128xf32, #tpu.memory_space<vmem>>)
    "tpu.region"() ({
      %run_scoped3A = tpu.sem_alloc : memref<!tpu.dma_semaphore, #tpu.memory_space<semaphore_mem>>
      %dma_start3A_159 = arith.constant 0 : i32
      %dma_start3A_160 = tpu.memref_slice %arg4[%add3A_62, %dma_start3A_159] : memref<409600x128xf32, #tpu.memory_space<hbm>> -> memref<800x128xf32, #tpu.memory_space<hbm>>
      %dma_start3A_161 = arith.constant 0 : i32
      %dma_start3A_162 = tpu.memref_slice %arg4[%add3A_62, %dma_start3A_161] : memref<409600x128xf32, #tpu.memory_space<hbm>> -> memref<800x128xf32, #tpu.memory_space<hbm>>
      tpu.enqueue_dma source(%arg6 : memref<800x128xf32, #tpu.memory_space<vmem>>) target(%dma_start3A_162 : memref<800x128xf32, #tpu.memory_space<hbm>>) target_semaphore(%run_scoped3A : memref<!tpu.dma_semaphore, #tpu.memory_space<semaphore_mem>>)
      %dma_wait3A_163 = arith.constant 0 : i32
      %dma_wait3A_164 = tpu.memref_slice %arg4[%add3A_62, %dma_wait3A_163] : memref<409600x128xf32, #tpu.memory_space<hbm>> -> memref<800x128xf32, #tpu.memory_space<hbm>>
      %dma_wait3A_165 = arith.constant 0 : i32
      %dma_wait3A_166 = tpu.memref_slice %arg4[%add3A_62, %dma_wait3A_165] : memref<409600x128xf32, #tpu.memory_space<hbm>> -> memref<800x128xf32, #tpu.memory_space<hbm>>
      tpu.wait_dma2 semaphore(%run_scoped3A : memref<!tpu.dma_semaphore, #tpu.memory_space<semaphore_mem>>) src(%arg6 : memref<800x128xf32, #tpu.memory_space<vmem>>) dst(%dma_wait3A_166 : memref<800x128xf32, #tpu.memory_space<hbm>>)
      tpu.yield
    }) : () -> ()
    %mul3A_69 = arith.constant 12800 : i32
    %mul3A_70 = arith.muli %add3A, %mul3A_69 : i32
    %add3A_71 = arith.constant 5600 : i32
    %add3A_72 = arith.addi %mul3A_70, %add3A_71 : i32
    "tpu.region"() ({
      %run_scoped3A = tpu.sem_alloc : memref<!tpu.dma_semaphore, #tpu.memory_space<semaphore_mem>>
      %dma_start3A_159 = tpu.memref_slice %arg3[%add3A_72] : memref<409600xi32, #tpu.memory_space<hbm>> -> memref<800xi32, #tpu.memory_space<hbm>>
      %dma_start3A_160 = tpu.memref_slice %arg3[%add3A_72] : memref<409600xi32, #tpu.memory_space<hbm>> -> memref<800xi32, #tpu.memory_space<hbm>>
      tpu.enqueue_dma source(%dma_start3A_160 : memref<800xi32, #tpu.memory_space<hbm>>) target(%arg5 : memref<800xi32, #tpu.memory_space<vmem>>) target_semaphore(%run_scoped3A : memref<!tpu.dma_semaphore, #tpu.memory_space<semaphore_mem>>)
      %dma_wait3A_161 = tpu.memref_slice %arg3[%add3A_72] : memref<409600xi32, #tpu.memory_space<hbm>> -> memref<800xi32, #tpu.memory_space<hbm>>
      %dma_wait3A_162 = tpu.memref_slice %arg3[%add3A_72] : memref<409600xi32, #tpu.memory_space<hbm>> -> memref<800xi32, #tpu.memory_space<hbm>>
      tpu.wait_dma2 semaphore(%run_scoped3A : memref<!tpu.dma_semaphore, #tpu.memory_space<semaphore_mem>>) src(%dma_wait3A_162 : memref<800xi32, #tpu.memory_space<hbm>>) dst(%arg5 : memref<800xi32, #tpu.memory_space<vmem>>)
      tpu.yield
    }) : () -> ()
    %dma_start3A_73 = arith.constant 0 : i32
    %dma_start3A_74 = arith.constant 0 : i32
    %dma_start3A_75 = tpu.memref_slice %arg2[%dma_start3A_73, %dma_start3A_74] : memref<10000x128xf32, #tpu.memory_space<hbm>> -> memref<10000x128xf32, #tpu.memory_space<hbm>>
    tpu.enqueue_indirect_dma source(%dma_start3A_75 : memref<10000x128xf32, #tpu.memory_space<hbm>>) target(%arg6 : memref<800x128xf32, #tpu.memory_space<vmem>>) offsets(%arg5 : memref<800xi32, #tpu.memory_space<vmem>>) semaphore(%arg7 : memref<!tpu.dma_semaphore, #tpu.memory_space<semaphore_mem>>)
    %dma_wait3A_76 = arith.constant 0 : i32
    %dma_wait3A_77 = arith.constant 0 : i32
    %dma_wait3A_78 = tpu.memref_slice %arg2[%dma_wait3A_76, %dma_wait3A_77] : memref<10000x128xf32, #tpu.memory_space<hbm>> -> memref<10000x128xf32, #tpu.memory_space<hbm>>
    tpu.wait_indirect_dma semaphore(%arg7 : memref<!tpu.dma_semaphore, #tpu.memory_space<semaphore_mem>>) src(%dma_wait3A_78 : memref<10000x128xf32, #tpu.memory_space<hbm>>) dst(%arg6 : memref<800x128xf32, #tpu.memory_space<vmem>>)
    "tpu.region"() ({
      %run_scoped3A = tpu.sem_alloc : memref<!tpu.dma_semaphore, #tpu.memory_space<semaphore_mem>>
      %dma_start3A_159 = arith.constant 0 : i32
      %dma_start3A_160 = tpu.memref_slice %arg4[%add3A_72, %dma_start3A_159] : memref<409600x128xf32, #tpu.memory_space<hbm>> -> memref<800x128xf32, #tpu.memory_space<hbm>>
      %dma_start3A_161 = arith.constant 0 : i32
      %dma_start3A_162 = tpu.memref_slice %arg4[%add3A_72, %dma_start3A_161] : memref<409600x128xf32, #tpu.memory_space<hbm>> -> memref<800x128xf32, #tpu.memory_space<hbm>>
      tpu.enqueue_dma source(%arg6 : memref<800x128xf32, #tpu.memory_space<vmem>>) target(%dma_start3A_162 : memref<800x128xf32, #tpu.memory_space<hbm>>) target_semaphore(%run_scoped3A : memref<!tpu.dma_semaphore, #tpu.memory_space<semaphore_mem>>)
      %dma_wait3A_163 = arith.constant 0 : i32
      %dma_wait3A_164 = tpu.memref_slice %arg4[%add3A_72, %dma_wait3A_163] : memref<409600x128xf32, #tpu.memory_space<hbm>> -> memref<800x128xf32, #tpu.memory_space<hbm>>
      %dma_wait3A_165 = arith.constant 0 : i32
      %dma_wait3A_166 = tpu.memref_slice %arg4[%add3A_72, %dma_wait3A_165] : memref<409600x128xf32, #tpu.memory_space<hbm>> -> memref<800x128xf32, #tpu.memory_space<hbm>>
      tpu.wait_dma2 semaphore(%run_scoped3A : memref<!tpu.dma_semaphore, #tpu.memory_space<semaphore_mem>>) src(%arg6 : memref<800x128xf32, #tpu.memory_space<vmem>>) dst(%dma_wait3A_166 : memref<800x128xf32, #tpu.memory_space<hbm>>)
      tpu.yield
    }) : () -> ()
    %mul3A_79 = arith.constant 12800 : i32
    %mul3A_80 = arith.muli %add3A, %mul3A_79 : i32
    %add3A_81 = arith.constant 6400 : i32
    %add3A_82 = arith.addi %mul3A_80, %add3A_81 : i32
    "tpu.region"() ({
      %run_scoped3A = tpu.sem_alloc : memref<!tpu.dma_semaphore, #tpu.memory_space<semaphore_mem>>
      %dma_start3A_159 = tpu.memref_slice %arg3[%add3A_82] : memref<409600xi32, #tpu.memory_space<hbm>> -> memref<800xi32, #tpu.memory_space<hbm>>
      %dma_start3A_160 = tpu.memref_slice %arg3[%add3A_82] : memref<409600xi32, #tpu.memory_space<hbm>> -> memref<800xi32, #tpu.memory_space<hbm>>
      tpu.enqueue_dma source(%dma_start3A_160 : memref<800xi32, #tpu.memory_space<hbm>>) target(%arg5 : memref<800xi32, #tpu.memory_space<vmem>>) target_semaphore(%run_scoped3A : memref<!tpu.dma_semaphore, #tpu.memory_space<semaphore_mem>>)
      %dma_wait3A_161 = tpu.memref_slice %arg3[%add3A_82] : memref<409600xi32, #tpu.memory_space<hbm>> -> memref<800xi32, #tpu.memory_space<hbm>>
      %dma_wait3A_162 = tpu.memref_slice %arg3[%add3A_82] : memref<409600xi32, #tpu.memory_space<hbm>> -> memref<800xi32, #tpu.memory_space<hbm>>
      tpu.wait_dma2 semaphore(%run_scoped3A : memref<!tpu.dma_semaphore, #tpu.memory_space<semaphore_mem>>) src(%dma_wait3A_162 : memref<800xi32, #tpu.memory_space<hbm>>) dst(%arg5 : memref<800xi32, #tpu.memory_space<vmem>>)
      tpu.yield
    }) : () -> ()
    %dma_start3A_83 = arith.constant 0 : i32
    %dma_start3A_84 = arith.constant 0 : i32
    %dma_start3A_85 = tpu.memref_slice %arg2[%dma_start3A_83, %dma_start3A_84] : memref<10000x128xf32, #tpu.memory_space<hbm>> -> memref<10000x128xf32, #tpu.memory_space<hbm>>
    tpu.enqueue_indirect_dma source(%dma_start3A_85 : memref<10000x128xf32, #tpu.memory_space<hbm>>) target(%arg6 : memref<800x128xf32, #tpu.memory_space<vmem>>) offsets(%arg5 : memref<800xi32, #tpu.memory_space<vmem>>) semaphore(%arg7 : memref<!tpu.dma_semaphore, #tpu.memory_space<semaphore_mem>>)
    %dma_wait3A_86 = arith.constant 0 : i32
    %dma_wait3A_87 = arith.constant 0 : i32
    %dma_wait3A_88 = tpu.memref_slice %arg2[%dma_wait3A_86, %dma_wait3A_87] : memref<10000x128xf32, #tpu.memory_space<hbm>> -> memref<10000x128xf32, #tpu.memory_space<hbm>>
    tpu.wait_indirect_dma semaphore(%arg7 : memref<!tpu.dma_semaphore, #tpu.memory_space<semaphore_mem>>) src(%dma_wait3A_88 : memref<10000x128xf32, #tpu.memory_space<hbm>>) dst(%arg6 : memref<800x128xf32, #tpu.memory_space<vmem>>)
    "tpu.region"() ({
      %run_scoped3A = tpu.sem_alloc : memref<!tpu.dma_semaphore, #tpu.memory_space<semaphore_mem>>
      %dma_start3A_159 = arith.constant 0 : i32
      %dma_start3A_160 = tpu.memref_slice %arg4[%add3A_82, %dma_start3A_159] : memref<409600x128xf32, #tpu.memory_space<hbm>> -> memref<800x128xf32, #tpu.memory_space<hbm>>
      %dma_start3A_161 = arith.constant 0 : i32
      %dma_start3A_162 = tpu.memref_slice %arg4[%add3A_82, %dma_start3A_161] : memref<409600x128xf32, #tpu.memory_space<hbm>> -> memref<800x128xf32, #tpu.memory_space<hbm>>
      tpu.enqueue_dma source(%arg6 : memref<800x128xf32, #tpu.memory_space<vmem>>) target(%dma_start3A_162 : memref<800x128xf32, #tpu.memory_space<hbm>>) target_semaphore(%run_scoped3A : memref<!tpu.dma_semaphore, #tpu.memory_space<semaphore_mem>>)
      %dma_wait3A_163 = arith.constant 0 : i32
      %dma_wait3A_164 = tpu.memref_slice %arg4[%add3A_82, %dma_wait3A_163] : memref<409600x128xf32, #tpu.memory_space<hbm>> -> memref<800x128xf32, #tpu.memory_space<hbm>>
      %dma_wait3A_165 = arith.constant 0 : i32
      %dma_wait3A_166 = tpu.memref_slice %arg4[%add3A_82, %dma_wait3A_165] : memref<409600x128xf32, #tpu.memory_space<hbm>> -> memref<800x128xf32, #tpu.memory_space<hbm>>
      tpu.wait_dma2 semaphore(%run_scoped3A : memref<!tpu.dma_semaphore, #tpu.memory_space<semaphore_mem>>) src(%arg6 : memref<800x128xf32, #tpu.memory_space<vmem>>) dst(%dma_wait3A_166 : memref<800x128xf32, #tpu.memory_space<hbm>>)
      tpu.yield
    }) : () -> ()
    %mul3A_89 = arith.constant 12800 : i32
    %mul3A_90 = arith.muli %add3A, %mul3A_89 : i32
    %add3A_91 = arith.constant 7200 : i32
    %add3A_92 = arith.addi %mul3A_90, %add3A_91 : i32
    "tpu.region"() ({
      %run_scoped3A = tpu.sem_alloc : memref<!tpu.dma_semaphore, #tpu.memory_space<semaphore_mem>>
      %dma_start3A_159 = tpu.memref_slice %arg3[%add3A_92] : memref<409600xi32, #tpu.memory_space<hbm>> -> memref<800xi32, #tpu.memory_space<hbm>>
      %dma_start3A_160 = tpu.memref_slice %arg3[%add3A_92] : memref<409600xi32, #tpu.memory_space<hbm>> -> memref<800xi32, #tpu.memory_space<hbm>>
      tpu.enqueue_dma source(%dma_start3A_160 : memref<800xi32, #tpu.memory_space<hbm>>) target(%arg5 : memref<800xi32, #tpu.memory_space<vmem>>) target_semaphore(%run_scoped3A : memref<!tpu.dma_semaphore, #tpu.memory_space<semaphore_mem>>)
      %dma_wait3A_161 = tpu.memref_slice %arg3[%add3A_92] : memref<409600xi32, #tpu.memory_space<hbm>> -> memref<800xi32, #tpu.memory_space<hbm>>
      %dma_wait3A_162 = tpu.memref_slice %arg3[%add3A_92] : memref<409600xi32, #tpu.memory_space<hbm>> -> memref<800xi32, #tpu.memory_space<hbm>>
      tpu.wait_dma2 semaphore(%run_scoped3A : memref<!tpu.dma_semaphore, #tpu.memory_space<semaphore_mem>>) src(%dma_wait3A_162 : memref<800xi32, #tpu.memory_space<hbm>>) dst(%arg5 : memref<800xi32, #tpu.memory_space<vmem>>)
      tpu.yield
    }) : () -> ()
    %dma_start3A_93 = arith.constant 0 : i32
    %dma_start3A_94 = arith.constant 0 : i32
    %dma_start3A_95 = tpu.memref_slice %arg2[%dma_start3A_93, %dma_start3A_94] : memref<10000x128xf32, #tpu.memory_space<hbm>> -> memref<10000x128xf32, #tpu.memory_space<hbm>>
    tpu.enqueue_indirect_dma source(%dma_start3A_95 : memref<10000x128xf32, #tpu.memory_space<hbm>>) target(%arg6 : memref<800x128xf32, #tpu.memory_space<vmem>>) offsets(%arg5 : memref<800xi32, #tpu.memory_space<vmem>>) semaphore(%arg7 : memref<!tpu.dma_semaphore, #tpu.memory_space<semaphore_mem>>)
    %dma_wait3A_96 = arith.constant 0 : i32
    %dma_wait3A_97 = arith.constant 0 : i32
    %dma_wait3A_98 = tpu.memref_slice %arg2[%dma_wait3A_96, %dma_wait3A_97] : memref<10000x128xf32, #tpu.memory_space<hbm>> -> memref<10000x128xf32, #tpu.memory_space<hbm>>
    tpu.wait_indirect_dma semaphore(%arg7 : memref<!tpu.dma_semaphore, #tpu.memory_space<semaphore_mem>>) src(%dma_wait3A_98 : memref<10000x128xf32, #tpu.memory_space<hbm>>) dst(%arg6 : memref<800x128xf32, #tpu.memory_space<vmem>>)
    "tpu.region"() ({
      %run_scoped3A = tpu.sem_alloc : memref<!tpu.dma_semaphore, #tpu.memory_space<semaphore_mem>>
      %dma_start3A_159 = arith.constant 0 : i32
      %dma_start3A_160 = tpu.memref_slice %arg4[%add3A_92, %dma_start3A_159] : memref<409600x128xf32, #tpu.memory_space<hbm>> -> memref<800x128xf32, #tpu.memory_space<hbm>>
      %dma_start3A_161 = arith.constant 0 : i32
      %dma_start3A_162 = tpu.memref_slice %arg4[%add3A_92, %dma_start3A_161] : memref<409600x128xf32, #tpu.memory_space<hbm>> -> memref<800x128xf32, #tpu.memory_space<hbm>>
      tpu.enqueue_dma source(%arg6 : memref<800x128xf32, #tpu.memory_space<vmem>>) target(%dma_start3A_162 : memref<800x128xf32, #tpu.memory_space<hbm>>) target_semaphore(%run_scoped3A : memref<!tpu.dma_semaphore, #tpu.memory_space<semaphore_mem>>)
      %dma_wait3A_163 = arith.constant 0 : i32
      %dma_wait3A_164 = tpu.memref_slice %arg4[%add3A_92, %dma_wait3A_163] : memref<409600x128xf32, #tpu.memory_space<hbm>> -> memref<800x128xf32, #tpu.memory_space<hbm>>
      %dma_wait3A_165 = arith.constant 0 : i32
      %dma_wait3A_166 = tpu.memref_slice %arg4[%add3A_92, %dma_wait3A_165] : memref<409600x128xf32, #tpu.memory_space<hbm>> -> memref<800x128xf32, #tpu.memory_space<hbm>>
      tpu.wait_dma2 semaphore(%run_scoped3A : memref<!tpu.dma_semaphore, #tpu.memory_space<semaphore_mem>>) src(%arg6 : memref<800x128xf32, #tpu.memory_space<vmem>>) dst(%dma_wait3A_166 : memref<800x128xf32, #tpu.memory_space<hbm>>)
      tpu.yield
    }) : () -> ()
    %mul3A_99 = arith.constant 12800 : i32
    %mul3A_100 = arith.muli %add3A, %mul3A_99 : i32
    %add3A_101 = arith.constant 8000 : i32
    %add3A_102 = arith.addi %mul3A_100, %add3A_101 : i32
    "tpu.region"() ({
      %run_scoped3A = tpu.sem_alloc : memref<!tpu.dma_semaphore, #tpu.memory_space<semaphore_mem>>
      %dma_start3A_159 = tpu.memref_slice %arg3[%add3A_102] : memref<409600xi32, #tpu.memory_space<hbm>> -> memref<800xi32, #tpu.memory_space<hbm>>
      %dma_start3A_160 = tpu.memref_slice %arg3[%add3A_102] : memref<409600xi32, #tpu.memory_space<hbm>> -> memref<800xi32, #tpu.memory_space<hbm>>
      tpu.enqueue_dma source(%dma_start3A_160 : memref<800xi32, #tpu.memory_space<hbm>>) target(%arg5 : memref<800xi32, #tpu.memory_space<vmem>>) target_semaphore(%run_scoped3A : memref<!tpu.dma_semaphore, #tpu.memory_space<semaphore_mem>>)
      %dma_wait3A_161 = tpu.memref_slice %arg3[%add3A_102] : memref<409600xi32, #tpu.memory_space<hbm>> -> memref<800xi32, #tpu.memory_space<hbm>>
      %dma_wait3A_162 = tpu.memref_slice %arg3[%add3A_102] : memref<409600xi32, #tpu.memory_space<hbm>> -> memref<800xi32, #tpu.memory_space<hbm>>
      tpu.wait_dma2 semaphore(%run_scoped3A : memref<!tpu.dma_semaphore, #tpu.memory_space<semaphore_mem>>) src(%dma_wait3A_162 : memref<800xi32, #tpu.memory_space<hbm>>) dst(%arg5 : memref<800xi32, #tpu.memory_space<vmem>>)
      tpu.yield
    }) : () -> ()
    %dma_start3A_103 = arith.constant 0 : i32
    %dma_start3A_104 = arith.constant 0 : i32
    %dma_start3A_105 = tpu.memref_slice %arg2[%dma_start3A_103, %dma_start3A_104] : memref<10000x128xf32, #tpu.memory_space<hbm>> -> memref<10000x128xf32, #tpu.memory_space<hbm>>
    tpu.enqueue_indirect_dma source(%dma_start3A_105 : memref<10000x128xf32, #tpu.memory_space<hbm>>) target(%arg6 : memref<800x128xf32, #tpu.memory_space<vmem>>) offsets(%arg5 : memref<800xi32, #tpu.memory_space<vmem>>) semaphore(%arg7 : memref<!tpu.dma_semaphore, #tpu.memory_space<semaphore_mem>>)
    %dma_wait3A_106 = arith.constant 0 : i32
    %dma_wait3A_107 = arith.constant 0 : i32
    %dma_wait3A_108 = tpu.memref_slice %arg2[%dma_wait3A_106, %dma_wait3A_107] : memref<10000x128xf32, #tpu.memory_space<hbm>> -> memref<10000x128xf32, #tpu.memory_space<hbm>>
    tpu.wait_indirect_dma semaphore(%arg7 : memref<!tpu.dma_semaphore, #tpu.memory_space<semaphore_mem>>) src(%dma_wait3A_108 : memref<10000x128xf32, #tpu.memory_space<hbm>>) dst(%arg6 : memref<800x128xf32, #tpu.memory_space<vmem>>)
    "tpu.region"() ({
      %run_scoped3A = tpu.sem_alloc : memref<!tpu.dma_semaphore, #tpu.memory_space<semaphore_mem>>
      %dma_start3A_159 = arith.constant 0 : i32
      %dma_start3A_160 = tpu.memref_slice %arg4[%add3A_102, %dma_start3A_159] : memref<409600x128xf32, #tpu.memory_space<hbm>> -> memref<800x128xf32, #tpu.memory_space<hbm>>
      %dma_start3A_161 = arith.constant 0 : i32
      %dma_start3A_162 = tpu.memref_slice %arg4[%add3A_102, %dma_start3A_161] : memref<409600x128xf32, #tpu.memory_space<hbm>> -> memref<800x128xf32, #tpu.memory_space<hbm>>
      tpu.enqueue_dma source(%arg6 : memref<800x128xf32, #tpu.memory_space<vmem>>) target(%dma_start3A_162 : memref<800x128xf32, #tpu.memory_space<hbm>>) target_semaphore(%run_scoped3A : memref<!tpu.dma_semaphore, #tpu.memory_space<semaphore_mem>>)
      %dma_wait3A_163 = arith.constant 0 : i32
      %dma_wait3A_164 = tpu.memref_slice %arg4[%add3A_102, %dma_wait3A_163] : memref<409600x128xf32, #tpu.memory_space<hbm>> -> memref<800x128xf32, #tpu.memory_space<hbm>>
      %dma_wait3A_165 = arith.constant 0 : i32
      %dma_wait3A_166 = tpu.memref_slice %arg4[%add3A_102, %dma_wait3A_165] : memref<409600x128xf32, #tpu.memory_space<hbm>> -> memref<800x128xf32, #tpu.memory_space<hbm>>
      tpu.wait_dma2 semaphore(%run_scoped3A : memref<!tpu.dma_semaphore, #tpu.memory_space<semaphore_mem>>) src(%arg6 : memref<800x128xf32, #tpu.memory_space<vmem>>) dst(%dma_wait3A_166 : memref<800x128xf32, #tpu.memory_space<hbm>>)
      tpu.yield
    }) : () -> ()
    %mul3A_109 = arith.constant 12800 : i32
    %mul3A_110 = arith.muli %add3A, %mul3A_109 : i32
    %add3A_111 = arith.constant 8800 : i32
    %add3A_112 = arith.addi %mul3A_110, %add3A_111 : i32
    "tpu.region"() ({
      %run_scoped3A = tpu.sem_alloc : memref<!tpu.dma_semaphore, #tpu.memory_space<semaphore_mem>>
      %dma_start3A_159 = tpu.memref_slice %arg3[%add3A_112] : memref<409600xi32, #tpu.memory_space<hbm>> -> memref<800xi32, #tpu.memory_space<hbm>>
      %dma_start3A_160 = tpu.memref_slice %arg3[%add3A_112] : memref<409600xi32, #tpu.memory_space<hbm>> -> memref<800xi32, #tpu.memory_space<hbm>>
      tpu.enqueue_dma source(%dma_start3A_160 : memref<800xi32, #tpu.memory_space<hbm>>) target(%arg5 : memref<800xi32, #tpu.memory_space<vmem>>) target_semaphore(%run_scoped3A : memref<!tpu.dma_semaphore, #tpu.memory_space<semaphore_mem>>)
      %dma_wait3A_161 = tpu.memref_slice %arg3[%add3A_112] : memref<409600xi32, #tpu.memory_space<hbm>> -> memref<800xi32, #tpu.memory_space<hbm>>
      %dma_wait3A_162 = tpu.memref_slice %arg3[%add3A_112] : memref<409600xi32, #tpu.memory_space<hbm>> -> memref<800xi32, #tpu.memory_space<hbm>>
      tpu.wait_dma2 semaphore(%run_scoped3A : memref<!tpu.dma_semaphore, #tpu.memory_space<semaphore_mem>>) src(%dma_wait3A_162 : memref<800xi32, #tpu.memory_space<hbm>>) dst(%arg5 : memref<800xi32, #tpu.memory_space<vmem>>)
      tpu.yield
    }) : () -> ()
    %dma_start3A_113 = arith.constant 0 : i32
    %dma_start3A_114 = arith.constant 0 : i32
    %dma_start3A_115 = tpu.memref_slice %arg2[%dma_start3A_113, %dma_start3A_114] : memref<10000x128xf32, #tpu.memory_space<hbm>> -> memref<10000x128xf32, #tpu.memory_space<hbm>>
    tpu.enqueue_indirect_dma source(%dma_start3A_115 : memref<10000x128xf32, #tpu.memory_space<hbm>>) target(%arg6 : memref<800x128xf32, #tpu.memory_space<vmem>>) offsets(%arg5 : memref<800xi32, #tpu.memory_space<vmem>>) semaphore(%arg7 : memref<!tpu.dma_semaphore, #tpu.memory_space<semaphore_mem>>)
    %dma_wait3A_116 = arith.constant 0 : i32
    %dma_wait3A_117 = arith.constant 0 : i32
    %dma_wait3A_118 = tpu.memref_slice %arg2[%dma_wait3A_116, %dma_wait3A_117] : memref<10000x128xf32, #tpu.memory_space<hbm>> -> memref<10000x128xf32, #tpu.memory_space<hbm>>
    tpu.wait_indirect_dma semaphore(%arg7 : memref<!tpu.dma_semaphore, #tpu.memory_space<semaphore_mem>>) src(%dma_wait3A_118 : memref<10000x128xf32, #tpu.memory_space<hbm>>) dst(%arg6 : memref<800x128xf32, #tpu.memory_space<vmem>>)
    "tpu.region"() ({
      %run_scoped3A = tpu.sem_alloc : memref<!tpu.dma_semaphore, #tpu.memory_space<semaphore_mem>>
      %dma_start3A_159 = arith.constant 0 : i32
      %dma_start3A_160 = tpu.memref_slice %arg4[%add3A_112, %dma_start3A_159] : memref<409600x128xf32, #tpu.memory_space<hbm>> -> memref<800x128xf32, #tpu.memory_space<hbm>>
      %dma_start3A_161 = arith.constant 0 : i32
      %dma_start3A_162 = tpu.memref_slice %arg4[%add3A_112, %dma_start3A_161] : memref<409600x128xf32, #tpu.memory_space<hbm>> -> memref<800x128xf32, #tpu.memory_space<hbm>>
      tpu.enqueue_dma source(%arg6 : memref<800x128xf32, #tpu.memory_space<vmem>>) target(%dma_start3A_162 : memref<800x128xf32, #tpu.memory_space<hbm>>) target_semaphore(%run_scoped3A : memref<!tpu.dma_semaphore, #tpu.memory_space<semaphore_mem>>)
      %dma_wait3A_163 = arith.constant 0 : i32
      %dma_wait3A_164 = tpu.memref_slice %arg4[%add3A_112, %dma_wait3A_163] : memref<409600x128xf32, #tpu.memory_space<hbm>> -> memref<800x128xf32, #tpu.memory_space<hbm>>
      %dma_wait3A_165 = arith.constant 0 : i32
      %dma_wait3A_166 = tpu.memref_slice %arg4[%add3A_112, %dma_wait3A_165] : memref<409600x128xf32, #tpu.memory_space<hbm>> -> memref<800x128xf32, #tpu.memory_space<hbm>>
      tpu.wait_dma2 semaphore(%run_scoped3A : memref<!tpu.dma_semaphore, #tpu.memory_space<semaphore_mem>>) src(%arg6 : memref<800x128xf32, #tpu.memory_space<vmem>>) dst(%dma_wait3A_166 : memref<800x128xf32, #tpu.memory_space<hbm>>)
      tpu.yield
    }) : () -> ()
    %mul3A_119 = arith.constant 12800 : i32
    %mul3A_120 = arith.muli %add3A, %mul3A_119 : i32
    %add3A_121 = arith.constant 9600 : i32
    %add3A_122 = arith.addi %mul3A_120, %add3A_121 : i32
    "tpu.region"() ({
      %run_scoped3A = tpu.sem_alloc : memref<!tpu.dma_semaphore, #tpu.memory_space<semaphore_mem>>
      %dma_start3A_159 = tpu.memref_slice %arg3[%add3A_122] : memref<409600xi32, #tpu.memory_space<hbm>> -> memref<800xi32, #tpu.memory_space<hbm>>
      %dma_start3A_160 = tpu.memref_slice %arg3[%add3A_122] : memref<409600xi32, #tpu.memory_space<hbm>> -> memref<800xi32, #tpu.memory_space<hbm>>
      tpu.enqueue_dma source(%dma_start3A_160 : memref<800xi32, #tpu.memory_space<hbm>>) target(%arg5 : memref<800xi32, #tpu.memory_space<vmem>>) target_semaphore(%run_scoped3A : memref<!tpu.dma_semaphore, #tpu.memory_space<semaphore_mem>>)
      %dma_wait3A_161 = tpu.memref_slice %arg3[%add3A_122] : memref<409600xi32, #tpu.memory_space<hbm>> -> memref<800xi32, #tpu.memory_space<hbm>>
      %dma_wait3A_162 = tpu.memref_slice %arg3[%add3A_122] : memref<409600xi32, #tpu.memory_space<hbm>> -> memref<800xi32, #tpu.memory_space<hbm>>
      tpu.wait_dma2 semaphore(%run_scoped3A : memref<!tpu.dma_semaphore, #tpu.memory_space<semaphore_mem>>) src(%dma_wait3A_162 : memref<800xi32, #tpu.memory_space<hbm>>) dst(%arg5 : memref<800xi32, #tpu.memory_space<vmem>>)
      tpu.yield
    }) : () -> ()
    %dma_start3A_123 = arith.constant 0 : i32
    %dma_start3A_124 = arith.constant 0 : i32
    %dma_start3A_125 = tpu.memref_slice %arg2[%dma_start3A_123, %dma_start3A_124] : memref<10000x128xf32, #tpu.memory_space<hbm>> -> memref<10000x128xf32, #tpu.memory_space<hbm>>
    tpu.enqueue_indirect_dma source(%dma_start3A_125 : memref<10000x128xf32, #tpu.memory_space<hbm>>) target(%arg6 : memref<800x128xf32, #tpu.memory_space<vmem>>) offsets(%arg5 : memref<800xi32, #tpu.memory_space<vmem>>) semaphore(%arg7 : memref<!tpu.dma_semaphore, #tpu.memory_space<semaphore_mem>>)
    %dma_wait3A_126 = arith.constant 0 : i32
    %dma_wait3A_127 = arith.constant 0 : i32
    %dma_wait3A_128 = tpu.memref_slice %arg2[%dma_wait3A_126, %dma_wait3A_127] : memref<10000x128xf32, #tpu.memory_space<hbm>> -> memref<10000x128xf32, #tpu.memory_space<hbm>>
    tpu.wait_indirect_dma semaphore(%arg7 : memref<!tpu.dma_semaphore, #tpu.memory_space<semaphore_mem>>) src(%dma_wait3A_128 : memref<10000x128xf32, #tpu.memory_space<hbm>>) dst(%arg6 : memref<800x128xf32, #tpu.memory_space<vmem>>)
    "tpu.region"() ({
      %run_scoped3A = tpu.sem_alloc : memref<!tpu.dma_semaphore, #tpu.memory_space<semaphore_mem>>
      %dma_start3A_159 = arith.constant 0 : i32
      %dma_start3A_160 = tpu.memref_slice %arg4[%add3A_122, %dma_start3A_159] : memref<409600x128xf32, #tpu.memory_space<hbm>> -> memref<800x128xf32, #tpu.memory_space<hbm>>
      %dma_start3A_161 = arith.constant 0 : i32
      %dma_start3A_162 = tpu.memref_slice %arg4[%add3A_122, %dma_start3A_161] : memref<409600x128xf32, #tpu.memory_space<hbm>> -> memref<800x128xf32, #tpu.memory_space<hbm>>
      tpu.enqueue_dma source(%arg6 : memref<800x128xf32, #tpu.memory_space<vmem>>) target(%dma_start3A_162 : memref<800x128xf32, #tpu.memory_space<hbm>>) target_semaphore(%run_scoped3A : memref<!tpu.dma_semaphore, #tpu.memory_space<semaphore_mem>>)
      %dma_wait3A_163 = arith.constant 0 : i32
      %dma_wait3A_164 = tpu.memref_slice %arg4[%add3A_122, %dma_wait3A_163] : memref<409600x128xf32, #tpu.memory_space<hbm>> -> memref<800x128xf32, #tpu.memory_space<hbm>>
      %dma_wait3A_165 = arith.constant 0 : i32
      %dma_wait3A_166 = tpu.memref_slice %arg4[%add3A_122, %dma_wait3A_165] : memref<409600x128xf32, #tpu.memory_space<hbm>> -> memref<800x128xf32, #tpu.memory_space<hbm>>
      tpu.wait_dma2 semaphore(%run_scoped3A : memref<!tpu.dma_semaphore, #tpu.memory_space<semaphore_mem>>) src(%arg6 : memref<800x128xf32, #tpu.memory_space<vmem>>) dst(%dma_wait3A_166 : memref<800x128xf32, #tpu.memory_space<hbm>>)
      tpu.yield
    }) : () -> ()
    %mul3A_129 = arith.constant 12800 : i32
    %mul3A_130 = arith.muli %add3A, %mul3A_129 : i32
    %add3A_131 = arith.constant 10400 : i32
    %add3A_132 = arith.addi %mul3A_130, %add3A_131 : i32
    "tpu.region"() ({
      %run_scoped3A = tpu.sem_alloc : memref<!tpu.dma_semaphore, #tpu.memory_space<semaphore_mem>>
      %dma_start3A_159 = tpu.memref_slice %arg3[%add3A_132] : memref<409600xi32, #tpu.memory_space<hbm>> -> memref<800xi32, #tpu.memory_space<hbm>>
      %dma_start3A_160 = tpu.memref_slice %arg3[%add3A_132] : memref<409600xi32, #tpu.memory_space<hbm>> -> memref<800xi32, #tpu.memory_space<hbm>>
      tpu.enqueue_dma source(%dma_start3A_160 : memref<800xi32, #tpu.memory_space<hbm>>) target(%arg5 : memref<800xi32, #tpu.memory_space<vmem>>) target_semaphore(%run_scoped3A : memref<!tpu.dma_semaphore, #tpu.memory_space<semaphore_mem>>)
      %dma_wait3A_161 = tpu.memref_slice %arg3[%add3A_132] : memref<409600xi32, #tpu.memory_space<hbm>> -> memref<800xi32, #tpu.memory_space<hbm>>
      %dma_wait3A_162 = tpu.memref_slice %arg3[%add3A_132] : memref<409600xi32, #tpu.memory_space<hbm>> -> memref<800xi32, #tpu.memory_space<hbm>>
      tpu.wait_dma2 semaphore(%run_scoped3A : memref<!tpu.dma_semaphore, #tpu.memory_space<semaphore_mem>>) src(%dma_wait3A_162 : memref<800xi32, #tpu.memory_space<hbm>>) dst(%arg5 : memref<800xi32, #tpu.memory_space<vmem>>)
      tpu.yield
    }) : () -> ()
    %dma_start3A_133 = arith.constant 0 : i32
    %dma_start3A_134 = arith.constant 0 : i32
    %dma_start3A_135 = tpu.memref_slice %arg2[%dma_start3A_133, %dma_start3A_134] : memref<10000x128xf32, #tpu.memory_space<hbm>> -> memref<10000x128xf32, #tpu.memory_space<hbm>>
    tpu.enqueue_indirect_dma source(%dma_start3A_135 : memref<10000x128xf32, #tpu.memory_space<hbm>>) target(%arg6 : memref<800x128xf32, #tpu.memory_space<vmem>>) offsets(%arg5 : memref<800xi32, #tpu.memory_space<vmem>>) semaphore(%arg7 : memref<!tpu.dma_semaphore, #tpu.memory_space<semaphore_mem>>)
    %dma_wait3A_136 = arith.constant 0 : i32
    %dma_wait3A_137 = arith.constant 0 : i32
    %dma_wait3A_138 = tpu.memref_slice %arg2[%dma_wait3A_136, %dma_wait3A_137] : memref<10000x128xf32, #tpu.memory_space<hbm>> -> memref<10000x128xf32, #tpu.memory_space<hbm>>
    tpu.wait_indirect_dma semaphore(%arg7 : memref<!tpu.dma_semaphore, #tpu.memory_space<semaphore_mem>>) src(%dma_wait3A_138 : memref<10000x128xf32, #tpu.memory_space<hbm>>) dst(%arg6 : memref<800x128xf32, #tpu.memory_space<vmem>>)
    "tpu.region"() ({
      %run_scoped3A = tpu.sem_alloc : memref<!tpu.dma_semaphore, #tpu.memory_space<semaphore_mem>>
      %dma_start3A_159 = arith.constant 0 : i32
      %dma_start3A_160 = tpu.memref_slice %arg4[%add3A_132, %dma_start3A_159] : memref<409600x128xf32, #tpu.memory_space<hbm>> -> memref<800x128xf32, #tpu.memory_space<hbm>>
      %dma_start3A_161 = arith.constant 0 : i32
      %dma_start3A_162 = tpu.memref_slice %arg4[%add3A_132, %dma_start3A_161] : memref<409600x128xf32, #tpu.memory_space<hbm>> -> memref<800x128xf32, #tpu.memory_space<hbm>>
      tpu.enqueue_dma source(%arg6 : memref<800x128xf32, #tpu.memory_space<vmem>>) target(%dma_start3A_162 : memref<800x128xf32, #tpu.memory_space<hbm>>) target_semaphore(%run_scoped3A : memref<!tpu.dma_semaphore, #tpu.memory_space<semaphore_mem>>)
      %dma_wait3A_163 = arith.constant 0 : i32
      %dma_wait3A_164 = tpu.memref_slice %arg4[%add3A_132, %dma_wait3A_163] : memref<409600x128xf32, #tpu.memory_space<hbm>> -> memref<800x128xf32, #tpu.memory_space<hbm>>
      %dma_wait3A_165 = arith.constant 0 : i32
      %dma_wait3A_166 = tpu.memref_slice %arg4[%add3A_132, %dma_wait3A_165] : memref<409600x128xf32, #tpu.memory_space<hbm>> -> memref<800x128xf32, #tpu.memory_space<hbm>>
      tpu.wait_dma2 semaphore(%run_scoped3A : memref<!tpu.dma_semaphore, #tpu.memory_space<semaphore_mem>>) src(%arg6 : memref<800x128xf32, #tpu.memory_space<vmem>>) dst(%dma_wait3A_166 : memref<800x128xf32, #tpu.memory_space<hbm>>)
      tpu.yield
    }) : () -> ()
    %mul3A_139 = arith.constant 12800 : i32
    %mul3A_140 = arith.muli %add3A, %mul3A_139 : i32
    %add3A_141 = arith.constant 11200 : i32
    %add3A_142 = arith.addi %mul3A_140, %add3A_141 : i32
    "tpu.region"() ({
      %run_scoped3A = tpu.sem_alloc : memref<!tpu.dma_semaphore, #tpu.memory_space<semaphore_mem>>
      %dma_start3A_159 = tpu.memref_slice %arg3[%add3A_142] : memref<409600xi32, #tpu.memory_space<hbm>> -> memref<800xi32, #tpu.memory_space<hbm>>
      %dma_start3A_160 = tpu.memref_slice %arg3[%add3A_142] : memref<409600xi32, #tpu.memory_space<hbm>> -> memref<800xi32, #tpu.memory_space<hbm>>
      tpu.enqueue_dma source(%dma_start3A_160 : memref<800xi32, #tpu.memory_space<hbm>>) target(%arg5 : memref<800xi32, #tpu.memory_space<vmem>>) target_semaphore(%run_scoped3A : memref<!tpu.dma_semaphore, #tpu.memory_space<semaphore_mem>>)
      %dma_wait3A_161 = tpu.memref_slice %arg3[%add3A_142] : memref<409600xi32, #tpu.memory_space<hbm>> -> memref<800xi32, #tpu.memory_space<hbm>>
      %dma_wait3A_162 = tpu.memref_slice %arg3[%add3A_142] : memref<409600xi32, #tpu.memory_space<hbm>> -> memref<800xi32, #tpu.memory_space<hbm>>
      tpu.wait_dma2 semaphore(%run_scoped3A : memref<!tpu.dma_semaphore, #tpu.memory_space<semaphore_mem>>) src(%dma_wait3A_162 : memref<800xi32, #tpu.memory_space<hbm>>) dst(%arg5 : memref<800xi32, #tpu.memory_space<vmem>>)
      tpu.yield
    }) : () -> ()
    %dma_start3A_143 = arith.constant 0 : i32
    %dma_start3A_144 = arith.constant 0 : i32
    %dma_start3A_145 = tpu.memref_slice %arg2[%dma_start3A_143, %dma_start3A_144] : memref<10000x128xf32, #tpu.memory_space<hbm>> -> memref<10000x128xf32, #tpu.memory_space<hbm>>
    tpu.enqueue_indirect_dma source(%dma_start3A_145 : memref<10000x128xf32, #tpu.memory_space<hbm>>) target(%arg6 : memref<800x128xf32, #tpu.memory_space<vmem>>) offsets(%arg5 : memref<800xi32, #tpu.memory_space<vmem>>) semaphore(%arg7 : memref<!tpu.dma_semaphore, #tpu.memory_space<semaphore_mem>>)
    %dma_wait3A_146 = arith.constant 0 : i32
    %dma_wait3A_147 = arith.constant 0 : i32
    %dma_wait3A_148 = tpu.memref_slice %arg2[%dma_wait3A_146, %dma_wait3A_147] : memref<10000x128xf32, #tpu.memory_space<hbm>> -> memref<10000x128xf32, #tpu.memory_space<hbm>>
    tpu.wait_indirect_dma semaphore(%arg7 : memref<!tpu.dma_semaphore, #tpu.memory_space<semaphore_mem>>) src(%dma_wait3A_148 : memref<10000x128xf32, #tpu.memory_space<hbm>>) dst(%arg6 : memref<800x128xf32, #tpu.memory_space<vmem>>)
    "tpu.region"() ({
      %run_scoped3A = tpu.sem_alloc : memref<!tpu.dma_semaphore, #tpu.memory_space<semaphore_mem>>
      %dma_start3A_159 = arith.constant 0 : i32
      %dma_start3A_160 = tpu.memref_slice %arg4[%add3A_142, %dma_start3A_159] : memref<409600x128xf32, #tpu.memory_space<hbm>> -> memref<800x128xf32, #tpu.memory_space<hbm>>
      %dma_start3A_161 = arith.constant 0 : i32
      %dma_start3A_162 = tpu.memref_slice %arg4[%add3A_142, %dma_start3A_161] : memref<409600x128xf32, #tpu.memory_space<hbm>> -> memref<800x128xf32, #tpu.memory_space<hbm>>
      tpu.enqueue_dma source(%arg6 : memref<800x128xf32, #tpu.memory_space<vmem>>) target(%dma_start3A_162 : memref<800x128xf32, #tpu.memory_space<hbm>>) target_semaphore(%run_scoped3A : memref<!tpu.dma_semaphore, #tpu.memory_space<semaphore_mem>>)
      %dma_wait3A_163 = arith.constant 0 : i32
      %dma_wait3A_164 = tpu.memref_slice %arg4[%add3A_142, %dma_wait3A_163] : memref<409600x128xf32, #tpu.memory_space<hbm>> -> memref<800x128xf32, #tpu.memory_space<hbm>>
      %dma_wait3A_165 = arith.constant 0 : i32
      %dma_wait3A_166 = tpu.memref_slice %arg4[%add3A_142, %dma_wait3A_165] : memref<409600x128xf32, #tpu.memory_space<hbm>> -> memref<800x128xf32, #tpu.memory_space<hbm>>
      tpu.wait_dma2 semaphore(%run_scoped3A : memref<!tpu.dma_semaphore, #tpu.memory_space<semaphore_mem>>) src(%arg6 : memref<800x128xf32, #tpu.memory_space<vmem>>) dst(%dma_wait3A_166 : memref<800x128xf32, #tpu.memory_space<hbm>>)
      tpu.yield
    }) : () -> ()
    %mul3A_149 = arith.constant 12800 : i32
    %mul3A_150 = arith.muli %add3A, %mul3A_149 : i32
    %add3A_151 = arith.constant 12000 : i32
    %add3A_152 = arith.addi %mul3A_150, %add3A_151 : i32
    "tpu.region"() ({
      %run_scoped3A = tpu.sem_alloc : memref<!tpu.dma_semaphore, #tpu.memory_space<semaphore_mem>>
      %dma_start3A_159 = tpu.memref_slice %arg3[%add3A_152] : memref<409600xi32, #tpu.memory_space<hbm>> -> memref<800xi32, #tpu.memory_space<hbm>>
      %dma_start3A_160 = tpu.memref_slice %arg3[%add3A_152] : memref<409600xi32, #tpu.memory_space<hbm>> -> memref<800xi32, #tpu.memory_space<hbm>>
      tpu.enqueue_dma source(%dma_start3A_160 : memref<800xi32, #tpu.memory_space<hbm>>) target(%arg5 : memref<800xi32, #tpu.memory_space<vmem>>) target_semaphore(%run_scoped3A : memref<!tpu.dma_semaphore, #tpu.memory_space<semaphore_mem>>)
      %dma_wait3A_161 = tpu.memref_slice %arg3[%add3A_152] : memref<409600xi32, #tpu.memory_space<hbm>> -> memref<800xi32, #tpu.memory_space<hbm>>
      %dma_wait3A_162 = tpu.memref_slice %arg3[%add3A_152] : memref<409600xi32, #tpu.memory_space<hbm>> -> memref<800xi32, #tpu.memory_space<hbm>>
      tpu.wait_dma2 semaphore(%run_scoped3A : memref<!tpu.dma_semaphore, #tpu.memory_space<semaphore_mem>>) src(%dma_wait3A_162 : memref<800xi32, #tpu.memory_space<hbm>>) dst(%arg5 : memref<800xi32, #tpu.memory_space<vmem>>)
      tpu.yield
    }) : () -> ()
    %dma_start3A_153 = arith.constant 0 : i32
    %dma_start3A_154 = arith.constant 0 : i32
    %dma_start3A_155 = tpu.memref_slice %arg2[%dma_start3A_153, %dma_start3A_154] : memref<10000x128xf32, #tpu.memory_space<hbm>> -> memref<10000x128xf32, #tpu.memory_space<hbm>>
    tpu.enqueue_indirect_dma source(%dma_start3A_155 : memref<10000x128xf32, #tpu.memory_space<hbm>>) target(%arg6 : memref<800x128xf32, #tpu.memory_space<vmem>>) offsets(%arg5 : memref<800xi32, #tpu.memory_space<vmem>>) semaphore(%arg7 : memref<!tpu.dma_semaphore, #tpu.memory_space<semaphore_mem>>)
    %dma_wait3A_156 = arith.constant 0 : i32
    %dma_wait3A_157 = arith.constant 0 : i32
    %dma_wait3A_158 = tpu.memref_slice %arg2[%dma_wait3A_156, %dma_wait3A_157] : memref<10000x128xf32, #tpu.memory_space<hbm>> -> memref<10000x128xf32, #tpu.memory_space<hbm>>
    tpu.wait_indirect_dma semaphore(%arg7 : memref<!tpu.dma_semaphore, #tpu.memory_space<semaphore_mem>>) src(%dma_wait3A_158 : memref<10000x128xf32, #tpu.memory_space<hbm>>) dst(%arg6 : memref<800x128xf32, #tpu.memory_space<vmem>>)
    "tpu.region"() ({
      %run_scoped3A = tpu.sem_alloc : memref<!tpu.dma_semaphore, #tpu.memory_space<semaphore_mem>>
      %dma_start3A_159 = arith.constant 0 : i32
      %dma_start3A_160 = tpu.memref_slice %arg4[%add3A_152, %dma_start3A_159] : memref<409600x128xf32, #tpu.memory_space<hbm>> -> memref<800x128xf32, #tpu.memory_space<hbm>>
      %dma_start3A_161 = arith.constant 0 : i32
      %dma_start3A_162 = tpu.memref_slice %arg4[%add3A_152, %dma_start3A_161] : memref<409600x128xf32, #tpu.memory_space<hbm>> -> memref<800x128xf32, #tpu.memory_space<hbm>>
      tpu.enqueue_dma source(%arg6 : memref<800x128xf32, #tpu.memory_space<vmem>>) target(%dma_start3A_162 : memref<800x128xf32, #tpu.memory_space<hbm>>) target_semaphore(%run_scoped3A : memref<!tpu.dma_semaphore, #tpu.memory_space<semaphore_mem>>)
      %dma_wait3A_163 = arith.constant 0 : i32
      %dma_wait3A_164 = tpu.memref_slice %arg4[%add3A_152, %dma_wait3A_163] : memref<409600x128xf32, #tpu.memory_space<hbm>> -> memref<800x128xf32, #tpu.memory_space<hbm>>
      %dma_wait3A_165 = arith.constant 0 : i32
      %dma_wait3A_166 = tpu.memref_slice %arg4[%add3A_152, %dma_wait3A_165] : memref<409600x128xf32, #tpu.memory_space<hbm>> -> memref<800x128xf32, #tpu.memory_space<hbm>>
      tpu.wait_dma2 semaphore(%run_scoped3A : memref<!tpu.dma_semaphore, #tpu.memory_space<semaphore_mem>>) src(%arg6 : memref<800x128xf32, #tpu.memory_space<vmem>>) dst(%dma_wait3A_166 : memref<800x128xf32, #tpu.memory_space<hbm>>)
      tpu.yield
    }) : () -> ()
    return
  }
}

</mosaic_0001>

<sc_bundles>
// kernel: kernel.3.cloned.1.call-start
scs
__scs_entry_jumppad:
0x0: {  	(pc) =	sbr.rel $0x88, $3  }
0x1: {  	(tag) =	ssettag $0x0;
	lr =	simm.s32 $0x1  }
0x2: {  	[smem:$0x3F86] =	sst lr;
	_ =	strace $0xD0000000  }
0x3: {  	_ = 	snop  }
0x4: {  	_ = 	snop  }
0x5: {  	_ = 	snop  }
0x6: {  	_ = 	snop  }
0x7: {  	_ = 	snop  }
__scs_overlays_trampoline_lowered:
0x8: {  	[smem:$0x3F95] =	sst s0  }
0x9: {  	[smem:$0x3F96] =	sst s1  }
0xa: {  	[smem:$0x3F97] =	sst s2  }
0xb: {  	[smem:$0x3F98] =	sst s3  }
0xc: {  	[smem:$0x3F99] =	sst s4  }
0xd: {  	[smem:$0x3F9A] =	sst s5  }
0xe: {  	[smem:$0x3F9B] =	sst s6  }
0xf: {  	[smem:$0x3F9C] =	sst s7  }
0x10: {  	[smem:$0x3F9D] =	sst s8  }
0x11: {  	[smem:$0x3F9E] =	sst s9;
	s0 =	simm.s32 @!p0 $0x0  }
0x12: {  	s1 =	sld [smem:$0x3F84];
	s0 =	simm.s32 @p0 $0x1  }
0x13: {  	[smem:$0x3F9F] =	sst s0;
	s0 =	simm.s32 @!p1 $0x0  }
0x14: {  	s2 =	sld [smem:$0x3F83];
	s0 =	simm.s32 @p1 $0x1  }
0x15: {  	[smem:$0x3FA0] =	sst s0;
	s0 =	simm.s32 @!p2 $0x0  }
0x16: {  	s3 =	sld [smem:$0x3FDB];
	s0 =	simm.s32 @p2 $0x1  }
0x17: {  	s4 =	simm.s32 $0x1BF5;
	[smem:$0x3FA2] =	sst s0  }
0x18: {  	s0 =	sld [smem:$0x3F85];
	_ =	swait.ge [sflag:s4], $0x0  }
0x19: {  	s7 =	sld [smem:$0x3F86]  }
0x1a: {  	s8 =	sadd.s32 $0xFFFFE003, lr  }
0x1b: {  	s9 =	sadd.s32 $0xFFFFFEF7, lr;
	s5 =	simm.s32 $0xFFFFFFFF;
	p2 =	slt.u32 s8, $0xFFFFF086  }
0x1c: {  	p1 =	slt.u32 s9, $0xF7A;
	s5 =	simm.s32 @!p2 $0x0  }
0x1d: {  	s5 =	simm.s32 @p1 $0x1;
	p0 =	seq.s32 s7, s2  }
0x1e: {  	s7 =	smul.u32 @!p0 $0xF7A, s2;
	p2 =	seq.s32 @!p0 s5, $0x0  }
0x1f: {  	s9 =	smul.u32 $0xF7A, s1;
	s8 =	simm.s32 @!p0 $0x1BF5;
	p2 =	por !p2, p0  }
0x20: {  	[sflag:s8] =	ssyncset.s32 @!p0 $0xFFFFF086;
	s6 =	sadd.s32 @!p0 s3, s7;
	s7 =	simm.s32 @!p0 $0x108  }
0x21: {  	s3 =	sadd.s32 s3, s9;
	s6 =	sadd.s32 @!p0 $0x88, s6;
	s7 =	simm.s32 @p2 $0x1082  }
0x22: {  	[simem:s7], [sflag:s8] =	dma.local @!p0 [hbm:s6], $0xF7A  }
0x23: {  	s9 =	sor.u32 $0xD0000000, s2;
	s6 =	simm.s32 $0x108;
	_ =	swait.ge @!p0 [sflag:s8], $0x0  }
0x24: {  	s3 =	sadd.s32 $0x88, s3;
	s6 =	simm.s32 @!p1 $0x1082;
	[sflag:s4] =	ssyncset.s32 $0xFFFFF086  }
0x25: {  	[simem:s6], [sflag:s4] =	dma.local [hbm:s3], $0xF7A  }
0x26: {  	[smem:$0x3F86] =	sst s1;
	(tag) =	ssettag s2;
	_ =	strace s9  }
0x27: {  	s1 =	sld [smem:$0x3F96]  }
0x28: {  	s2 =	sld [smem:$0x3F97]  }
0x29: {  	s4 =	sld [smem:$0x3F99]  }
0x2a: {  	p0 =	seq.s32 s5, $0x0;
	s5 =	sld [smem:$0x3F9A]  }
0x2b: {  	s6 =	sld [smem:$0x3F9B]  }
0x2c: {  	s7 =	sld [smem:$0x3F9C]  }
0x2d: {  	s3 =	simm.s32 $0x108;
	s8 =	sld [smem:$0x3F9D]  }
0x2e: {  	s3 =	simm.s32 @!p0 $0x1082;
	s9 =	sld [smem:$0x3F9E]  }
0x2f: {  	lr =	sadd.s32 s0, s3;
	s0 =	sld [smem:$0x3F95]  }
0x30: {  	s3 =	sld [smem:$0x3F98]  }
0x31: {  	[smem:$0x3FA1] =	sst s10  }
0x32: {  	s10 =	sld [smem:$0x3F9F];
	_ =	sdelay $0x3  }
0x33: {  	p0 =	seq.s32 s10, $0x1;
	s10 =	sld [smem:$0x3FA1];
	_ =	sdelay $0x3  }
0x34: {  	[smem:$0x3FA1] =	sst s10  }
0x35: {  	s10 =	sld [smem:$0x3FA0];
	_ =	sdelay $0x3  }
0x36: {  	p1 =	seq.s32 s10, $0x1;
	s10 =	sld [smem:$0x3FA1];
	_ =	sdelay $0x3  }
0x37: {  	[smem:$0x3FA1] =	sst s10  }
0x38: {  	s10 =	sld [smem:$0x3FA2]  }
0x39: {  	_ = 	snop;
	(pc) =	sbr.ind lr, $3  }
0x3a: {  	_ = 	snop  }
0x3b: {  	_ = 	snop  }
0x3c: {  	p2 =	seq.s32 s10, $0x1;
	s10 =	sld [smem:$0x3FA1]  }
0x3d: {  	_ =	shalt  }
0x3e: {  	_ =	shalt  }
0x3f: {  	_ =	shalt  }
0x40: {  	_ =	shalt  }
0x41: {  	_ =	shalt  }
0x42: {  	_ =	shalt  }
0x43: {  	_ =	shalt  }
0x44: {  	_ =	shalt  }
0x45: {  	_ =	shalt  }
0x46: {  	_ =	shalt  }
0x47: {  	_ =	shalt  }
0x48: {  	_ =	shalt  }
0x49: {  	_ =	shalt  }
0x4a: {  	_ =	shalt  }
0x4b: {  	_ =	shalt  }
0x4c: {  	_ =	shalt  }
0x4d: {  	_ =	shalt  }
0x4e: {  	_ =	shalt  }
0x4f: {  	_ =	shalt  }
0x50: {  	_ =	shalt  }
0x51: {  	_ =	shalt  }
0x52: {  	_ =	shalt  }
0x53: {  	_ =	shalt  }
0x54: {  	_ =	shalt  }
0x55: {  	_ =	shalt  }
0x56: {  	_ =	shalt  }
0x57: {  	_ =	shalt  }
0x58: {  	_ =	shalt  }
0x59: {  	_ =	shalt  }
0x5a: {  	_ =	shalt  }
0x5b: {  	_ =	shalt  }
0x5c: {  	_ =	shalt  }
0x5d: {  	_ =	shalt  }
0x5e: {  	_ =	shalt  }
0x5f: {  	_ =	shalt  }
0x60: {  	_ =	shalt  }
0x61: {  	_ =	shalt  }
0x62: {  	_ =	shalt  }
0x63: {  	_ =	shalt  }
0x64: {  	_ =	shalt  }
0x65: {  	_ =	shalt  }
0x66: {  	_ =	shalt  }
0x67: {  	_ =	shalt  }
0x68: {  	_ =	shalt  }
0x69: {  	_ =	shalt  }
0x6a: {  	_ =	shalt  }
0x6b: {  	_ =	shalt  }
0x6c: {  	_ =	shalt  }
0x6d: {  	_ =	shalt  }
0x6e: {  	_ =	shalt  }
0x6f: {  	_ =	shalt  }
0x70: {  	_ =	shalt  }
0x71: {  	_ =	shalt  }
0x72: {  	_ =	shalt  }
0x73: {  	_ =	shalt  }
0x74: {  	_ =	shalt  }
0x75: {  	_ =	shalt  }
0x76: {  	_ =	shalt  }
0x77: {  	_ =	shalt  }
0x78: {  	_ =	shalt  }
0x79: {  	_ =	shalt  }
0x7a: {  	_ =	shalt  }
0x7b: {  	_ =	shalt  }
0x7c: {  	_ =	shalt  }
0x7d: {  	_ =	shalt  }
0x7e: {  	_ =	shalt  }
0x7f: {  	_ =	shalt  }
0x80: {  	_ =	shalt  }
0x81: {  	_ =	shalt  }
0x82: {  	_ =	shalt  }
0x83: {  	_ =	shalt  }
0x84: {  	_ =	shalt  }
0x85: {  	_ =	shalt  }
0x86: {  	_ =	shalt  }
0x87: {  	_ =	shalt  }
.Lfunc_end0:
.L_simem_size_0:
called_computation.5_lowered:
.L_overlay_start_0:
0x88: {  	s2 =	sld [smem:$0x3FD9]  }
0x89: {  	s3 =	sld [smem:$0x3FFE];
	_ =	sdelay $0x1  }
0x8a: {  	s1 =	srdreg.scid  }
0x8b: {  	s0 =	sand.u32 $0x1, s1  }
0x8c: {  	s16 =	sshll.u32 s0, $0xA;
	s2 =	sadd.s32 s3, s2  }
0x8d: {  	s2 =	sadd.s32 s2, s16  }
0x8e: {  	[smem:$0x3FAD] =	sst s2  }
0x8f: {  	_ = 	snop  }
0x90: {  	(tm) =	ssettm $0x1  }
0x91: {  	s17 =	sld [smem:$0x3FFB];
	_ =	sdelay $0x3  }
0x92: {  	_ =	strace s17  }
0x93: {  	s2 =	sld [smem:$0x3FFC];
	_ =	sdelay $0x3  }
0x94: {  	_ =	strace s2  }
0x95: {  	s2 =	sld [smem:$0x3FFD];
	_ =	sdelay $0x3  }
0x96: {  	_ =	strace s2  }
0x97: {  	_ =	strace $0x8FFFFFFF  }
0x98: {  	s18 =	sld [smem:$0x3FDB];
	_ =	sdelay $0x1  }
0x99: {  	s19 =	simm.s32 $_scs_section_size  }
0x9a: {  	s4 =	simm.s32 $_size__tile_overlayer_lowered;
	s5 =	simm.s32 $_tile_overlayer_lowered  }
0x9b: {  	s22 =	simm.s32 $0x1BFF;
	s21 =	sshll.u32 s5, $0x1;
	s2 =	sadd.s32 s19, s18  }
0x9c: {  	s6 =	simm.s32 $0x0;
	s20 =	sshll.u32 s4, $0x1;
	s4 =	sadd.s32 s21, s2  }
0x9d: {  	[timem:s6], [sflag:s22] =	dma.local [hbm:s4], s20  }
0x9e: {  	_ =	swait.ge [sflag:s22], s20  }
0x9f: {  	s3 =	ssub.s32 $0x0, s20;
	[sflag:s22] =	ssyncset.done $0x0  }
0xa0: {  	[sflag:s22] =	ssyncadd.s32 s3;
	_ =	sdelay $0x1  }
0xa1: {  	s23 =	simm.s32 $0x1B8B  }
0xa2: {  	_ =	swait.ge [sflag:s23], $0x1  }
0xa3: {  	[sflag:s23] =	ssyncset.done $0x0  }
0xa4: {  	s25 =	simm.s32 $0x1B8E;
	s24 =	sld [smem:$0x3FFE];
	[sflag:s23] =	ssyncadd.s32 $0xFFFFFFFF  }
0xa5: {  	s26 =	simm.s32 $execute0_lowered;
	[smem:$0x3FD2] =	sst s25  }
0xa6: {  	s4 =	sshll.u32 s26, $0x1;
	_ =	strace $0x80000055;
	[dreg:$0x1] =	wrdreg $0xFFFFFFFF  }
0xa7: {  	s28 =	simm.s32 $_size_execute0_lowered;
	s2 =	sadd.s32 s2, s4;
	[dreg:$0x0] =	wrdreg $0x0  }
0xa8: {  	s4 =	sshll.u32 s28, $0x1;
	[dreg:$0x2] =	wrdreg s2  }
0xa9: {  	[dreg:$0x3] =	wrdreg s4  }
0xaa: {  	[dreg:$0x4] =	wrdreg $0xC0  }
0xab: {  	_ =	task [dreg:s6], $0x5FFFF  }
0xac: {  	[dreg:$0x1] =	wrdreg $0xFFFFFFFF  }
0xad: {  	[dreg:$0x0] =	wrdreg $0x60  }
0xae: {  	[dreg:$0x2] =	wrdreg s24  }
0xaf: {  	[dreg:$0x3] =	wrdreg $0x9  }
0xb0: {  	_ =	task.clear_ibuf [dreg:s6], $0x4FFFF;
	_ =	strace $0x90000055  }
0xb1: {  	s29 =	simm.s32 $0x9;
	_ =	strace $0x80000057  }
0xb2: {  	_ =	swait.ge [sflag:s29], $0x1  }
0xb3: {  	[sflag:s29] =	ssyncadd.s32 $0xFFFFFFFF  }
0xb4: {  	_ =	strace $0x90000057  }
0xb5: {  	_ =	sfence  }
0xb6: {  	s30 =	sld [smem:$0x0];
	_ =	sdelay $0x2  }
0xb7: {  	s31 =	sshll.u32 s1, $0xD;
	s1 =	sshrl.u32 s1, $0x2  }
0xb8: {  	s3 =	sand.u32 $0x4000, s31;
	s1 =	sadd.s32 s1, s30  }
0xb9: {  	s0 =	sor.u32 s3, s0;
	s1 =	sshll.u32 s1, $0x11  }
0xba: {  	s0 =	sor.u32 s1, s0  }
0xbb: {  	s0 =	sadd.s32 $0x8F2B, s0  }
0xbc: {  	[sflag:s0] =	ssyncadd.remote.s32 $0x1  }
0xbd: {  	_ =	sfence.sel $0xFFFF  }
0xbe: {  	[dreg:$0x0] =	wrdreg $0xFFFFFFFF;
	(pc) =	sbr.abs _section_cstart, $3  }
0xbf: {  	[dreg:$0x1] =	wrdreg $0xFFFFFFFF  }
0xc0: {  	_ =	task.clear_ibuf [dreg:s6], $0x2FFFF;
	_ =	strace $0x9FFFFFFF  }
0xc1: {  	(tm) =	ssettm $0x7FFFFFFF  }
tec
execute0_lowered:
.L_overlay_start_1:
0x0: {  	(tag) =	ssettag $0x1  }
0x1: {  	s0 =	srdreg.scid  }
0x2: {  	s31 =	sand.u32 $0x1, s0  }
0x3: {  	s25 =	stileid.u32;
	s1 =	sshll.u32 s31, $0x4  }
0x4: {  	s2 =	rddreg [dreg:$0x0];
	s4 =	sor.u32 s25, s1  }
0x5: {  	s3 =	simm.s32 $0x0;
	s30 =	sadd.s32 $0x576A00, s2;
	s1 =	smul.u32 $0x3200, s4  }
0x6: {  	[smem:$0x7FF] =	sst s3;
	s0 =	sadd.s32 $0x583200, s2;
	s4 =	smul.u32 $0x32000, s4  }
0x7: {  	_ =	strace $0x80000056;
	s5 =	sshrl.u32 s1, $0x3;
	s6 =	sadd.s32 $0x320, s1  }
0x8: {  	s4 =	sadd.s32 s0, s4;
	s9 =	sadd.s32 $0x640, s1;
	s11 =	sadd.s32 $0x960, s1  }
0x9: {  	s5 =	sadd.s32 s30, s5;
	s26 =	sshrl.u32 s6, $0x3;
	[dreg:$0x3] =	wrdreg s4  }
0xa: {  	s7 =	sshll.u32 s6, $0x4;
	[dreg:$0x2] =	wrdreg s5;
	s5 =	sadd.s32 s30, s26  }
0xb: {  	s10 =	sshrl.u32 s9, $0x3;
	s8 =	sadd.s32 s0, s7;
	[dreg:$0x4] =	wrdreg s5  }
0xc: {  	s13 =	sshrl.u32 s11, $0x3;
	s4 =	sadd.s32 s30, s10;
	[dreg:$0x5] =	wrdreg s8  }
0xd: {  	s14 =	sadd.s32 s30, s13;
	[dreg:$0x6] =	wrdreg s4  }
0xe: {  	s15 =	sshll.u32 s11, $0x4;
	s5 =	sshll.u32 s9, $0x4;
	[dreg:$0x8] =	wrdreg s14  }
0xf: {  	s8 =	sadd.s32 $0xC80, s1;
	s4 =	sadd.s32 s0, s15;
	s17 =	rddreg [dreg:$0x2]  }
0x10: {  	s12 =	sadd.s32 s0, s5;
	s16 =	sshrl.u32 s8, $0x3;
	[dreg:$0x9] =	wrdreg s4  }
0x11: {  	[tilespmem:s3], [sflag:$0x2] =	stream.linear.gather [hbm4b:s17+s3], $0x320, $0x38;
	[tilespmem:$0x19380] =	vst v63  }
0x12: {  	[dreg:$0x7] =	wrdreg s12;
	s18 =	sadd.s32 s30, s16  }
0x13: {  	s4 =	simm.s32 $0x2;
	[dreg:$0xa] =	wrdreg s18  }
0x14: {  	_ =	swait.ge [sflag:s4], $0x320  }
0x15: {  	s6 =	simm.s32 $0x380;
	[sflag:s4] =	ssyncset.done $0x0  }
0x16: {  	s7 =	simm.s32 $0x1;
	s5 =	simm.s32 $0x320;
	[sflag:s4] =	ssyncadd.s32 $0xFFFFFCE0  }
0x17: {  	[tilespmem:s6], [sflag:$0x1] =	stream.indirect.gather [hbm4b:s2+s5], $0x80, s3, s5, $0xb8;
	[tilespmem:$0x19380] =	vst v63  }
0x18: {  	_ =	swait.ge [sflag:s7], $0x19000  }
0x19: {  	[sflag:s7] =	ssyncset.done $0x0  }
0x1a: {  	s9 =	rddreg [dreg:$0x3];
	[sflag:s7] =	ssyncadd.s32 $0xFFFE7000  }
0x1b: {  	[hbm4b:s9+s3] =	stream.linear.scatter [tilespmem:s6], [sflag:$0x2], $0x19000, $0x38;
	[tilespmem:$0x19380] =	vst v63  }
0x1c: {  	_ =	swait.ge [sflag:s4], $0x19000  }
0x1d: {  	[sflag:s4] =	ssyncset.done $0x0  }
0x1e: {  	s19 =	rddreg [dreg:$0x4];
	[sflag:s4] =	ssyncadd.s32 $0xFFFE7000  }
0x1f: {  	[tilespmem:s3], [sflag:$0x2] =	stream.linear.gather [hbm4b:s19+s3], $0x320, $0x38;
	[tilespmem:$0x19380] =	vst v63  }
0x20: {  	_ =	swait.ge [sflag:s4], $0x320  }
0x21: {  	[sflag:s4] =	ssyncset.done $0x0  }
0x22: {  	[sflag:s4] =	ssyncadd.s32 $0xFFFFFCE0  }
0x23: {  	[tilespmem:s6], [sflag:$0x1] =	stream.indirect.gather [hbm4b:s2+s5], $0x80, s3, s5, $0xb8;
	[tilespmem:$0x19380] =	vst v63  }
0x24: {  	_ =	swait.ge [sflag:s7], $0x19000  }
0x25: {  	[sflag:s7] =	ssyncset.done $0x0  }
0x26: {  	s20 =	rddreg [dreg:$0x5];
	[sflag:s7] =	ssyncadd.s32 $0xFFFE7000  }
0x27: {  	[hbm4b:s20+s3] =	stream.linear.scatter [tilespmem:s6], [sflag:$0x2], $0x19000, $0x38;
	[tilespmem:$0x19380] =	vst v63  }
0x28: {  	_ =	swait.ge [sflag:s4], $0x19000  }
0x29: {  	[sflag:s4] =	ssyncset.done $0x0  }
0x2a: {  	s21 =	rddreg [dreg:$0x6];
	[sflag:s4] =	ssyncadd.s32 $0xFFFE7000  }
0x2b: {  	[tilespmem:s3], [sflag:$0x2] =	stream.linear.gather [hbm4b:s21+s3], $0x320, $0x38;
	[tilespmem:$0x19380] =	vst v63  }
0x2c: {  	_ =	swait.ge [sflag:s4], $0x320  }
0x2d: {  	[sflag:s4] =	ssyncset.done $0x0  }
0x2e: {  	[sflag:s4] =	ssyncadd.s32 $0xFFFFFCE0  }
0x2f: {  	[tilespmem:s6], [sflag:$0x1] =	stream.indirect.gather [hbm4b:s2+s5], $0x80, s3, s5, $0xb8;
	[tilespmem:$0x19380] =	vst v63  }
0x30: {  	_ =	swait.ge [sflag:s7], $0x19000  }
0x31: {  	[sflag:s7] =	ssyncset.done $0x0  }
0x32: {  	s22 =	rddreg [dreg:$0x7];
	[sflag:s7] =	ssyncadd.s32 $0xFFFE7000  }
0x33: {  	[hbm4b:s22+s3] =	stream.linear.scatter [tilespmem:s6], [sflag:$0x2], $0x19000, $0x38;
	[tilespmem:$0x19380] =	vst v63  }
0x34: {  	_ =	swait.ge [sflag:s4], $0x19000  }
0x35: {  	[sflag:s4] =	ssyncset.done $0x0  }
0x36: {  	s23 =	rddreg [dreg:$0x8];
	[sflag:s4] =	ssyncadd.s32 $0xFFFE7000  }
0x37: {  	[tilespmem:s3], [sflag:$0x2] =	stream.linear.gather [hbm4b:s23+s3], $0x320, $0x38;
	[tilespmem:$0x19380] =	vst v63  }
0x38: {  	_ =	swait.ge [sflag:s4], $0x320  }
0x39: {  	[sflag:s4] =	ssyncset.done $0x0  }
0x3a: {  	[sflag:s4] =	ssyncadd.s32 $0xFFFFFCE0  }
0x3b: {  	[tilespmem:s6], [sflag:$0x1] =	stream.indirect.gather [hbm4b:s2+s5], $0x80, s3, s5, $0xb8;
	[tilespmem:$0x19380] =	vst v63  }
0x3c: {  	_ =	swait.ge [sflag:s7], $0x19000  }
0x3d: {  	[sflag:s7] =	ssyncset.done $0x0  }
0x3e: {  	s24 =	rddreg [dreg:$0x9];
	[sflag:s7] =	ssyncadd.s32 $0xFFFE7000  }
0x3f: {  	[hbm4b:s24+s3] =	stream.linear.scatter [tilespmem:s6], [sflag:$0x2], $0x19000, $0x38;
	[tilespmem:$0x19380] =	vst v63  }
0x40: {  	_ =	swait.ge [sflag:s4], $0x19000  }
0x41: {  	[sflag:s4] =	ssyncset.done $0x0  }
0x42: {  	s25 =	rddreg [dreg:$0xa];
	[sflag:s4] =	ssyncadd.s32 $0xFFFE7000  }
0x43: {  	[tilespmem:s3], [sflag:$0x2] =	stream.linear.gather [hbm4b:s25+s3], $0x320, $0x38;
	[tilespmem:$0x19380] =	vst v63  }
0x44: {  	_ =	swait.ge [sflag:s4], $0x320  }
0x45: {  	[sflag:s4] =	ssyncset.done $0x0  }
0x46: {  	[sflag:s4] =	ssyncadd.s32 $0xFFFFFCE0  }
0x47: {  	[tilespmem:s6], [sflag:$0x1] =	stream.indirect.gather [hbm4b:s2+s5], $0x80, s3, s5, $0xb8;
	[tilespmem:$0x19380] =	vst v63  }
0x48: {  	_ =	swait.ge [sflag:s7], $0x19000  }
0x49: {  	s8 =	sshll.u32 s8, $0x4;
	[sflag:s7] =	ssyncset.done $0x0  }
0x4a: {  	s8 =	sadd.s32 s0, s8;
	[sflag:s7] =	ssyncadd.s32 $0xFFFE7000  }
0x4b: {  	[hbm4b:s8+s3] =	stream.linear.scatter [tilespmem:s6], [sflag:$0x2], $0x19000, $0x38;
	[tilespmem:$0x19380] =	vst v63  }
0x4c: {  	s10 =	sadd.s32 $0xFA0, s1;
	_ =	swait.ge [sflag:s4], $0x19000  }
0x4d: {  	s26 =	sshrl.u32 s10, $0x3;
	[sflag:s4] =	ssyncset.done $0x0  }
0x4e: {  	s9 =	sadd.s32 s30, s26;
	[sflag:s4] =	ssyncadd.s32 $0xFFFE7000  }
0x4f: {  	[tilespmem:s3], [sflag:$0x2] =	stream.linear.gather [hbm4b:s9+s3], $0x320, $0x38;
	[tilespmem:$0x19380] =	vst v63  }
0x50: {  	_ =	swait.ge [sflag:s4], $0x320  }
0x51: {  	[sflag:s4] =	ssyncset.done $0x0  }
0x52: {  	[sflag:s4] =	ssyncadd.s32 $0xFFFFFCE0  }
0x53: {  	[tilespmem:s6], [sflag:$0x1] =	stream.indirect.gather [hbm4b:s2+s5], $0x80, s3, s5, $0xb8;
	[tilespmem:$0x19380] =	vst v63  }
0x54: {  	_ =	swait.ge [sflag:s7], $0x19000  }
0x55: {  	s10 =	sshll.u32 s10, $0x4;
	[sflag:s7] =	ssyncset.done $0x0  }
0x56: {  	s10 =	sadd.s32 s0, s10;
	[sflag:s7] =	ssyncadd.s32 $0xFFFE7000  }
0x57: {  	[hbm4b:s10+s3] =	stream.linear.scatter [tilespmem:s6], [sflag:$0x2], $0x19000, $0x38;
	[tilespmem:$0x19380] =	vst v63  }
0x58: {  	s12 =	sadd.s32 $0x12C0, s1;
	_ =	swait.ge [sflag:s4], $0x19000  }
0x59: {  	s11 =	sshrl.u32 s12, $0x3;
	[sflag:s4] =	ssyncset.done $0x0  }
0x5a: {  	s11 =	sadd.s32 s30, s11;
	[sflag:s4] =	ssyncadd.s32 $0xFFFE7000  }
0x5b: {  	[tilespmem:s3], [sflag:$0x2] =	stream.linear.gather [hbm4b:s11+s3], $0x320, $0x38;
	[tilespmem:$0x19380] =	vst v63  }
0x5c: {  	_ =	swait.ge [sflag:s4], $0x320  }
0x5d: {  	[sflag:s4] =	ssyncset.done $0x0  }
0x5e: {  	[sflag:s4] =	ssyncadd.s32 $0xFFFFFCE0  }
0x5f: {  	[tilespmem:s6], [sflag:$0x1] =	stream.indirect.gather [hbm4b:s2+s5], $0x80, s3, s5, $0xb8;
	[tilespmem:$0x19380] =	vst v63  }
0x60: {  	_ =	swait.ge [sflag:s7], $0x19000  }
0x61: {  	s12 =	sshll.u32 s12, $0x4;
	[sflag:s7] =	ssyncset.done $0x0  }
0x62: {  	s12 =	sadd.s32 s0, s12;
	[sflag:s7] =	ssyncadd.s32 $0xFFFE7000  }
0x63: {  	[hbm4b:s12+s3] =	stream.linear.scatter [tilespmem:s6], [sflag:$0x2], $0x19000, $0x38;
	[tilespmem:$0x19380] =	vst v63  }
0x64: {  	s14 =	sadd.s32 $0x15E0, s1;
	_ =	swait.ge [sflag:s4], $0x19000  }
0x65: {  	s13 =	sshrl.u32 s14, $0x3;
	[sflag:s4] =	ssyncset.done $0x0  }
0x66: {  	s13 =	sadd.s32 s30, s13;
	[sflag:s4] =	ssyncadd.s32 $0xFFFE7000  }
0x67: {  	[tilespmem:s3], [sflag:$0x2] =	stream.linear.gather [hbm4b:s13+s3], $0x320, $0x38;
	[tilespmem:$0x19380] =	vst v63  }
0x68: {  	_ =	swait.ge [sflag:s4], $0x320  }
0x69: {  	[sflag:s4] =	ssyncset.done $0x0  }
0x6a: {  	[sflag:s4] =	ssyncadd.s32 $0xFFFFFCE0  }
0x6b: {  	[tilespmem:s6], [sflag:$0x1] =	stream.indirect.gather [hbm4b:s2+s5], $0x80, s3, s5, $0xb8;
	[tilespmem:$0x19380] =	vst v63  }
0x6c: {  	_ =	swait.ge [sflag:s7], $0x19000  }
0x6d: {  	s14 =	sshll.u32 s14, $0x4;
	[sflag:s7] =	ssyncset.done $0x0  }
0x6e: {  	s14 =	sadd.s32 s0, s14;
	[sflag:s7] =	ssyncadd.s32 $0xFFFE7000  }
0x6f: {  	[hbm4b:s14+s3] =	stream.linear.scatter [tilespmem:s6], [sflag:$0x2], $0x19000, $0x38;
	[tilespmem:$0x19380] =	vst v63  }
0x70: {  	s16 =	sadd.s32 $0x1900, s1;
	_ =	swait.ge [sflag:s4], $0x19000  }
0x71: {  	s15 =	sshrl.u32 s16, $0x3;
	[sflag:s4] =	ssyncset.done $0x0  }
0x72: {  	s15 =	sadd.s32 s30, s15;
	[sflag:s4] =	ssyncadd.s32 $0xFFFE7000  }
0x73: {  	[tilespmem:s3], [sflag:$0x2] =	stream.linear.gather [hbm4b:s15+s3], $0x320, $0x38;
	[tilespmem:$0x19380] =	vst v63  }
0x74: {  	_ =	swait.ge [sflag:s4], $0x320  }
0x75: {  	[sflag:s4] =	ssyncset.done $0x0  }
0x76: {  	[sflag:s4] =	ssyncadd.s32 $0xFFFFFCE0  }
0x77: {  	[tilespmem:s6], [sflag:$0x1] =	stream.indirect.gather [hbm4b:s2+s5], $0x80, s3, s5, $0xb8;
	[tilespmem:$0x19380] =	vst v63  }
0x78: {  	_ =	swait.ge [sflag:s7], $0x19000  }
0x79: {  	s16 =	sshll.u32 s16, $0x4;
	[sflag:s7] =	ssyncset.done $0x0  }
0x7a: {  	s16 =	sadd.s32 s0, s16;
	[sflag:s7] =	ssyncadd.s32 $0xFFFE7000  }
0x7b: {  	[hbm4b:s16+s3] =	stream.linear.scatter [tilespmem:s6], [sflag:$0x2], $0x19000, $0x38;
	[tilespmem:$0x19380] =	vst v63  }
0x7c: {  	s18 =	sadd.s32 $0x1C20, s1;
	_ =	swait.ge [sflag:s4], $0x19000  }
0x7d: {  	s17 =	sshrl.u32 s18, $0x3;
	[sflag:s4] =	ssyncset.done $0x0  }
0x7e: {  	s17 =	sadd.s32 s30, s17;
	[sflag:s4] =	ssyncadd.s32 $0xFFFE7000  }
0x7f: {  	[tilespmem:s3], [sflag:$0x2] =	stream.linear.gather [hbm4b:s17+s3], $0x320, $0x38;
	[tilespmem:$0x19380] =	vst v63  }
0x80: {  	_ =	swait.ge [sflag:s4], $0x320  }
0x81: {  	[sflag:s4] =	ssyncset.done $0x0  }
0x82: {  	[sflag:s4] =	ssyncadd.s32 $0xFFFFFCE0  }
0x83: {  	[tilespmem:s6], [sflag:$0x1] =	stream.indirect.gather [hbm4b:s2+s5], $0x80, s3, s5, $0xb8;
	[tilespmem:$0x19380] =	vst v63  }
0x84: {  	_ =	swait.ge [sflag:s7], $0x19000  }
0x85: {  	s18 =	sshll.u32 s18, $0x4;
	[sflag:s7] =	ssyncset.done $0x0  }
0x86: {  	s18 =	sadd.s32 s0, s18;
	[sflag:s7] =	ssyncadd.s32 $0xFFFE7000  }
0x87: {  	[hbm4b:s18+s3] =	stream.linear.scatter [tilespmem:s6], [sflag:$0x2], $0x19000, $0x38;
	[tilespmem:$0x19380] =	vst v63  }
0x88: {  	s20 =	sadd.s32 $0x1F40, s1;
	_ =	swait.ge [sflag:s4], $0x19000  }
0x89: {  	s19 =	sshrl.u32 s20, $0x3;
	[sflag:s4] =	ssyncset.done $0x0  }
0x8a: {  	s19 =	sadd.s32 s30, s19;
	[sflag:s4] =	ssyncadd.s32 $0xFFFE7000  }
0x8b: {  	[tilespmem:s3], [sflag:$0x2] =	stream.linear.gather [hbm4b:s19+s3], $0x320, $0x38;
	[tilespmem:$0x19380] =	vst v63  }
0x8c: {  	_ =	swait.ge [sflag:s4], $0x320  }
0x8d: {  	[sflag:s4] =	ssyncset.done $0x0  }
0x8e: {  	[sflag:s4] =	ssyncadd.s32 $0xFFFFFCE0  }
0x8f: {  	[tilespmem:s6], [sflag:$0x1] =	stream.indirect.gather [hbm4b:s2+s5], $0x80, s3, s5, $0xb8;
	[tilespmem:$0x19380] =	vst v63  }
0x90: {  	_ =	swait.ge [sflag:s7], $0x19000  }
0x91: {  	s20 =	sshll.u32 s20, $0x4;
	[sflag:s7] =	ssyncset.done $0x0  }
0x92: {  	s20 =	sadd.s32 s0, s20;
	[sflag:s7] =	ssyncadd.s32 $0xFFFE7000  }
0x93: {  	[hbm4b:s20+s3] =	stream.linear.scatter [tilespmem:s6], [sflag:$0x2], $0x19000, $0x38;
	[tilespmem:$0x19380] =	vst v63  }
0x94: {  	s22 =	sadd.s32 $0x2260, s1;
	_ =	swait.ge [sflag:s4], $0x19000  }
0x95: {  	s21 =	sshrl.u32 s22, $0x3;
	[sflag:s4] =	ssyncset.done $0x0  }
0x96: {  	s21 =	sadd.s32 s30, s21;
	[sflag:s4] =	ssyncadd.s32 $0xFFFE7000  }
0x97: {  	[tilespmem:s3], [sflag:$0x2] =	stream.linear.gather [hbm4b:s21+s3], $0x320, $0x38;
	[tilespmem:$0x19380] =	vst v63  }
0x98: {  	_ =	swait.ge [sflag:s4], $0x320  }
0x99: {  	[sflag:s4] =	ssyncset.done $0x0  }
0x9a: {  	[sflag:s4] =	ssyncadd.s32 $0xFFFFFCE0  }
0x9b: {  	[tilespmem:s6], [sflag:$0x1] =	stream.indirect.gather [hbm4b:s2+s5], $0x80, s3, s5, $0xb8;
	[tilespmem:$0x19380] =	vst v63  }
0x9c: {  	_ =	swait.ge [sflag:s7], $0x19000  }
0x9d: {  	s22 =	sshll.u32 s22, $0x4;
	[sflag:s7] =	ssyncset.done $0x0  }
0x9e: {  	s22 =	sadd.s32 s0, s22;
	[sflag:s7] =	ssyncadd.s32 $0xFFFE7000  }
0x9f: {  	[hbm4b:s22+s3] =	stream.linear.scatter [tilespmem:s6], [sflag:$0x2], $0x19000, $0x38;
	[tilespmem:$0x19380] =	vst v63  }
0xa0: {  	s24 =	sadd.s32 $0x2580, s1;
	_ =	swait.ge [sflag:s4], $0x19000  }
0xa1: {  	s23 =	sshrl.u32 s24, $0x3;
	[sflag:s4] =	ssyncset.done $0x0  }
0xa2: {  	s23 =	sadd.s32 s30, s23;
	[sflag:s4] =	ssyncadd.s32 $0xFFFE7000  }
0xa3: {  	[tilespmem:s3], [sflag:$0x2] =	stream.linear.gather [hbm4b:s23+s3], $0x320, $0x38;
	[tilespmem:$0x19380] =	vst v63  }
0xa4: {  	_ =	swait.ge [sflag:s4], $0x320  }
0xa5: {  	[sflag:s4] =	ssyncset.done $0x0  }
0xa6: {  	[sflag:s4] =	ssyncadd.s32 $0xFFFFFCE0  }
0xa7: {  	[tilespmem:s6], [sflag:$0x1] =	stream.indirect.gather [hbm4b:s2+s5], $0x80, s3, s5, $0xb8;
	[tilespmem:$0x19380] =	vst v63  }
0xa8: {  	_ =	swait.ge [sflag:s7], $0x19000  }
0xa9: {  	s24 =	sshll.u32 s24, $0x4;
	[sflag:s7] =	ssyncset.done $0x0  }
0xaa: {  	s24 =	sadd.s32 s0, s24;
	[sflag:s7] =	ssyncadd.s32 $0xFFFE7000  }
0xab: {  	[hbm4b:s24+s3] =	stream.linear.scatter [tilespmem:s6], [sflag:$0x2], $0x19000, $0x38;
	[tilespmem:$0x19380] =	vst v63  }
0xac: {  	s26 =	sadd.s32 $0x28A0, s1;
	_ =	swait.ge [sflag:s4], $0x19000  }
0xad: {  	s25 =	sshrl.u32 s26, $0x3;
	[sflag:s4] =	ssyncset.done $0x0  }
0xae: {  	s25 =	sadd.s32 s30, s25;
	[sflag:s4] =	ssyncadd.s32 $0xFFFE7000  }
0xaf: {  	[tilespmem:s3], [sflag:$0x2] =	stream.linear.gather [hbm4b:s25+s3], $0x320, $0x38;
	[tilespmem:$0x19380] =	vst v63  }
0xb0: {  	_ =	swait.ge [sflag:s4], $0x320  }
0xb1: {  	[sflag:s4] =	ssyncset.done $0x0  }
0xb2: {  	[sflag:s4] =	ssyncadd.s32 $0xFFFFFCE0  }
0xb3: {  	[tilespmem:s6], [sflag:$0x1] =	stream.indirect.gather [hbm4b:s2+s5], $0x80, s3, s5, $0xb8;
	[tilespmem:$0x19380] =	vst v63  }
0xb4: {  	_ =	swait.ge [sflag:s7], $0x19000  }
0xb5: {  	s26 =	sshll.u32 s26, $0x4;
	[sflag:s7] =	ssyncset.done $0x0  }
0xb6: {  	s26 =	sadd.s32 s0, s26;
	[dreg:$0xb] =	wrdreg s0;
	[sflag:s7] =	ssyncadd.s32 $0xFFFE7000  }
0xb7: {  	[hbm4b:s26+s3] =	stream.linear.scatter [tilespmem:s6], [sflag:$0x2], $0x19000, $0x38;
	[tilespmem:$0x19380] =	vst v63  }
0xb8: {  	s29 =	sadd.s32 $0x2BC0, s1;
	_ =	swait.ge [sflag:s4], $0x19000  }
0xb9: {  	s28 =	sshrl.u32 s29, $0x3;
	[sflag:s4] =	ssyncset.done $0x0  }
0xba: {  	s28 =	sadd.s32 s30, s28;
	[sflag:s4] =	ssyncadd.s32 $0xFFFE7000  }
0xbb: {  	[tilespmem:s3], [sflag:$0x2] =	stream.linear.gather [hbm4b:s28+s3], $0x320, $0x38;
	[tilespmem:$0x19380] =	vst v63  }
0xbc: {  	_ =	swait.ge [sflag:s4], $0x320  }
0xbd: {  	[sflag:s4] =	ssyncset.done $0x0  }
0xbe: {  	[sflag:s4] =	ssyncadd.s32 $0xFFFFFCE0  }
0xbf: {  	[tilespmem:s6], [sflag:$0x1] =	stream.indirect.gather [hbm4b:s2+s5], $0x80, s3, s5, $0xb8;
	[tilespmem:$0x19380] =	vst v63  }
0xc0: {  	_ =	swait.ge [sflag:s7], $0x19000  }
0xc1: {  	s29 =	sshll.u32 s29, $0x4;
	[sflag:s7] =	ssyncset.done $0x0  }
0xc2: {  	s29 =	sadd.s32 s0, s29;
	s1 =	sadd.s32 $0x2EE0, s1;
	[sflag:s7] =	ssyncadd.s32 $0xFFFE7000  }
0xc3: {  	[hbm4b:s29+s3] =	stream.linear.scatter [tilespmem:s6], [sflag:$0x2], $0x19000, $0x38;
	[tilespmem:$0x19380] =	vst v63  }
0xc4: {  	s0 =	sshrl.u32 s1, $0x3;
	_ =	swait.ge [sflag:s4], $0x19000  }
0xc5: {  	s30 =	sadd.s32 s30, s0;
	s0 =	ssub.s32 $0x2, s31;
	[sflag:s4] =	ssyncset.done $0x0  }
0xc6: {  	s31 =	sshrl.u32 s0, $0x1;
	[sflag:s4] =	ssyncadd.s32 $0xFFFE7000  }
0xc7: {  	[tilespmem:s3], [sflag:$0x2] =	stream.linear.gather [hbm4b:s30+s3], $0x320, $0x38;
	[tilespmem:$0x19380] =	vst v63  }
0xc8: {  	s0 =	ssub.s32 s0, s31;
	_ =	swait.ge [sflag:s4], $0x320  }
0xc9: {  	s0 =	smax.u32 s0, $0x1;
	[sflag:s4] =	ssyncset.done $0x0  }
0xca: {  	p0 =	sne.s32 s0, $0x1;
	[sflag:s4] =	ssyncadd.s32 $0xFFFFFCE0  }
0xcb: {  	[tilespmem:s6], [sflag:$0x1] =	stream.indirect.gather [hbm4b:s2+s5], $0x80, s3, s5, $0xb8;
	[tilespmem:$0x19380] =	vst v63  }
.Ltmp0:
0xcc: {  	_ =	swait.ge [sflag:s7], $0x19000;
	(pc) =	sbr.rel @!p0 .LBB2_2-.Ltmp0, $4  }
0xcd: {  	s1 =	sshll.u32 s1, $0x4;
	[sflag:s7] =	ssyncset.done $0x0;
	s31 =	rddreg [dreg:$0xb]  }
0xce: {  	s31 =	sadd.s32 s31, s1;
	[sflag:s7] =	ssyncadd.s32 $0xFFFE7000  }
0xcf: {  	[hbm4b:s31+s3] =	stream.linear.scatter [tilespmem:s6], [sflag:$0x2], $0x19000, $0x38;
	[tilespmem:$0x19380] =	vst v63  }
0xd0: {  	s0 =	sadd.s32 $0xFFFFFFFF, s0;
	_ =	swait.ge [sflag:s4], $0x19000  }
.LBB2_1:
0xd1: {  	[sflag:s4] =	ssyncset.done $0x0  }
0xd2: {  	s1 =	rddreg [dreg:$0x2];
	[sflag:s4] =	ssyncadd.s32 $0xFFFE7000  }
0xd3: {  	[tilespmem:s3], [sflag:$0x2] =	stream.linear.gather [hbm4b:s1+s3], $0x320, $0x38;
	[tilespmem:$0x19380] =	vst v63  }
0xd4: {  	_ =	swait.ge [sflag:s4], $0x320  }
0xd5: {  	[sflag:s4] =	ssyncset.done $0x0  }
0xd6: {  	[sflag:s4] =	ssyncadd.s32 $0xFFFFFCE0  }
0xd7: {  	[tilespmem:s6], [sflag:$0x1] =	stream.indirect.gather [hbm4b:s2+s5], $0x80, s3, s5, $0xb8;
	[tilespmem:$0x19380] =	vst v63  }
0xd8: {  	_ =	swait.ge [sflag:s7], $0x19000  }
0xd9: {  	[sflag:s7] =	ssyncset.done $0x0  }
0xda: {  	s1 =	rddreg [dreg:$0x3];
	[sflag:s7] =	ssyncadd.s32 $0xFFFE7000  }
0xdb: {  	[hbm4b:s1+s3] =	stream.linear.scatter [tilespmem:s6], [sflag:$0x2], $0x19000, $0x38;
	[tilespmem:$0x19380] =	vst v63  }
0xdc: {  	_ =	swait.ge [sflag:s4], $0x19000  }
0xdd: {  	[sflag:s4] =	ssyncset.done $0x0  }
0xde: {  	s1 =	rddreg [dreg:$0x4];
	[sflag:s4] =	ssyncadd.s32 $0xFFFE7000  }
0xdf: {  	[tilespmem:s3], [sflag:$0x2] =	stream.linear.gather [hbm4b:s1+s3], $0x320, $0x38;
	[tilespmem:$0x19380] =	vst v63  }
0xe0: {  	_ =	swait.ge [sflag:s4], $0x320  }
0xe1: {  	[sflag:s4] =	ssyncset.done $0x0  }
0xe2: {  	[sflag:s4] =	ssyncadd.s32 $0xFFFFFCE0  }
0xe3: {  	[tilespmem:s6], [sflag:$0x1] =	stream.indirect.gather [hbm4b:s2+s5], $0x80, s3, s5, $0xb8;
	[tilespmem:$0x19380] =	vst v63  }
0xe4: {  	_ =	swait.ge [sflag:s7], $0x19000  }
0xe5: {  	[sflag:s7] =	ssyncset.done $0x0  }
0xe6: {  	s1 =	rddreg [dreg:$0x5];
	[sflag:s7] =	ssyncadd.s32 $0xFFFE7000  }
0xe7: {  	[hbm4b:s1+s3] =	stream.linear.scatter [tilespmem:s6], [sflag:$0x2], $0x19000, $0x38;
	[tilespmem:$0x19380] =	vst v63  }
0xe8: {  	_ =	swait.ge [sflag:s4], $0x19000  }
0xe9: {  	[sflag:s4] =	ssyncset.done $0x0  }
0xea: {  	s1 =	rddreg [dreg:$0x6];
	[sflag:s4] =	ssyncadd.s32 $0xFFFE7000  }
0xeb: {  	[tilespmem:s3], [sflag:$0x2] =	stream.linear.gather [hbm4b:s1+s3], $0x320, $0x38;
	[tilespmem:$0x19380] =	vst v63  }
0xec: {  	_ =	swait.ge [sflag:s4], $0x320  }
0xed: {  	[sflag:s4] =	ssyncset.done $0x0  }
0xee: {  	[sflag:s4] =	ssyncadd.s32 $0xFFFFFCE0  }
0xef: {  	[tilespmem:s6], [sflag:$0x1] =	stream.indirect.gather [hbm4b:s2+s5], $0x80, s3, s5, $0xb8;
	[tilespmem:$0x19380] =	vst v63  }
0xf0: {  	_ =	swait.ge [sflag:s7], $0x19000  }
0xf1: {  	[sflag:s7] =	ssyncset.done $0x0  }
0xf2: {  	s1 =	rddreg [dreg:$0x7];
	[sflag:s7] =	ssyncadd.s32 $0xFFFE7000  }
0xf3: {  	[hbm4b:s1+s3] =	stream.linear.scatter [tilespmem:s6], [sflag:$0x2], $0x19000, $0x38;
	[tilespmem:$0x19380] =	vst v63  }
0xf4: {  	_ =	swait.ge [sflag:s4], $0x19000  }
0xf5: {  	[sflag:s4] =	ssyncset.done $0x0  }
0xf6: {  	s1 =	rddreg [dreg:$0x8];
	[sflag:s4] =	ssyncadd.s32 $0xFFFE7000  }
0xf7: {  	[tilespmem:s3], [sflag:$0x2] =	stream.linear.gather [hbm4b:s1+s3], $0x320, $0x38;
	[tilespmem:$0x19380] =	vst v63  }
0xf8: {  	_ =	swait.ge [sflag:s4], $0x320  }
0xf9: {  	[sflag:s4] =	ssyncset.done $0x0  }
0xfa: {  	[sflag:s4] =	ssyncadd.s32 $0xFFFFFCE0  }
0xfb: {  	[tilespmem:s6], [sflag:$0x1] =	stream.indirect.gather [hbm4b:s2+s5], $0x80, s3, s5, $0xb8;
	[tilespmem:$0x19380] =	vst v63  }
0xfc: {  	_ =	swait.ge [sflag:s7], $0x19000  }
0xfd: {  	[sflag:s7] =	ssyncset.done $0x0  }
0xfe: {  	s1 =	rddreg [dreg:$0x9];
	[sflag:s7] =	ssyncadd.s32 $0xFFFE7000  }
0xff: {  	[hbm4b:s1+s3] =	stream.linear.scatter [tilespmem:s6], [sflag:$0x2], $0x19000, $0x38;
	[tilespmem:$0x19380] =	vst v63  }
0x100: {  	_ =	swait.ge [sflag:s4], $0x19000  }
0x101: {  	[sflag:s4] =	ssyncset.done $0x0  }
0x102: {  	s1 =	rddreg [dreg:$0xa];
	[sflag:s4] =	ssyncadd.s32 $0xFFFE7000  }
0x103: {  	[tilespmem:s3], [sflag:$0x2] =	stream.linear.gather [hbm4b:s1+s3], $0x320, $0x38;
	[tilespmem:$0x19380] =	vst v63  }
0x104: {  	_ =	swait.ge [sflag:s4], $0x320  }
0x105: {  	[sflag:s4] =	ssyncset.done $0x0  }
0x106: {  	[sflag:s4] =	ssyncadd.s32 $0xFFFFFCE0  }
0x107: {  	[tilespmem:s6], [sflag:$0x1] =	stream.indirect.gather [hbm4b:s2+s5], $0x80, s3, s5, $0xb8;
	[tilespmem:$0x19380] =	vst v63  }
0x108: {  	_ =	swait.ge [sflag:s7], $0x19000  }
0x109: {  	[sflag:s7] =	ssyncset.done $0x0  }
0x10a: {  	[sflag:s7] =	ssyncadd.s32 $0xFFFE7000  }
0x10b: {  	[hbm4b:s8+s3] =	stream.linear.scatter [tilespmem:s6], [sflag:$0x2], $0x19000, $0x38;
	[tilespmem:$0x19380] =	vst v63  }
0x10c: {  	_ =	swait.ge [sflag:s4], $0x19000  }
0x10d: {  	[sflag:s4] =	ssyncset.done $0x0  }
0x10e: {  	[sflag:s4] =	ssyncadd.s32 $0xFFFE7000  }
0x10f: {  	[tilespmem:s3], [sflag:$0x2] =	stream.linear.gather [hbm4b:s9+s3], $0x320, $0x38;
	[tilespmem:$0x19380] =	vst v63  }
0x110: {  	_ =	swait.ge [sflag:s4], $0x320  }
0x111: {  	[sflag:s4] =	ssyncset.done $0x0  }
0x112: {  	[sflag:s4] =	ssyncadd.s32 $0xFFFFFCE0  }
0x113: {  	[tilespmem:s6], [sflag:$0x1] =	stream.indirect.gather [hbm4b:s2+s5], $0x80, s3, s5, $0xb8;
	[tilespmem:$0x19380] =	vst v63  }
0x114: {  	_ =	swait.ge [sflag:s7], $0x19000  }
0x115: {  	[sflag:s7] =	ssyncset.done $0x0  }
0x116: {  	[sflag:s7] =	ssyncadd.s32 $0xFFFE7000  }
0x117: {  	[hbm4b:s10+s3] =	stream.linear.scatter [tilespmem:s6], [sflag:$0x2], $0x19000, $0x38;
	[tilespmem:$0x19380] =	vst v63  }
0x118: {  	_ =	swait.ge [sflag:s4], $0x19000  }
0x119: {  	[sflag:s4] =	ssyncset.done $0x0  }
0x11a: {  	[sflag:s4] =	ssyncadd.s32 $0xFFFE7000  }
0x11b: {  	[tilespmem:s3], [sflag:$0x2] =	stream.linear.gather [hbm4b:s11+s3], $0x320, $0x38;
	[tilespmem:$0x19380] =	vst v63  }
0x11c: {  	_ =	swait.ge [sflag:s4], $0x320  }
0x11d: {  	[sflag:s4] =	ssyncset.done $0x0  }
0x11e: {  	[sflag:s4] =	ssyncadd.s32 $0xFFFFFCE0  }
0x11f: {  	[tilespmem:s6], [sflag:$0x1] =	stream.indirect.gather [hbm4b:s2+s5], $0x80, s3, s5, $0xb8;
	[tilespmem:$0x19380] =	vst v63  }
0x120: {  	_ =	swait.ge [sflag:s7], $0x19000  }
0x121: {  	[sflag:s7] =	ssyncset.done $0x0  }
0x122: {  	[sflag:s7] =	ssyncadd.s32 $0xFFFE7000  }
0x123: {  	[hbm4b:s12+s3] =	stream.linear.scatter [tilespmem:s6], [sflag:$0x2], $0x19000, $0x38;
	[tilespmem:$0x19380] =	vst v63  }
0x124: {  	_ =	swait.ge [sflag:s4], $0x19000  }
0x125: {  	[sflag:s4] =	ssyncset.done $0x0  }
0x126: {  	[sflag:s4] =	ssyncadd.s32 $0xFFFE7000  }
0x127: {  	[tilespmem:s3], [sflag:$0x2] =	stream.linear.gather [hbm4b:s13+s3], $0x320, $0x38;
	[tilespmem:$0x19380] =	vst v63  }
0x128: {  	_ =	swait.ge [sflag:s4], $0x320  }
0x129: {  	[sflag:s4] =	ssyncset.done $0x0  }
0x12a: {  	[sflag:s4] =	ssyncadd.s32 $0xFFFFFCE0  }
0x12b: {  	[tilespmem:s6], [sflag:$0x1] =	stream.indirect.gather [hbm4b:s2+s5], $0x80, s3, s5, $0xb8;
	[tilespmem:$0x19380] =	vst v63  }
0x12c: {  	_ =	swait.ge [sflag:s7], $0x19000  }
0x12d: {  	[sflag:s7] =	ssyncset.done $0x0  }
0x12e: {  	[sflag:s7] =	ssyncadd.s32 $0xFFFE7000  }
0x12f: {  	[hbm4b:s14+s3] =	stream.linear.scatter [tilespmem:s6], [sflag:$0x2], $0x19000, $0x38;
	[tilespmem:$0x19380] =	vst v63  }
0x130: {  	_ =	swait.ge [sflag:s4], $0x19000  }
0x131: {  	[sflag:s4] =	ssyncset.done $0x0  }
0x132: {  	[sflag:s4] =	ssyncadd.s32 $0xFFFE7000  }
0x133: {  	[tilespmem:s3], [sflag:$0x2] =	stream.linear.gather [hbm4b:s15+s3], $0x320, $0x38;
	[tilespmem:$0x19380] =	vst v63  }
0x134: {  	_ =	swait.ge [sflag:s4], $0x320  }
0x135: {  	[sflag:s4] =	ssyncset.done $0x0  }
0x136: {  	[sflag:s4] =	ssyncadd.s32 $0xFFFFFCE0  }
0x137: {  	[tilespmem:s6], [sflag:$0x1] =	stream.indirect.gather [hbm4b:s2+s5], $0x80, s3, s5, $0xb8;
	[tilespmem:$0x19380] =	vst v63  }
0x138: {  	_ =	swait.ge [sflag:s7], $0x19000  }
0x139: {  	[sflag:s7] =	ssyncset.done $0x0  }
0x13a: {  	[sflag:s7] =	ssyncadd.s32 $0xFFFE7000  }
0x13b: {  	[hbm4b:s16+s3] =	stream.linear.scatter [tilespmem:s6], [sflag:$0x2], $0x19000, $0x38;
	[tilespmem:$0x19380] =	vst v63  }
0x13c: {  	_ =	swait.ge [sflag:s4], $0x19000  }
0x13d: {  	[sflag:s4] =	ssyncset.done $0x0  }
0x13e: {  	[sflag:s4] =	ssyncadd.s32 $0xFFFE7000  }
0x13f: {  	[tilespmem:s3], [sflag:$0x2] =	stream.linear.gather [hbm4b:s17+s3], $0x320, $0x38;
	[tilespmem:$0x19380] =	vst v63  }
0x140: {  	_ =	swait.ge [sflag:s4], $0x320  }
0x141: {  	[sflag:s4] =	ssyncset.done $0x0  }
0x142: {  	[sflag:s4] =	ssyncadd.s32 $0xFFFFFCE0  }
0x143: {  	[tilespmem:s6], [sflag:$0x1] =	stream.indirect.gather [hbm4b:s2+s5], $0x80, s3, s5, $0xb8;
	[tilespmem:$0x19380] =	vst v63  }
0x144: {  	_ =	swait.ge [sflag:s7], $0x19000  }
0x145: {  	[sflag:s7] =	ssyncset.done $0x0  }
0x146: {  	[sflag:s7] =	ssyncadd.s32 $0xFFFE7000  }
0x147: {  	[hbm4b:s18+s3] =	stream.linear.scatter [tilespmem:s6], [sflag:$0x2], $0x19000, $0x38;
	[tilespmem:$0x19380] =	vst v63  }
0x148: {  	_ =	swait.ge [sflag:s4], $0x19000  }
0x149: {  	[sflag:s4] =	ssyncset.done $0x0  }
0x14a: {  	[sflag:s4] =	ssyncadd.s32 $0xFFFE7000  }
0x14b: {  	[tilespmem:s3], [sflag:$0x2] =	stream.linear.gather [hbm4b:s19+s3], $0x320, $0x38;
	[tilespmem:$0x19380] =	vst v63  }
0x14c: {  	_ =	swait.ge [sflag:s4], $0x320  }
0x14d: {  	[sflag:s4] =	ssyncset.done $0x0  }
0x14e: {  	[sflag:s4] =	ssyncadd.s32 $0xFFFFFCE0  }
0x14f: {  	[tilespmem:s6], [sflag:$0x1] =	stream.indirect.gather [hbm4b:s2+s5], $0x80, s3, s5, $0xb8;
	[tilespmem:$0x19380] =	vst v63  }
0x150: {  	_ =	swait.ge [sflag:s7], $0x19000  }
0x151: {  	[sflag:s7] =	ssyncset.done $0x0  }
0x152: {  	[sflag:s7] =	ssyncadd.s32 $0xFFFE7000  }
0x153: {  	[hbm4b:s20+s3] =	stream.linear.scatter [tilespmem:s6], [sflag:$0x2], $0x19000, $0x38;
	[tilespmem:$0x19380] =	vst v63  }
0x154: {  	_ =	swait.ge [sflag:s4], $0x19000  }
0x155: {  	[sflag:s4] =	ssyncset.done $0x0  }
0x156: {  	[sflag:s4] =	ssyncadd.s32 $0xFFFE7000  }
0x157: {  	[tilespmem:s3], [sflag:$0x2] =	stream.linear.gather [hbm4b:s21+s3], $0x320, $0x38;
	[tilespmem:$0x19380] =	vst v63  }
0x158: {  	_ =	swait.ge [sflag:s4], $0x320  }
0x159: {  	[sflag:s4] =	ssyncset.done $0x0  }
0x15a: {  	[sflag:s4] =	ssyncadd.s32 $0xFFFFFCE0  }
0x15b: {  	[tilespmem:s6], [sflag:$0x1] =	stream.indirect.gather [hbm4b:s2+s5], $0x80, s3, s5, $0xb8;
	[tilespmem:$0x19380] =	vst v63  }
0x15c: {  	_ =	swait.ge [sflag:s7], $0x19000  }
0x15d: {  	[sflag:s7] =	ssyncset.done $0x0  }
0x15e: {  	[sflag:s7] =	ssyncadd.s32 $0xFFFE7000  }
0x15f: {  	[hbm4b:s22+s3] =	stream.linear.scatter [tilespmem:s6], [sflag:$0x2], $0x19000, $0x38;
	[tilespmem:$0x19380] =	vst v63  }
0x160: {  	_ =	swait.ge [sflag:s4], $0x19000  }
0x161: {  	[sflag:s4] =	ssyncset.done $0x0  }
0x162: {  	[sflag:s4] =	ssyncadd.s32 $0xFFFE7000  }
0x163: {  	[tilespmem:s3], [sflag:$0x2] =	stream.linear.gather [hbm4b:s23+s3], $0x320, $0x38;
	[tilespmem:$0x19380] =	vst v63  }
0x164: {  	_ =	swait.ge [sflag:s4], $0x320  }
0x165: {  	[sflag:s4] =	ssyncset.done $0x0  }
0x166: {  	[sflag:s4] =	ssyncadd.s32 $0xFFFFFCE0  }
0x167: {  	[tilespmem:s6], [sflag:$0x1] =	stream.indirect.gather [hbm4b:s2+s5], $0x80, s3, s5, $0xb8;
	[tilespmem:$0x19380] =	vst v63  }
0x168: {  	_ =	swait.ge [sflag:s7], $0x19000  }
0x169: {  	[sflag:s7] =	ssyncset.done $0x0  }
0x16a: {  	[sflag:s7] =	ssyncadd.s32 $0xFFFE7000  }
0x16b: {  	[hbm4b:s24+s3] =	stream.linear.scatter [tilespmem:s6], [sflag:$0x2], $0x19000, $0x38;
	[tilespmem:$0x19380] =	vst v63  }
0x16c: {  	_ =	swait.ge [sflag:s4], $0x19000  }
0x16d: {  	[sflag:s4] =	ssyncset.done $0x0  }
0x16e: {  	[sflag:s4] =	ssyncadd.s32 $0xFFFE7000  }
0x16f: {  	[tilespmem:s3], [sflag:$0x2] =	stream.linear.gather [hbm4b:s25+s3], $0x320, $0x38;
	[tilespmem:$0x19380] =	vst v63  }
0x170: {  	_ =	swait.ge [sflag:s4], $0x320  }
0x171: {  	[sflag:s4] =	ssyncset.done $0x0  }
0x172: {  	[sflag:s4] =	ssyncadd.s32 $0xFFFFFCE0  }
0x173: {  	[tilespmem:s6], [sflag:$0x1] =	stream.indirect.gather [hbm4b:s2+s5], $0x80, s3, s5, $0xb8;
	[tilespmem:$0x19380] =	vst v63  }
0x174: {  	_ =	swait.ge [sflag:s7], $0x19000  }
0x175: {  	[sflag:s7] =	ssyncset.done $0x0  }
0x176: {  	[sflag:s7] =	ssyncadd.s32 $0xFFFE7000  }
0x177: {  	[hbm4b:s26+s3] =	stream.linear.scatter [tilespmem:s6], [sflag:$0x2], $0x19000, $0x38;
	[tilespmem:$0x19380] =	vst v63  }
0x178: {  	_ =	swait.ge [sflag:s4], $0x19000  }
0x179: {  	[sflag:s4] =	ssyncset.done $0x0  }
0x17a: {  	[sflag:s4] =	ssyncadd.s32 $0xFFFE7000  }
0x17b: {  	[tilespmem:s3], [sflag:$0x2] =	stream.linear.gather [hbm4b:s28+s3], $0x320, $0x38;
	[tilespmem:$0x19380] =	vst v63  }
0x17c: {  	_ =	swait.ge [sflag:s4], $0x320  }
0x17d: {  	[sflag:s4] =	ssyncset.done $0x0  }
0x17e: {  	[sflag:s4] =	ssyncadd.s32 $0xFFFFFCE0  }
0x17f: {  	[tilespmem:s6], [sflag:$0x1] =	stream.indirect.gather [hbm4b:s2+s5], $0x80, s3, s5, $0xb8;
	[tilespmem:$0x19380] =	vst v63  }
0x180: {  	_ =	swait.ge [sflag:s7], $0x19000  }
0x181: {  	[sflag:s7] =	ssyncset.done $0x0  }
0x182: {  	[sflag:s7] =	ssyncadd.s32 $0xFFFE7000  }
0x183: {  	[hbm4b:s29+s3] =	stream.linear.scatter [tilespmem:s6], [sflag:$0x2], $0x19000, $0x38;
	[tilespmem:$0x19380] =	vst v63  }
0x184: {  	_ =	swait.ge [sflag:s4], $0x19000  }
0x185: {  	[sflag:s4] =	ssyncset.done $0x0  }
0x186: {  	[sflag:s4] =	ssyncadd.s32 $0xFFFE7000  }
0x187: {  	[tilespmem:s3], [sflag:$0x2] =	stream.linear.gather [hbm4b:s30+s3], $0x320, $0x38;
	[tilespmem:$0x19380] =	vst v63  }
0x188: {  	_ =	swait.ge [sflag:s4], $0x320  }
0x189: {  	[sflag:s4] =	ssyncset.done $0x0  }
0x18a: {  	p0 =	sne.s32 s0, $0x1;
	[sflag:s4] =	ssyncadd.s32 $0xFFFFFCE0  }
0x18b: {  	[tilespmem:s6], [sflag:$0x1] =	stream.indirect.gather [hbm4b:s2+s5], $0x80, s3, s5, $0xb8;
	[tilespmem:$0x19380] =	vst v63  }
.Ltmp1:
0x18c: {  	_ =	swait.ge [sflag:s7], $0x19000;
	(pc) =	sbr.rel @p0 .LBB2_1-.Ltmp1, $4  }
0x18d: {  	[sflag:s7] =	ssyncset.done $0x0  }
0x18e: {  	[sflag:s7] =	ssyncadd.s32 $0xFFFE7000  }
0x18f: {  	[hbm4b:s31+s3] =	stream.linear.scatter [tilespmem:s6], [sflag:$0x2], $0x19000, $0x38;
	[tilespmem:$0x19380] =	vst v63  }
0x190: {  	s0 =	sadd.s32 $0xFFFFFFFF, s0;
	_ =	swait.ge [sflag:s4], $0x19000  }
.LBB2_2:
0x191: {  	[sflag:s4] =	ssyncset.done $0x0  }
0x192: {  	[sflag:s4] =	ssyncadd.s32 $0xFFFE7000  }
0x193: {  	_ =	sfence.sel $0x180000  }
0x194: {  	[bflag:$0x0] =	sbarrier.arrive $0xFFFF  }
0x195: {  	_ =	strace $0x90000056  }
0x196: {  	s0 =	stileid.u32;
	[bflag:$0x2] =	sbarrier.arrive $0xFFFF  }
0x197: {  	p0 =	sne.s32 s0, $0x0;
	s0 =	rddreg [dreg:$0x1]  }
0x198: {  	s0 =	sadd.s32 @!p0 $0x100000, s0  }
0x199: {  	[sflag:s0] =	ssyncadd.tile.s32 @!p0 $0x1;
	_ =	shalt  }
.Lfunc_end2:
_tile_overlayer_lowered:
.L_overlay_start_2:
0x19a: {  	(tag) =	ssettag $0x2  }
0x19b: {  	s0 =	rddreg [dreg:$0x0];
	s2 =	stileid.u32  }
0x19c: {  	s1 =	rddreg [dreg:$0x1];
	p0 =	sne.s32 s2, $0x0  }
0x19d: {  	s3 =	rddreg [dreg:$0x2];
	[bflag:$0x3] =	sbarrier.arrive $0xFFFF;
	s2 =	simm.s32 @!p0 $0x1C02  }
0x19e: {  	[timem:s3], [sflag:s2] =	dma.local @!p0 [hbm:s0], s1  }
0x19f: {  	s0 =	simm.s32 @!p0 $0x2  }
0x1a0: {  	_ =	swait.ge @!p0 [sflag:s0], s1  }
0x1a1: {  	s1 =	ssub.s32 @!p0 $0x0, s1;
	[sflag:s0] =	ssyncset.done @!p0 $0x0  }
0x1a2: {  	[sflag:s0] =	ssyncadd.s32 @!p0 s1  }
0x1a3: {  	[bflag:$0x3] =	sbarrier.arrive $0xFFFF  }
0x1a4: {  	_ =	shalt  }

// kernel: scatter_offload_async_start.1
scs
__scs_entry_jumppad:
0x0: {  	(pc) =	sbr.rel $0x88, $3  }
0x1: {  	(tag) =	ssettag $0x0;
	lr =	simm.s32 $0x1  }
0x2: {  	[smem:$0x3F86] =	sst lr;
	_ =	strace $0xD0000000  }
0x3: {  	_ = 	snop  }
0x4: {  	_ = 	snop  }
0x5: {  	_ = 	snop  }
0x6: {  	_ = 	snop  }
0x7: {  	_ = 	snop  }
__scs_overlays_trampoline_lowered:
0x8: {  	[smem:$0x3F95] =	sst s0  }
0x9: {  	[smem:$0x3F96] =	sst s1  }
0xa: {  	[smem:$0x3F97] =	sst s2  }
0xb: {  	[smem:$0x3F98] =	sst s3  }
0xc: {  	[smem:$0x3F99] =	sst s4  }
0xd: {  	[smem:$0x3F9A] =	sst s5  }
0xe: {  	[smem:$0x3F9B] =	sst s6  }
0xf: {  	[smem:$0x3F9C] =	sst s7  }
0x10: {  	[smem:$0x3F9D] =	sst s8  }
0x11: {  	[smem:$0x3F9E] =	sst s9;
	s0 =	simm.s32 @!p0 $0x0  }
0x12: {  	s1 =	sld [smem:$0x3F84];
	s0 =	simm.s32 @p0 $0x1  }
0x13: {  	[smem:$0x3F9F] =	sst s0;
	s0 =	simm.s32 @!p1 $0x0  }
0x14: {  	s2 =	sld [smem:$0x3F83];
	s0 =	simm.s32 @p1 $0x1  }
0x15: {  	[smem:$0x3FA0] =	sst s0;
	s0 =	simm.s32 @!p2 $0x0  }
0x16: {  	s3 =	sld [smem:$0x3FDB];
	s0 =	simm.s32 @p2 $0x1  }
0x17: {  	s4 =	simm.s32 $0x1BF5;
	[smem:$0x3FA2] =	sst s0  }
0x18: {  	s0 =	sld [smem:$0x3F85];
	_ =	swait.ge [sflag:s4], $0x0  }
0x19: {  	s7 =	sld [smem:$0x3F86]  }
0x1a: {  	s8 =	sadd.s32 $0xFFFFE003, lr  }
0x1b: {  	s9 =	sadd.s32 $0xFFFFFEF7, lr;
	s5 =	simm.s32 $0xFFFFFFFF;
	p2 =	slt.u32 s8, $0xFFFFF086  }
0x1c: {  	p1 =	slt.u32 s9, $0xF7A;
	s5 =	simm.s32 @!p2 $0x0  }
0x1d: {  	s5 =	simm.s32 @p1 $0x1;
	p0 =	seq.s32 s7, s2  }
0x1e: {  	s7 =	smul.u32 @!p0 $0xF7A, s2;
	p2 =	seq.s32 @!p0 s5, $0x0  }
0x1f: {  	s9 =	smul.u32 $0xF7A, s1;
	s8 =	simm.s32 @!p0 $0x1BF5;
	p2 =	por !p2, p0  }
0x20: {  	[sflag:s8] =	ssyncset.s32 @!p0 $0xFFFFF086;
	s6 =	sadd.s32 @!p0 s3, s7;
	s7 =	simm.s32 @!p0 $0x108  }
0x21: {  	s3 =	sadd.s32 s3, s9;
	s6 =	sadd.s32 @!p0 $0x88, s6;
	s7 =	simm.s32 @p2 $0x1082  }
0x22: {  	[simem:s7], [sflag:s8] =	dma.local @!p0 [hbm:s6], $0xF7A  }
0x23: {  	s9 =	sor.u32 $0xD0000000, s2;
	s6 =	simm.s32 $0x108;
	_ =	swait.ge @!p0 [sflag:s8], $0x0  }
0x24: {  	s3 =	sadd.s32 $0x88, s3;
	s6 =	simm.s32 @!p1 $0x1082;
	[sflag:s4] =	ssyncset.s32 $0xFFFFF086  }
0x25: {  	[simem:s6], [sflag:s4] =	dma.local [hbm:s3], $0xF7A  }
0x26: {  	[smem:$0x3F86] =	sst s1;
	(tag) =	ssettag s2;
	_ =	strace s9  }
0x27: {  	s1 =	sld [smem:$0x3F96]  }
0x28: {  	s2 =	sld [smem:$0x3F97]  }
0x29: {  	s4 =	sld [smem:$0x3F99]  }
0x2a: {  	p0 =	seq.s32 s5, $0x0;
	s5 =	sld [smem:$0x3F9A]  }
0x2b: {  	s6 =	sld [smem:$0x3F9B]  }
0x2c: {  	s7 =	sld [smem:$0x3F9C]  }
0x2d: {  	s3 =	simm.s32 $0x108;
	s8 =	sld [smem:$0x3F9D]  }
0x2e: {  	s3 =	simm.s32 @!p0 $0x1082;
	s9 =	sld [smem:$0x3F9E]  }
0x2f: {  	lr =	sadd.s32 s0, s3;
	s0 =	sld [smem:$0x3F95]  }
0x30: {  	s3 =	sld [smem:$0x3F98]  }
0x31: {  	[smem:$0x3FA1] =	sst s10  }
0x32: {  	s10 =	sld [smem:$0x3F9F];
	_ =	sdelay $0x3  }
0x33: {  	p0 =	seq.s32 s10, $0x1;
	s10 =	sld [smem:$0x3FA1];
	_ =	sdelay $0x3  }
0x34: {  	[smem:$0x3FA1] =	sst s10  }
0x35: {  	s10 =	sld [smem:$0x3FA0];
	_ =	sdelay $0x3  }
0x36: {  	p1 =	seq.s32 s10, $0x1;
	s10 =	sld [smem:$0x3FA1];
	_ =	sdelay $0x3  }
0x37: {  	[smem:$0x3FA1] =	sst s10  }
0x38: {  	s10 =	sld [smem:$0x3FA2]  }
0x39: {  	_ = 	snop;
	(pc) =	sbr.ind lr, $3  }
0x3a: {  	_ = 	snop  }
0x3b: {  	_ = 	snop  }
0x3c: {  	p2 =	seq.s32 s10, $0x1;
	s10 =	sld [smem:$0x3FA1]  }
0x3d: {  	_ =	shalt  }
0x3e: {  	_ =	shalt  }
0x3f: {  	_ =	shalt  }
0x40: {  	_ =	shalt  }
0x41: {  	_ =	shalt  }
0x42: {  	_ =	shalt  }
0x43: {  	_ =	shalt  }
0x44: {  	_ =	shalt  }
0x45: {  	_ =	shalt  }
0x46: {  	_ =	shalt  }
0x47: {  	_ =	shalt  }
0x48: {  	_ =	shalt  }
0x49: {  	_ =	shalt  }
0x4a: {  	_ =	shalt  }
0x4b: {  	_ =	shalt  }
0x4c: {  	_ =	shalt  }
0x4d: {  	_ =	shalt  }
0x4e: {  	_ =	shalt  }
0x4f: {  	_ =	shalt  }
0x50: {  	_ =	shalt  }
0x51: {  	_ =	shalt  }
0x52: {  	_ =	shalt  }
0x53: {  	_ =	shalt  }
0x54: {  	_ =	shalt  }
0x55: {  	_ =	shalt  }
0x56: {  	_ =	shalt  }
0x57: {  	_ =	shalt  }
0x58: {  	_ =	shalt  }
0x59: {  	_ =	shalt  }
0x5a: {  	_ =	shalt  }
0x5b: {  	_ =	shalt  }
0x5c: {  	_ =	shalt  }
0x5d: {  	_ =	shalt  }
0x5e: {  	_ =	shalt  }
0x5f: {  	_ =	shalt  }
0x60: {  	_ =	shalt  }
0x61: {  	_ =	shalt  }
0x62: {  	_ =	shalt  }
0x63: {  	_ =	shalt  }
0x64: {  	_ =	shalt  }
0x65: {  	_ =	shalt  }
0x66: {  	_ =	shalt  }
0x67: {  	_ =	shalt  }
0x68: {  	_ =	shalt  }
0x69: {  	_ =	shalt  }
0x6a: {  	_ =	shalt  }
0x6b: {  	_ =	shalt  }
0x6c: {  	_ =	shalt  }
0x6d: {  	_ =	shalt  }
0x6e: {  	_ =	shalt  }
0x6f: {  	_ =	shalt  }
0x70: {  	_ =	shalt  }
0x71: {  	_ =	shalt  }
0x72: {  	_ =	shalt  }
0x73: {  	_ =	shalt  }
0x74: {  	_ =	shalt  }
0x75: {  	_ =	shalt  }
0x76: {  	_ =	shalt  }
0x77: {  	_ =	shalt  }
0x78: {  	_ =	shalt  }
0x79: {  	_ =	shalt  }
0x7a: {  	_ =	shalt  }
0x7b: {  	_ =	shalt  }
0x7c: {  	_ =	shalt  }
0x7d: {  	_ =	shalt  }
0x7e: {  	_ =	shalt  }
0x7f: {  	_ =	shalt  }
0x80: {  	_ =	shalt  }
0x81: {  	_ =	shalt  }
0x82: {  	_ =	shalt  }
0x83: {  	_ =	shalt  }
0x84: {  	_ =	shalt  }
0x85: {  	_ =	shalt  }
0x86: {  	_ =	shalt  }
0x87: {  	_ =	shalt  }
.Lfunc_end0:
.L_simem_size_0:
called_computation.1_lowered:
.L_overlay_start_0:
0x88: {  	s0 =	sld [smem:$0x3FD9]  }
0x89: {  	s1 =	sld [smem:$0x3FFE];
	_ =	sdelay $0x3  }
0x8a: {  	s0 =	sadd.s32 s1, s0  }
0x8b: {  	[smem:$0x3FAD] =	sst s0  }
0x8c: {  	_ = 	snop  }
0x8d: {  	(tm) =	ssettm $0x1  }
0x8e: {  	s15 =	sld [smem:$0x3FFB];
	_ =	sdelay $0x3  }
0x8f: {  	_ =	strace s15  }
0x90: {  	s0 =	sld [smem:$0x3FFC];
	_ =	sdelay $0x3  }
0x91: {  	_ =	strace s0  }
0x92: {  	s0 =	sld [smem:$0x3FFD];
	_ =	sdelay $0x3  }
0x93: {  	_ =	strace s0  }
0x94: {  	_ =	strace $0x8FFFFFFF  }
0x95: {  	s16 =	sld [smem:$0x3FDB];
	_ =	sdelay $0x1  }
0x96: {  	s17 =	simm.s32 $_scs_section_size  }
0x97: {  	s2 =	simm.s32 $_size__tile_overlayer_lowered;
	s3 =	simm.s32 $_tile_overlayer_lowered  }
0x98: {  	s20 =	simm.s32 $0x1BFF;
	s19 =	sshll.u32 s3, $0x1;
	s0 =	sadd.s32 s17, s16  }
0x99: {  	s4 =	simm.s32 $0x0;
	s18 =	sshll.u32 s2, $0x1;
	s2 =	sadd.s32 s19, s0  }
0x9a: {  	[timem:s4], [sflag:s20] =	dma.local [hbm:s2], s18  }
0x9b: {  	_ =	swait.ge [sflag:s20], s18  }
0x9c: {  	s1 =	ssub.s32 $0x0, s18;
	[sflag:s20] =	ssyncset.done $0x0  }
0x9d: {  	[sflag:s20] =	ssyncadd.s32 s1;
	_ =	sdelay $0x1  }
0x9e: {  	s21 =	simm.s32 $0x1B8B  }
0x9f: {  	_ =	swait.ge [sflag:s21], $0x1  }
0xa0: {  	[sflag:s21] =	ssyncset.done $0x0  }
0xa1: {  	s23 =	simm.s32 $0x1B8E;
	s22 =	sld [smem:$0x3FFE];
	[sflag:s21] =	ssyncadd.s32 $0xFFFFFFFF  }
0xa2: {  	s24 =	simm.s32 $execute0_lowered;
	[smem:$0x3FD2] =	sst s23  }
0xa3: {  	s2 =	sshll.u32 s24, $0x1;
	_ =	strace $0x80000049;
	[dreg:$0x1] =	wrdreg $0xFFFFFFFF  }
0xa4: {  	s25 =	simm.s32 $_size_execute0_lowered;
	s0 =	sadd.s32 s0, s2;
	[dreg:$0x0] =	wrdreg $0x0  }
0xa5: {  	s2 =	sshll.u32 s25, $0x1;
	[dreg:$0x2] =	wrdreg s0  }
0xa6: {  	[dreg:$0x3] =	wrdreg s2  }
0xa7: {  	[dreg:$0x4] =	wrdreg $0xC0  }
0xa8: {  	_ =	task [dreg:s4], $0x5FFFF  }
0xa9: {  	[dreg:$0x1] =	wrdreg $0xFFFFFFFF  }
0xaa: {  	[dreg:$0x0] =	wrdreg $0x60  }
0xab: {  	[dreg:$0x2] =	wrdreg s22  }
0xac: {  	[dreg:$0x3] =	wrdreg $0x9  }
0xad: {  	_ =	task.clear_ibuf [dreg:s4], $0x4FFFF;
	_ =	strace $0x90000049  }
0xae: {  	s26 =	simm.s32 $0x9;
	_ =	strace $0x8000004B  }
0xaf: {  	_ =	swait.ge [sflag:s26], $0x1  }
0xb0: {  	[sflag:s26] =	ssyncadd.s32 $0xFFFFFFFF  }
0xb1: {  	_ =	strace $0x9000004B  }
0xb2: {  	_ =	sfence  }
0xb3: {  	s28 =	sld [smem:$0x0];
	_ =	sdelay $0x1  }
0xb4: {  	s29 =	srdreg.scid  }
0xb5: {  	s30 =	sshll.u32 s29, $0xD;
	s31 =	sshrl.u32 s29, $0x2  }
0xb6: {  	s1 =	sand.u32 $0x1, s29;
	s2 =	sand.u32 $0x4000, s30;
	s0 =	sadd.s32 s31, s28  }
0xb7: {  	s1 =	sor.u32 s2, s1;
	s0 =	sshll.u32 s0, $0x11  }
0xb8: {  	s0 =	sor.u32 s0, s1  }
0xb9: {  	s0 =	sadd.s32 $0x8F2B, s0  }
0xba: {  	[sflag:s0] =	ssyncadd.remote.s32 $0x1  }
0xbb: {  	_ =	sfence.sel $0xFFFF  }
0xbc: {  	[dreg:$0x0] =	wrdreg $0xFFFFFFFF;
	(pc) =	sbr.abs _section_cstart, $3  }
0xbd: {  	[dreg:$0x1] =	wrdreg $0xFFFFFFFF  }
0xbe: {  	_ =	task.clear_ibuf [dreg:s4], $0x2FFFF;
	_ =	strace $0x9FFFFFFF  }
0xbf: {  	(tm) =	ssettm $0x7FFFFFFF  }
tec
execute0_lowered:
.L_overlay_start_1:
0x0: {  	(tag) =	ssettag $0x1  }
0x1: {  	s0 =	rddreg [dreg:$0x0];
	_ =	strace $0x8000004A;
	s1 =	simm.s32 $0x1  }
0x2: {  	s8 =	simm.s32 $0x108;
	v0 =	vimm.s32 $0x0;
	[sflag:s1] =	ssyncpa.u1 $0x0  }
0x3: {  	[tilespmem:s8+$0x70] =	vst v0  }
0x4: {  	[tilespmem:s8+$0x60] =	vst v0  }
0x5: {  	[tilespmem:s8+$0x50] =	vst v0  }
0x6: {  	[tilespmem:s8+$0x40] =	vst v0  }
0x7: {  	[tilespmem:s8+$0x30] =	vst v0  }
0x8: {  	s1 =	sadd.s32 $0x576A00, s0;
	s3 =	sadd.s32 $0x562600, s0;
	[tilespmem:s8+$0x20] =	vst v0  }
0x9: {  	s2 =	simm.s32 $0x40;
	s4 =	sadd.s32 $0x59400, s0;
	s5 =	sadd.s32 $0x56C800, s0;
	[tilespmem:s8+$0x10] =	vst v0  }
.LBB2_1:
0xa: {  	s2 =	sadd.s32 $0x40, s2;
	[tilespmem:s8+$0x0] =	vst v0;
	s8 =	sadd.s32 $0x80, s8  }
0xb: {  	p0 =	slt.u32 s2, $0x3C40;
	[tilespmem:s8+$0x70] =	vst v0  }
0xc: {  	[tilespmem:s8+$0x60] =	vst v0  }
.Ltmp0:
0xd: {  	[tilespmem:s8+$0x50] =	vst v0;
	(pc) =	sbr.rel @p0 .LBB2_1-.Ltmp0, $4  }
0xe: {  	[tilespmem:s8+$0x40] =	vst v0  }
0xf: {  	[tilespmem:s8+$0x30] =	vst v0  }
0x10: {  	[tilespmem:s8+$0x20] =	vst v0  }
0x11: {  	[tilespmem:s8+$0x10] =	vst v0  }
0x12: {  	s13 =	stileid.u32  }
0x13: {  	s0 =	simm.s32 $0x4FB0;
	s6 =	smul.u32 $0x50A0, s13;
	p0 =	seq.s32 s13, $0xF  }
0x14: {  	s0 =	simm.s32 @!p0 $0x50A0  }
0x15: {  	s0 =	sadd.s32 s6, s0  }
0x16: {  	s7 =	smin.u32 s0, $0x50910  }
0x17: {  	s0 =	ssub.s32 s7, s6  }
0x18: {  	p0 =	sgt.s32 s0, $0x0  }
0x19: {  	s0 =	simm.s32 @!p0 $0x0  }
0x1a: {  	s2 =	simm.s32 $0x2;
	s9 =	simm.s32 $0x7;
	s31 =	smulhi.u32 $0x1111112, s0  }
0x1b: {  	s10 =	simm.s32 $0x8;
	s19 =	simm.s32 $0x0;
	s15 =	simm.s32 $0xA  }
0x1c: {  	s17 =	simm.s32 $0x0;
	s18 =	simm.s32 $0x0;
	s11 =	smul.u32 $0xF0, s31  }
.Ltmp1:
0x1d: {  	[tilespmem:s8+$0x0] =	vst v0;
	v0 =	vimm.s32 $0xFFFFFFFF;
	[sflag:s2] =	ssyncpa.u1 $0x0;
	s13 =	sshll.u32 s13, $0x8;
	(pc) =	sbr.rel .LBB2_3-.Ltmp1, $4  }
0x1e: {  	[tilespmem:$0xF208] =	vst v0;
	[sflag:s9] =	ssyncpa.u1 $0x0;
	p0 =	sne.s32 s0, s11;
	s0 =	simm.s32 $0x1  }
0x1f: {  	[sflag:s10] =	ssyncpa.u1 $0x0;
	s10 =	simm.s32 $0x9;
	s0 =	simm.s32 @!p0 $0x0  }
0x20: {  	s16 =	smov.u32 s6;
	[sflag:s10] =	ssyncpa.u1 $0x0;
	s12 =	sadd.s32 s0, s31  }
0x21: {  	v0 =	vlaneseq.u32;
	s11 =	simm.s32 $0x1;
	p0 =	por $0x0, $0x0;
	s14 =	sadd.s32 $0x1, s12  }
.LBB2_18:
0x22: {  	s0 =	sshrl.u32 s28, $0x2  }
.LBB2_20:
0x23: {  	_ =	swait.ge [sflag:s15], s0  }
0x24: {  	s31 =	ssub.s32 $0x0, s0;
	v1 =	vmov s21;
	vm0 =	veq.s32 v0, $0x0;
	[sflag:s15] =	ssyncset.done $0x0  }
0x25: {  	vm15 =	veq.s32 v0, $0x2;
	v1 =	vsel vm0, s26, v1;
	[sflag:s15] =	ssyncadd.s32 s31  }
0x26: {  	v1 =	vsel vm15, s19, v1;
	[sflag:s15] =	ssyncpa.u1 $0x1  }
0x27: {  	[tilespmem:$0xF208] =	vst v1  }
.LBB2_21:
0x28: {  	s0 =	sadd.s32 $0xF0, s16  }
0x29: {  	s2 =	smov.u32 s6;
	p1 =	slt.s32 s0, s7  }
0x2a: {  	s2 =	smov.u32 @p1 s0;
	p1 =	sne.s32 s18, s14  }
.Ltmp2:
0x2b: {  	_ = 	snop;
	(pc) =	sbr.rel @!p1 .LBB2_22-.Ltmp2, $3  }
0x2c: {  	_ =	sdelay $0x1  }
0x2d: {  	s19 =	smov.u32 s17;
	s31 =	sadd.s32 $0x1, s18;
	s17 =	smov.u32 s16  }
0x2e: {  	p0 =	por !p0, !p0;
	s18 =	smov.u32 s31;
	s16 =	smov.u32 s2  }
.LBB2_3:
0x2f: {  	p1 =	sge.u32 s18, s12  }
0x30: {  	s0 =	smulhi.u32 @!p1 $0xAAAAAAAB, s18  }
0x31: {  	s2 =	smov.u32 s16;
	p2 =	sgt.s32 @!p1 s16, $0x50820  }
0x32: {  	s20 =	sshra.s32 @!p1 s16, $0x1F;
	p2 =	por !p2, p1;
	s0 =	sshrl.u32 @!p1 s0, $0x1  }
0x33: {  	s20 =	sand.u32 @!p1 s20, s16;
	s2 =	simm.s32 @p2 $0x50820;
	s0 =	smul.u32 @!p1 $0x3, s0  }
0x34: {  	s2 =	ssub.s32 @!p1 s2, s20  }
0x35: {  	s2 =	sadd.s32 @!p1 $0xFFFAF7E0, s2;
	s0 =	ssub.s32 @!p1 s18, s0  }
0x36: {  	s20 =	sshll.u32 @!p1 s2, $0x2;
	p2 =	sgt.s32 @!p1 s2, $0xEF;
	s0 =	smul.u32 @!p1 $0x3C0, s0  }
0x37: {  	s21 =	sand.u32 @!p1 $0x7, s16;
	s2 =	ssub.s32 @!p1 $0x3C0, s20;
	p2 =	por !p2, p1  }
0x38: {  	s20 =	sshrl.u32 @!p1 s16, $0x3;
	s2 =	sshrl.u32 @!p1 s2, $0x2;
	s0 =	sshrl.u32 @!p1 s0, $0x2  }
0x39: {  	s20 =	sadd.s32 @!p1 s5, s20;
	s2 =	simm.s32 @!p2 $0x0;
	s0 =	sadd.s32 @!p1 $0x10238, s0  }
0x3a: {  	[tilespmem:s0], [sflag:$0x8] =	stream.linear.gather @!p1 [hbm4b:s20+s21], s2, $0x38;
	[tilespmem:$0x1F6E8] =	vst v63  }
0x3b: {  	s0 =	sadd.s32 $0xFFFFFFFF, s18  }
0x3c: {  	p1 =	sge.u32 s0, s12  }
0x3d: {  	p2 =	sgt.s32 @!p1 s17, $0x50820  }
0x3e: {  	s2 =	smov.u32 s17;
	s20 =	sshra.s32 @!p1 s17, $0x1F;
	p2 =	por !p2, p1  }
0x3f: {  	s20 =	sand.u32 @!p1 s20, s17;
	s2 =	simm.s32 @p2 $0x50820  }
0x40: {  	s2 =	ssub.s32 @!p1 s2, s20  }
0x41: {  	s2 =	sadd.s32 @!p1 $0xFFFAF7E0, s2  }
0x42: {  	s21 =	smulhi.u32 @!p1 $0xAAAAAAAB, s0;
	s22 =	sand.u32 @!p1 $0x1, s0;
	s20 =	sshll.u32 @!p1 s2, $0x2  }
0x43: {  	s24 =	smul.u32 @!p1 $0x3C0, s22;
	p2 =	sgt.s32 @!p1 s2, $0xEF;
	s2 =	ssub.s32 @!p1 $0x3C0, s20  }
0x44: {  	p2 =	por !p2, p1;
	s20 =	sshrl.u32 @!p1 s21, $0x1;
	s2 =	sshrl.u32 @!p1 s2, $0x2  }
0x45: {  	s21 =	simm.s32 @!p1 $0x8;
	s20 =	smul.u32 @!p1 $0x3, s20;
	s2 =	simm.s32 @!p2 $0x0  }
0x46: {  	s22 =	smul.u32 @!p1 $0x1E000, s22;
	_ =	swait.ge @!p1 [sflag:s21], s2;
	s23 =	ssub.s32 @!p1 $0x0, s2  }
0x47: {  	s0 =	ssub.s32 @!p1 s0, s20;
	s20 =	sshrl.u32 @!p1 s17, $0x3;
	[sflag:s21] =	ssyncset.done @!p1 $0x0  }
0x48: {  	s20 =	sadd.s32 @!p1 s3, s20;
	[sflag:s21] =	ssyncadd.s32 @!p1 s23;
	s21 =	sshrl.u32 @!p1 s24, $0x2  }
0x49: {  	s0 =	smul.u32 @!p1 $0x3C0, s0;
	s23 =	sand.u32 @!p1 $0x7, s17;
	s21 =	sor.u32 @!p1 $0x10508, s21  }
0x4a: {  	[tilespmem:s21], [sflag:$0x9] =	stream.linear.gather @!p1 [hbm4b:s20+s23], s2, $0x38;
	[tilespmem:$0x1F6E8] =	vst v63  }
0x4b: {  	s0 =	sshrl.u32 @!p1 s0, $0x2;
	s2 =	sshrl.u32 @!p1 s22, $0x2  }
0x4c: {  	s0 =	sadd.s32 @!p1 $0x10238, s0;
	s20 =	simm.s32 @!p1 $0xF0;
	s2 =	sor.u32 @!p1 $0x106E8, s2  }
0x4d: {  	[tilespmem:s2], [sflag:$0x7] =	stream.indirect.gather @!p1 [hbm4b:s4+s20], $0x80, s0, s20, $0xb8;
	[tilespmem:$0x1F6E8] =	vst v63  }
0x4e: {  	p1 =	slt.u32 s18, $0x2  }
.Ltmp3:
0x4f: {  	_ = 	snop;
	(pc) =	sbr.rel @p1 .LBB2_21-.Ltmp3, $1  }
0x50: {  	_ =	sdelay $0x3  }
0x51: {  	p1 =	sgt.s32 s19, $0x50820;
	s0 =	smov.u32 s19;
	s2 =	sshra.s32 s19, $0x1F  }
0x52: {  	s0 =	simm.s32 @!p1 $0x50820;
	s2 =	sand.u32 s2, s19  }
0x53: {  	s0 =	ssub.s32 s0, s2  }
0x54: {  	s0 =	sadd.s32 $0xFFFAF7E0, s0  }
0x55: {  	s30 =	sshll.u32 s0, $0x2  }
0x56: {  	_ =	swait.ge [sflag:s9], $0x7800;
	s2 =	ssub.s32 $0x3C0, s30  }
0x57: {  	[sflag:s9] =	ssyncset.done $0x0;
	p1 =	sgt.s32 s0, $0xEF;
	s0 =	sshrl.u32 s2, $0x2  }
0x58: {  	[sflag:s9] =	ssyncadd.s32 $0xFFFF8800;
	s0 =	simm.s32 @p1 $0x0  }
0x59: {  	_ =	swait.ge [sflag:s10], s0  }
0x5a: {  	s0 =	ssub.s32 $0x0, s0;
	[sflag:s10] =	ssyncset.done $0x0  }
0x5b: {  	[sflag:s10] =	ssyncadd.s32 s0  }
0x5c: {  	v1 =	vld [tilespmem:$0xF208];
	_ =	sdelay $0x4  }
0x5d: {  	(v2sf) =	vpush v1, $0x0  }
0x5e: {  	(v2sf) =	vpush v1, $0x1  }
0x5f: {  	(v2sf) =	vpush v1, $0x2;
	_ =	sdelay $0x3  }
0x60: {  	s0 =	sadd.s32 $0xF0, s19  }
0x61: {  	s2 =	ssub.s32 $0x50910, s19;
	p1 =	slt.s32 s7, s0  }
0x62: {  	s0 =	smov.u32 @p1 s7;
	p1 =	sgt.s32 s2, $0x0  }
0x63: {  	s23 =	ssub.s32 s0, s19;
	s2 =	simm.s32 @!p1 $0x0  }
0x64: {  	p1 =	slt.s32 s2, s23  }
0x65: {  	s23 =	smov.u32 @p1 s2  }
0x66: {  	s22 =	simm.s32 $0x1;
	p1 =	slt.s32 s23, $0x1  }
.Ltmp4:
0x67: {  	s22 =	simm.s32 @!p0 $0x0;
	(pc) =	sbr.rel @p1 .LBB2_8-.Ltmp4, $4  }
0x68: {  	s31 =	smul.u32 $0x3C0, s22  }
0x69: {  	s24 =	spop (v2sf)  }
0x6a: {  	s0 =	sshrl.u32 s31, $0x2;
	s26 =	spop (v2sf)  }
0x6b: {  	s20 =	sor.u32 $0x10508, s0;
	s19 =	spop (v2sf)  }
0x6c: {  	s0 =	smin.u32 s23, $0x10  }
0x6d: {  	v1 =	vmov s0  }
0x6e: {  	p2 =	sgt.s32 s23, $0x10;
	vm1 =	vgt.u32 v1, v0  }
.Ltmp5:
0x6f: {  	_ = 	snop;
	(pc) =	sbr.rel @!p2 .LBB2_7-.Ltmp5, $2  }
0x70: {  	_ =	sdelay $0x2  }
0x71: {  	s25 =	simm.s32 $0x10;
	s28 =	sadd.s32 $0xFFFFFFF0, s23;
	s21 =	smov.u32 s20;
	vm0 =	vmmov vm1  }
.LBB2_6:
0x72: {  	s0 =	smin.u32 s28, $0x10;
	s25 =	sadd.s32 $0x10, s25;
	v1 =	vld.msk [tilespmem:s21+$0x0 ss:$0x1], vm1  }
0x73: {  	v2 =	vmov s0;
	p2 =	slt.s32 s25, s23  }
0x74: {  	vm1 =	vgt.u32 v2, v0  }
.Ltmp6:
0x75: {  	(pc) =	sbr.rel @p2 .LBB2_6-.Ltmp6, $3  }
0x76: {  	_ =	sdelay $0x1  }
0x77: {  	v1 =	vshll.u32 v1, $0x4  }
0x78: {  	s28 =	sadd.s32 $0xFFFFFFF0, s28;
	[tilespmem:s21+$0x0] =	vst.msk vm0, v1;
	s21 =	sadd.s32 $0x10, s21;
	vm0 =	vmmov vm1  }
.LBB2_7:
0x79: {  	_ =	sdelay $0x4  }
0x7a: {  	v1 =	vld.msk [tilespmem:s21+$0x0 ss:$0x1], vm1;
	_ =	sdelay $0x4  }
0x7b: {  	v1 =	vshll.u32 v1, $0x4  }
0x7c: {  	[tilespmem:s21+$0x0] =	vst.msk vm0, v1  }
.LBB2_8:
0x7d: {  	s0 =	sand.u32 $0x1, s18  }
0x7e: {  	s0 =	smul.u32 $0xF0, s0  }
0x7f: {  	p2 =	sne.s32 s26, $0xFFFFFFFF  }
0x80: {  	v1 =	vld.msk @!p2 [tilespmem:s0+$0x10508], $0x1;
	_ =	sdelay $0x4  }
0x81: {  	(v2sf) =	vpush @!p2 v1, $0x0;
	_ =	sdelay $0xc  }
.Ltmp7:
0x82: {  	_ = 	snop;
	(pc) =	sbr.rel @p1 .LBB2_19-.Ltmp7, $4  }
0x83: {  	_ = 	snop  }
0x84: {  	s25 =	spop @!p2 (v2sf)  }
0x85: {  	s19 =	simm.s32 @!p2 $0x0;
	s21 =	smov.u32 s25  }
0x86: {  	[sflag:s15] =	ssyncpa.u1 $0x0;
	s25 =	smov.u32 @p2 s24;
	s21 =	smov.u32 @p2 s26  }
0x87: {  	v1 =	vld.msk [tilespmem:s20+$0x0], $0x1;
	_ =	sdelay $0x4  }
0x88: {  	(v2sf) =	vpush v1, $0x0;
	_ =	sdelay $0xe  }
0x89: {  	s0 =	smul.u32 $0x1E000, s22;
	s29 =	spop (v2sf)  }
0x8a: {  	s23 =	ssub.s32 $0x0, s23;
	p1 =	seq.s32 s25, s29  }
0x8b: {  	s26 =	sadd.s32 $0x1, s23;
	s0 =	sshrl.u32 s0, $0x2;
	p2 =	sgt.s32 @!p1 s25, $0x0  }
0x8c: {  	s22 =	sor.u32 $0x10728, s0;
	s0 =	smov.u32 s25;
	p2 =	por !p2, p1  }
0x8d: {  	s0 =	simm.s32 @p2 $0x0;
	p2 =	seq.s32 s26, $0x0  }
.Ltmp8:
0x8e: {  	_ = 	snop;
	(pc) =	sbr.rel @p2 .LBB2_11-.Ltmp8, $4  }
0x8f: {  	_ = 	snop  }
0x90: {  	s24 =	simm.s32 $0x0;
	s28 =	sadd.s32 $0x1, s20;
	s0 =	smin.u32 @!p1 s0, $0x270F0  }
0x91: {  	s30 =	simm.s32 @!p1 $0x1;
	s31 =	simm.s32 @!p1 $0x7988;
	s2 =	sand.u32 @!p1 $0x3FFF8, s0  }
0x92: {  	s30 =	smov.u32 @p1 s24;
	s0 =	sand.u32 @!p1 $0x7, s0;
	s2 =	sadd.s32 @!p1 s1, s2  }
.LBB2_10:
0x93: {  	s8 =	smov.u32 s30  }
0x94: {  	[tilespmem:s31], [sflag:$0x2] =	stream.linear.gather @!p1 [hbm4b:s2+s0], $0x80, $0x38;
	[tilespmem:$0x1F6E8] =	vst v63  }
0x95: {  	s26 =	sadd.s32 $0x1, s26;
	s0 =	smov.u32 s29;
	v1 =	vld.msk [tilespmem:s28+$0x0], $0x1  }
0x96: {  	p2 =	seq.s32 s26, $0x0;
	_ =	sdelay $0x3  }
0x97: {  	(v2sf) =	vpush v1, $0x0;
	_ =	sdelay $0xe  }
0x98: {  	s29 =	spop (v2sf)  }
0x99: {  	p1 =	seq.s32 s0, s29  }
0x9a: {  	p3 =	sgt.s32 @!p1 s0, $0x0;
	s2 =	sshll.u32 @!p1 s30, $0x9;
	s30 =	sadd.s32 @!p1 $0x1, s30  }
.Ltmp9:
0x9b: {  	p3 =	por !p3, p1;
	s2 =	sshra.s32 @!p1 s2, $0x2;
	(pc) =	sbr.rel @!p2 .LBB2_10-.Ltmp9, $4  }
0x9c: {  	s30 =	smov.u32 @p1 s8;
	s0 =	simm.s32 @p3 $0x0;
	s31 =	sadd.s32 @!p1 $0x7988, s2  }
0x9d: {  	s0 =	smin.u32 @!p1 s0, $0x270F0  }
0x9e: {  	s2 =	sand.u32 @!p1 $0x3FFF8, s0;
	s0 =	sand.u32 @!p1 $0x7, s0  }
0x9f: {  	s28 =	sadd.s32 $0x1, s28;
	s2 =	sadd.s32 @!p1 s1, s2  }
.LBB2_11:
0xa0: {  	[tilespmem:s31], [sflag:$0x2] =	stream.linear.gather @!p1 [hbm4b:s2+s0], $0x80, $0x38;
	[tilespmem:$0x1F6E8] =	vst v63  }
.Ltmp10:
0xa1: {  	s30 =	sshll.u32 s30, $0x7;
	(pc) =	sbr.rel .LBB2_12-.Ltmp10, $4  }
0xa2: {  	s31 =	simm.s32 $0x2;
	s0 =	sand.u32 $0x3FFFFF80, s30  }
0xa3: {  	_ =	swait.ge [sflag:s31], s0  }
0xa4: {  	s0 =	ssub.s32 $0x0, s0;
	[sflag:s31] =	ssyncset.done $0x0  }
0xa5: {  	s28 =	simm.s32 $0x0;
	[sflag:s31] =	ssyncadd.s32 s0  }
.LBB2_13:
0xa6: {  	v1 =	vld [tilespmem:s22+$0xFFFFFFC0];
	_ =	sdelay $0x3  }
0xa7: {  	s0 =	sshra.s32 s0, $0x2  }
0xa8: {  	[tilespmem:s0+$0x108] =	vst.add.f32.msk $0xffff, v1  }
0xa9: {  	v1 =	vld [tilespmem:s22+$0xFFFFFFD0];
	_ =	sdelay $0x4  }
0xaa: {  	[tilespmem:s0+$0x118] =	vst.add.f32.msk $0xffff, v1  }
0xab: {  	v1 =	vld [tilespmem:s22+$0xFFFFFFE0];
	_ =	sdelay $0x4  }
0xac: {  	[tilespmem:s0+$0x128] =	vst.add.f32.msk $0xffff, v1  }
0xad: {  	v1 =	vld [tilespmem:s22+$0xFFFFFFF0];
	_ =	sdelay $0x4  }
0xae: {  	[tilespmem:s0+$0x138] =	vst.add.f32.msk $0xffff, v1  }
0xaf: {  	v1 =	vld [tilespmem:s22+$0x0];
	_ =	sdelay $0x4  }
0xb0: {  	[tilespmem:s0+$0x148] =	vst.add.f32.msk $0xffff, v1  }
0xb1: {  	v1 =	vld [tilespmem:s22+$0x10];
	_ =	sdelay $0x4  }
0xb2: {  	[tilespmem:s0+$0x158] =	vst.add.f32.msk $0xffff, v1  }
0xb3: {  	v1 =	vld [tilespmem:s22+$0x20];
	_ =	sdelay $0x4  }
0xb4: {  	[tilespmem:s0+$0x168] =	vst.add.f32.msk $0xffff, v1  }
0xb5: {  	v1 =	vld [tilespmem:s22+$0x30];
	_ =	sdelay $0x4  }
0xb6: {  	[tilespmem:s0+$0x178] =	vst.add.f32.msk $0xffff, v1  }
.LBB2_17:
0xb7: {  	s23 =	sadd.s32 $0x1, s23  }
0xb8: {  	p1 =	seq.s32 s23, $0x0  }
.Ltmp11:
0xb9: {  	_ = 	snop;
	(pc) =	sbr.rel @p1 .LBB2_18-.Ltmp11, $2  }
0xba: {  	_ =	sdelay $0x2  }
0xbb: {  	s20 =	sadd.s32 $0x1, s20;
	s22 =	sadd.s32 $0x80, s22;
	s25 =	smov.u32 s26  }
.LBB2_12:
0xbc: {  	v1 =	vld.msk [tilespmem:s20+$0x0], $0x1;
	_ =	sdelay $0x4  }
0xbd: {  	(v2sf) =	vpush v1, $0x0;
	_ =	sdelay $0xe  }
0xbe: {  	s26 =	spop (v2sf)  }
0xbf: {  	p1 =	sne.s32 s25, s26  }
.Ltmp12:
0xc0: {  	_ = 	snop;
	(pc) =	sbr.rel @!p1 .LBB2_13-.Ltmp12, $2  }
0xc1: {  	_ =	sdelay $0x2  }
0xc2: {  	s0 =	sshll.u32 s19, $0x9  }
0xc3: {  	p1 =	seq.s32 s25, s21  }
.Ltmp13:
0xc4: {  	_ = 	snop;
	(pc) =	sbr.rel @!p1 .LBB2_15-.Ltmp13, $1  }
0xc5: {  	_ =	sdelay $0x3  }
0xc6: {  	s0 =	sshra.s32 s0, $0x2  }
.Ltmp14:
0xc7: {  	s0 =	sadd.s32 $0x108, s0;
	(pc) =	sbr.rel .LBB2_16-.Ltmp14, $4  }
0xc8: {  	[spmem:s13] =	stream.linear.scatter [tilespmem:s0], [sflag:$0x1], $0x80, $0x38;
	[tilespmem:$0x1F6E8] =	vst v63  }
0xc9: {  	_ =	swait.ge [sflag:s11], $0x80  }
0xca: {  	[sflag:s11] =	ssyncset.done $0x0  }
0xcb: {  	[sflag:s11] =	ssyncadd.s32 $0xFFFFFF80  }
.LBB2_15:
0xcc: {  	s2 =	sshll.u32 s24, $0x9  }
0xcd: {  	s2 =	sshra.s32 s2, $0x2  }
0xce: {  	v1 =	vld [tilespmem:s2+$0x7988];
	_ =	sdelay $0x3  }
0xcf: {  	s0 =	sshra.s32 s0, $0x2  }
0xd0: {  	[tilespmem:s0+$0x108] =	vst.add.f32.msk $0xffff, v1  }
0xd1: {  	v1 =	vld [tilespmem:s2+$0x7998];
	_ =	sdelay $0x4  }
0xd2: {  	[tilespmem:s0+$0x118] =	vst.add.f32.msk $0xffff, v1  }
0xd3: {  	v1 =	vld [tilespmem:s2+$0x79A8];
	_ =	sdelay $0x4  }
0xd4: {  	[tilespmem:s0+$0x128] =	vst.add.f32.msk $0xffff, v1  }
0xd5: {  	v1 =	vld [tilespmem:s2+$0x79B8];
	_ =	sdelay $0x4  }
0xd6: {  	[tilespmem:s0+$0x138] =	vst.add.f32.msk $0xffff, v1  }
0xd7: {  	v1 =	vld [tilespmem:s2+$0x79C8];
	_ =	sdelay $0x4  }
0xd8: {  	[tilespmem:s0+$0x148] =	vst.add.f32.msk $0xffff, v1  }
0xd9: {  	v1 =	vld [tilespmem:s2+$0x79D8];
	_ =	sdelay $0x4  }
0xda: {  	[tilespmem:s0+$0x158] =	vst.add.f32.msk $0xffff, v1  }
0xdb: {  	v1 =	vld [tilespmem:s2+$0x79E8];
	_ =	sdelay $0x4  }
0xdc: {  	[tilespmem:s0+$0x168] =	vst.add.f32.msk $0xffff, v1  }
0xdd: {  	v1 =	vld [tilespmem:s2+$0x79F8];
	_ =	sdelay $0x2  }
0xde: {  	p1 =	sgt.u32 s25, $0x270F0  }
0xdf: {  	s2 =	sand.u32 @!p1 $0x3FFF8, s25  }
0xe0: {  	s8 =	sadd.s32 $0x108, s0;
	[tilespmem:s0+$0x178] =	vst.add.f32.msk $0xffff, v1;
	s0 =	sadd.s32 @!p1 s1, s2;
	s2 =	sand.u32 @!p1 $0x7, s25  }
0xe1: {  	[hbm4b:s0+s2] =	stream.linear.scatter @!p1 [tilespmem:s8], [sflag:$0xA], $0x80, $0x38;
	[tilespmem:$0x1F6E8] =	vst v63  }
0xe2: {  	s0 =	simm.s32 $0x0  }
0xe3: {  	s0 =	simm.s32 @!p1 $0x200  }
0xe4: {  	s28 =	sadd.s32 s0, s28  }
.LBB2_16:
0xe5: {  	s0 =	sadd.s32 $0x1, s19  }
0xe6: {  	s2 =	smulhi.u32 $0x88888889, s0;
	_ =	sdelay $0x1  }
0xe7: {  	v1 =	vld [tilespmem:s22+$0xFFFFFFC0];
	s2 =	sshrl.u32 s2, $0x7  }
0xe8: {  	s2 =	smul.u32 $0xF0, s2;
	_ =	sdelay $0x1  }
0xe9: {  	s19 =	ssub.s32 s0, s2  }
0xea: {  	s0 =	sshll.u32 s19, $0x7  }
0xeb: {  	[tilespmem:s0+$0x108] =	vst v1  }
0xec: {  	v1 =	vld [tilespmem:s22+$0xFFFFFFD0];
	_ =	sdelay $0x4  }
0xed: {  	[tilespmem:s0+$0x118] =	vst v1  }
0xee: {  	v1 =	vld [tilespmem:s22+$0xFFFFFFE0];
	_ =	sdelay $0x4  }
0xef: {  	[tilespmem:s0+$0x128] =	vst v1  }
0xf0: {  	v1 =	vld [tilespmem:s22+$0xFFFFFFF0];
	_ =	sdelay $0x4  }
0xf1: {  	[tilespmem:s0+$0x138] =	vst v1  }
0xf2: {  	v1 =	vld [tilespmem:s22+$0x0];
	_ =	sdelay $0x4  }
0xf3: {  	[tilespmem:s0+$0x148] =	vst v1  }
0xf4: {  	v1 =	vld [tilespmem:s22+$0x10];
	_ =	sdelay $0x4  }
0xf5: {  	[tilespmem:s0+$0x158] =	vst v1  }
0xf6: {  	v1 =	vld [tilespmem:s22+$0x20];
	_ =	sdelay $0x4  }
0xf7: {  	[tilespmem:s0+$0x168] =	vst v1  }
0xf8: {  	v1 =	vld [tilespmem:s22+$0x30]  }
.Ltmp15:
0xf9: {  	_ = 	snop;
	(pc) =	sbr.rel .LBB2_17-.Ltmp15, $2  }
0xfa: {  	_ =	sdelay $0x2  }
0xfb: {  	s24 =	sadd.s32 $0x1, s24;
	[tilespmem:s0+$0x178] =	vst v1  }
.LBB2_19:
.Ltmp16:
0xfc: {  	(pc) =	sbr.rel .LBB2_20-.Ltmp16, $4  }
0xfd: {  	_ = 	snop  }
0xfe: {  	s0 =	simm.s32 $0x2  }
0xff: {  	_ =	swait.ge [sflag:s0], $0x0  }
0x100: {  	s26 =	smov.u32 s25;
	[sflag:s0] =	ssyncset.done $0x0;
	s0 =	simm.s32 $0x0  }
.LBB2_22:
0x101: {  	_ =	sfence.sel $0x180000  }
0x102: {  	s0 =	simm.s32 $0x7;
	[bflag:$0x0] =	sbarrier.arrive $0xFFFF  }
0x103: {  	s25 =	simm.s32 $0x8;
	[sflag:s0] =	ssyncpa.u1 $0x1  }
0x104: {  	s26 =	simm.s32 $0x9;
	[sflag:s25] =	ssyncpa.u1 $0x1  }
0x105: {  	s28 =	simm.s32 $0x2;
	[sflag:s26] =	ssyncpa.u1 $0x1  }
0x106: {  	[sflag:s28] =	ssyncpa.u1 $0x1  }
0x107: {  	v0 =	vld [tilespmem:$0xF208];
	_ =	sdelay $0x4  }
0x108: {  	(v2sf) =	vpush v0, $0x0  }
0x109: {  	(v2sf) =	vpush v0, $0x1;
	_ =	sdelay $0x1  }
0x10a: {  	(v2sf) =	vpush v0, $0x2;
	_ =	sdelay $0xb  }
0x10b: {  	s0 =	spop (v2sf)  }
0x10c: {  	s2 =	spop (v2sf)  }
0x10d: {  	s3 =	smov.u32 s0;
	p0 =	sne.s32 s0, s2  }
0x10e: {  	s4 =	spop (v2sf);
	s3 =	simm.s32 @!p0 $0xFFFFFFFF  }
0x10f: {  	v2 =	vimm.s32 $0x1;
	v3 =	vlaneseq.u32;
	p0 =	seq.s32 s4, $0xFFFFFFFF;
	v1 =	vmov s3  }
0x110: {  	s7 =	stileid.u32;
	v0 =	vperm.xlane v0, v2;
	p1 =	sne.s32 @!p0 s0, s2;
	v1 =	vperm.xlane v1, v3  }
0x111: {  	vm0 =	vcmask $0x3F04;
	s6 =	simm.s32 $0xF208;
	s0 =	simm.s32 @!p0 $0x1;
	p1 =	por !p1, p0  }
0x112: {  	s3 =	sshll.u32 s7, $0x1;
	s2 =	sshll.u32 @!p0 s4, $0x9;
	s0 =	simm.s32 @p1 $0x0;
	v0 =	vsel vm0, v1, v0  }
0x113: {  	s5 =	sor.u32 $0x1000, s3;
	s2 =	sshra.s32 @!p0 s2, $0x2;
	s0 =	sor.u32 @!p0 s0, s3;
	[tilespmem:$0xF208] =	vst v0  }
0x114: {  	[spmem:s5] =	stream.linear.scatter [tilespmem:s6], [sflag:$0x1], $0x2, $0x38;
	[tilespmem:$0x1F6E8] =	vst v63  }
0x115: {  	s2 =	sadd.s32 @!p0 $0x108, s2;
	s0 =	sshll.u32 @!p0 s0, $0x7  }
0x116: {  	[spmem:s0] =	stream.linear.scatter @!p0 [tilespmem:s2], [sflag:$0x1], $0x80, $0x38;
	[tilespmem:$0x1F6E8] =	vst v63  }
0x117: {  	s0 =	simm.s32 @!p0 $0x82  }
0x118: {  	s3 =	simm.s32 $0x1;
	s0 =	simm.s32 @p0 $0x2  }
0x119: {  	_ =	swait.ge [sflag:s3], s0  }
0x11a: {  	s0 =	ssub.s32 $0x0, s0;
	[sflag:s3] =	ssyncset.done $0x0  }
0x11b: {  	[sflag:s3] =	ssyncadd.s32 s0  }
0x11c: {  	_ =	sfence.stream.spmem  }
0x11d: {  	s29 =	simm.s32 $0x3;
	[bflag:$0x0] =	sbarrier.arrive $0xFFFF  }
0x11e: {  	s30 =	simm.s32 $0x4;
	[sflag:s29] =	ssyncpa.u1 $0x1  }
0x11f: {  	s31 =	simm.s32 $0x3C;
	[sflag:s30] =	ssyncpa.u1 $0x1  }
0x120: {  	p0 =	sne.s32 s7, $0x0;
	[sflag:s31] =	ssyncpa.u1 $0x1  }
0x121: {  	_ =	sfence @p0  }
0x122: {  	[sflag:s3] =	ssyncpa.u1 @p0 $0x1  }
0x123: {  	_ =	strace @p0 $0x9000004A  }
0x124: {  	[bflag:$0x2] =	sbarrier.arrive @p0 $0xFFFF  }
0x125: {  	_ =	shalt @p0  }
.LBB2_23:
0x126: {  	_ =	sfence.stream.spmem;
	s0 =	simm.s32 $0x5  }
0x127: {  	s2 =	simm.s32 $0x1000;
	s3 =	simm.s32 $0xF218;
	[sflag:s0] =	ssyncpa.u1 $0x0  }
0x128: {  	[tilespmem:s3], [sflag:$0x5] =	stream.linear.gather [spmem:s2], $0x20, $0x38;
	[tilespmem:$0x1F6E8] =	vst v63  }
0x129: {  	s30 =	simm.s32 $0xF238;
	s2 =	simm.s32 $0x0  }
0x12a: {  	[tilespmem:s30], [sflag:$0x5] =	stream.linear.gather [spmem:s2], $0x1000, $0x38;
	[tilespmem:$0x1F6E8] =	vst v63  }
.Ltmp17:
0x12b: {  	_ = 	snop;
	(pc) =	sbr.rel .LBB2_24-.Ltmp17, $4  }
0x12c: {  	_ =	swait.ge [sflag:s0], $0x1020  }
0x12d: {  	[sflag:s0] =	ssyncset.done $0x0  }
0x12e: {  	s31 =	simm.s32 $0x6;
	[sflag:s0] =	ssyncadd.s32 $0xFFFFEFE0  }
0x12f: {  	s3 =	simm.s32 $0x0;
	[sflag:s31] =	ssyncpa.u1 $0x0  }
.LBB2_30:
0x130: {  	p0 =	slt.u32 s4, $0x270F1  }
0x131: {  	s0 =	sand.u32 @p0 $0x3FFF8, s4  }
0x132: {  	s4 =	sand.u32 @p0 $0x7, s4;
	s5 =	simm.s32 @p0 $0xF188;
	s0 =	sadd.s32 @p0 s1, s0  }
0x133: {  	[tilespmem:s5], [sflag:$0x6] =	stream.linear.gather @p0 [hbm4b:s0+s4], $0x80, $0x38;
	[tilespmem:$0x1F6E8] =	vst v63  }
0x134: {  	s0 =	simm.s32 @p0 $0x6  }
0x135: {  	_ =	swait.ge @p0 [sflag:s0], $0x80  }
0x136: {  	[sflag:s0] =	ssyncset.done @p0 $0x0  }
0x137: {  	[sflag:s0] =	ssyncadd.s32 @p0 $0xFFFFFF80  }
0x138: {  	v1 =	vld @p0 [tilespmem:$0xF188];
	_ =	sdelay $0x2  }
0x139: {  	s0 =	sshll.u32 @p0 s3, $0x9  }
0x13a: {  	s4 =	sshrl.u32 @p0 s0, $0x2  }
0x13b: {  	[tilespmem:s4+$0xF238] =	vst.add.f32.msk @p0 $0xffff, v1  }
0x13c: {  	v1 =	vld @p0 [tilespmem:$0xF198];
	_ =	sdelay $0x4  }
0x13d: {  	[tilespmem:s4+$0xF248] =	vst.add.f32.msk @p0 $0xffff, v1  }
0x13e: {  	v1 =	vld @p0 [tilespmem:$0xF1A8];
	_ =	sdelay $0x4  }
0x13f: {  	[tilespmem:s4+$0xF258] =	vst.add.f32.msk @p0 $0xffff, v1  }
0x140: {  	v1 =	vld @p0 [tilespmem:$0xF1B8];
	_ =	sdelay $0x4  }
0x141: {  	[tilespmem:s4+$0xF268] =	vst.add.f32.msk @p0 $0xffff, v1  }
0x142: {  	v1 =	vld @p0 [tilespmem:$0xF1C8];
	_ =	sdelay $0x4  }
0x143: {  	[tilespmem:s4+$0xF278] =	vst.add.f32.msk @p0 $0xffff, v1  }
0x144: {  	v1 =	vld @p0 [tilespmem:$0xF1D8];
	_ =	sdelay $0x4  }
0x145: {  	[tilespmem:s4+$0xF288] =	vst.add.f32.msk @p0 $0xffff, v1  }
0x146: {  	v1 =	vld @p0 [tilespmem:$0xF1E8];
	_ =	sdelay $0x4  }
0x147: {  	[tilespmem:s4+$0xF298] =	vst.add.f32.msk @p0 $0xffff, v1  }
0x148: {  	v1 =	vld @p0 [tilespmem:$0xF1F8];
	_ =	sdelay $0x3  }
0x149: {  	s5 =	sshll.u32 @!p0 s3, $0x9  }
0x14a: {  	s5 =	smov.u32 @p0 s0;
	[tilespmem:s4+$0xF2A8] =	vst.add.f32.msk @p0 $0xffff, v1  }
0x14b: {  	s0 =	sshrl.u32 s5, $0x2;
	[tilespmem:s2+$0xF218] =	vst.msk $0x1, v0  }
0x14c: {  	v0 =	vld [tilespmem:s0+$0xF238];
	_ =	sdelay $0x2  }
0x14d: {  	s31 =	sshll.u32 s2, $0x9  }
0x14e: {  	s4 =	sshra.s32 s31, $0x2  }
0x14f: {  	[tilespmem:s4+$0xF238] =	vst v0  }
0x150: {  	v0 =	vld [tilespmem:s0+$0xF248];
	_ =	sdelay $0x4  }
0x151: {  	[tilespmem:s4+$0xF248] =	vst v0  }
0x152: {  	v0 =	vld [tilespmem:s0+$0xF258];
	_ =	sdelay $0x4  }
0x153: {  	[tilespmem:s4+$0xF258] =	vst v0  }
0x154: {  	v0 =	vld [tilespmem:s0+$0xF268];
	_ =	sdelay $0x4  }
0x155: {  	[tilespmem:s4+$0xF268] =	vst v0  }
0x156: {  	v0 =	vld [tilespmem:s0+$0xF278];
	_ =	sdelay $0x4  }
0x157: {  	[tilespmem:s4+$0xF278] =	vst v0  }
0x158: {  	v0 =	vld [tilespmem:s0+$0xF288];
	_ =	sdelay $0x4  }
0x159: {  	[tilespmem:s4+$0xF288] =	vst v0  }
0x15a: {  	v0 =	vld [tilespmem:s0+$0xF298];
	_ =	sdelay $0x4  }
0x15b: {  	[tilespmem:s4+$0xF298] =	vst v0  }
0x15c: {  	v0 =	vld [tilespmem:s0+$0xF2A8];
	_ =	sdelay $0x4  }
0x15d: {  	s2 =	sadd.s32 $0x1, s2;
	[tilespmem:s4+$0xF2A8] =	vst v0  }
.LBB2_31:
0x15e: {  	s3 =	sadd.s32 $0x1, s3  }
0x15f: {  	p0 =	sne.s32 s3, $0x20  }
.Ltmp18:
0x160: {  	_ = 	snop;
	(pc) =	sbr.rel @!p0 .LBB2_32-.Ltmp18, $1  }
0x161: {  	_ =	sdelay $0x3  }
.LBB2_24:
0x162: {  	v0 =	vld.msk [tilespmem:s3+$0xF218], $0x1;
	_ =	sdelay $0x4  }
0x163: {  	(v2sf) =	vpush v0, $0x0;
	_ =	sdelay $0xe  }
0x164: {  	s4 =	spop (v2sf)  }
0x165: {  	p0 =	seq.s32 s4, $0xFFFFFFFF  }
.Ltmp19:
0x166: {  	_ = 	snop;
	(pc) =	sbr.rel @p0 .LBB2_31-.Ltmp19, $1  }
0x167: {  	_ =	sdelay $0x3  }
0x168: {  	p0 =	slt.s32 s2, $0x1  }
.Ltmp20:
0x169: {  	_ = 	snop;
	(pc) =	sbr.rel @p0 .LBB2_30-.Ltmp20, $1  }
0x16a: {  	_ =	sdelay $0x3  }
0x16b: {  	s5 =	simm.s32 $0xF218;
	p0 =	por $0x0, $0x0  }
0x16c: {  	v1 =	vld.msk @!p0 [tilespmem:s5+$0x0], $0x1;
	_ =	sdelay $0x4  }
0x16d: {  	(v2sf) =	vpush @!p0 v1, $0x0;
	_ =	sdelay $0xd  }
0x16e: {  	p2 =	sne.s32 s2, $0x1  }
.Ltmp21:
0x16f: {  	s0 =	spop @!p0 (v2sf);
	(pc) =	sbr.rel @!p2 .LBB2_28-.Ltmp21, $4  }
0x170: {  	p1 =	seq.s32 @!p0 s4, s0  }
0x171: {  	s6 =	simm.s32 $0x0;
	p1 =	por !p1, p0  }
0x172: {  	s0 =	simm.s32 $0xFFFFFFFF;
	s6 =	simm.s32 @p1 $0xFFFFFFFF  }
0x173: {  	s7 =	simm.s32 $0x1;
	s6 =	smov.u32 @p0 s0  }
.LBB2_27:
0x174: {  	s0 =	smov.u32 s6;
	p0 =	sne.s32 s6, $0xFFFFFFFF  }
0x175: {  	s5 =	sadd.s32 $0x1, s5;
	s6 =	smov.u32 s7;
	s7 =	sadd.s32 $0x1, s7  }
0x176: {  	p1 =	sne.s32 s2, s7;
	v1 =	vld.msk @!p0 [tilespmem:s5+$0x0], $0x1;
	_ =	sdelay $0x4  }
0x177: {  	(v2sf) =	vpush @!p0 v1, $0x0;
	_ =	sdelay $0xe  }
.Ltmp22:
0x178: {  	s8 =	spop @!p0 (v2sf);
	(pc) =	sbr.rel @p1 .LBB2_27-.Ltmp22, $4  }
0x179: {  	p2 =	seq.s32 @!p0 s4, s8  }
0x17a: {  	p2 =	por !p2, p0  }
0x17b: {  	s6 =	simm.s32 @p2 $0xFFFFFFFF  }
0x17c: {  	s6 =	smov.u32 @p0 s0  }
.LBB2_28:
0x17d: {  	p0 =	seq.s32 s6, $0xFFFFFFFF  }
.Ltmp23:
0x17e: {  	_ = 	snop;
	(pc) =	sbr.rel @p0 .LBB2_30-.Ltmp23, $1  }
0x17f: {  	_ =	sdelay $0x3  }
0x180: {  	s0 =	sshll.u32 s3, $0x7  }
0x181: {  	s0 =	sand.u32 $0x3FFFFF80, s0  }
0x182: {  	v0 =	vld [tilespmem:s0+$0xF238];
	_ =	sdelay $0x2  }
0x183: {  	s4 =	sshll.u32 s6, $0x9  }
0x184: {  	s4 =	sshra.s32 s4, $0x2  }
0x185: {  	[tilespmem:s4+$0xF238] =	vst.add.f32.msk $0xffff, v0  }
0x186: {  	v0 =	vld [tilespmem:s0+$0xF248];
	_ =	sdelay $0x4  }
0x187: {  	[tilespmem:s4+$0xF248] =	vst.add.f32.msk $0xffff, v0  }
0x188: {  	v0 =	vld [tilespmem:s0+$0xF258];
	_ =	sdelay $0x4  }
0x189: {  	[tilespmem:s4+$0xF258] =	vst.add.f32.msk $0xffff, v0  }
0x18a: {  	v0 =	vld [tilespmem:s0+$0xF268];
	_ =	sdelay $0x4  }
0x18b: {  	[tilespmem:s4+$0xF268] =	vst.add.f32.msk $0xffff, v0  }
0x18c: {  	v0 =	vld [tilespmem:s0+$0xF278];
	_ =	sdelay $0x4  }
0x18d: {  	[tilespmem:s4+$0xF278] =	vst.add.f32.msk $0xffff, v0  }
0x18e: {  	v0 =	vld [tilespmem:s0+$0xF288];
	_ =	sdelay $0x4  }
0x18f: {  	[tilespmem:s4+$0xF288] =	vst.add.f32.msk $0xffff, v0  }
0x190: {  	v0 =	vld [tilespmem:s0+$0xF298];
	_ =	sdelay $0x4  }
0x191: {  	[tilespmem:s4+$0xF298] =	vst.add.f32.msk $0xffff, v0  }
0x192: {  	v0 =	vld [tilespmem:s0+$0xF2A8]  }
.Ltmp24:
0x193: {  	_ = 	snop;
	(pc) =	sbr.rel .LBB2_31-.Ltmp24, $2  }
0x194: {  	_ =	sdelay $0x2  }
0x195: {  	[tilespmem:s4+$0xF2A8] =	vst.add.f32.msk $0xffff, v0  }
.LBB2_32:
0x196: {  	p0 =	slt.s32 s2, $0x1  }
.Ltmp25:
0x197: {  	_ = 	snop;
	(pc) =	sbr.rel @p0 .LBB2_36-.Ltmp25, $3  }
0x198: {  	_ =	sdelay $0x1  }
0x199: {  	s0 =	simm.s32 $0x6  }
0x19a: {  	s3 =	simm.s32 $0x0;
	[sflag:s0] =	ssyncpa.u1 $0x1  }
0x19b: {  	s0 =	simm.s32 $0xF218  }
0x19c: {  	v0 =	vld.msk [tilespmem:s0+$0x0], $0x1;
	_ =	sdelay $0x4  }
0x19d: {  	(v2sf) =	vpush v0, $0x0;
	_ =	sdelay $0xd  }
0x19e: {  	s2 =	sadd.s32 $0xFFFFFFFF, s2  }
0x19f: {  	p1 =	sne.s32 s2, $0x0;
	s0 =	spop (v2sf)  }
.Ltmp26:
0x1a0: {  	p0 =	sgt.u32 s0, $0x270F0;
	(pc) =	sbr.rel @!p1 .LBB2_35-.Ltmp26, $4  }
0x1a1: {  	s4 =	simm.s32 $0xF238;
	s5 =	sand.u32 @!p0 $0x3FFF8, s0  }
0x1a2: {  	s6 =	simm.s32 $0x0;
	s0 =	sand.u32 @!p0 $0x7, s0;
	s5 =	sadd.s32 @!p0 s1, s5  }
0x1a3: {  	[hbm4b:s5+s0] =	stream.linear.scatter @!p0 [tilespmem:s4], [sflag:$0x5], $0x80, $0x38;
	[tilespmem:$0x1F6E8] =	vst v63  }
0x1a4: {  	s6 =	simm.s32 @!p0 $0x200;
	s5 =	simm.s32 $0xF219  }
.LBB2_34:
0x1a5: {  	v0 =	vld.msk [tilespmem:s5+$0x0], $0x1;
	s2 =	sadd.s32 $0xFFFFFFFF, s2;
	s3 =	sadd.s32 s3, s6  }
0x1a6: {  	p0 =	sne.s32 s2, $0x0;
	_ =	sdelay $0x3  }
0x1a7: {  	(v2sf) =	vpush v0, $0x0;
	_ =	sdelay $0xe  }
.Ltmp27:
0x1a8: {  	s0 =	spop (v2sf);
	(pc) =	sbr.rel @p0 .LBB2_34-.Ltmp27, $4  }
0x1a9: {  	s6 =	simm.s32 $0x0;
	p1 =	sgt.u32 s0, $0x270F0  }
0x1aa: {  	s4 =	sadd.s32 $0x80, s4;
	s6 =	simm.s32 @!p1 $0x200;
	s7 =	sand.u32 @!p1 $0x3FFF8, s0  }
0x1ab: {  	s5 =	sadd.s32 $0x1, s5;
	s0 =	sand.u32 @!p1 $0x7, s0;
	s7 =	sadd.s32 @!p1 s1, s7  }
0x1ac: {  	[hbm4b:s7+s0] =	stream.linear.scatter @!p1 [tilespmem:s4], [sflag:$0x5], $0x80, $0x38;
	[tilespmem:$0x1F6E8] =	vst v63  }
.LBB2_35:
0x1ad: {  	s0 =	sadd.s32 s3, s6  }
0x1ae: {  	s3 =	sshrl.u32 s0, $0x2  }
.LBB2_36:
0x1af: {  	s0 =	simm.s32 $0x5  }
0x1b0: {  	_ =	swait.ge [sflag:s0], s3  }
0x1b1: {  	s1 =	ssub.s32 $0x0, s3;
	[sflag:s0] =	ssyncset.done $0x0  }
0x1b2: {  	[sflag:s0] =	ssyncadd.s32 s1  }
0x1b3: {  	[sflag:s0] =	ssyncpa.u1 $0x1  }
0x1b4: {  	s30 =	simm.s32 $0x1;
	_ =	sfence  }
0x1b5: {  	[sflag:s30] =	ssyncpa.u1 $0x1  }
0x1b6: {  	_ =	strace $0x9000004A  }
0x1b7: {  	[bflag:$0x2] =	sbarrier.arrive $0xFFFF  }
0x1b8: {  	s31 =	rddreg [dreg:$0x1]  }
0x1b9: {  	s0 =	sadd.s32 $0x100000, s31  }
0x1ba: {  	[sflag:s0] =	ssyncadd.tile.s32 $0x1;
	_ =	shalt  }
.Lfunc_end2:
_tile_overlayer_lowered:
.L_overlay_start_2:
0x1bb: {  	(tag) =	ssettag $0x2  }
0x1bc: {  	s0 =	rddreg [dreg:$0x0];
	s2 =	stileid.u32  }
0x1bd: {  	s1 =	rddreg [dreg:$0x1];
	p0 =	sne.s32 s2, $0x0  }
0x1be: {  	s3 =	rddreg [dreg:$0x2];
	[bflag:$0x3] =	sbarrier.arrive $0xFFFF;
	s2 =	simm.s32 @!p0 $0x1C01  }
0x1bf: {  	[timem:s3], [sflag:s2] =	dma.local @!p0 [hbm:s0], s1  }
0x1c0: {  	s0 =	simm.s32 @!p0 $0x1  }
0x1c1: {  	_ =	swait.ge @!p0 [sflag:s0], s1  }
0x1c2: {  	s1 =	ssub.s32 @!p0 $0x0, s1;
	[sflag:s0] =	ssyncset.done @!p0 $0x0  }
0x1c3: {  	[sflag:s0] =	ssyncadd.s32 @!p0 s1  }
0x1c4: {  	[bflag:$0x3] =	sbarrier.arrive $0xFFFF  }
0x1c5: {  	_ =	shalt  }

// kernel: scatter_offload_async_start.2
scs
__scs_entry_jumppad:
0x0: {  	(pc) =	sbr.rel $0x88, $3  }
0x1: {  	(tag) =	ssettag $0x0;
	lr =	simm.s32 $0x1  }
0x2: {  	[smem:$0x3F86] =	sst lr;
	_ =	strace $0xD0000000  }
0x3: {  	_ = 	snop  }
0x4: {  	_ = 	snop  }
0x5: {  	_ = 	snop  }
0x6: {  	_ = 	snop  }
0x7: {  	_ = 	snop  }
__scs_overlays_trampoline_lowered:
0x8: {  	[smem:$0x3F95] =	sst s0  }
0x9: {  	[smem:$0x3F96] =	sst s1  }
0xa: {  	[smem:$0x3F97] =	sst s2  }
0xb: {  	[smem:$0x3F98] =	sst s3  }
0xc: {  	[smem:$0x3F99] =	sst s4  }
0xd: {  	[smem:$0x3F9A] =	sst s5  }
0xe: {  	[smem:$0x3F9B] =	sst s6  }
0xf: {  	[smem:$0x3F9C] =	sst s7  }
0x10: {  	[smem:$0x3F9D] =	sst s8  }
0x11: {  	[smem:$0x3F9E] =	sst s9;
	s0 =	simm.s32 @!p0 $0x0  }
0x12: {  	s1 =	sld [smem:$0x3F84];
	s0 =	simm.s32 @p0 $0x1  }
0x13: {  	[smem:$0x3F9F] =	sst s0;
	s0 =	simm.s32 @!p1 $0x0  }
0x14: {  	s2 =	sld [smem:$0x3F83];
	s0 =	simm.s32 @p1 $0x1  }
0x15: {  	[smem:$0x3FA0] =	sst s0;
	s0 =	simm.s32 @!p2 $0x0  }
0x16: {  	s3 =	sld [smem:$0x3FDB];
	s0 =	simm.s32 @p2 $0x1  }
0x17: {  	s4 =	simm.s32 $0x1BF5;
	[smem:$0x3FA2] =	sst s0  }
0x18: {  	s0 =	sld [smem:$0x3F85];
	_ =	swait.ge [sflag:s4], $0x0  }
0x19: {  	s7 =	sld [smem:$0x3F86]  }
0x1a: {  	s8 =	sadd.s32 $0xFFFFE003, lr  }
0x1b: {  	s9 =	sadd.s32 $0xFFFFFEF7, lr;
	s5 =	simm.s32 $0xFFFFFFFF;
	p2 =	slt.u32 s8, $0xFFFFF086  }
0x1c: {  	p1 =	slt.u32 s9, $0xF7A;
	s5 =	simm.s32 @!p2 $0x0  }
0x1d: {  	s5 =	simm.s32 @p1 $0x1;
	p0 =	seq.s32 s7, s2  }
0x1e: {  	s7 =	smul.u32 @!p0 $0xF7A, s2;
	p2 =	seq.s32 @!p0 s5, $0x0  }
0x1f: {  	s9 =	smul.u32 $0xF7A, s1;
	s8 =	simm.s32 @!p0 $0x1BF5;
	p2 =	por !p2, p0  }
0x20: {  	[sflag:s8] =	ssyncset.s32 @!p0 $0xFFFFF086;
	s6 =	sadd.s32 @!p0 s3, s7;
	s7 =	simm.s32 @!p0 $0x108  }
0x21: {  	s3 =	sadd.s32 s3, s9;
	s6 =	sadd.s32 @!p0 $0x88, s6;
	s7 =	simm.s32 @p2 $0x1082  }
0x22: {  	[simem:s7], [sflag:s8] =	dma.local @!p0 [hbm:s6], $0xF7A  }
0x23: {  	s9 =	sor.u32 $0xD0000000, s2;
	s6 =	simm.s32 $0x108;
	_ =	swait.ge @!p0 [sflag:s8], $0x0  }
0x24: {  	s3 =	sadd.s32 $0x88, s3;
	s6 =	simm.s32 @!p1 $0x1082;
	[sflag:s4] =	ssyncset.s32 $0xFFFFF086  }
0x25: {  	[simem:s6], [sflag:s4] =	dma.local [hbm:s3], $0xF7A  }
0x26: {  	[smem:$0x3F86] =	sst s1;
	(tag) =	ssettag s2;
	_ =	strace s9  }
0x27: {  	s1 =	sld [smem:$0x3F96]  }
0x28: {  	s2 =	sld [smem:$0x3F97]  }
0x29: {  	s4 =	sld [smem:$0x3F99]  }
0x2a: {  	p0 =	seq.s32 s5, $0x0;
	s5 =	sld [smem:$0x3F9A]  }
0x2b: {  	s6 =	sld [smem:$0x3F9B]  }
0x2c: {  	s7 =	sld [smem:$0x3F9C]  }
0x2d: {  	s3 =	simm.s32 $0x108;
	s8 =	sld [smem:$0x3F9D]  }
0x2e: {  	s3 =	simm.s32 @!p0 $0x1082;
	s9 =	sld [smem:$0x3F9E]  }
0x2f: {  	lr =	sadd.s32 s0, s3;
	s0 =	sld [smem:$0x3F95]  }
0x30: {  	s3 =	sld [smem:$0x3F98]  }
0x31: {  	[smem:$0x3FA1] =	sst s10  }
0x32: {  	s10 =	sld [smem:$0x3F9F];
	_ =	sdelay $0x3  }
0x33: {  	p0 =	seq.s32 s10, $0x1;
	s10 =	sld [smem:$0x3FA1];
	_ =	sdelay $0x3  }
0x34: {  	[smem:$0x3FA1] =	sst s10  }
0x35: {  	s10 =	sld [smem:$0x3FA0];
	_ =	sdelay $0x3  }
0x36: {  	p1 =	seq.s32 s10, $0x1;
	s10 =	sld [smem:$0x3FA1];
	_ =	sdelay $0x3  }
0x37: {  	[smem:$0x3FA1] =	sst s10  }
0x38: {  	s10 =	sld [smem:$0x3FA2]  }
0x39: {  	_ = 	snop;
	(pc) =	sbr.ind lr, $3  }
0x3a: {  	_ = 	snop  }
0x3b: {  	_ = 	snop  }
0x3c: {  	p2 =	seq.s32 s10, $0x1;
	s10 =	sld [smem:$0x3FA1]  }
0x3d: {  	_ =	shalt  }
0x3e: {  	_ =	shalt  }
0x3f: {  	_ =	shalt  }
0x40: {  	_ =	shalt  }
0x41: {  	_ =	shalt  }
0x42: {  	_ =	shalt  }
0x43: {  	_ =	shalt  }
0x44: {  	_ =	shalt  }
0x45: {  	_ =	shalt  }
0x46: {  	_ =	shalt  }
0x47: {  	_ =	shalt  }
0x48: {  	_ =	shalt  }
0x49: {  	_ =	shalt  }
0x4a: {  	_ =	shalt  }
0x4b: {  	_ =	shalt  }
0x4c: {  	_ =	shalt  }
0x4d: {  	_ =	shalt  }
0x4e: {  	_ =	shalt  }
0x4f: {  	_ =	shalt  }
0x50: {  	_ =	shalt  }
0x51: {  	_ =	shalt  }
0x52: {  	_ =	shalt  }
0x53: {  	_ =	shalt  }
0x54: {  	_ =	shalt  }
0x55: {  	_ =	shalt  }
0x56: {  	_ =	shalt  }
0x57: {  	_ =	shalt  }
0x58: {  	_ =	shalt  }
0x59: {  	_ =	shalt  }
0x5a: {  	_ =	shalt  }
0x5b: {  	_ =	shalt  }
0x5c: {  	_ =	shalt  }
0x5d: {  	_ =	shalt  }
0x5e: {  	_ =	shalt  }
0x5f: {  	_ =	shalt  }
0x60: {  	_ =	shalt  }
0x61: {  	_ =	shalt  }
0x62: {  	_ =	shalt  }
0x63: {  	_ =	shalt  }
0x64: {  	_ =	shalt  }
0x65: {  	_ =	shalt  }
0x66: {  	_ =	shalt  }
0x67: {  	_ =	shalt  }
0x68: {  	_ =	shalt  }
0x69: {  	_ =	shalt  }
0x6a: {  	_ =	shalt  }
0x6b: {  	_ =	shalt  }
0x6c: {  	_ =	shalt  }
0x6d: {  	_ =	shalt  }
0x6e: {  	_ =	shalt  }
0x6f: {  	_ =	shalt  }
0x70: {  	_ =	shalt  }
0x71: {  	_ =	shalt  }
0x72: {  	_ =	shalt  }
0x73: {  	_ =	shalt  }
0x74: {  	_ =	shalt  }
0x75: {  	_ =	shalt  }
0x76: {  	_ =	shalt  }
0x77: {  	_ =	shalt  }
0x78: {  	_ =	shalt  }
0x79: {  	_ =	shalt  }
0x7a: {  	_ =	shalt  }
0x7b: {  	_ =	shalt  }
0x7c: {  	_ =	shalt  }
0x7d: {  	_ =	shalt  }
0x7e: {  	_ =	shalt  }
0x7f: {  	_ =	shalt  }
0x80: {  	_ =	shalt  }
0x81: {  	_ =	shalt  }
0x82: {  	_ =	shalt  }
0x83: {  	_ =	shalt  }
0x84: {  	_ =	shalt  }
0x85: {  	_ =	shalt  }
0x86: {  	_ =	shalt  }
0x87: {  	_ =	shalt  }
.Lfunc_end0:
.L_simem_size_0:
called_computation.2_lowered:
.L_overlay_start_0:
0x88: {  	s0 =	sld [smem:$0x3FD9]  }
0x89: {  	s1 =	sld [smem:$0x3FFE];
	_ =	sdelay $0x3  }
0x8a: {  	s0 =	sadd.s32 s1, s0  }
0x8b: {  	[smem:$0x3FAD] =	sst s0  }
0x8c: {  	_ = 	snop  }
0x8d: {  	(tm) =	ssettm $0x1  }
0x8e: {  	s15 =	sld [smem:$0x3FFB];
	_ =	sdelay $0x3  }
0x8f: {  	_ =	strace s15  }
0x90: {  	s0 =	sld [smem:$0x3FFC];
	_ =	sdelay $0x3  }
0x91: {  	_ =	strace s0  }
0x92: {  	s0 =	sld [smem:$0x3FFD];
	_ =	sdelay $0x3  }
0x93: {  	_ =	strace s0  }
0x94: {  	_ =	strace $0x8FFFFFFF  }
0x95: {  	s16 =	sld [smem:$0x3FDB];
	_ =	sdelay $0x1  }
0x96: {  	s17 =	simm.s32 $_scs_section_size  }
0x97: {  	s2 =	simm.s32 $_size__tile_overlayer_lowered;
	s3 =	simm.s32 $_tile_overlayer_lowered  }
0x98: {  	s20 =	simm.s32 $0x1BFF;
	s19 =	sshll.u32 s3, $0x1;
	s0 =	sadd.s32 s17, s16  }
0x99: {  	s4 =	simm.s32 $0x0;
	s18 =	sshll.u32 s2, $0x1;
	s2 =	sadd.s32 s19, s0  }
0x9a: {  	[timem:s4], [sflag:s20] =	dma.local [hbm:s2], s18  }
0x9b: {  	_ =	swait.ge [sflag:s20], s18  }
0x9c: {  	s1 =	ssub.s32 $0x0, s18;
	[sflag:s20] =	ssyncset.done $0x0  }
0x9d: {  	[sflag:s20] =	ssyncadd.s32 s1;
	_ =	sdelay $0x1  }
0x9e: {  	s21 =	simm.s32 $0x1B8B  }
0x9f: {  	_ =	swait.ge [sflag:s21], $0x1  }
0xa0: {  	[sflag:s21] =	ssyncset.done $0x0  }
0xa1: {  	s23 =	simm.s32 $0x1B8E;
	s22 =	sld [smem:$0x3FFE];
	[sflag:s21] =	ssyncadd.s32 $0xFFFFFFFF  }
0xa2: {  	s24 =	simm.s32 $execute0_lowered;
	[smem:$0x3FD2] =	sst s23  }
0xa3: {  	s2 =	sshll.u32 s24, $0x1;
	_ =	strace $0x8000004C;
	[dreg:$0x1] =	wrdreg $0xFFFFFFFF  }
0xa4: {  	s25 =	simm.s32 $_size_execute0_lowered;
	s0 =	sadd.s32 s0, s2;
	[dreg:$0x0] =	wrdreg $0x0  }
0xa5: {  	s2 =	sshll.u32 s25, $0x1;
	[dreg:$0x2] =	wrdreg s0  }
0xa6: {  	[dreg:$0x3] =	wrdreg s2  }
0xa7: {  	[dreg:$0x4] =	wrdreg $0xC0  }
0xa8: {  	_ =	task [dreg:s4], $0x5FFFF  }
0xa9: {  	[dreg:$0x1] =	wrdreg $0xFFFFFFFF  }
0xaa: {  	[dreg:$0x0] =	wrdreg $0x60  }
0xab: {  	[dreg:$0x2] =	wrdreg s22  }
0xac: {  	[dreg:$0x3] =	wrdreg $0x9  }
0xad: {  	_ =	task.clear_ibuf [dreg:s4], $0x4FFFF;
	_ =	strace $0x9000004C  }
0xae: {  	s26 =	simm.s32 $0x9;
	_ =	strace $0x8000004E  }
0xaf: {  	_ =	swait.ge [sflag:s26], $0x1  }
0xb0: {  	[sflag:s26] =	ssyncadd.s32 $0xFFFFFFFF  }
0xb1: {  	_ =	strace $0x9000004E  }
0xb2: {  	_ =	sfence  }
0xb3: {  	s28 =	sld [smem:$0x0];
	_ =	sdelay $0x1  }
0xb4: {  	s29 =	srdreg.scid  }
0xb5: {  	s30 =	sshll.u32 s29, $0xD;
	s31 =	sshrl.u32 s29, $0x2  }
0xb6: {  	s1 =	sand.u32 $0x1, s29;
	s2 =	sand.u32 $0x4000, s30;
	s0 =	sadd.s32 s31, s28  }
0xb7: {  	s1 =	sor.u32 s2, s1;
	s0 =	sshll.u32 s0, $0x11  }
0xb8: {  	s0 =	sor.u32 s0, s1  }
0xb9: {  	s0 =	sadd.s32 $0x8F2B, s0  }
0xba: {  	[sflag:s0] =	ssyncadd.remote.s32 $0x1  }
0xbb: {  	_ =	sfence.sel $0xFFFF  }
0xbc: {  	[dreg:$0x0] =	wrdreg $0xFFFFFFFF;
	(pc) =	sbr.abs _section_cstart, $3  }
0xbd: {  	[dreg:$0x1] =	wrdreg $0xFFFFFFFF  }
0xbe: {  	_ =	task.clear_ibuf [dreg:s4], $0x2FFFF;
	_ =	strace $0x9FFFFFFF  }
0xbf: {  	(tm) =	ssettm $0x7FFFFFFF  }
tec
execute0_lowered:
.L_overlay_start_1:
0x0: {  	(tag) =	ssettag $0x1  }
0x1: {  	s8 =	rddreg [dreg:$0x0];
	_ =	strace $0x8000004D;
	s11 =	simm.s32 $0x1  }
0x2: {  	v0 =	vimm.s32 $0x0;
	[sflag:s11] =	ssyncpa.u1 $0x0  }
0x3: {  	[tilespmem:$0x28] =	vst v0  }
0x4: {  	[tilespmem:$0x38] =	vst v0  }
0x5: {  	[tilespmem:$0x48] =	vst v0  }
0x6: {  	[tilespmem:$0x58] =	vst v0  }
0x7: {  	[tilespmem:$0x68] =	vst v0  }
0x8: {  	[tilespmem:$0x78] =	vst v0  }
0x9: {  	[tilespmem:$0x88] =	vst v0  }
0xa: {  	[tilespmem:$0x98] =	vst v0  }
0xb: {  	[tilespmem:$0xA8] =	vst v0  }
0xc: {  	[tilespmem:$0xB8] =	vst v0  }
0xd: {  	[tilespmem:$0xC8] =	vst v0  }
0xe: {  	[tilespmem:$0xD8] =	vst v0  }
0xf: {  	[tilespmem:$0xE8] =	vst v0  }
0x10: {  	[tilespmem:$0xF8] =	vst v0  }
0x11: {  	[tilespmem:$0x108] =	vst v0  }
0x12: {  	[tilespmem:$0x118] =	vst v0  }
0x13: {  	[tilespmem:$0x128] =	vst v0  }
0x14: {  	[tilespmem:$0x138] =	vst v0  }
0x15: {  	[tilespmem:$0x148] =	vst v0  }
0x16: {  	[tilespmem:$0x158] =	vst v0  }
0x17: {  	[tilespmem:$0x168] =	vst v0  }
0x18: {  	[tilespmem:$0x178] =	vst v0  }
0x19: {  	[tilespmem:$0x188] =	vst v0  }
0x1a: {  	[tilespmem:$0x198] =	vst v0  }
0x1b: {  	[tilespmem:$0x1A8] =	vst v0  }
0x1c: {  	[tilespmem:$0x1B8] =	vst v0  }
0x1d: {  	[tilespmem:$0x1C8] =	vst v0  }
0x1e: {  	[tilespmem:$0x1D8] =	vst v0  }
0x1f: {  	[tilespmem:$0x1E8] =	vst v0  }
0x20: {  	[tilespmem:$0x1F8] =	vst v0  }
0x21: {  	[tilespmem:$0x208] =	vst v0  }
0x22: {  	[tilespmem:$0x218] =	vst v0  }
0x23: {  	[tilespmem:$0x228] =	vst v0  }
0x24: {  	[tilespmem:$0x238] =	vst v0  }
0x25: {  	[tilespmem:$0x248] =	vst v0  }
0x26: {  	[tilespmem:$0x258] =	vst v0  }
0x27: {  	[tilespmem:$0x268] =	vst v0  }
0x28: {  	[tilespmem:$0x278] =	vst v0  }
0x29: {  	[tilespmem:$0x288] =	vst v0  }
0x2a: {  	[tilespmem:$0x298] =	vst v0  }
0x2b: {  	[tilespmem:$0x2A8] =	vst v0  }
0x2c: {  	[tilespmem:$0x2B8] =	vst v0  }
0x2d: {  	[tilespmem:$0x2C8] =	vst v0  }
0x2e: {  	[tilespmem:$0x2D8] =	vst v0  }
0x2f: {  	[tilespmem:$0x2E8] =	vst v0  }
0x30: {  	[tilespmem:$0x2F8] =	vst v0  }
0x31: {  	[tilespmem:$0x308] =	vst v0  }
0x32: {  	[tilespmem:$0x318] =	vst v0  }
0x33: {  	[tilespmem:$0x328] =	vst v0  }
0x34: {  	[tilespmem:$0x338] =	vst v0  }
0x35: {  	[tilespmem:$0x348] =	vst v0  }
0x36: {  	[tilespmem:$0x358] =	vst v0  }
0x37: {  	[tilespmem:$0x368] =	vst v0  }
0x38: {  	[tilespmem:$0x378] =	vst v0  }
0x39: {  	[tilespmem:$0x388] =	vst v0  }
0x3a: {  	[tilespmem:$0x398] =	vst v0  }
0x3b: {  	[tilespmem:$0x3A8] =	vst v0  }
0x3c: {  	[tilespmem:$0x3B8] =	vst v0  }
0x3d: {  	[tilespmem:$0x3C8] =	vst v0  }
0x3e: {  	[tilespmem:$0x3D8] =	vst v0  }
0x3f: {  	[tilespmem:$0x3E8] =	vst v0  }
0x40: {  	[tilespmem:$0x3F8] =	vst v0  }
0x41: {  	[tilespmem:$0x408] =	vst v0  }
0x42: {  	[tilespmem:$0x418] =	vst v0  }
0x43: {  	[tilespmem:$0x428] =	vst v0  }
0x44: {  	[tilespmem:$0x438] =	vst v0  }
0x45: {  	[tilespmem:$0x448] =	vst v0  }
0x46: {  	[tilespmem:$0x458] =	vst v0  }
0x47: {  	[tilespmem:$0x468] =	vst v0  }
0x48: {  	[tilespmem:$0x478] =	vst v0  }
0x49: {  	[tilespmem:$0x488] =	vst v0  }
0x4a: {  	[tilespmem:$0x498] =	vst v0  }
0x4b: {  	[tilespmem:$0x4A8] =	vst v0  }
0x4c: {  	[tilespmem:$0x4B8] =	vst v0  }
0x4d: {  	[tilespmem:$0x4C8] =	vst v0  }
0x4e: {  	[tilespmem:$0x4D8] =	vst v0  }
0x4f: {  	[tilespmem:$0x4E8] =	vst v0  }
0x50: {  	[tilespmem:$0x4F8] =	vst v0  }
0x51: {  	[tilespmem:$0x508] =	vst v0  }
0x52: {  	[tilespmem:$0x518] =	vst v0  }
0x53: {  	[tilespmem:$0x528] =	vst v0  }
0x54: {  	[tilespmem:$0x538] =	vst v0  }
0x55: {  	[tilespmem:$0x548] =	vst v0  }
0x56: {  	[tilespmem:$0x558] =	vst v0  }
0x57: {  	[tilespmem:$0x568] =	vst v0  }
0x58: {  	[tilespmem:$0x578] =	vst v0  }
0x59: {  	[tilespmem:$0x588] =	vst v0  }
0x5a: {  	[tilespmem:$0x598] =	vst v0  }
0x5b: {  	[tilespmem:$0x5A8] =	vst v0  }
0x5c: {  	[tilespmem:$0x5B8] =	vst v0  }
0x5d: {  	[tilespmem:$0x5C8] =	vst v0  }
0x5e: {  	[tilespmem:$0x5D8] =	vst v0  }
0x5f: {  	[tilespmem:$0x5E8] =	vst v0  }
0x60: {  	[tilespmem:$0x5F8] =	vst v0  }
0x61: {  	[tilespmem:$0x608] =	vst v0  }
0x62: {  	[tilespmem:$0x618] =	vst v0  }
0x63: {  	[tilespmem:$0x628] =	vst v0  }
0x64: {  	[tilespmem:$0x638] =	vst v0  }
0x65: {  	[tilespmem:$0x648] =	vst v0  }
0x66: {  	[tilespmem:$0x658] =	vst v0  }
0x67: {  	[tilespmem:$0x668] =	vst v0  }
0x68: {  	[tilespmem:$0x678] =	vst v0  }
0x69: {  	[tilespmem:$0x688] =	vst v0  }
0x6a: {  	[tilespmem:$0x698] =	vst v0  }
0x6b: {  	[tilespmem:$0x6A8] =	vst v0  }
0x6c: {  	[tilespmem:$0x6B8] =	vst v0  }
0x6d: {  	[tilespmem:$0x6C8] =	vst v0  }
0x6e: {  	[tilespmem:$0x6D8] =	vst v0  }
0x6f: {  	[tilespmem:$0x6E8] =	vst v0  }
0x70: {  	[tilespmem:$0x6F8] =	vst v0  }
0x71: {  	[tilespmem:$0x708] =	vst v0  }
0x72: {  	[tilespmem:$0x718] =	vst v0  }
0x73: {  	[tilespmem:$0x728] =	vst v0  }
0x74: {  	[tilespmem:$0x738] =	vst v0  }
0x75: {  	[tilespmem:$0x748] =	vst v0  }
0x76: {  	[tilespmem:$0x758] =	vst v0  }
0x77: {  	[tilespmem:$0x768] =	vst v0  }
0x78: {  	[tilespmem:$0x778] =	vst v0  }
0x79: {  	[tilespmem:$0x788] =	vst v0  }
0x7a: {  	[tilespmem:$0x798] =	vst v0  }
0x7b: {  	[tilespmem:$0x7A8] =	vst v0  }
0x7c: {  	[tilespmem:$0x7B8] =	vst v0  }
0x7d: {  	[tilespmem:$0x7C8] =	vst v0  }
0x7e: {  	[tilespmem:$0x7D8] =	vst v0  }
0x7f: {  	[tilespmem:$0x7E8] =	vst v0  }
0x80: {  	[tilespmem:$0x7F8] =	vst v0  }
0x81: {  	[tilespmem:$0x808] =	vst v0  }
0x82: {  	[tilespmem:$0x818] =	vst v0  }
0x83: {  	[tilespmem:$0x828] =	vst v0  }
0x84: {  	[tilespmem:$0x838] =	vst v0  }
0x85: {  	[tilespmem:$0x848] =	vst v0  }
0x86: {  	[tilespmem:$0x858] =	vst v0  }
0x87: {  	[tilespmem:$0x868] =	vst v0  }
0x88: {  	[tilespmem:$0x878] =	vst v0  }
0x89: {  	[tilespmem:$0x888] =	vst v0  }
0x8a: {  	[tilespmem:$0x898] =	vst v0  }
0x8b: {  	[tilespmem:$0x8A8] =	vst v0  }
0x8c: {  	[tilespmem:$0x8B8] =	vst v0  }
0x8d: {  	[tilespmem:$0x8C8] =	vst v0  }
0x8e: {  	[tilespmem:$0x8D8] =	vst v0  }
0x8f: {  	[tilespmem:$0x8E8] =	vst v0  }
0x90: {  	[tilespmem:$0x8F8] =	vst v0  }
0x91: {  	[tilespmem:$0x908] =	vst v0  }
0x92: {  	[tilespmem:$0x918] =	vst v0  }
0x93: {  	[tilespmem:$0x928] =	vst v0  }
0x94: {  	[tilespmem:$0x938] =	vst v0  }
0x95: {  	[tilespmem:$0x948] =	vst v0  }
0x96: {  	[tilespmem:$0x958] =	vst v0  }
0x97: {  	[tilespmem:$0x968] =	vst v0  }
0x98: {  	[tilespmem:$0x978] =	vst v0  }
0x99: {  	[tilespmem:$0x988] =	vst v0  }
0x9a: {  	[tilespmem:$0x998] =	vst v0  }
0x9b: {  	[tilespmem:$0x9A8] =	vst v0  }
0x9c: {  	[tilespmem:$0x9B8] =	vst v0  }
0x9d: {  	[tilespmem:$0x9C8] =	vst v0  }
0x9e: {  	[tilespmem:$0x9D8] =	vst v0  }
0x9f: {  	[tilespmem:$0x9E8] =	vst v0  }
0xa0: {  	[tilespmem:$0x9F8] =	vst v0  }
0xa1: {  	[tilespmem:$0xA08] =	vst v0  }
0xa2: {  	[tilespmem:$0xA18] =	vst v0  }
0xa3: {  	[tilespmem:$0xA28] =	vst v0  }
0xa4: {  	[tilespmem:$0xA38] =	vst v0  }
0xa5: {  	[tilespmem:$0xA48] =	vst v0  }
0xa6: {  	[tilespmem:$0xA58] =	vst v0  }
0xa7: {  	[tilespmem:$0xA68] =	vst v0  }
0xa8: {  	[tilespmem:$0xA78] =	vst v0  }
0xa9: {  	[tilespmem:$0xA88] =	vst v0  }
0xaa: {  	[tilespmem:$0xA98] =	vst v0  }
0xab: {  	[tilespmem:$0xAA8] =	vst v0  }
0xac: {  	[tilespmem:$0xAB8] =	vst v0  }
0xad: {  	[tilespmem:$0xAC8] =	vst v0  }
0xae: {  	[tilespmem:$0xAD8] =	vst v0  }
0xaf: {  	[tilespmem:$0xAE8] =	vst v0  }
0xb0: {  	[tilespmem:$0xAF8] =	vst v0  }
0xb1: {  	[tilespmem:$0xB08] =	vst v0  }
0xb2: {  	[tilespmem:$0xB18] =	vst v0  }
0xb3: {  	[tilespmem:$0xB28] =	vst v0  }
0xb4: {  	[tilespmem:$0xB38] =	vst v0  }
0xb5: {  	[tilespmem:$0xB48] =	vst v0  }
0xb6: {  	[tilespmem:$0xB58] =	vst v0  }
0xb7: {  	[tilespmem:$0xB68] =	vst v0  }
0xb8: {  	[tilespmem:$0xB78] =	vst v0  }
0xb9: {  	[tilespmem:$0xB88] =	vst v0  }
0xba: {  	[tilespmem:$0xB98] =	vst v0  }
0xbb: {  	[tilespmem:$0xBA8] =	vst v0  }
0xbc: {  	[tilespmem:$0xBB8] =	vst v0  }
0xbd: {  	[tilespmem:$0xBC8] =	vst v0  }
0xbe: {  	[tilespmem:$0xBD8] =	vst v0  }
0xbf: {  	[tilespmem:$0xBE8] =	vst v0  }
0xc0: {  	[tilespmem:$0xBF8] =	vst v0  }
0xc1: {  	[tilespmem:$0xC08] =	vst v0  }
0xc2: {  	[tilespmem:$0xC18] =	vst v0  }
0xc3: {  	[tilespmem:$0xC28] =	vst v0  }
0xc4: {  	[tilespmem:$0xC38] =	vst v0  }
0xc5: {  	[tilespmem:$0xC48] =	vst v0  }
0xc6: {  	[tilespmem:$0xC58] =	vst v0  }
0xc7: {  	[tilespmem:$0xC68] =	vst v0  }
0xc8: {  	[tilespmem:$0xC78] =	vst v0  }
0xc9: {  	[tilespmem:$0xC88] =	vst v0  }
0xca: {  	[tilespmem:$0xC98] =	vst v0  }
0xcb: {  	[tilespmem:$0xCA8] =	vst v0  }
0xcc: {  	[tilespmem:$0xCB8] =	vst v0  }
0xcd: {  	[tilespmem:$0xCC8] =	vst v0  }
0xce: {  	[tilespmem:$0xCD8] =	vst v0  }
0xcf: {  	[tilespmem:$0xCE8] =	vst v0  }
0xd0: {  	[tilespmem:$0xCF8] =	vst v0  }
0xd1: {  	[tilespmem:$0xD08] =	vst v0  }
0xd2: {  	[tilespmem:$0xD18] =	vst v0  }
0xd3: {  	[tilespmem:$0xD28] =	vst v0  }
0xd4: {  	[tilespmem:$0xD38] =	vst v0  }
0xd5: {  	[tilespmem:$0xD48] =	vst v0  }
0xd6: {  	[tilespmem:$0xD58] =	vst v0  }
0xd7: {  	[tilespmem:$0xD68] =	vst v0  }
0xd8: {  	[tilespmem:$0xD78] =	vst v0  }
0xd9: {  	[tilespmem:$0xD88] =	vst v0  }
0xda: {  	[tilespmem:$0xD98] =	vst v0  }
0xdb: {  	[tilespmem:$0xDA8] =	vst v0  }
0xdc: {  	[tilespmem:$0xDB8] =	vst v0  }
0xdd: {  	[tilespmem:$0xDC8] =	vst v0  }
0xde: {  	[tilespmem:$0xDD8] =	vst v0  }
0xdf: {  	[tilespmem:$0xDE8] =	vst v0  }
0xe0: {  	[tilespmem:$0xDF8] =	vst v0  }
0xe1: {  	[tilespmem:$0xE08] =	vst v0  }
0xe2: {  	[tilespmem:$0xE18] =	vst v0  }
0xe3: {  	[tilespmem:$0xE28] =	vst v0  }
0xe4: {  	[tilespmem:$0xE38] =	vst v0  }
0xe5: {  	[tilespmem:$0xE48] =	vst v0  }
0xe6: {  	[tilespmem:$0xE58] =	vst v0  }
0xe7: {  	[tilespmem:$0xE68] =	vst v0  }
0xe8: {  	[tilespmem:$0xE78] =	vst v0  }
0xe9: {  	[tilespmem:$0xE88] =	vst v0  }
0xea: {  	[tilespmem:$0xE98] =	vst v0  }
0xeb: {  	[tilespmem:$0xEA8] =	vst v0  }
0xec: {  	[tilespmem:$0xEB8] =	vst v0  }
0xed: {  	[tilespmem:$0xEC8] =	vst v0  }
0xee: {  	[tilespmem:$0xED8] =	vst v0  }
0xef: {  	[tilespmem:$0xEE8] =	vst v0  }
0xf0: {  	[tilespmem:$0xEF8] =	vst v0  }
0xf1: {  	[tilespmem:$0xF08] =	vst v0  }
0xf2: {  	[tilespmem:$0xF18] =	vst v0  }
0xf3: {  	[tilespmem:$0xF28] =	vst v0  }
0xf4: {  	[tilespmem:$0xF38] =	vst v0  }
0xf5: {  	[tilespmem:$0xF48] =	vst v0  }
0xf6: {  	[tilespmem:$0xF58] =	vst v0  }
0xf7: {  	[tilespmem:$0xF68] =	vst v0  }
0xf8: {  	[tilespmem:$0xF78] =	vst v0  }
0xf9: {  	[tilespmem:$0xF88] =	vst v0  }
0xfa: {  	[tilespmem:$0xF98] =	vst v0  }
0xfb: {  	[tilespmem:$0xFA8] =	vst v0  }
0xfc: {  	[tilespmem:$0xFB8] =	vst v0  }
0xfd: {  	[tilespmem:$0xFC8] =	vst v0  }
0xfe: {  	[tilespmem:$0xFD8] =	vst v0  }
0xff: {  	[tilespmem:$0xFE8] =	vst v0  }
0x100: {  	[tilespmem:$0xFF8] =	vst v0  }
0x101: {  	[tilespmem:$0x1018] =	vst v0  }
0x102: {  	[tilespmem:$0x10D8] =	vst v0  }
0x103: {  	[tilespmem:$0x1B28] =	vst v0  }
0x104: {  	[tilespmem:$0x1B18] =	vst v0  }
0x105: {  	[tilespmem:$0x1B08] =	vst v0  }
0x106: {  	[tilespmem:$0x1AF8] =	vst v0  }
0x107: {  	[tilespmem:$0x1AE8] =	vst v0  }
0x108: {  	[tilespmem:$0x1AD8] =	vst v0  }
0x109: {  	[tilespmem:$0x1AC8] =	vst v0  }
0x10a: {  	[tilespmem:$0x1AB8] =	vst v0  }
0x10b: {  	[tilespmem:$0x1AA8] =	vst v0  }
0x10c: {  	[tilespmem:$0x1A98] =	vst v0  }
0x10d: {  	[tilespmem:$0x1A88] =	vst v0  }
0x10e: {  	[tilespmem:$0x1A78] =	vst v0  }
0x10f: {  	[tilespmem:$0x1A68] =	vst v0  }
0x110: {  	[tilespmem:$0x1A58] =	vst v0  }
0x111: {  	[tilespmem:$0x1A48] =	vst v0  }
0x112: {  	[tilespmem:$0x1A38] =	vst v0  }
0x113: {  	[tilespmem:$0x1A28] =	vst v0  }
0x114: {  	[tilespmem:$0x1A18] =	vst v0  }
0x115: {  	[tilespmem:$0x1A08] =	vst v0  }
0x116: {  	[tilespmem:$0x19F8] =	vst v0  }
0x117: {  	[tilespmem:$0x19E8] =	vst v0  }
0x118: {  	[tilespmem:$0x19D8] =	vst v0  }
0x119: {  	[tilespmem:$0x19C8] =	vst v0  }
0x11a: {  	[tilespmem:$0x19B8] =	vst v0  }
0x11b: {  	[tilespmem:$0x19A8] =	vst v0  }
0x11c: {  	[tilespmem:$0x1998] =	vst v0  }
0x11d: {  	[tilespmem:$0x1988] =	vst v0  }
0x11e: {  	[tilespmem:$0x1978] =	vst v0  }
0x11f: {  	[tilespmem:$0x1968] =	vst v0  }
0x120: {  	[tilespmem:$0x1958] =	vst v0  }
0x121: {  	[tilespmem:$0x1948] =	vst v0  }
0x122: {  	[tilespmem:$0x1938] =	vst v0  }
0x123: {  	[tilespmem:$0x1928] =	vst v0  }
0x124: {  	[tilespmem:$0x1918] =	vst v0  }
0x125: {  	[tilespmem:$0x1908] =	vst v0  }
0x126: {  	[tilespmem:$0x18F8] =	vst v0  }
0x127: {  	[tilespmem:$0x18E8] =	vst v0  }
0x128: {  	[tilespmem:$0x18D8] =	vst v0  }
0x129: {  	[tilespmem:$0x18C8] =	vst v0  }
0x12a: {  	[tilespmem:$0x18B8] =	vst v0  }
0x12b: {  	[tilespmem:$0x18A8] =	vst v0  }
0x12c: {  	[tilespmem:$0x1898] =	vst v0  }
0x12d: {  	[tilespmem:$0x1888] =	vst v0  }
0x12e: {  	[tilespmem:$0x1878] =	vst v0  }
0x12f: {  	[tilespmem:$0x1868] =	vst v0  }
0x130: {  	[tilespmem:$0x1858] =	vst v0  }
0x131: {  	[tilespmem:$0x1848] =	vst v0  }
0x132: {  	[tilespmem:$0x1838] =	vst v0  }
0x133: {  	[tilespmem:$0x1828] =	vst v0  }
0x134: {  	[tilespmem:$0x1818] =	vst v0  }
0x135: {  	[tilespmem:$0x1808] =	vst v0  }
0x136: {  	[tilespmem:$0x17F8] =	vst v0  }
0x137: {  	[tilespmem:$0x17E8] =	vst v0  }
0x138: {  	[tilespmem:$0x17D8] =	vst v0  }
0x139: {  	[tilespmem:$0x17C8] =	vst v0  }
0x13a: {  	[tilespmem:$0x17B8] =	vst v0  }
0x13b: {  	[tilespmem:$0x17A8] =	vst v0  }
0x13c: {  	[tilespmem:$0x1798] =	vst v0  }
0x13d: {  	[tilespmem:$0x1788] =	vst v0  }
0x13e: {  	[tilespmem:$0x1778] =	vst v0  }
0x13f: {  	[tilespmem:$0x1768] =	vst v0  }
0x140: {  	[tilespmem:$0x1758] =	vst v0  }
0x141: {  	[tilespmem:$0x1748] =	vst v0  }
0x142: {  	[tilespmem:$0x1738] =	vst v0  }
0x143: {  	[tilespmem:$0x1728] =	vst v0  }
0x144: {  	[tilespmem:$0x1718] =	vst v0  }
0x145: {  	[tilespmem:$0x1708] =	vst v0  }
0x146: {  	[tilespmem:$0x16F8] =	vst v0  }
0x147: {  	[tilespmem:$0x16E8] =	vst v0  }
0x148: {  	[tilespmem:$0x16D8] =	vst v0  }
0x149: {  	[tilespmem:$0x16C8] =	vst v0  }
0x14a: {  	[tilespmem:$0x16B8] =	vst v0  }
0x14b: {  	[tilespmem:$0x16A8] =	vst v0  }
0x14c: {  	[tilespmem:$0x1698] =	vst v0  }
0x14d: {  	[tilespmem:$0x1688] =	vst v0  }
0x14e: {  	[tilespmem:$0x1678] =	vst v0  }
0x14f: {  	[tilespmem:$0x1668] =	vst v0  }
0x150: {  	[tilespmem:$0x1658] =	vst v0  }
0x151: {  	[tilespmem:$0x1648] =	vst v0  }
0x152: {  	[tilespmem:$0x1638] =	vst v0  }
0x153: {  	[tilespmem:$0x1628] =	vst v0  }
0x154: {  	[tilespmem:$0x1618] =	vst v0  }
0x155: {  	[tilespmem:$0x1608] =	vst v0  }
0x156: {  	[tilespmem:$0x15F8] =	vst v0  }
0x157: {  	[tilespmem:$0x15E8] =	vst v0  }
0x158: {  	[tilespmem:$0x15D8] =	vst v0  }
0x159: {  	[tilespmem:$0x15C8] =	vst v0  }
0x15a: {  	[tilespmem:$0x15B8] =	vst v0  }
0x15b: {  	[tilespmem:$0x15A8] =	vst v0  }
0x15c: {  	[tilespmem:$0x1598] =	vst v0  }
0x15d: {  	[tilespmem:$0x1588] =	vst v0  }
0x15e: {  	[tilespmem:$0x1578] =	vst v0  }
0x15f: {  	[tilespmem:$0x1568] =	vst v0  }
0x160: {  	[tilespmem:$0x1558] =	vst v0  }
0x161: {  	[tilespmem:$0x1548] =	vst v0  }
0x162: {  	[tilespmem:$0x1538] =	vst v0  }
0x163: {  	[tilespmem:$0x1528] =	vst v0  }
0x164: {  	[tilespmem:$0x1518] =	vst v0  }
0x165: {  	[tilespmem:$0x1508] =	vst v0  }
0x166: {  	[tilespmem:$0x14F8] =	vst v0  }
0x167: {  	[tilespmem:$0x14E8] =	vst v0  }
0x168: {  	[tilespmem:$0x14D8] =	vst v0  }
0x169: {  	[tilespmem:$0x14C8] =	vst v0  }
0x16a: {  	[tilespmem:$0x14B8] =	vst v0  }
0x16b: {  	[tilespmem:$0x14A8] =	vst v0  }
0x16c: {  	[tilespmem:$0x1498] =	vst v0  }
0x16d: {  	[tilespmem:$0x1488] =	vst v0  }
0x16e: {  	[tilespmem:$0x1478] =	vst v0  }
0x16f: {  	[tilespmem:$0x1468] =	vst v0  }
0x170: {  	[tilespmem:$0x1458] =	vst v0  }
0x171: {  	[tilespmem:$0x1448] =	vst v0  }
0x172: {  	[tilespmem:$0x1438] =	vst v0  }
0x173: {  	[tilespmem:$0x1428] =	vst v0  }
0x174: {  	[tilespmem:$0x1418] =	vst v0  }
0x175: {  	[tilespmem:$0x1408] =	vst v0  }
0x176: {  	[tilespmem:$0x13F8] =	vst v0  }
0x177: {  	[tilespmem:$0x13E8] =	vst v0  }
0x178: {  	[tilespmem:$0x13D8] =	vst v0  }
0x179: {  	[tilespmem:$0x13C8] =	vst v0  }
0x17a: {  	[tilespmem:$0x13B8] =	vst v0  }
0x17b: {  	[tilespmem:$0x13A8] =	vst v0  }
0x17c: {  	[tilespmem:$0x1398] =	vst v0  }
0x17d: {  	[tilespmem:$0x1388] =	vst v0  }
0x17e: {  	[tilespmem:$0x1378] =	vst v0  }
0x17f: {  	[tilespmem:$0x1368] =	vst v0  }
0x180: {  	[tilespmem:$0x1358] =	vst v0  }
0x181: {  	[tilespmem:$0x1348] =	vst v0  }
0x182: {  	[tilespmem:$0x1338] =	vst v0  }
0x183: {  	[tilespmem:$0x1328] =	vst v0  }
0x184: {  	[tilespmem:$0x1318] =	vst v0  }
0x185: {  	[tilespmem:$0x1308] =	vst v0  }
0x186: {  	[tilespmem:$0x12F8] =	vst v0  }
0x187: {  	[tilespmem:$0x12E8] =	vst v0  }
0x188: {  	[tilespmem:$0x12D8] =	vst v0  }
0x189: {  	[tilespmem:$0x12C8] =	vst v0  }
0x18a: {  	[tilespmem:$0x12B8] =	vst v0  }
0x18b: {  	[tilespmem:$0x12A8] =	vst v0  }
0x18c: {  	[tilespmem:$0x1298] =	vst v0  }
0x18d: {  	[tilespmem:$0x1288] =	vst v0  }
0x18e: {  	[tilespmem:$0x1278] =	vst v0  }
0x18f: {  	[tilespmem:$0x1268] =	vst v0  }
0x190: {  	[tilespmem:$0x1258] =	vst v0  }
0x191: {  	[tilespmem:$0x1248] =	vst v0  }
0x192: {  	[tilespmem:$0x1238] =	vst v0  }
0x193: {  	[tilespmem:$0x1228] =	vst v0  }
0x194: {  	[tilespmem:$0x1218] =	vst v0  }
0x195: {  	[tilespmem:$0x1208] =	vst v0  }
0x196: {  	[tilespmem:$0x11F8] =	vst v0  }
0x197: {  	[tilespmem:$0x11E8] =	vst v0  }
0x198: {  	[tilespmem:$0x11D8] =	vst v0  }
0x199: {  	[tilespmem:$0x11C8] =	vst v0  }
0x19a: {  	[tilespmem:$0x11B8] =	vst v0  }
0x19b: {  	[tilespmem:$0x11A8] =	vst v0  }
0x19c: {  	[tilespmem:$0x1198] =	vst v0  }
0x19d: {  	[tilespmem:$0x1188] =	vst v0  }
0x19e: {  	[tilespmem:$0x1178] =	vst v0  }
0x19f: {  	[tilespmem:$0x1168] =	vst v0  }
0x1a0: {  	[tilespmem:$0x1158] =	vst v0  }
0x1a1: {  	[tilespmem:$0x1148] =	vst v0  }
0x1a2: {  	[tilespmem:$0x1138] =	vst v0  }
0x1a3: {  	[tilespmem:$0x1128] =	vst v0  }
0x1a4: {  	[tilespmem:$0x1118] =	vst v0  }
0x1a5: {  	s2 =	stileid.u32;
	[tilespmem:$0x1108] =	vst v0  }
0x1a6: {  	s0 =	smul.u32 $0x2F, s2;
	[tilespmem:$0x10F8] =	vst v0  }
0x1a7: {  	s1 =	smin.u32 s2, $0xC;
	[tilespmem:$0x10E8] =	vst v0  }
0x1a8: {  	[tilespmem:$0x10B8] =	vst v0;
	s0 =	sadd.s32 s1, s0  }
0x1a9: {  	p0 =	slt.u32 s2, $0xC;
	[tilespmem:$0x10C8] =	vst v0;
	s1 =	simm.s32 $0x5100;
	s3 =	smul.u32 $0x1B0, s0  }
0x1aa: {  	s1 =	simm.s32 @!p0 $0x4F50;
	[tilespmem:$0x10A8] =	vst v0  }
0x1ab: {  	[tilespmem:$0x1038] =	vst v0;
	s0 =	sadd.s32 s1, s3  }
0x1ac: {  	[tilespmem:$0x1098] =	vst v0;
	s4 =	smin.u32 s0, $0x50910  }
0x1ad: {  	[tilespmem:$0x1088] =	vst v0;
	s0 =	ssub.s32 s4, s3  }
0x1ae: {  	s5 =	simm.s32 $0x2;
	[tilespmem:$0x1078] =	vst v0;
	p0 =	sgt.s32 s0, $0x0  }
0x1af: {  	s29 =	simm.s32 $0x7;
	s13 =	simm.s32 $0x8;
	[tilespmem:$0x1068] =	vst v0;
	s0 =	simm.s32 @!p0 $0x0  }
0x1b0: {  	s30 =	simm.s32 $0x9;
	p4 =	por $0x0, $0x0;
	[tilespmem:$0x1058] =	vst v0;
	s6 =	smulhi.u32 $0x4BDA12F7, s0  }
0x1b1: {  	s14 =	simm.s32 $0xA;
	s18 =	simm.s32 $0x0;
	s15 =	simm.s32 $0x0;
	[tilespmem:$0x1048] =	vst v0  }
0x1b2: {  	s17 =	simm.s32 $0x0;
	s7 =	sadd.s32 $0x59DC00, s8;
	[tilespmem:$0x1028] =	vst v0;
	s12 =	sshrl.u32 s6, $0x7  }
0x1b3: {  	s31 =	sshll.u32 s2, $0x5;
	[tilespmem:$0x1008] =	vst v0;
	[sflag:s5] =	ssyncpa.u1 $0x0;
	v0 =	vimm.s32 $0xFFFFFFFF;
	s10 =	smul.u32 $0x1B0, s12  }
.Ltmp0:
0x1b4: {  	[dreg:$0x2] =	wrdreg s31;
	[tilespmem:$0x3648] =	vst v0;
	[sflag:s29] =	ssyncpa.u1 $0x0;
	(pc) =	sbr.rel .LBB2_1-.Ltmp0, $4  }
0x1b5: {  	[sflag:s13] =	ssyncpa.u1 $0x0;
	s13 =	simm.s32 $0x0;
	p0 =	sne.s32 s0, s10  }
0x1b6: {  	[sflag:s30] =	ssyncpa.u1 $0x0;
	s1 =	sadd.s32 $0xF5800, s8;
	s11 =	simm.s32 @!p0 $0x0  }
0x1b7: {  	s16 =	smov.u32 s3;
	s6 =	sadd.s32 $0x562600, s8;
	s11 =	sadd.s32 s11, s12  }
0x1b8: {  	v0 =	vlaneseq.u32;
	s8 =	sadd.s32 $0x56C800, s8;
	p0 =	por $0x1, $0x1;
	s12 =	sadd.s32 $0x1, s11  }
.LBB2_18:
0x1b9: {  	s0 =	simm.s32 $0x2  }
0x1ba: {  	_ =	swait.ge [sflag:s0], $0x0  }
0x1bb: {  	[sflag:s0] =	ssyncset.done $0x0;
	s0 =	simm.s32 $0x0  }
.LBB2_19:
0x1bc: {  	_ =	swait.ge [sflag:s14], s0  }
0x1bd: {  	s31 =	ssub.s32 $0x0, s0;
	v1 =	vmov s20;
	vm0 =	veq.s32 v0, $0x0;
	[sflag:s14] =	ssyncset.done $0x0  }
0x1be: {  	vm15 =	veq.s32 v0, $0x2;
	v1 =	vsel vm0, s24, v1;
	[sflag:s14] =	ssyncadd.s32 s31  }
0x1bf: {  	v1 =	vsel vm15, s18, v1;
	[sflag:s14] =	ssyncpa.u1 $0x1  }
0x1c0: {  	[tilespmem:$0x3648] =	vst v1  }
.LBB2_20:
0x1c1: {  	s0 =	sadd.s32 $0x1B0, s16  }
0x1c2: {  	s2 =	smov.u32 s3;
	p1 =	slt.s32 s0, s4  }
0x1c3: {  	s2 =	smov.u32 @p1 s0;
	p1 =	sne.s32 s17, s12  }
.Ltmp1:
0x1c4: {  	_ = 	snop;
	(pc) =	sbr.rel @!p1 .LBB2_21-.Ltmp1, $4  }
0x1c5: {  	_ = 	snop  }
0x1c6: {  	s18 =	smov.u32 s15  }
0x1c7: {  	s31 =	sadd.s32 $0x1, s17;
	s15 =	smov.u32 s16;
	p0 =	por !p0, !p0  }
0x1c8: {  	p4 =	por !p4, !p4;
	s17 =	smov.u32 s31;
	s16 =	smov.u32 s2  }
.LBB2_1:
0x1c9: {  	p2 =	sge.u32 s17, s11  }
0x1ca: {  	s0 =	smulhi.u32 @!p2 $0xAAAAAAAB, s17  }
0x1cb: {  	s19 =	smov.u32 s16;
	p3 =	sgt.s32 @!p2 s16, $0x50760  }
0x1cc: {  	s20 =	sshra.s32 @!p2 s16, $0x1F;
	p3 =	por !p3, p2;
	s0 =	sshrl.u32 @!p2 s0, $0x1  }
0x1cd: {  	s20 =	sand.u32 @!p2 s20, s16;
	s19 =	simm.s32 @p3 $0x50760;
	s0 =	smul.u32 @!p2 $0x3, s0  }
0x1ce: {  	s19 =	ssub.s32 @!p2 s19, s20  }
0x1cf: {  	s19 =	sadd.s32 @!p2 $0xFFFAF8A0, s19;
	s0 =	ssub.s32 @!p2 s17, s0  }
0x1d0: {  	s20 =	sshll.u32 @!p2 s19, $0x2;
	p3 =	sgt.s32 @!p2 s19, $0x1AF;
	s0 =	smul.u32 @!p2 $0x6C0, s0  }
0x1d1: {  	s21 =	sand.u32 @!p2 $0x7, s16;
	s19 =	ssub.s32 @!p2 $0x6C0, s20;
	p3 =	por !p3, p2  }
0x1d2: {  	s20 =	sshrl.u32 @!p2 s16, $0x3;
	s19 =	sshrl.u32 @!p2 s19, $0x2;
	s0 =	sshrl.u32 @!p2 s0, $0x2  }
0x1d3: {  	s20 =	sadd.s32 @!p2 s8, s20;
	s19 =	simm.s32 @!p3 $0x0;
	s0 =	sadd.s32 @!p2 $0x3878, s0  }
0x1d4: {  	[tilespmem:s0], [sflag:$0x8] =	stream.linear.gather @!p2 [hbm4b:s20+s21], s19, $0x38;
	[tilespmem:$0x1F0E8] =	vst v63  }
0x1d5: {  	s20 =	sadd.s32 $0xFFFFFFFF, s17  }
0x1d6: {  	p2 =	sge.u32 s20, s11  }
0x1d7: {  	p3 =	sgt.s32 @!p2 s15, $0x50760  }
0x1d8: {  	s0 =	smov.u32 s15;
	s19 =	sshra.s32 @!p2 s15, $0x1F;
	p3 =	por !p3, p2  }
0x1d9: {  	s19 =	sand.u32 @!p2 s19, s15;
	s0 =	simm.s32 @p3 $0x50760  }
0x1da: {  	s0 =	ssub.s32 @!p2 s0, s19  }
0x1db: {  	s0 =	sadd.s32 @!p2 $0xFFFAF8A0, s0  }
0x1dc: {  	s19 =	sshll.u32 @!p2 s0, $0x2  }
0x1dd: {  	p3 =	sgt.s32 @!p2 s0, $0x1AF;
	s0 =	ssub.s32 @!p2 $0x6C0, s19  }
0x1de: {  	p3 =	por !p3, p2;
	s0 =	sshrl.u32 @!p2 s0, $0x2  }
0x1df: {  	s21 =	simm.s32 @!p2 $0x8;
	s19 =	sand.u32 @!p2 $0x1, s20;
	s0 =	simm.s32 @!p3 $0x0  }
0x1e0: {  	s19 =	smul.u32 @!p2 $0x6C0, s19;
	_ =	swait.ge @!p2 [sflag:s21], s0  }
0x1e1: {  	s22 =	ssub.s32 @!p2 $0x0, s0;
	[sflag:s21] =	ssyncset.done @!p2 $0x0  }
0x1e2: {  	s19 =	sshrl.u32 @!p2 s19, $0x2;
	[sflag:s21] =	ssyncadd.s32 @!p2 s22;
	s21 =	sshrl.u32 @!p2 s15, $0x3  }
0x1e3: {  	s19 =	sadd.s32 @!p2 $0x3D88, s19;
	s22 =	sand.u32 @!p2 $0x7, s15;
	s21 =	sadd.s32 @!p2 s6, s21  }
0x1e4: {  	[tilespmem:s19], [sflag:$0x9] =	stream.linear.gather @!p2 [hbm4b:s21+s22], s0, $0x38;
	[tilespmem:$0x1F0E8] =	vst v63  }
0x1e5: {  	s19 =	ssub.s32 @!p2 $0x50910, s15  }
0x1e6: {  	p3 =	slt.s32 @!p2 s19, $0x1  }
0x1e7: {  	p3 =	por p2, p3  }
.Ltmp2:
0x1e8: {  	_ = 	snop;
	(pc) =	sbr.rel @p3 .LBB2_7-.Ltmp2, $1  }
0x1e9: {  	_ =	sdelay $0x3  }
0x1ea: {  	s0 =	smulhi.u32 $0xAAAAAAAB, s20;
	_ =	sdelay $0x1  }
0x1eb: {  	s0 =	sshrl.u32 s0, $0x1  }
0x1ec: {  	s0 =	smul.u32 $0x3, s0;
	_ =	sdelay $0x1  }
0x1ed: {  	s0 =	ssub.s32 s20, s0  }
0x1ee: {  	s21 =	simm.s32 $0x1;
	s0 =	smul.u32 $0x6C0, s0  }
.Ltmp3:
0x1ef: {  	s21 =	simm.s32 @!p0 $0x0;
	(pc) =	sbr.rel .LBB2_4-.Ltmp3, $4  }
0x1f0: {  	s31 =	smul.u32 $0x36000, s21  }
0x1f1: {  	p3 =	slt.s32 @!p2 s19, $0x1B0;
	s0 =	sshrl.u32 s0, $0x2  }
0x1f2: {  	p2 =	por !p3, p2;
	s20 =	sshrl.u32 s31, $0x2;
	s0 =	sadd.s32 $0x3878, s0  }
0x1f3: {  	s19 =	simm.s32 @p2 $0x1B0;
	s21 =	simm.s32 $0x0;
	s20 =	sadd.s32 $0x40E8, s20;
	v1 =	vmov s0  }
.LBB2_3:
0x1f4: {  	p2 =	sge.s32 s21, s19  }
.Ltmp4:
0x1f5: {  	_ = 	snop;
	(pc) =	sbr.rel @p2 .LBB2_7-.Ltmp4, $2  }
0x1f6: {  	_ =	sdelay $0x2  }
0x1f7: {  	s20 =	sadd.s32 $0x800, s20  }
.LBB2_4:
0x1f8: {  	p2 =	sle.s32 s19, s21  }
.Ltmp5:
0x1f9: {  	_ = 	snop;
	(pc) =	sbr.rel @p2 .LBB2_3-.Ltmp5, $2  }
0x1fa: {  	_ =	sdelay $0x2  }
0x1fb: {  	s22 =	smov.u32 s21;
	s21 =	sadd.s32 $0x10, s21  }
0x1fc: {  	s0 =	ssub.s32 s19, s22  }
0x1fd: {  	p2 =	slt.s32 s0, $0x10  }
0x1fe: {  	s0 =	simm.s32 @!p2 $0x10  }
0x1ff: {  	v2 =	vmov s0  }
0x200: {  	vm0 =	vgt.s32 v2, v0;
	_ =	sdelay $0x5  }
0x201: {  	v2 =	vld.idx.msk [tilespmem:v1+s22+$0x0 ss:$0x1], vm0;
	_ =	sdelay $0x2  }
0x202: {  	s23 =	smov.u32 s19;
	p2 =	slt.s32 s21, s19  }
0x203: {  	s24 =	smov.u32 s20;
	s25 =	simm.s32 $0x0;
	s23 =	smov.u32 @p2 s21  }
.LBB2_6:
0x204: {  	(v2sf) =	vpush v2, s25;
	_ =	sdelay $0xc  }
0x205: {  	s25 =	sadd.s32 $0x1, s25  }
0x206: {  	s31 =	sadd.s32 s25, s22  }
0x207: {  	p2 =	slt.s32 s31, s23;
	s0 =	spop (v2sf)  }
.Ltmp6:
0x208: {  	s0 =	sshll.u32 s0, $0x4;
	(pc) =	sbr.rel @p2 .LBB2_6-.Ltmp6, $4  }
0x209: {  	s0 =	sand.u32 $0x1FFFFFF0, s0  }
0x20a: {  	s0 =	sadd.s32 s7, s0  }
0x20b: {  	[tilespmem:s24], [sflag:$0x7] =	stream.linear.gather [hbm4b:s0+s13], $0x4, $0x38;
	[tilespmem:$0x1F0E8] =	vst v63  }
0x20c: {  	s24 =	sadd.s32 $0x80, s24  }
.Ltmp7:
0x20d: {  	_ = 	snop;
	(pc) =	sbr.rel .LBB2_3-.Ltmp7, $1  }
0x20e: {  	_ =	sdelay $0x3  }
.LBB2_7:
0x20f: {  	p2 =	slt.u32 s17, $0x2  }
.Ltmp8:
0x210: {  	_ = 	snop;
	(pc) =	sbr.rel @p2 .LBB2_20-.Ltmp8, $1  }
0x211: {  	_ =	sdelay $0x3  }
0x212: {  	p2 =	sgt.s32 s18, $0x50760;
	s0 =	smov.u32 s18  }
0x213: {  	s19 =	sshra.s32 s18, $0x1F;
	s20 =	ssub.s32 $0x50910, s18;
	s0 =	simm.s32 @!p2 $0x50760  }
0x214: {  	s19 =	sand.u32 s19, s18;
	p2 =	slt.s32 s20, $0x1B0;
	s21 =	smov.u32 s20  }
0x215: {  	s0 =	ssub.s32 s0, s19;
	s21 =	simm.s32 @!p2 $0x1B0  }
0x216: {  	s0 =	sadd.s32 $0xFFFAF8A0, s0;
	s26 =	sshll.u32 s21, $0x2  }
0x217: {  	s2 =	simm.s32 $0x7;
	s28 =	sshll.u32 s0, $0x2;
	s19 =	sand.u32 $0x3FFFFFFC, s26  }
0x218: {  	p2 =	sgt.s32 s0, $0x1AF;
	s29 =	ssub.s32 $0x6C0, s28;
	_ =	swait.ge [sflag:s2], s19  }
0x219: {  	s19 =	ssub.s32 $0x0, s19;
	[sflag:s2] =	ssyncset.done $0x0;
	s0 =	sshrl.u32 s29, $0x2  }
0x21a: {  	s30 =	simm.s32 $0x9;
	[sflag:s2] =	ssyncadd.s32 s19;
	s0 =	simm.s32 @p2 $0x0  }
0x21b: {  	_ =	swait.ge [sflag:s30], s0  }
0x21c: {  	s0 =	ssub.s32 $0x0, s0;
	[sflag:s30] =	ssyncset.done $0x0  }
0x21d: {  	[sflag:s30] =	ssyncadd.s32 s0  }
0x21e: {  	v1 =	vld [tilespmem:$0x3648];
	_ =	sdelay $0x4  }
0x21f: {  	(v2sf) =	vpush v1, $0x0  }
0x220: {  	(v2sf) =	vpush v1, $0x1  }
0x221: {  	(v2sf) =	vpush v1, $0x2;
	_ =	sdelay $0x3  }
0x222: {  	s0 =	sadd.s32 $0x1B0, s18  }
0x223: {  	p2 =	slt.s32 s4, s0  }
0x224: {  	s0 =	smov.u32 @p2 s4;
	p2 =	sgt.s32 s20, $0x0  }
0x225: {  	s22 =	ssub.s32 s0, s18;
	s20 =	simm.s32 @!p2 $0x0  }
0x226: {  	p2 =	slt.s32 s20, s22  }
0x227: {  	s22 =	smov.u32 @p2 s20  }
0x228: {  	s21 =	simm.s32 $0x1;
	p2 =	slt.s32 s22, $0x1  }
.Ltmp9:
0x229: {  	s21 =	simm.s32 @!p4 $0x0;
	(pc) =	sbr.rel @p2 .LBB2_12-.Ltmp9, $4  }
0x22a: {  	s31 =	smul.u32 $0x6C0, s21  }
0x22b: {  	s23 =	spop (v2sf)  }
0x22c: {  	s0 =	sshrl.u32 s31, $0x2;
	s25 =	spop (v2sf)  }
0x22d: {  	s19 =	sadd.s32 $0x3D88, s0;
	s18 =	spop (v2sf)  }
0x22e: {  	s0 =	smin.u32 s22, $0x10  }
0x22f: {  	v1 =	vmov s0  }
0x230: {  	p3 =	sgt.s32 s22, $0x10;
	vm1 =	vgt.u32 v1, v0  }
.Ltmp10:
0x231: {  	_ = 	snop;
	(pc) =	sbr.rel @!p3 .LBB2_11-.Ltmp10, $2  }
0x232: {  	_ =	sdelay $0x2  }
0x233: {  	s24 =	simm.s32 $0x10;
	s26 =	sadd.s32 $0xFFFFFFF0, s22;
	s20 =	smov.u32 s19;
	vm0 =	vmmov vm1  }
.LBB2_10:
0x234: {  	s0 =	smin.u32 s26, $0x10;
	s24 =	sadd.s32 $0x10, s24;
	v1 =	vld.msk [tilespmem:s20+$0x0 ss:$0x1], vm1  }
0x235: {  	v2 =	vmov s0;
	p3 =	slt.s32 s24, s22  }
0x236: {  	vm1 =	vgt.u32 v2, v0  }
.Ltmp11:
0x237: {  	(pc) =	sbr.rel @p3 .LBB2_10-.Ltmp11, $3  }
0x238: {  	_ =	sdelay $0x1  }
0x239: {  	v1 =	vshll.u32 v1, $0x4  }
0x23a: {  	s26 =	sadd.s32 $0xFFFFFFF0, s26;
	[tilespmem:s20+$0x0] =	vst.msk vm0, v1;
	s20 =	sadd.s32 $0x10, s20;
	vm0 =	vmmov vm1  }
.LBB2_11:
0x23b: {  	_ =	sdelay $0x4  }
0x23c: {  	v1 =	vld.msk [tilespmem:s20+$0x0 ss:$0x1], vm1;
	_ =	sdelay $0x4  }
0x23d: {  	v1 =	vshll.u32 v1, $0x4  }
0x23e: {  	[tilespmem:s20+$0x0] =	vst.msk vm0, v1  }
.LBB2_12:
0x23f: {  	s0 =	sand.u32 $0x1, s17  }
0x240: {  	s20 =	smul.u32 $0x1B0, s0  }
0x241: {  	p3 =	sne.s32 s25, $0xFFFFFFFF  }
0x242: {  	v1 =	vld.msk @!p3 [tilespmem:s20+$0x3D88], $0x1;
	_ =	sdelay $0x4  }
0x243: {  	(v2sf) =	vpush @!p3 v1, $0x0;
	_ =	sdelay $0x9  }
0x244: {  	s0 =	smul.u32 $0xD800, s0;
	_ =	sdelay $0x1  }
0x245: {  	v1 =	vld.msk @!p3 [tilespmem:s0+$0x40E8], $0xf  }
.Ltmp12:
0x246: {  	_ = 	snop;
	(pc) =	sbr.rel @p2 .LBB2_18-.Ltmp12, $4  }
0x247: {  	_ = 	snop  }
0x248: {  	s24 =	spop @!p3 (v2sf)  }
0x249: {  	s18 =	simm.s32 @!p3 $0x0;
	s0 =	simm.s32 @!p3 $0x28;
	s20 =	smov.u32 s24  }
0x24a: {  	[tilespmem:s0+$0x0] =	vst.msk @!p3 $0xf, v1;
	[sflag:s14] =	ssyncpa.u1 $0x0;
	s24 =	smov.u32 @p3 s23;
	s20 =	smov.u32 @p3 s25  }
0x24b: {  	v1 =	vld.msk [tilespmem:s19+$0x0], $0x1;
	_ =	sdelay $0x4  }
0x24c: {  	(v2sf) =	vpush v1, $0x0;
	_ =	sdelay $0xd  }
0x24d: {  	s0 =	simm.s32 @!p4 $0x0  }
0x24e: {  	s26 =	smul.u32 $0x36000, s21;
	s25 =	ssub.s32 $0x0, s22;
	s28 =	spop (v2sf)  }
0x24f: {  	s0 =	simm.s32 @p4 $0x1;
	s23 =	sadd.s32 $0x1, s25;
	p2 =	seq.s32 s24, s28  }
0x250: {  	[smem:$0x7FD] =	sst s0;
	s0 =	sshrl.u32 s26, $0x2;
	p3 =	sgt.s32 @!p2 s24, $0x0  }
0x251: {  	s21 =	sadd.s32 $0x40E8, s0;
	s0 =	smov.u32 s24;
	p3 =	por !p3, p2  }
0x252: {  	s0 =	simm.s32 @p3 $0x0;
	p3 =	seq.s32 s23, $0x0  }
.Ltmp13:
0x253: {  	_ = 	snop;
	(pc) =	sbr.rel @p3 .LBB2_15-.Ltmp13, $4  }
0x254: {  	_ = 	snop  }
0x255: {  	s22 =	simm.s32 $0x0;
	s29 =	simm.s32 @!p2 $0x1;
	s0 =	smin.u32 @!p2 s0, $0x270FF  }
0x256: {  	s30 =	simm.s32 @!p2 $0x1B38;
	s29 =	smov.u32 @p2 s22;
	s26 =	sand.u32 @!p2 $0x3FFF8, s0  }
0x257: {  	s31 =	sand.u32 @!p2 $0x7, s0;
	s0 =	sadd.s32 @!p2 s1, s26;
	s26 =	sadd.s32 $0x1, s19  }
.LBB2_14:
0x258: {  	s2 =	smov.u32 s29  }
0x259: {  	[tilespmem:s30], [sflag:$0x2] =	stream.linear.gather @!p2 [hbm4b:s0+s31], $0x4, $0x38;
	[tilespmem:$0x1F0E8] =	vst v63  }
0x25a: {  	s23 =	sadd.s32 $0x1, s23;
	s0 =	smov.u32 s28;
	v1 =	vld.msk [tilespmem:s26+$0x0], $0x1  }
0x25b: {  	p3 =	seq.s32 s23, $0x0;
	_ =	sdelay $0x3  }
0x25c: {  	(v2sf) =	vpush v1, $0x0;
	_ =	sdelay $0xe  }
0x25d: {  	s28 =	spop (v2sf)  }
0x25e: {  	p2 =	seq.s32 s0, s28  }
0x25f: {  	p4 =	sgt.s32 @!p2 s0, $0x0;
	s30 =	sshll.u32 @!p2 s29, $0x6;
	s29 =	sadd.s32 @!p2 $0x1, s29  }
.Ltmp14:
0x260: {  	p4 =	por !p4, p2;
	s30 =	sshra.s32 @!p2 s30, $0x2;
	(pc) =	sbr.rel @!p3 .LBB2_14-.Ltmp14, $4  }
0x261: {  	s29 =	smov.u32 @p2 s2;
	s0 =	simm.s32 @p4 $0x0;
	s30 =	sadd.s32 @!p2 $0x1B38, s30  }
0x262: {  	s0 =	smin.u32 @!p2 s0, $0x270FF  }
0x263: {  	s2 =	sand.u32 @!p2 $0x3FFF8, s0;
	s31 =	sand.u32 @!p2 $0x7, s0  }
0x264: {  	s26 =	sadd.s32 $0x1, s26;
	s0 =	sadd.s32 @!p2 s1, s2  }
.LBB2_15:
0x265: {  	[tilespmem:s30], [sflag:$0x2] =	stream.linear.gather @!p2 [hbm4b:s0+s31], $0x4, $0x38;
	[tilespmem:$0x1F0E8] =	vst v63  }
0x266: {  	s31 =	sshll.u32 s29, $0x2  }
0x267: {  	s2 =	simm.s32 $0x2;
	s0 =	sand.u32 $0x3FFFFFFC, s31  }
0x268: {  	_ =	swait.ge [sflag:s2], s0  }
0x269: {  	s0 =	ssub.s32 $0x0, s0;
	[sflag:s2] =	ssyncset.done $0x0  }
0x26a: {  	[sflag:s2] =	ssyncadd.s32 s0  }
0x26b: {  	v1 =	vld.msk [tilespmem:s19+$0x0], $0x1;
	_ =	sdelay $0x4  }
0x26c: {  	(v2sf) =	vpush v1, $0x0;
	_ =	sdelay $0xe  }
0x26d: {  	s23 =	spop (v2sf)  }
0x26e: {  	p2 =	sne.s32 s24, s23  }
0x26f: {  	p4 =	sne.s32 @p2 s24, s20  }
0x270: {  	p3 =	por !p4, !p2  }
0x271: {  	s0 =	sshll.u32 @!p3 s18, $0x6;
	s2 =	simm.s32 @!p3 $0x0  }
0x272: {  	s0 =	sshra.s32 @!p3 s0, $0x2;
	v1 =	vld.msk @!p3 [tilespmem:s2+$0x1B38], $0xf  }
0x273: {  	v2 =	vld.msk @!p3 [tilespmem:s0+$0x28], $0xf;
	_ =	sdelay $0x1  }
0x274: {  	p5 =	sgt.u32 @!p3 s24, $0x270FF  }
0x275: {  	p6 =	por @p2 p5, !p4  }
0x276: {  	p1 =	por p6, !p2;
	p6 =	por p4, !p2  }
0x277: {  	s26 =	sadd.s32 @!p3 $0x28, s0;
	s2 =	sand.u32 @!p1 $0x3FFF8, s24;
	s28 =	sshll.u32 @!p6 s18, $0x6;
	v1 =	vmax.f32 @!p3 v1, v2  }
0x278: {  	s24 =	sand.u32 @!p1 $0x7, s24;
	s2 =	sadd.s32 @!p1 s1, s2;
	[tilespmem:s0+$0x28] =	vst.msk @!p3 $0xf, v1;
	s0 =	sshra.s32 @!p6 s28, $0x2  }
0x279: {  	[hbm4b:s2+s24] =	stream.linear.scatter @!p1 [tilespmem:s26], [sflag:$0xA], $0x4, $0x38;
	[tilespmem:$0x1F0E8] =	vst v63  }
0x27a: {  	s29 =	rddreg [dreg:$0x2];
	s0 =	sadd.s32 @!p6 $0x28, s0;
	s2 =	simm.s32 @!p6 $0x1  }
0x27b: {  	[spmem:s29] =	stream.linear.scatter @!p6 [tilespmem:s0], [sflag:$0x1], $0x4, $0x38;
	[tilespmem:$0x1F0E8] =	vst v63  }
0x27c: {  	s0 =	sadd.s32 @p2 $0x1, s18;
	_ =	swait.ge @!p6 [sflag:s2], $0x4  }
0x27d: {  	s24 =	sshrl.u32 @p2 s0, $0x4;
	[sflag:s2] =	ssyncset.done @!p6 $0x0  }
0x27e: {  	s26 =	smulhi.u32 @p2 $0x97B425F, s24;
	[sflag:s2] =	ssyncadd.s32 @!p6 $0xFFFFFFFC  }
0x27f: {  	v1 =	vld.msk @p2 [tilespmem:s21+$0x0], $0xf  }
0x280: {  	p1 =	por @p2 !p5, !p4;
	s24 =	sadd.s32 $0x1, s25;
	s2 =	smul.u32 @p2 $0x1B0, s26  }
0x281: {  	p1 =	por !p1, !p2;
	p6 =	seq.s32 s24, $0x0  }
.Ltmp15:
0x282: {  	s26 =	simm.s32 @!p3 $0x0;
	s0 =	ssub.s32 @p2 s0, s2;
	(pc) =	sbr.rel @p6 .LBB2_17-.Ltmp15, $4  }
0x283: {  	s26 =	simm.s32 @!p1 $0x10;
	s28 =	sshll.u32 @p2 s0, $0x4  }
0x284: {  	s29 =	simm.s32 @p2 $0x1;
	s2 =	sshll.u32 @!p2 s18, $0x6;
	s26 =	sadd.s32 @!p3 $0x0, s26;
	[tilespmem:s28+$0x28] =	vst.msk @p2 $0xf, v1  }
0x285: {  	s25 =	simm.s32 $0x0;
	s26 =	smov.u32 @p3 s22;
	s28 =	sshra.s32 @!p2 s2, $0x2;
	v1 =	vld.msk @!p2 [tilespmem:s21+$0x0], $0xf  }
0x286: {  	s25 =	smov.u32 @p2 s29;
	s18 =	smov.u32 @p2 s0;
	s22 =	smov.u32 @p2 s26;
	v2 =	vld.msk @!p2 [tilespmem:s28+$0x28], $0xf  }
.LBB2_16:
0x287: {  	_ =	sdelay $0x3  }
0x288: {  	v1 =	vmax.f32 @!p2 v1, v2  }
0x289: {  	s19 =	sadd.s32 $0x1, s19;
	[tilespmem:s28+$0x28] =	vst.msk @!p2 $0xf, v1  }
0x28a: {  	v1 =	vld.msk [tilespmem:s19+$0x0], $0x1;
	_ =	sdelay $0x4  }
0x28b: {  	(v2sf) =	vpush v1, $0x0;
	_ =	sdelay $0xe  }
0x28c: {  	s26 =	smov.u32 s23;
	s23 =	spop (v2sf)  }
0x28d: {  	p2 =	sne.s32 s26, s23  }
0x28e: {  	p5 =	sne.s32 @p2 s26, s20  }
0x28f: {  	s0 =	sadd.s32 @p2 $0x1, s18;
	p4 =	por !p5, !p2  }
0x290: {  	s28 =	sshll.u32 @!p2 s18, $0x6;
	s29 =	sadd.s32 @p2 $0x1, s25;
	s30 =	sshll.u32 @!p4 s25, $0x6  }
0x291: {  	s2 =	sshrl.u32 @p2 s0, $0x4;
	s31 =	sshll.u32 @!p4 s18, $0x6;
	s30 =	sshra.s32 @!p4 s30, $0x2  }
0x292: {  	p1 =	sgt.u32 @!p4 s26, $0x270FF;
	s2 =	smulhi.u32 @p2 $0x97B425F, s2;
	s31 =	sshra.s32 @!p4 s31, $0x2;
	v1 =	vld.msk @!p4 [tilespmem:s30+$0x1B38], $0xf  }
0x293: {  	s5 =	simm.s32 @!p4 $0x0;
	s25 =	smov.u32 @p2 s29;
	s29 =	rddreg [dreg:$0x2];
	v2 =	vld.msk @!p4 [tilespmem:s31+$0x28], $0xf  }
0x294: {  	p6 =	por @p2 p1, !p5;
	p1 =	por @p2 !p1, !p5;
	p5 =	por p5, !p2  }
0x295: {  	s30 =	sadd.s32 @!p4 $0x28, s31;
	p6 =	por p6, !p2;
	p1 =	por !p1, !p2  }
0x296: {  	s2 =	smul.u32 @p2 $0x1B0, s2;
	s10 =	sshll.u32 @!p5 s18, $0x6;
	s5 =	simm.s32 @!p1 $0x10  }
0x297: {  	s9 =	sand.u32 @!p6 $0x3FFF8, s26;
	s26 =	sand.u32 @!p6 $0x7, s26;
	s5 =	sadd.s32 @!p4 s5, s22  }
0x298: {  	s9 =	sadd.s32 @!p6 s1, s9;
	s0 =	ssub.s32 @p2 s0, s2;
	s5 =	smov.u32 @p4 s22;
	v1 =	vmax.f32 @!p4 v1, v2  }
0x299: {  	s2 =	sshll.u32 @p2 s0, $0x4;
	s22 =	smov.u32 @p2 s5;
	s5 =	sshra.s32 @!p5 s10, $0x2;
	[tilespmem:s31+$0x28] =	vst.msk @!p4 $0xf, v1  }
0x29a: {  	[hbm4b:s9+s26] =	stream.linear.scatter @!p6 [tilespmem:s30], [sflag:$0xA], $0x4, $0x38;
	[tilespmem:$0x1F0E8] =	vst v63  }
0x29b: {  	s18 =	smov.u32 @p2 s0;
	s0 =	sadd.s32 @!p5 $0x28, s5;
	s5 =	simm.s32 @!p5 $0x1  }
0x29c: {  	[spmem:s29] =	stream.linear.scatter @!p5 [tilespmem:s0], [sflag:$0x1], $0x4, $0x38;
	[tilespmem:$0x1F0E8] =	vst v63  }
0x29d: {  	_ =	swait.ge @!p5 [sflag:s5], $0x4  }
0x29e: {  	[sflag:s5] =	ssyncset.done @!p5 $0x0  }
0x29f: {  	s21 =	sadd.s32 $0x80, s21;
	[sflag:s5] =	ssyncadd.s32 @!p5 $0xFFFFFFFC  }
0x2a0: {  	v1 =	vld.msk @p2 [tilespmem:s21+$0x0], $0xf  }
0x2a1: {  	s24 =	sadd.s32 $0x1, s24  }
0x2a2: {  	p3 =	seq.s32 s24, $0x0  }
.Ltmp16:
0x2a3: {  	_ = 	snop;
	(pc) =	sbr.rel @!p3 .LBB2_16-.Ltmp16, $4  }
0x2a4: {  	_ = 	snop  }
0x2a5: {  	[tilespmem:s2+$0x28] =	vst.msk @p2 $0xf, v1  }
0x2a6: {  	s28 =	sshra.s32 @!p2 s28, $0x2;
	v1 =	vld.msk @!p2 [tilespmem:s21+$0x0], $0xf  }
0x2a7: {  	v2 =	vld.msk @!p2 [tilespmem:s28+$0x28], $0xf  }
.LBB2_17:
0x2a8: {  	_ = 	snop  }
.Ltmp17:
0x2a9: {  	_ = 	snop;
	(pc) =	sbr.rel .LBB2_19-.Ltmp17, $3  }
0x2aa: {  	s2 =	sld [smem:$0x7FD];
	_ =	sdelay $0x1  }
0x2ab: {  	v1 =	vmax.f32 @!p2 v1, v2  }
0x2ac: {  	s0 =	sshrl.u32 s22, $0x2;
	s24 =	smov.u32 s23;
	p4 =	seq.s32 s2, $0x1;
	[tilespmem:s28+$0x28] =	vst.msk @!p2 $0xf, v1  }
.LBB2_21:
0x2ad: {  	_ =	sfence.sel $0x180000  }
0x2ae: {  	s0 =	simm.s32 $0x7;
	[bflag:$0x0] =	sbarrier.arrive $0xFFFF  }
0x2af: {  	s25 =	simm.s32 $0x8;
	[sflag:s0] =	ssyncpa.u1 $0x1  }
0x2b0: {  	s26 =	simm.s32 $0x9;
	[sflag:s25] =	ssyncpa.u1 $0x1  }
0x2b1: {  	s28 =	simm.s32 $0x2;
	[sflag:s26] =	ssyncpa.u1 $0x1  }
0x2b2: {  	[sflag:s28] =	ssyncpa.u1 $0x1  }
0x2b3: {  	v0 =	vld [tilespmem:$0x3648];
	_ =	sdelay $0x4  }
0x2b4: {  	(v2sf) =	vpush v0, $0x0  }
0x2b5: {  	(v2sf) =	vpush v0, $0x1;
	_ =	sdelay $0x1  }
0x2b6: {  	(v2sf) =	vpush v0, $0x2;
	_ =	sdelay $0xb  }
0x2b7: {  	s0 =	spop (v2sf)  }
0x2b8: {  	s2 =	spop (v2sf)  }
0x2b9: {  	s3 =	smov.u32 s0;
	p0 =	sne.s32 s0, s2  }
0x2ba: {  	s4 =	spop (v2sf);
	s3 =	simm.s32 @!p0 $0xFFFFFFFF  }
0x2bb: {  	v2 =	vimm.s32 $0x1;
	v3 =	vlaneseq.u32;
	p0 =	seq.s32 s4, $0xFFFFFFFF;
	v1 =	vmov s3  }
0x2bc: {  	s7 =	stileid.u32;
	v0 =	vperm.xlane v0, v2;
	p1 =	sne.s32 @!p0 s0, s2;
	v1 =	vperm.xlane v1, v3  }
0x2bd: {  	vm0 =	vcmask $0x3F04;
	s6 =	simm.s32 $0x3648;
	s0 =	simm.s32 @!p0 $0x1;
	p1 =	por !p1, p0  }
0x2be: {  	s3 =	sshll.u32 s7, $0x1;
	s2 =	sshll.u32 @!p0 s4, $0x6;
	s0 =	simm.s32 @p1 $0x0;
	v0 =	vsel vm0, v1, v0  }
0x2bf: {  	s5 =	sor.u32 $0x200, s3;
	s2 =	sshra.s32 @!p0 s2, $0x2;
	s0 =	sor.u32 @!p0 s0, s3;
	[tilespmem:$0x3648] =	vst v0  }
0x2c0: {  	[spmem:s5] =	stream.linear.scatter [tilespmem:s6], [sflag:$0x1], $0x2, $0x38;
	[tilespmem:$0x1F0E8] =	vst v63  }
0x2c1: {  	s2 =	sadd.s32 @!p0 $0x28, s2;
	s0 =	sshll.u32 @!p0 s0, $0x4  }
0x2c2: {  	[spmem:s0] =	stream.linear.scatter @!p0 [tilespmem:s2], [sflag:$0x1], $0x10, $0x38;
	[tilespmem:$0x1F0E8] =	vst v63  }
0x2c3: {  	s0 =	simm.s32 @!p0 $0x12  }
0x2c4: {  	s3 =	simm.s32 $0x1;
	s0 =	simm.s32 @p0 $0x2  }
0x2c5: {  	_ =	swait.ge [sflag:s3], s0  }
0x2c6: {  	s0 =	ssub.s32 $0x0, s0;
	[sflag:s3] =	ssyncset.done $0x0  }
0x2c7: {  	[sflag:s3] =	ssyncadd.s32 s0  }
0x2c8: {  	_ =	sfence.stream.spmem  }
0x2c9: {  	s29 =	simm.s32 $0x3;
	[bflag:$0x0] =	sbarrier.arrive $0xFFFF  }
0x2ca: {  	s30 =	simm.s32 $0x4;
	[sflag:s29] =	ssyncpa.u1 $0x1  }
0x2cb: {  	s31 =	simm.s32 $0x3C;
	[sflag:s30] =	ssyncpa.u1 $0x1  }
0x2cc: {  	p0 =	sne.s32 s7, $0x0;
	[sflag:s31] =	ssyncpa.u1 $0x1  }
0x2cd: {  	_ =	sfence @p0  }
0x2ce: {  	[sflag:s3] =	ssyncpa.u1 @p0 $0x1  }
0x2cf: {  	_ =	strace @p0 $0x9000004D  }
0x2d0: {  	[bflag:$0x2] =	sbarrier.arrive @p0 $0xFFFF  }
0x2d1: {  	_ =	shalt @p0  }
.LBB2_22:
0x2d2: {  	_ =	sfence.stream.spmem;
	s0 =	simm.s32 $0x5  }
0x2d3: {  	s2 =	simm.s32 $0x200;
	s3 =	simm.s32 $0x3658;
	[sflag:s0] =	ssyncpa.u1 $0x0  }
0x2d4: {  	[tilespmem:s3], [sflag:$0x5] =	stream.linear.gather [spmem:s2], $0x20, $0x38;
	[tilespmem:$0x1F0E8] =	vst v63  }
0x2d5: {  	s30 =	simm.s32 $0x3678;
	s2 =	simm.s32 $0x0  }
0x2d6: {  	[tilespmem:s30], [sflag:$0x5] =	stream.linear.gather [spmem:s2], $0x200, $0x38;
	[tilespmem:$0x1F0E8] =	vst v63  }
.Ltmp18:
0x2d7: {  	_ = 	snop;
	(pc) =	sbr.rel .LBB2_23-.Ltmp18, $4  }
0x2d8: {  	_ =	swait.ge [sflag:s0], $0x220  }
0x2d9: {  	[sflag:s0] =	ssyncset.done $0x0  }
0x2da: {  	s31 =	simm.s32 $0x6;
	[sflag:s0] =	ssyncadd.s32 $0xFFFFFDE0  }
0x2db: {  	s3 =	simm.s32 $0x0;
	[sflag:s31] =	ssyncpa.u1 $0x0  }
.LBB2_28:
0x2dc: {  	p0 =	slt.u32 s4, $0x27100  }
0x2dd: {  	s0 =	sand.u32 @p0 $0x3FFF8, s4  }
0x2de: {  	s4 =	sand.u32 @p0 $0x7, s4;
	s5 =	simm.s32 @p0 $0x3638;
	s0 =	sadd.s32 @p0 s1, s0  }
0x2df: {  	[tilespmem:s5], [sflag:$0x6] =	stream.linear.gather @p0 [hbm4b:s0+s4], $0x4, $0x38;
	[tilespmem:$0x1F0E8] =	vst v63  }
0x2e0: {  	s0 =	simm.s32 @p0 $0x6  }
0x2e1: {  	_ =	swait.ge @p0 [sflag:s0], $0x4  }
0x2e2: {  	[sflag:s0] =	ssyncset.done @p0 $0x0  }
0x2e3: {  	[sflag:s0] =	ssyncadd.s32 @p0 $0xFFFFFFFC;
	s0 =	sshll.u32 @p0 s3, $0x6  }
0x2e4: {  	v1 =	vld @p0 [tilespmem:$0x3638];
	s4 =	sshrl.u32 @p0 s0, $0x2  }
0x2e5: {  	v2 =	vld @p0 [tilespmem:s4+$0x3678];
	_ =	sdelay $0x4  }
0x2e6: {  	s5 =	sshll.u32 @!p0 s3, $0x6;
	v1 =	vmax.f32 @p0 v1, v2  }
0x2e7: {  	s5 =	smov.u32 @p0 s0;
	[tilespmem:s4+$0x3678] =	vst @p0 v1  }
0x2e8: {  	s0 =	sshrl.u32 s5, $0x2;
	[tilespmem:s2+$0x3658] =	vst.msk $0x1, v0  }
0x2e9: {  	v0 =	vld [tilespmem:s0+$0x3678];
	_ =	sdelay $0x2  }
0x2ea: {  	s31 =	sshll.u32 s2, $0x6  }
0x2eb: {  	s0 =	sshra.s32 s31, $0x2  }
0x2ec: {  	s2 =	sadd.s32 $0x1, s2;
	[tilespmem:s0+$0x3678] =	vst v0  }
.LBB2_30:
0x2ed: {  	s3 =	sadd.s32 $0x1, s3  }
0x2ee: {  	p0 =	sne.s32 s3, $0x20  }
.Ltmp19:
0x2ef: {  	_ = 	snop;
	(pc) =	sbr.rel @!p0 .LBB2_31-.Ltmp19, $1  }
0x2f0: {  	_ =	sdelay $0x3  }
.LBB2_23:
0x2f1: {  	v0 =	vld.msk [tilespmem:s3+$0x3658], $0x1;
	_ =	sdelay $0x4  }
0x2f2: {  	(v2sf) =	vpush v0, $0x0;
	_ =	sdelay $0xe  }
0x2f3: {  	s4 =	spop (v2sf)  }
0x2f4: {  	p0 =	seq.s32 s4, $0xFFFFFFFF  }
.Ltmp20:
0x2f5: {  	_ = 	snop;
	(pc) =	sbr.rel @p0 .LBB2_30-.Ltmp20, $1  }
0x2f6: {  	_ =	sdelay $0x3  }
0x2f7: {  	p0 =	slt.s32 s2, $0x1  }
.Ltmp21:
0x2f8: {  	_ = 	snop;
	(pc) =	sbr.rel @p0 .LBB2_28-.Ltmp21, $1  }
0x2f9: {  	_ =	sdelay $0x3  }
0x2fa: {  	s5 =	simm.s32 $0x3658;
	p0 =	por $0x0, $0x0  }
0x2fb: {  	v1 =	vld.msk @!p0 [tilespmem:s5+$0x0], $0x1;
	_ =	sdelay $0x4  }
0x2fc: {  	(v2sf) =	vpush @!p0 v1, $0x0;
	_ =	sdelay $0xd  }
0x2fd: {  	p2 =	sne.s32 s2, $0x1  }
.Ltmp22:
0x2fe: {  	s0 =	spop @!p0 (v2sf);
	(pc) =	sbr.rel @!p2 .LBB2_27-.Ltmp22, $4  }
0x2ff: {  	p1 =	seq.s32 @!p0 s4, s0  }
0x300: {  	s6 =	simm.s32 $0x0;
	p1 =	por !p1, p0  }
0x301: {  	s0 =	simm.s32 $0xFFFFFFFF;
	s6 =	simm.s32 @p1 $0xFFFFFFFF  }
0x302: {  	s7 =	simm.s32 $0x1;
	s6 =	smov.u32 @p0 s0  }
.LBB2_26:
0x303: {  	s0 =	smov.u32 s6;
	p0 =	sne.s32 s6, $0xFFFFFFFF  }
0x304: {  	s5 =	sadd.s32 $0x1, s5;
	s6 =	smov.u32 s7;
	s7 =	sadd.s32 $0x1, s7  }
0x305: {  	p1 =	sne.s32 s2, s7;
	v1 =	vld.msk @!p0 [tilespmem:s5+$0x0], $0x1;
	_ =	sdelay $0x4  }
0x306: {  	(v2sf) =	vpush @!p0 v1, $0x0;
	_ =	sdelay $0xe  }
.Ltmp23:
0x307: {  	s8 =	spop @!p0 (v2sf);
	(pc) =	sbr.rel @p1 .LBB2_26-.Ltmp23, $4  }
0x308: {  	p2 =	seq.s32 @!p0 s4, s8  }
0x309: {  	p2 =	por !p2, p0  }
0x30a: {  	s6 =	simm.s32 @p2 $0xFFFFFFFF  }
0x30b: {  	s6 =	smov.u32 @p0 s0  }
.LBB2_27:
0x30c: {  	p0 =	sne.s32 s6, $0xFFFFFFFF  }
.Ltmp24:
0x30d: {  	_ = 	snop;
	(pc) =	sbr.rel @!p0 .LBB2_28-.Ltmp24, $1  }
0x30e: {  	_ =	sdelay $0x3  }
0x30f: {  	s0 =	sshll.u32 s3, $0x4  }
0x310: {  	s4 =	sshll.u32 s6, $0x6;
	s0 =	sand.u32 $0x3FFFFFF0, s0  }
0x311: {  	s31 =	sshra.s32 s4, $0x2;
	v0 =	vld [tilespmem:s0+$0x3678]  }
0x312: {  	v1 =	vld [tilespmem:s31+$0x3678];
	_ =	sdelay $0x1  }
.Ltmp25:
0x313: {  	_ = 	snop;
	(pc) =	sbr.rel .LBB2_30-.Ltmp25, $3  }
0x314: {  	_ =	sdelay $0x1  }
0x315: {  	v0 =	vmax.f32 v0, v1  }
0x316: {  	[tilespmem:s31+$0x3678] =	vst v0  }
.LBB2_31:
0x317: {  	p0 =	slt.s32 s2, $0x1  }
.Ltmp26:
0x318: {  	_ = 	snop;
	(pc) =	sbr.rel @p0 .LBB2_35-.Ltmp26, $3  }
0x319: {  	_ =	sdelay $0x1  }
0x31a: {  	s0 =	simm.s32 $0x6  }
0x31b: {  	s3 =	simm.s32 $0x0;
	[sflag:s0] =	ssyncpa.u1 $0x1  }
0x31c: {  	s0 =	simm.s32 $0x3658  }
0x31d: {  	v0 =	vld.msk [tilespmem:s0+$0x0], $0x1;
	_ =	sdelay $0x4  }
0x31e: {  	(v2sf) =	vpush v0, $0x0;
	_ =	sdelay $0xd  }
0x31f: {  	s2 =	sadd.s32 $0xFFFFFFFF, s2  }
0x320: {  	p1 =	sne.s32 s2, $0x0;
	s0 =	spop (v2sf)  }
.Ltmp27:
0x321: {  	p0 =	sgt.u32 s0, $0x270FF;
	(pc) =	sbr.rel @!p1 .LBB2_34-.Ltmp27, $4  }
0x322: {  	s4 =	simm.s32 $0x3678;
	s5 =	sand.u32 @!p0 $0x3FFF8, s0  }
0x323: {  	s6 =	simm.s32 $0x0;
	s0 =	sand.u32 @!p0 $0x7, s0;
	s5 =	sadd.s32 @!p0 s1, s5  }
0x324: {  	[hbm4b:s5+s0] =	stream.linear.scatter @!p0 [tilespmem:s4], [sflag:$0x5], $0x4, $0x38;
	[tilespmem:$0x1F0E8] =	vst v63  }
0x325: {  	s6 =	simm.s32 @!p0 $0x10;
	s5 =	simm.s32 $0x3659  }
.LBB2_33:
0x326: {  	v0 =	vld.msk [tilespmem:s5+$0x0], $0x1;
	s2 =	sadd.s32 $0xFFFFFFFF, s2;
	s3 =	sadd.s32 s3, s6  }
0x327: {  	p0 =	sne.s32 s2, $0x0;
	_ =	sdelay $0x3  }
0x328: {  	(v2sf) =	vpush v0, $0x0;
	_ =	sdelay $0xe  }
.Ltmp28:
0x329: {  	s0 =	spop (v2sf);
	(pc) =	sbr.rel @p0 .LBB2_33-.Ltmp28, $4  }
0x32a: {  	s6 =	simm.s32 $0x0;
	p1 =	sgt.u32 s0, $0x270FF  }
0x32b: {  	s4 =	sadd.s32 $0x10, s4;
	s6 =	simm.s32 @!p1 $0x10;
	s7 =	sand.u32 @!p1 $0x3FFF8, s0  }
0x32c: {  	s5 =	sadd.s32 $0x1, s5;
	s0 =	sand.u32 @!p1 $0x7, s0;
	s7 =	sadd.s32 @!p1 s1, s7  }
0x32d: {  	[hbm4b:s7+s0] =	stream.linear.scatter @!p1 [tilespmem:s4], [sflag:$0x5], $0x4, $0x38;
	[tilespmem:$0x1F0E8] =	vst v63  }
.LBB2_34:
0x32e: {  	s0 =	sadd.s32 s3, s6  }
0x32f: {  	s3 =	sshrl.u32 s0, $0x2  }
.LBB2_35:
0x330: {  	s0 =	simm.s32 $0x5  }
0x331: {  	_ =	swait.ge [sflag:s0], s3  }
0x332: {  	s1 =	ssub.s32 $0x0, s3;
	[sflag:s0] =	ssyncset.done $0x0  }
0x333: {  	[sflag:s0] =	ssyncadd.s32 s1  }
0x334: {  	[sflag:s0] =	ssyncpa.u1 $0x1  }
0x335: {  	s30 =	simm.s32 $0x1;
	_ =	sfence  }
0x336: {  	[sflag:s30] =	ssyncpa.u1 $0x1  }
0x337: {  	_ =	strace $0x9000004D  }
0x338: {  	[bflag:$0x2] =	sbarrier.arrive $0xFFFF  }
0x339: {  	s31 =	rddreg [dreg:$0x1]  }
0x33a: {  	s0 =	sadd.s32 $0x100000, s31  }
0x33b: {  	[sflag:s0] =	ssyncadd.tile.s32 $0x1;
	_ =	shalt  }
.Lfunc_end2:
_tile_overlayer_lowered:
.L_overlay_start_2:
0x33c: {  	(tag) =	ssettag $0x2  }
0x33d: {  	s0 =	rddreg [dreg:$0x0];
	s2 =	stileid.u32  }
0x33e: {  	s1 =	rddreg [dreg:$0x1];
	p0 =	sne.s32 s2, $0x0  }
0x33f: {  	s3 =	rddreg [dreg:$0x2];
	[bflag:$0x3] =	sbarrier.arrive $0xFFFF;
	s2 =	simm.s32 @!p0 $0x1C01  }
0x340: {  	[timem:s3], [sflag:s2] =	dma.local @!p0 [hbm:s0], s1  }
0x341: {  	s0 =	simm.s32 @!p0 $0x1  }
0x342: {  	_ =	swait.ge @!p0 [sflag:s0], s1  }
0x343: {  	s1 =	ssub.s32 @!p0 $0x0, s1;
	[sflag:s0] =	ssyncset.done @!p0 $0x0  }
0x344: {  	[sflag:s0] =	ssyncadd.s32 @!p0 s1  }
0x345: {  	[bflag:$0x3] =	sbarrier.arrive $0xFFFF  }
0x346: {  	_ =	shalt  }

// kernel: scatter_offload_async_start.3
scs
__scs_entry_jumppad:
0x0: {  	(pc) =	sbr.rel $0x88, $3  }
0x1: {  	(tag) =	ssettag $0x0;
	lr =	simm.s32 $0x1  }
0x2: {  	[smem:$0x3F86] =	sst lr;
	_ =	strace $0xD0000000  }
0x3: {  	_ = 	snop  }
0x4: {  	_ = 	snop  }
0x5: {  	_ = 	snop  }
0x6: {  	_ = 	snop  }
0x7: {  	_ = 	snop  }
__scs_overlays_trampoline_lowered:
0x8: {  	[smem:$0x3F95] =	sst s0  }
0x9: {  	[smem:$0x3F96] =	sst s1  }
0xa: {  	[smem:$0x3F97] =	sst s2  }
0xb: {  	[smem:$0x3F98] =	sst s3  }
0xc: {  	[smem:$0x3F99] =	sst s4  }
0xd: {  	[smem:$0x3F9A] =	sst s5  }
0xe: {  	[smem:$0x3F9B] =	sst s6  }
0xf: {  	[smem:$0x3F9C] =	sst s7  }
0x10: {  	[smem:$0x3F9D] =	sst s8  }
0x11: {  	[smem:$0x3F9E] =	sst s9;
	s0 =	simm.s32 @!p0 $0x0  }
0x12: {  	s1 =	sld [smem:$0x3F84];
	s0 =	simm.s32 @p0 $0x1  }
0x13: {  	[smem:$0x3F9F] =	sst s0;
	s0 =	simm.s32 @!p1 $0x0  }
0x14: {  	s2 =	sld [smem:$0x3F83];
	s0 =	simm.s32 @p1 $0x1  }
0x15: {  	[smem:$0x3FA0] =	sst s0;
	s0 =	simm.s32 @!p2 $0x0  }
0x16: {  	s3 =	sld [smem:$0x3FDB];
	s0 =	simm.s32 @p2 $0x1  }
0x17: {  	s4 =	simm.s32 $0x1BF5;
	[smem:$0x3FA2] =	sst s0  }
0x18: {  	s0 =	sld [smem:$0x3F85];
	_ =	swait.ge [sflag:s4], $0x0  }
0x19: {  	s7 =	sld [smem:$0x3F86]  }
0x1a: {  	s8 =	sadd.s32 $0xFFFFE003, lr  }
0x1b: {  	s9 =	sadd.s32 $0xFFFFFEF7, lr;
	s5 =	simm.s32 $0xFFFFFFFF;
	p2 =	slt.u32 s8, $0xFFFFF086  }
0x1c: {  	p1 =	slt.u32 s9, $0xF7A;
	s5 =	simm.s32 @!p2 $0x0  }
0x1d: {  	s5 =	simm.s32 @p1 $0x1;
	p0 =	seq.s32 s7, s2  }
0x1e: {  	s7 =	smul.u32 @!p0 $0xF7A, s2;
	p2 =	seq.s32 @!p0 s5, $0x0  }
0x1f: {  	s9 =	smul.u32 $0xF7A, s1;
	s8 =	simm.s32 @!p0 $0x1BF5;
	p2 =	por !p2, p0  }
0x20: {  	[sflag:s8] =	ssyncset.s32 @!p0 $0xFFFFF086;
	s6 =	sadd.s32 @!p0 s3, s7;
	s7 =	simm.s32 @!p0 $0x108  }
0x21: {  	s3 =	sadd.s32 s3, s9;
	s6 =	sadd.s32 @!p0 $0x88, s6;
	s7 =	simm.s32 @p2 $0x1082  }
0x22: {  	[simem:s7], [sflag:s8] =	dma.local @!p0 [hbm:s6], $0xF7A  }
0x23: {  	s9 =	sor.u32 $0xD0000000, s2;
	s6 =	simm.s32 $0x108;
	_ =	swait.ge @!p0 [sflag:s8], $0x0  }
0x24: {  	s3 =	sadd.s32 $0x88, s3;
	s6 =	simm.s32 @!p1 $0x1082;
	[sflag:s4] =	ssyncset.s32 $0xFFFFF086  }
0x25: {  	[simem:s6], [sflag:s4] =	dma.local [hbm:s3], $0xF7A  }
0x26: {  	[smem:$0x3F86] =	sst s1;
	(tag) =	ssettag s2;
	_ =	strace s9  }
0x27: {  	s1 =	sld [smem:$0x3F96]  }
0x28: {  	s2 =	sld [smem:$0x3F97]  }
0x29: {  	s4 =	sld [smem:$0x3F99]  }
0x2a: {  	p0 =	seq.s32 s5, $0x0;
	s5 =	sld [smem:$0x3F9A]  }
0x2b: {  	s6 =	sld [smem:$0x3F9B]  }
0x2c: {  	s7 =	sld [smem:$0x3F9C]  }
0x2d: {  	s3 =	simm.s32 $0x108;
	s8 =	sld [smem:$0x3F9D]  }
0x2e: {  	s3 =	simm.s32 @!p0 $0x1082;
	s9 =	sld [smem:$0x3F9E]  }
0x2f: {  	lr =	sadd.s32 s0, s3;
	s0 =	sld [smem:$0x3F95]  }
0x30: {  	s3 =	sld [smem:$0x3F98]  }
0x31: {  	[smem:$0x3FA1] =	sst s10  }
0x32: {  	s10 =	sld [smem:$0x3F9F];
	_ =	sdelay $0x3  }
0x33: {  	p0 =	seq.s32 s10, $0x1;
	s10 =	sld [smem:$0x3FA1];
	_ =	sdelay $0x3  }
0x34: {  	[smem:$0x3FA1] =	sst s10  }
0x35: {  	s10 =	sld [smem:$0x3FA0];
	_ =	sdelay $0x3  }
0x36: {  	p1 =	seq.s32 s10, $0x1;
	s10 =	sld [smem:$0x3FA1];
	_ =	sdelay $0x3  }
0x37: {  	[smem:$0x3FA1] =	sst s10  }
0x38: {  	s10 =	sld [smem:$0x3FA2]  }
0x39: {  	_ = 	snop;
	(pc) =	sbr.ind lr, $3  }
0x3a: {  	_ = 	snop  }
0x3b: {  	_ = 	snop  }
0x3c: {  	p2 =	seq.s32 s10, $0x1;
	s10 =	sld [smem:$0x3FA1]  }
0x3d: {  	_ =	shalt  }
0x3e: {  	_ =	shalt  }
0x3f: {  	_ =	shalt  }
0x40: {  	_ =	shalt  }
0x41: {  	_ =	shalt  }
0x42: {  	_ =	shalt  }
0x43: {  	_ =	shalt  }
0x44: {  	_ =	shalt  }
0x45: {  	_ =	shalt  }
0x46: {  	_ =	shalt  }
0x47: {  	_ =	shalt  }
0x48: {  	_ =	shalt  }
0x49: {  	_ =	shalt  }
0x4a: {  	_ =	shalt  }
0x4b: {  	_ =	shalt  }
0x4c: {  	_ =	shalt  }
0x4d: {  	_ =	shalt  }
0x4e: {  	_ =	shalt  }
0x4f: {  	_ =	shalt  }
0x50: {  	_ =	shalt  }
0x51: {  	_ =	shalt  }
0x52: {  	_ =	shalt  }
0x53: {  	_ =	shalt  }
0x54: {  	_ =	shalt  }
0x55: {  	_ =	shalt  }
0x56: {  	_ =	shalt  }
0x57: {  	_ =	shalt  }
0x58: {  	_ =	shalt  }
0x59: {  	_ =	shalt  }
0x5a: {  	_ =	shalt  }
0x5b: {  	_ =	shalt  }
0x5c: {  	_ =	shalt  }
0x5d: {  	_ =	shalt  }
0x5e: {  	_ =	shalt  }
0x5f: {  	_ =	shalt  }
0x60: {  	_ =	shalt  }
0x61: {  	_ =	shalt  }
0x62: {  	_ =	shalt  }
0x63: {  	_ =	shalt  }
0x64: {  	_ =	shalt  }
0x65: {  	_ =	shalt  }
0x66: {  	_ =	shalt  }
0x67: {  	_ =	shalt  }
0x68: {  	_ =	shalt  }
0x69: {  	_ =	shalt  }
0x6a: {  	_ =	shalt  }
0x6b: {  	_ =	shalt  }
0x6c: {  	_ =	shalt  }
0x6d: {  	_ =	shalt  }
0x6e: {  	_ =	shalt  }
0x6f: {  	_ =	shalt  }
0x70: {  	_ =	shalt  }
0x71: {  	_ =	shalt  }
0x72: {  	_ =	shalt  }
0x73: {  	_ =	shalt  }
0x74: {  	_ =	shalt  }
0x75: {  	_ =	shalt  }
0x76: {  	_ =	shalt  }
0x77: {  	_ =	shalt  }
0x78: {  	_ =	shalt  }
0x79: {  	_ =	shalt  }
0x7a: {  	_ =	shalt  }
0x7b: {  	_ =	shalt  }
0x7c: {  	_ =	shalt  }
0x7d: {  	_ =	shalt  }
0x7e: {  	_ =	shalt  }
0x7f: {  	_ =	shalt  }
0x80: {  	_ =	shalt  }
0x81: {  	_ =	shalt  }
0x82: {  	_ =	shalt  }
0x83: {  	_ =	shalt  }
0x84: {  	_ =	shalt  }
0x85: {  	_ =	shalt  }
0x86: {  	_ =	shalt  }
0x87: {  	_ =	shalt  }
.Lfunc_end0:
.L_simem_size_0:
called_computation.3_lowered:
.L_overlay_start_0:
0x88: {  	s0 =	sld [smem:$0x3FD9]  }
0x89: {  	s1 =	sld [smem:$0x3FFE];
	_ =	sdelay $0x3  }
0x8a: {  	s0 =	sadd.s32 s1, s0  }
0x8b: {  	[smem:$0x3FAD] =	sst s0  }
0x8c: {  	_ = 	snop  }
0x8d: {  	(tm) =	ssettm $0x1  }
0x8e: {  	s15 =	sld [smem:$0x3FFB];
	_ =	sdelay $0x3  }
0x8f: {  	_ =	strace s15  }
0x90: {  	s0 =	sld [smem:$0x3FFC];
	_ =	sdelay $0x3  }
0x91: {  	_ =	strace s0  }
0x92: {  	s0 =	sld [smem:$0x3FFD];
	_ =	sdelay $0x3  }
0x93: {  	_ =	strace s0  }
0x94: {  	_ =	strace $0x8FFFFFFF  }
0x95: {  	s16 =	sld [smem:$0x3FDB];
	_ =	sdelay $0x1  }
0x96: {  	s17 =	simm.s32 $_scs_section_size  }
0x97: {  	s2 =	simm.s32 $_size__tile_overlayer_lowered;
	s3 =	simm.s32 $_tile_overlayer_lowered  }
0x98: {  	s20 =	simm.s32 $0x1BFF;
	s19 =	sshll.u32 s3, $0x1;
	s0 =	sadd.s32 s17, s16  }
0x99: {  	s4 =	simm.s32 $0x0;
	s18 =	sshll.u32 s2, $0x1;
	s2 =	sadd.s32 s19, s0  }
0x9a: {  	[timem:s4], [sflag:s20] =	dma.local [hbm:s2], s18  }
0x9b: {  	_ =	swait.ge [sflag:s20], s18  }
0x9c: {  	s1 =	ssub.s32 $0x0, s18;
	[sflag:s20] =	ssyncset.done $0x0  }
0x9d: {  	[sflag:s20] =	ssyncadd.s32 s1;
	_ =	sdelay $0x1  }
0x9e: {  	s21 =	simm.s32 $0x1B8B  }
0x9f: {  	_ =	swait.ge [sflag:s21], $0x1  }
0xa0: {  	[sflag:s21] =	ssyncset.done $0x0  }
0xa1: {  	s23 =	simm.s32 $0x1B8E;
	s22 =	sld [smem:$0x3FFE];
	[sflag:s21] =	ssyncadd.s32 $0xFFFFFFFF  }
0xa2: {  	s24 =	simm.s32 $execute0_lowered;
	[smem:$0x3FD2] =	sst s23  }
0xa3: {  	s2 =	sshll.u32 s24, $0x1;
	_ =	strace $0x8000004F;
	[dreg:$0x1] =	wrdreg $0xFFFFFFFF  }
0xa4: {  	s25 =	simm.s32 $_size_execute0_lowered;
	s0 =	sadd.s32 s0, s2;
	[dreg:$0x0] =	wrdreg $0x0  }
0xa5: {  	s2 =	sshll.u32 s25, $0x1;
	[dreg:$0x2] =	wrdreg s0  }
0xa6: {  	[dreg:$0x3] =	wrdreg s2  }
0xa7: {  	[dreg:$0x4] =	wrdreg $0xC0  }
0xa8: {  	_ =	task [dreg:s4], $0x5FFFF  }
0xa9: {  	[dreg:$0x1] =	wrdreg $0xFFFFFFFF  }
0xaa: {  	[dreg:$0x0] =	wrdreg $0x60  }
0xab: {  	[dreg:$0x2] =	wrdreg s22  }
0xac: {  	[dreg:$0x3] =	wrdreg $0x9  }
0xad: {  	_ =	task.clear_ibuf [dreg:s4], $0x4FFFF;
	_ =	strace $0x9000004F  }
0xae: {  	s26 =	simm.s32 $0x9;
	_ =	strace $0x80000051  }
0xaf: {  	_ =	swait.ge [sflag:s26], $0x1  }
0xb0: {  	[sflag:s26] =	ssyncadd.s32 $0xFFFFFFFF  }
0xb1: {  	_ =	strace $0x90000051  }
0xb2: {  	_ =	sfence  }
0xb3: {  	s28 =	sld [smem:$0x0];
	_ =	sdelay $0x1  }
0xb4: {  	s29 =	srdreg.scid  }
0xb5: {  	s30 =	sshll.u32 s29, $0xD;
	s31 =	sshrl.u32 s29, $0x2  }
0xb6: {  	s1 =	sand.u32 $0x1, s29;
	s2 =	sand.u32 $0x4000, s30;
	s0 =	sadd.s32 s31, s28  }
0xb7: {  	s1 =	sor.u32 s2, s1;
	s0 =	sshll.u32 s0, $0x11  }
0xb8: {  	s0 =	sor.u32 s0, s1  }
0xb9: {  	s0 =	sadd.s32 $0x8F2B, s0  }
0xba: {  	[sflag:s0] =	ssyncadd.remote.s32 $0x1  }
0xbb: {  	_ =	sfence.sel $0xFFFF  }
0xbc: {  	[dreg:$0x0] =	wrdreg $0xFFFFFFFF;
	(pc) =	sbr.abs _section_cstart, $3  }
0xbd: {  	[dreg:$0x1] =	wrdreg $0xFFFFFFFF  }
0xbe: {  	_ =	task.clear_ibuf [dreg:s4], $0x2FFFF;
	_ =	strace $0x9FFFFFFF  }
0xbf: {  	(tm) =	ssettm $0x7FFFFFFF  }
tec
execute0_lowered:
.L_overlay_start_1:
0x0: {  	(tag) =	ssettag $0x1  }
0x1: {  	s8 =	rddreg [dreg:$0x0];
	_ =	strace $0x80000050;
	s11 =	simm.s32 $0x1  }
0x2: {  	v0 =	vimm.s32 $0x0;
	[sflag:s11] =	ssyncpa.u1 $0x0  }
0x3: {  	[tilespmem:$0x28] =	vst v0  }
0x4: {  	[tilespmem:$0x38] =	vst v0  }
0x5: {  	[tilespmem:$0x48] =	vst v0  }
0x6: {  	[tilespmem:$0x58] =	vst v0  }
0x7: {  	[tilespmem:$0x68] =	vst v0  }
0x8: {  	[tilespmem:$0x78] =	vst v0  }
0x9: {  	[tilespmem:$0x88] =	vst v0  }
0xa: {  	[tilespmem:$0x98] =	vst v0  }
0xb: {  	[tilespmem:$0xA8] =	vst v0  }
0xc: {  	[tilespmem:$0xB8] =	vst v0  }
0xd: {  	[tilespmem:$0xC8] =	vst v0  }
0xe: {  	[tilespmem:$0xD8] =	vst v0  }
0xf: {  	[tilespmem:$0xE8] =	vst v0  }
0x10: {  	[tilespmem:$0xF8] =	vst v0  }
0x11: {  	[tilespmem:$0x108] =	vst v0  }
0x12: {  	[tilespmem:$0x118] =	vst v0  }
0x13: {  	[tilespmem:$0x128] =	vst v0  }
0x14: {  	[tilespmem:$0x138] =	vst v0  }
0x15: {  	[tilespmem:$0x148] =	vst v0  }
0x16: {  	[tilespmem:$0x158] =	vst v0  }
0x17: {  	[tilespmem:$0x168] =	vst v0  }
0x18: {  	[tilespmem:$0x178] =	vst v0  }
0x19: {  	[tilespmem:$0x188] =	vst v0  }
0x1a: {  	[tilespmem:$0x198] =	vst v0  }
0x1b: {  	[tilespmem:$0x1A8] =	vst v0  }
0x1c: {  	[tilespmem:$0x1B8] =	vst v0  }
0x1d: {  	[tilespmem:$0x1C8] =	vst v0  }
0x1e: {  	[tilespmem:$0x1D8] =	vst v0  }
0x1f: {  	[tilespmem:$0x1E8] =	vst v0  }
0x20: {  	[tilespmem:$0x1F8] =	vst v0  }
0x21: {  	[tilespmem:$0x208] =	vst v0  }
0x22: {  	[tilespmem:$0x218] =	vst v0  }
0x23: {  	[tilespmem:$0x228] =	vst v0  }
0x24: {  	[tilespmem:$0x238] =	vst v0  }
0x25: {  	[tilespmem:$0x248] =	vst v0  }
0x26: {  	[tilespmem:$0x258] =	vst v0  }
0x27: {  	[tilespmem:$0x268] =	vst v0  }
0x28: {  	[tilespmem:$0x278] =	vst v0  }
0x29: {  	[tilespmem:$0x288] =	vst v0  }
0x2a: {  	[tilespmem:$0x298] =	vst v0  }
0x2b: {  	[tilespmem:$0x2A8] =	vst v0  }
0x2c: {  	[tilespmem:$0x2B8] =	vst v0  }
0x2d: {  	[tilespmem:$0x2C8] =	vst v0  }
0x2e: {  	[tilespmem:$0x2D8] =	vst v0  }
0x2f: {  	[tilespmem:$0x2E8] =	vst v0  }
0x30: {  	[tilespmem:$0x2F8] =	vst v0  }
0x31: {  	[tilespmem:$0x308] =	vst v0  }
0x32: {  	[tilespmem:$0x318] =	vst v0  }
0x33: {  	[tilespmem:$0x328] =	vst v0  }
0x34: {  	[tilespmem:$0x338] =	vst v0  }
0x35: {  	[tilespmem:$0x348] =	vst v0  }
0x36: {  	[tilespmem:$0x358] =	vst v0  }
0x37: {  	[tilespmem:$0x368] =	vst v0  }
0x38: {  	[tilespmem:$0x378] =	vst v0  }
0x39: {  	[tilespmem:$0x388] =	vst v0  }
0x3a: {  	[tilespmem:$0x398] =	vst v0  }
0x3b: {  	[tilespmem:$0x3A8] =	vst v0  }
0x3c: {  	[tilespmem:$0x3B8] =	vst v0  }
0x3d: {  	[tilespmem:$0x3C8] =	vst v0  }
0x3e: {  	[tilespmem:$0x3D8] =	vst v0  }
0x3f: {  	[tilespmem:$0x3E8] =	vst v0  }
0x40: {  	[tilespmem:$0x3F8] =	vst v0  }
0x41: {  	[tilespmem:$0x408] =	vst v0  }
0x42: {  	[tilespmem:$0x418] =	vst v0  }
0x43: {  	[tilespmem:$0x428] =	vst v0  }
0x44: {  	[tilespmem:$0x438] =	vst v0  }
0x45: {  	[tilespmem:$0x448] =	vst v0  }
0x46: {  	[tilespmem:$0x458] =	vst v0  }
0x47: {  	[tilespmem:$0x468] =	vst v0  }
0x48: {  	[tilespmem:$0x478] =	vst v0  }
0x49: {  	[tilespmem:$0x488] =	vst v0  }
0x4a: {  	[tilespmem:$0x498] =	vst v0  }
0x4b: {  	[tilespmem:$0x4A8] =	vst v0  }
0x4c: {  	[tilespmem:$0x4B8] =	vst v0  }
0x4d: {  	[tilespmem:$0x4C8] =	vst v0  }
0x4e: {  	[tilespmem:$0x4D8] =	vst v0  }
0x4f: {  	[tilespmem:$0x4E8] =	vst v0  }
0x50: {  	[tilespmem:$0x4F8] =	vst v0  }
0x51: {  	[tilespmem:$0x508] =	vst v0  }
0x52: {  	[tilespmem:$0x518] =	vst v0  }
0x53: {  	[tilespmem:$0x528] =	vst v0  }
0x54: {  	[tilespmem:$0x538] =	vst v0  }
0x55: {  	[tilespmem:$0x548] =	vst v0  }
0x56: {  	[tilespmem:$0x558] =	vst v0  }
0x57: {  	[tilespmem:$0x568] =	vst v0  }
0x58: {  	[tilespmem:$0x578] =	vst v0  }
0x59: {  	[tilespmem:$0x588] =	vst v0  }
0x5a: {  	[tilespmem:$0x598] =	vst v0  }
0x5b: {  	[tilespmem:$0x5A8] =	vst v0  }
0x5c: {  	[tilespmem:$0x5B8] =	vst v0  }
0x5d: {  	[tilespmem:$0x5C8] =	vst v0  }
0x5e: {  	[tilespmem:$0x5D8] =	vst v0  }
0x5f: {  	[tilespmem:$0x5E8] =	vst v0  }
0x60: {  	[tilespmem:$0x5F8] =	vst v0  }
0x61: {  	[tilespmem:$0x608] =	vst v0  }
0x62: {  	[tilespmem:$0x618] =	vst v0  }
0x63: {  	[tilespmem:$0x628] =	vst v0  }
0x64: {  	[tilespmem:$0x638] =	vst v0  }
0x65: {  	[tilespmem:$0x648] =	vst v0  }
0x66: {  	[tilespmem:$0x658] =	vst v0  }
0x67: {  	[tilespmem:$0x668] =	vst v0  }
0x68: {  	[tilespmem:$0x678] =	vst v0  }
0x69: {  	[tilespmem:$0x688] =	vst v0  }
0x6a: {  	[tilespmem:$0x698] =	vst v0  }
0x6b: {  	[tilespmem:$0x6A8] =	vst v0  }
0x6c: {  	[tilespmem:$0x6B8] =	vst v0  }
0x6d: {  	[tilespmem:$0x6C8] =	vst v0  }
0x6e: {  	[tilespmem:$0x6D8] =	vst v0  }
0x6f: {  	[tilespmem:$0x6E8] =	vst v0  }
0x70: {  	[tilespmem:$0x6F8] =	vst v0  }
0x71: {  	[tilespmem:$0x708] =	vst v0  }
0x72: {  	[tilespmem:$0x718] =	vst v0  }
0x73: {  	[tilespmem:$0x728] =	vst v0  }
0x74: {  	[tilespmem:$0x738] =	vst v0  }
0x75: {  	[tilespmem:$0x748] =	vst v0  }
0x76: {  	[tilespmem:$0x758] =	vst v0  }
0x77: {  	[tilespmem:$0x768] =	vst v0  }
0x78: {  	[tilespmem:$0x778] =	vst v0  }
0x79: {  	[tilespmem:$0x788] =	vst v0  }
0x7a: {  	[tilespmem:$0x798] =	vst v0  }
0x7b: {  	[tilespmem:$0x7A8] =	vst v0  }
0x7c: {  	[tilespmem:$0x7B8] =	vst v0  }
0x7d: {  	[tilespmem:$0x7C8] =	vst v0  }
0x7e: {  	[tilespmem:$0x7D8] =	vst v0  }
0x7f: {  	[tilespmem:$0x7E8] =	vst v0  }
0x80: {  	[tilespmem:$0x7F8] =	vst v0  }
0x81: {  	[tilespmem:$0x808] =	vst v0  }
0x82: {  	[tilespmem:$0x818] =	vst v0  }
0x83: {  	[tilespmem:$0x828] =	vst v0  }
0x84: {  	[tilespmem:$0x838] =	vst v0  }
0x85: {  	[tilespmem:$0x848] =	vst v0  }
0x86: {  	[tilespmem:$0x858] =	vst v0  }
0x87: {  	[tilespmem:$0x868] =	vst v0  }
0x88: {  	[tilespmem:$0x878] =	vst v0  }
0x89: {  	[tilespmem:$0x888] =	vst v0  }
0x8a: {  	[tilespmem:$0x898] =	vst v0  }
0x8b: {  	[tilespmem:$0x8A8] =	vst v0  }
0x8c: {  	[tilespmem:$0x8B8] =	vst v0  }
0x8d: {  	[tilespmem:$0x8C8] =	vst v0  }
0x8e: {  	[tilespmem:$0x8D8] =	vst v0  }
0x8f: {  	[tilespmem:$0x8E8] =	vst v0  }
0x90: {  	[tilespmem:$0x8F8] =	vst v0  }
0x91: {  	[tilespmem:$0x908] =	vst v0  }
0x92: {  	[tilespmem:$0x918] =	vst v0  }
0x93: {  	[tilespmem:$0x928] =	vst v0  }
0x94: {  	[tilespmem:$0x938] =	vst v0  }
0x95: {  	[tilespmem:$0x948] =	vst v0  }
0x96: {  	[tilespmem:$0x958] =	vst v0  }
0x97: {  	[tilespmem:$0x968] =	vst v0  }
0x98: {  	[tilespmem:$0x978] =	vst v0  }
0x99: {  	[tilespmem:$0x988] =	vst v0  }
0x9a: {  	[tilespmem:$0x998] =	vst v0  }
0x9b: {  	[tilespmem:$0x9A8] =	vst v0  }
0x9c: {  	[tilespmem:$0x9B8] =	vst v0  }
0x9d: {  	[tilespmem:$0x9C8] =	vst v0  }
0x9e: {  	[tilespmem:$0x9D8] =	vst v0  }
0x9f: {  	[tilespmem:$0x9E8] =	vst v0  }
0xa0: {  	[tilespmem:$0x9F8] =	vst v0  }
0xa1: {  	[tilespmem:$0xA08] =	vst v0  }
0xa2: {  	[tilespmem:$0xA18] =	vst v0  }
0xa3: {  	[tilespmem:$0xA28] =	vst v0  }
0xa4: {  	[tilespmem:$0xA38] =	vst v0  }
0xa5: {  	[tilespmem:$0xA48] =	vst v0  }
0xa6: {  	[tilespmem:$0xA58] =	vst v0  }
0xa7: {  	[tilespmem:$0xA68] =	vst v0  }
0xa8: {  	[tilespmem:$0xA78] =	vst v0  }
0xa9: {  	[tilespmem:$0xA88] =	vst v0  }
0xaa: {  	[tilespmem:$0xA98] =	vst v0  }
0xab: {  	[tilespmem:$0xAA8] =	vst v0  }
0xac: {  	[tilespmem:$0xAB8] =	vst v0  }
0xad: {  	[tilespmem:$0xAC8] =	vst v0  }
0xae: {  	[tilespmem:$0xAD8] =	vst v0  }
0xaf: {  	[tilespmem:$0xAE8] =	vst v0  }
0xb0: {  	[tilespmem:$0xAF8] =	vst v0  }
0xb1: {  	[tilespmem:$0xB08] =	vst v0  }
0xb2: {  	[tilespmem:$0xB18] =	vst v0  }
0xb3: {  	[tilespmem:$0xB28] =	vst v0  }
0xb4: {  	[tilespmem:$0xB38] =	vst v0  }
0xb5: {  	[tilespmem:$0xB48] =	vst v0  }
0xb6: {  	[tilespmem:$0xB58] =	vst v0  }
0xb7: {  	[tilespmem:$0xB68] =	vst v0  }
0xb8: {  	[tilespmem:$0xB78] =	vst v0  }
0xb9: {  	[tilespmem:$0xB88] =	vst v0  }
0xba: {  	[tilespmem:$0xB98] =	vst v0  }
0xbb: {  	[tilespmem:$0xBA8] =	vst v0  }
0xbc: {  	[tilespmem:$0xBB8] =	vst v0  }
0xbd: {  	[tilespmem:$0xBC8] =	vst v0  }
0xbe: {  	[tilespmem:$0xBD8] =	vst v0  }
0xbf: {  	[tilespmem:$0xBE8] =	vst v0  }
0xc0: {  	[tilespmem:$0xBF8] =	vst v0  }
0xc1: {  	[tilespmem:$0xC08] =	vst v0  }
0xc2: {  	[tilespmem:$0xC18] =	vst v0  }
0xc3: {  	[tilespmem:$0xC28] =	vst v0  }
0xc4: {  	[tilespmem:$0xC38] =	vst v0  }
0xc5: {  	[tilespmem:$0xC48] =	vst v0  }
0xc6: {  	[tilespmem:$0xC58] =	vst v0  }
0xc7: {  	[tilespmem:$0xC68] =	vst v0  }
0xc8: {  	[tilespmem:$0xC78] =	vst v0  }
0xc9: {  	[tilespmem:$0xC88] =	vst v0  }
0xca: {  	[tilespmem:$0xC98] =	vst v0  }
0xcb: {  	[tilespmem:$0xCA8] =	vst v0  }
0xcc: {  	[tilespmem:$0xCB8] =	vst v0  }
0xcd: {  	[tilespmem:$0xCC8] =	vst v0  }
0xce: {  	[tilespmem:$0xCD8] =	vst v0  }
0xcf: {  	[tilespmem:$0xCE8] =	vst v0  }
0xd0: {  	[tilespmem:$0xCF8] =	vst v0  }
0xd1: {  	[tilespmem:$0xD08] =	vst v0  }
0xd2: {  	[tilespmem:$0xD18] =	vst v0  }
0xd3: {  	[tilespmem:$0xD28] =	vst v0  }
0xd4: {  	[tilespmem:$0xD38] =	vst v0  }
0xd5: {  	[tilespmem:$0xD48] =	vst v0  }
0xd6: {  	[tilespmem:$0xD58] =	vst v0  }
0xd7: {  	[tilespmem:$0xD68] =	vst v0  }
0xd8: {  	[tilespmem:$0xD78] =	vst v0  }
0xd9: {  	[tilespmem:$0xD88] =	vst v0  }
0xda: {  	[tilespmem:$0xD98] =	vst v0  }
0xdb: {  	[tilespmem:$0xDA8] =	vst v0  }
0xdc: {  	[tilespmem:$0xDB8] =	vst v0  }
0xdd: {  	[tilespmem:$0xDC8] =	vst v0  }
0xde: {  	[tilespmem:$0xDD8] =	vst v0  }
0xdf: {  	[tilespmem:$0xDE8] =	vst v0  }
0xe0: {  	[tilespmem:$0xDF8] =	vst v0  }
0xe1: {  	[tilespmem:$0xE08] =	vst v0  }
0xe2: {  	[tilespmem:$0xE18] =	vst v0  }
0xe3: {  	[tilespmem:$0xE28] =	vst v0  }
0xe4: {  	[tilespmem:$0xE38] =	vst v0  }
0xe5: {  	[tilespmem:$0xE48] =	vst v0  }
0xe6: {  	[tilespmem:$0xE58] =	vst v0  }
0xe7: {  	[tilespmem:$0xE68] =	vst v0  }
0xe8: {  	[tilespmem:$0xE78] =	vst v0  }
0xe9: {  	[tilespmem:$0xE88] =	vst v0  }
0xea: {  	[tilespmem:$0xE98] =	vst v0  }
0xeb: {  	[tilespmem:$0xEA8] =	vst v0  }
0xec: {  	[tilespmem:$0xEB8] =	vst v0  }
0xed: {  	[tilespmem:$0xEC8] =	vst v0  }
0xee: {  	[tilespmem:$0xED8] =	vst v0  }
0xef: {  	[tilespmem:$0xEE8] =	vst v0  }
0xf0: {  	[tilespmem:$0xEF8] =	vst v0  }
0xf1: {  	[tilespmem:$0xF08] =	vst v0  }
0xf2: {  	[tilespmem:$0xF18] =	vst v0  }
0xf3: {  	[tilespmem:$0xF28] =	vst v0  }
0xf4: {  	[tilespmem:$0xF38] =	vst v0  }
0xf5: {  	[tilespmem:$0xF48] =	vst v0  }
0xf6: {  	[tilespmem:$0xF58] =	vst v0  }
0xf7: {  	[tilespmem:$0xF68] =	vst v0  }
0xf8: {  	[tilespmem:$0xF78] =	vst v0  }
0xf9: {  	[tilespmem:$0xF88] =	vst v0  }
0xfa: {  	[tilespmem:$0xF98] =	vst v0  }
0xfb: {  	[tilespmem:$0xFA8] =	vst v0  }
0xfc: {  	[tilespmem:$0xFB8] =	vst v0  }
0xfd: {  	[tilespmem:$0xFC8] =	vst v0  }
0xfe: {  	[tilespmem:$0xFD8] =	vst v0  }
0xff: {  	[tilespmem:$0xFE8] =	vst v0  }
0x100: {  	[tilespmem:$0xFF8] =	vst v0  }
0x101: {  	[tilespmem:$0x1018] =	vst v0  }
0x102: {  	[tilespmem:$0x10D8] =	vst v0  }
0x103: {  	[tilespmem:$0x1048] =	vst v0  }
0x104: {  	[tilespmem:$0x1B28] =	vst v0  }
0x105: {  	[tilespmem:$0x1B18] =	vst v0  }
0x106: {  	[tilespmem:$0x1B08] =	vst v0  }
0x107: {  	[tilespmem:$0x1AF8] =	vst v0  }
0x108: {  	[tilespmem:$0x1AE8] =	vst v0  }
0x109: {  	[tilespmem:$0x1AD8] =	vst v0  }
0x10a: {  	[tilespmem:$0x1AC8] =	vst v0  }
0x10b: {  	[tilespmem:$0x1AB8] =	vst v0  }
0x10c: {  	[tilespmem:$0x1AA8] =	vst v0  }
0x10d: {  	[tilespmem:$0x1A98] =	vst v0  }
0x10e: {  	[tilespmem:$0x1A88] =	vst v0  }
0x10f: {  	[tilespmem:$0x1A78] =	vst v0  }
0x110: {  	[tilespmem:$0x1A68] =	vst v0  }
0x111: {  	[tilespmem:$0x1A58] =	vst v0  }
0x112: {  	[tilespmem:$0x1A48] =	vst v0  }
0x113: {  	[tilespmem:$0x1A38] =	vst v0  }
0x114: {  	[tilespmem:$0x1A28] =	vst v0  }
0x115: {  	[tilespmem:$0x1A18] =	vst v0  }
0x116: {  	[tilespmem:$0x1A08] =	vst v0  }
0x117: {  	[tilespmem:$0x19F8] =	vst v0  }
0x118: {  	[tilespmem:$0x19E8] =	vst v0  }
0x119: {  	[tilespmem:$0x19D8] =	vst v0  }
0x11a: {  	[tilespmem:$0x19C8] =	vst v0  }
0x11b: {  	[tilespmem:$0x19B8] =	vst v0  }
0x11c: {  	[tilespmem:$0x19A8] =	vst v0  }
0x11d: {  	[tilespmem:$0x1998] =	vst v0  }
0x11e: {  	[tilespmem:$0x1988] =	vst v0  }
0x11f: {  	[tilespmem:$0x1978] =	vst v0  }
0x120: {  	[tilespmem:$0x1968] =	vst v0  }
0x121: {  	[tilespmem:$0x1958] =	vst v0  }
0x122: {  	[tilespmem:$0x1948] =	vst v0  }
0x123: {  	[tilespmem:$0x1938] =	vst v0  }
0x124: {  	[tilespmem:$0x1928] =	vst v0  }
0x125: {  	[tilespmem:$0x1918] =	vst v0  }
0x126: {  	[tilespmem:$0x1908] =	vst v0  }
0x127: {  	[tilespmem:$0x18F8] =	vst v0  }
0x128: {  	[tilespmem:$0x18E8] =	vst v0  }
0x129: {  	[tilespmem:$0x18D8] =	vst v0  }
0x12a: {  	[tilespmem:$0x18C8] =	vst v0  }
0x12b: {  	[tilespmem:$0x18B8] =	vst v0  }
0x12c: {  	[tilespmem:$0x18A8] =	vst v0  }
0x12d: {  	[tilespmem:$0x1898] =	vst v0  }
0x12e: {  	[tilespmem:$0x1888] =	vst v0  }
0x12f: {  	[tilespmem:$0x1878] =	vst v0  }
0x130: {  	[tilespmem:$0x1868] =	vst v0  }
0x131: {  	[tilespmem:$0x1858] =	vst v0  }
0x132: {  	[tilespmem:$0x1848] =	vst v0  }
0x133: {  	[tilespmem:$0x1838] =	vst v0  }
0x134: {  	[tilespmem:$0x1828] =	vst v0  }
0x135: {  	[tilespmem:$0x1818] =	vst v0  }
0x136: {  	[tilespmem:$0x1808] =	vst v0  }
0x137: {  	[tilespmem:$0x17F8] =	vst v0  }
0x138: {  	[tilespmem:$0x17E8] =	vst v0  }
0x139: {  	[tilespmem:$0x17D8] =	vst v0  }
0x13a: {  	[tilespmem:$0x17C8] =	vst v0  }
0x13b: {  	[tilespmem:$0x17B8] =	vst v0  }
0x13c: {  	[tilespmem:$0x17A8] =	vst v0  }
0x13d: {  	[tilespmem:$0x1798] =	vst v0  }
0x13e: {  	[tilespmem:$0x1788] =	vst v0  }
0x13f: {  	[tilespmem:$0x1778] =	vst v0  }
0x140: {  	[tilespmem:$0x1768] =	vst v0  }
0x141: {  	[tilespmem:$0x1758] =	vst v0  }
0x142: {  	[tilespmem:$0x1748] =	vst v0  }
0x143: {  	[tilespmem:$0x1738] =	vst v0  }
0x144: {  	[tilespmem:$0x1728] =	vst v0  }
0x145: {  	[tilespmem:$0x1718] =	vst v0  }
0x146: {  	[tilespmem:$0x1708] =	vst v0  }
0x147: {  	[tilespmem:$0x16F8] =	vst v0  }
0x148: {  	[tilespmem:$0x16E8] =	vst v0  }
0x149: {  	[tilespmem:$0x16D8] =	vst v0  }
0x14a: {  	[tilespmem:$0x16C8] =	vst v0  }
0x14b: {  	[tilespmem:$0x16B8] =	vst v0  }
0x14c: {  	[tilespmem:$0x16A8] =	vst v0  }
0x14d: {  	[tilespmem:$0x1698] =	vst v0  }
0x14e: {  	[tilespmem:$0x1688] =	vst v0  }
0x14f: {  	[tilespmem:$0x1678] =	vst v0  }
0x150: {  	[tilespmem:$0x1668] =	vst v0  }
0x151: {  	[tilespmem:$0x1658] =	vst v0  }
0x152: {  	[tilespmem:$0x1648] =	vst v0  }
0x153: {  	[tilespmem:$0x1638] =	vst v0  }
0x154: {  	[tilespmem:$0x1628] =	vst v0  }
0x155: {  	[tilespmem:$0x1618] =	vst v0  }
0x156: {  	[tilespmem:$0x1608] =	vst v0  }
0x157: {  	[tilespmem:$0x15F8] =	vst v0  }
0x158: {  	[tilespmem:$0x15E8] =	vst v0  }
0x159: {  	[tilespmem:$0x15D8] =	vst v0  }
0x15a: {  	[tilespmem:$0x15C8] =	vst v0  }
0x15b: {  	[tilespmem:$0x15B8] =	vst v0  }
0x15c: {  	[tilespmem:$0x15A8] =	vst v0  }
0x15d: {  	[tilespmem:$0x1598] =	vst v0  }
0x15e: {  	[tilespmem:$0x1588] =	vst v0  }
0x15f: {  	[tilespmem:$0x1578] =	vst v0  }
0x160: {  	[tilespmem:$0x1568] =	vst v0  }
0x161: {  	[tilespmem:$0x1558] =	vst v0  }
0x162: {  	[tilespmem:$0x1548] =	vst v0  }
0x163: {  	[tilespmem:$0x1538] =	vst v0  }
0x164: {  	[tilespmem:$0x1528] =	vst v0  }
0x165: {  	[tilespmem:$0x1518] =	vst v0  }
0x166: {  	[tilespmem:$0x1508] =	vst v0  }
0x167: {  	[tilespmem:$0x14F8] =	vst v0  }
0x168: {  	[tilespmem:$0x14E8] =	vst v0  }
0x169: {  	[tilespmem:$0x14D8] =	vst v0  }
0x16a: {  	[tilespmem:$0x14C8] =	vst v0  }
0x16b: {  	[tilespmem:$0x14B8] =	vst v0  }
0x16c: {  	[tilespmem:$0x14A8] =	vst v0  }
0x16d: {  	[tilespmem:$0x1498] =	vst v0  }
0x16e: {  	[tilespmem:$0x1488] =	vst v0  }
0x16f: {  	[tilespmem:$0x1478] =	vst v0  }
0x170: {  	[tilespmem:$0x1468] =	vst v0  }
0x171: {  	[tilespmem:$0x1458] =	vst v0  }
0x172: {  	[tilespmem:$0x1448] =	vst v0  }
0x173: {  	[tilespmem:$0x1438] =	vst v0  }
0x174: {  	[tilespmem:$0x1428] =	vst v0  }
0x175: {  	[tilespmem:$0x1418] =	vst v0  }
0x176: {  	[tilespmem:$0x1408] =	vst v0  }
0x177: {  	[tilespmem:$0x13F8] =	vst v0  }
0x178: {  	[tilespmem:$0x13E8] =	vst v0  }
0x179: {  	[tilespmem:$0x13D8] =	vst v0  }
0x17a: {  	[tilespmem:$0x13C8] =	vst v0  }
0x17b: {  	[tilespmem:$0x13B8] =	vst v0  }
0x17c: {  	[tilespmem:$0x13A8] =	vst v0  }
0x17d: {  	[tilespmem:$0x1398] =	vst v0  }
0x17e: {  	[tilespmem:$0x1388] =	vst v0  }
0x17f: {  	[tilespmem:$0x1378] =	vst v0  }
0x180: {  	[tilespmem:$0x1368] =	vst v0  }
0x181: {  	[tilespmem:$0x1358] =	vst v0  }
0x182: {  	[tilespmem:$0x1348] =	vst v0  }
0x183: {  	[tilespmem:$0x1338] =	vst v0  }
0x184: {  	[tilespmem:$0x1328] =	vst v0  }
0x185: {  	[tilespmem:$0x1318] =	vst v0  }
0x186: {  	[tilespmem:$0x1308] =	vst v0  }
0x187: {  	[tilespmem:$0x12F8] =	vst v0  }
0x188: {  	[tilespmem:$0x12E8] =	vst v0  }
0x189: {  	[tilespmem:$0x12D8] =	vst v0  }
0x18a: {  	[tilespmem:$0x12C8] =	vst v0  }
0x18b: {  	[tilespmem:$0x12B8] =	vst v0  }
0x18c: {  	[tilespmem:$0x12A8] =	vst v0  }
0x18d: {  	[tilespmem:$0x1298] =	vst v0  }
0x18e: {  	[tilespmem:$0x1288] =	vst v0  }
0x18f: {  	[tilespmem:$0x1278] =	vst v0  }
0x190: {  	[tilespmem:$0x1268] =	vst v0  }
0x191: {  	[tilespmem:$0x1258] =	vst v0  }
0x192: {  	[tilespmem:$0x1248] =	vst v0  }
0x193: {  	[tilespmem:$0x1238] =	vst v0  }
0x194: {  	[tilespmem:$0x1228] =	vst v0  }
0x195: {  	[tilespmem:$0x1218] =	vst v0  }
0x196: {  	[tilespmem:$0x1208] =	vst v0  }
0x197: {  	[tilespmem:$0x11F8] =	vst v0  }
0x198: {  	[tilespmem:$0x11E8] =	vst v0  }
0x199: {  	[tilespmem:$0x11D8] =	vst v0  }
0x19a: {  	[tilespmem:$0x11C8] =	vst v0  }
0x19b: {  	[tilespmem:$0x11B8] =	vst v0  }
0x19c: {  	[tilespmem:$0x11A8] =	vst v0  }
0x19d: {  	[tilespmem:$0x1198] =	vst v0  }
0x19e: {  	[tilespmem:$0x1188] =	vst v0  }
0x19f: {  	[tilespmem:$0x1178] =	vst v0  }
0x1a0: {  	[tilespmem:$0x1168] =	vst v0  }
0x1a1: {  	[tilespmem:$0x1158] =	vst v0  }
0x1a2: {  	[tilespmem:$0x1148] =	vst v0  }
0x1a3: {  	[tilespmem:$0x1138] =	vst v0  }
0x1a4: {  	[tilespmem:$0x1128] =	vst v0  }
0x1a5: {  	s2 =	stileid.u32;
	[tilespmem:$0x1118] =	vst v0  }
0x1a6: {  	s0 =	smul.u32 $0x2F, s2;
	[tilespmem:$0x1108] =	vst v0  }
0x1a7: {  	s1 =	smin.u32 s2, $0xC;
	[tilespmem:$0x10F8] =	vst v0  }
0x1a8: {  	[tilespmem:$0x10E8] =	vst v0;
	s0 =	sadd.s32 s1, s0  }
0x1a9: {  	p0 =	slt.u32 s2, $0xC;
	[tilespmem:$0x10B8] =	vst v0;
	s1 =	simm.s32 $0x5100;
	s3 =	smul.u32 $0x1B0, s0  }
0x1aa: {  	s1 =	simm.s32 @!p0 $0x4F50;
	[tilespmem:$0x10C8] =	vst v0  }
0x1ab: {  	[tilespmem:$0x10A8] =	vst v0;
	s0 =	sadd.s32 s1, s3  }
0x1ac: {  	[tilespmem:$0x1038] =	vst v0;
	s4 =	smin.u32 s0, $0x50910  }
0x1ad: {  	[tilespmem:$0x1098] =	vst v0;
	s0 =	ssub.s32 s4, s3  }
0x1ae: {  	s5 =	simm.s32 $0x2;
	s29 =	simm.s32 $0x7;
	[tilespmem:$0x1088] =	vst v0;
	p0 =	sgt.s32 s0, $0x0  }
0x1af: {  	s13 =	simm.s32 $0x8;
	s30 =	simm.s32 $0x9;
	[tilespmem:$0x1078] =	vst v0;
	s0 =	simm.s32 @!p0 $0x0  }
0x1b0: {  	p4 =	por $0x0, $0x0;
	s14 =	simm.s32 $0xA;
	[tilespmem:$0x1068] =	vst v0;
	s6 =	smulhi.u32 $0x4BDA12F7, s0  }
0x1b1: {  	s18 =	simm.s32 $0x0;
	s15 =	simm.s32 $0x0;
	s17 =	simm.s32 $0x0;
	[tilespmem:$0x1058] =	vst v0  }
0x1b2: {  	s7 =	sadd.s32 $0x59DC00, s8;
	s31 =	sshll.u32 s2, $0x5;
	[tilespmem:$0x1028] =	vst v0;
	s12 =	sshrl.u32 s6, $0x7  }
0x1b3: {  	[tilespmem:$0x1008] =	vst v0;
	[sflag:s5] =	ssyncpa.u1 $0x0;
	v0 =	vimm.s32 $0xFFFFFFFF;
	s5 =	sadd.s32 $0x56C800, s8;
	s10 =	smul.u32 $0x1B0, s12  }
.Ltmp0:
0x1b4: {  	[dreg:$0x2] =	wrdreg s31;
	[tilespmem:$0x3648] =	vst v0;
	[sflag:s29] =	ssyncpa.u1 $0x0;
	(pc) =	sbr.rel .LBB2_1-.Ltmp0, $4  }
0x1b5: {  	[sflag:s13] =	ssyncpa.u1 $0x0;
	s13 =	simm.s32 $0x0;
	p0 =	sne.s32 s0, s10  }
0x1b6: {  	[sflag:s30] =	ssyncpa.u1 $0x0;
	s1 =	sadd.s32 $0xF5800, s8;
	s11 =	simm.s32 @!p0 $0x0  }
0x1b7: {  	s16 =	smov.u32 s3;
	[dreg:$0x3] =	wrdreg s3;
	s11 =	sadd.s32 s11, s12  }
0x1b8: {  	v0 =	vlaneseq.u32;
	s6 =	sadd.s32 $0x562600, s8;
	p0 =	por $0x1, $0x1;
	s8 =	sadd.s32 $0x1, s11  }
.LBB2_18:
0x1b9: {  	s0 =	simm.s32 $0x2  }
0x1ba: {  	_ =	swait.ge [sflag:s0], $0x0  }
0x1bb: {  	[sflag:s0] =	ssyncset.done $0x0;
	s0 =	simm.s32 $0x0  }
.LBB2_19:
0x1bc: {  	_ =	swait.ge [sflag:s14], s0  }
0x1bd: {  	s31 =	ssub.s32 $0x0, s0;
	v1 =	vmov s20;
	vm0 =	veq.s32 v0, $0x0;
	[sflag:s14] =	ssyncset.done $0x0  }
0x1be: {  	vm15 =	veq.s32 v0, $0x2;
	v1 =	vsel vm0, s24, v1;
	[sflag:s14] =	ssyncadd.s32 s31  }
0x1bf: {  	v1 =	vsel vm15, s18, v1;
	[sflag:s14] =	ssyncpa.u1 $0x1  }
0x1c0: {  	[tilespmem:$0x3648] =	vst v1  }
.LBB2_20:
0x1c1: {  	s0 =	sadd.s32 $0x1B0, s16  }
0x1c2: {  	s2 =	smov.u32 s3;
	p1 =	slt.s32 s0, s4  }
0x1c3: {  	s2 =	smov.u32 @p1 s0;
	p1 =	sne.s32 s17, s8  }
.Ltmp1:
0x1c4: {  	_ = 	snop;
	(pc) =	sbr.rel @!p1 .LBB2_21-.Ltmp1, $4  }
0x1c5: {  	_ = 	snop  }
0x1c6: {  	s18 =	smov.u32 s15  }
0x1c7: {  	s31 =	sadd.s32 $0x1, s17;
	s15 =	smov.u32 s16;
	p0 =	por !p0, !p0  }
0x1c8: {  	p4 =	por !p4, !p4;
	s17 =	smov.u32 s31;
	s16 =	smov.u32 s2  }
.LBB2_1:
0x1c9: {  	p2 =	sge.u32 s17, s11  }
0x1ca: {  	s0 =	smulhi.u32 @!p2 $0xAAAAAAAB, s17  }
0x1cb: {  	s19 =	smov.u32 s16;
	p3 =	sgt.s32 @!p2 s16, $0x50760  }
0x1cc: {  	s20 =	sshra.s32 @!p2 s16, $0x1F;
	p3 =	por !p3, p2;
	s0 =	sshrl.u32 @!p2 s0, $0x1  }
0x1cd: {  	s20 =	sand.u32 @!p2 s20, s16;
	s19 =	simm.s32 @p3 $0x50760;
	s0 =	smul.u32 @!p2 $0x3, s0  }
0x1ce: {  	s19 =	ssub.s32 @!p2 s19, s20  }
0x1cf: {  	s19 =	sadd.s32 @!p2 $0xFFFAF8A0, s19;
	s0 =	ssub.s32 @!p2 s17, s0  }
0x1d0: {  	s20 =	sshll.u32 @!p2 s19, $0x2;
	p3 =	sgt.s32 @!p2 s19, $0x1AF;
	s0 =	smul.u32 @!p2 $0x6C0, s0  }
0x1d1: {  	s21 =	sand.u32 @!p2 $0x7, s16;
	s19 =	ssub.s32 @!p2 $0x6C0, s20;
	p3 =	por !p3, p2  }
0x1d2: {  	s20 =	sshrl.u32 @!p2 s16, $0x3;
	s19 =	sshrl.u32 @!p2 s19, $0x2;
	s0 =	sshrl.u32 @!p2 s0, $0x2  }
0x1d3: {  	s20 =	sadd.s32 @!p2 s5, s20;
	s19 =	simm.s32 @!p3 $0x0;
	s0 =	sadd.s32 @!p2 $0x3878, s0  }
0x1d4: {  	[tilespmem:s0], [sflag:$0x8] =	stream.linear.gather @!p2 [hbm4b:s20+s21], s19, $0x38;
	[tilespmem:$0x1F0E8] =	vst v63  }
0x1d5: {  	s20 =	sadd.s32 $0xFFFFFFFF, s17  }
0x1d6: {  	p2 =	sge.u32 s20, s11  }
0x1d7: {  	p3 =	sgt.s32 @!p2 s15, $0x50760  }
0x1d8: {  	s0 =	smov.u32 s15;
	s19 =	sshra.s32 @!p2 s15, $0x1F;
	p3 =	por !p3, p2  }
0x1d9: {  	s19 =	sand.u32 @!p2 s19, s15;
	s0 =	simm.s32 @p3 $0x50760  }
0x1da: {  	s0 =	ssub.s32 @!p2 s0, s19  }
0x1db: {  	s0 =	sadd.s32 @!p2 $0xFFFAF8A0, s0  }
0x1dc: {  	s19 =	sshll.u32 @!p2 s0, $0x2  }
0x1dd: {  	p3 =	sgt.s32 @!p2 s0, $0x1AF;
	s0 =	ssub.s32 @!p2 $0x6C0, s19  }
0x1de: {  	p3 =	por !p3, p2;
	s0 =	sshrl.u32 @!p2 s0, $0x2  }
0x1df: {  	s21 =	simm.s32 @!p2 $0x8;
	s19 =	sand.u32 @!p2 $0x1, s20;
	s0 =	simm.s32 @!p3 $0x0  }
0x1e0: {  	s19 =	smul.u32 @!p2 $0x6C0, s19;
	_ =	swait.ge @!p2 [sflag:s21], s0  }
0x1e1: {  	s22 =	ssub.s32 @!p2 $0x0, s0;
	[sflag:s21] =	ssyncset.done @!p2 $0x0  }
0x1e2: {  	s19 =	sshrl.u32 @!p2 s19, $0x2;
	[sflag:s21] =	ssyncadd.s32 @!p2 s22;
	s21 =	sshrl.u32 @!p2 s15, $0x3  }
0x1e3: {  	s19 =	sadd.s32 @!p2 $0x3D88, s19;
	s22 =	sand.u32 @!p2 $0x7, s15;
	s21 =	sadd.s32 @!p2 s6, s21  }
0x1e4: {  	[tilespmem:s19], [sflag:$0x9] =	stream.linear.gather @!p2 [hbm4b:s21+s22], s0, $0x38;
	[tilespmem:$0x1F0E8] =	vst v63  }
0x1e5: {  	s19 =	ssub.s32 @!p2 $0x50910, s15  }
0x1e6: {  	p3 =	slt.s32 @!p2 s19, $0x1  }
0x1e7: {  	p3 =	por p2, p3  }
.Ltmp2:
0x1e8: {  	_ = 	snop;
	(pc) =	sbr.rel @p3 .LBB2_7-.Ltmp2, $1  }
0x1e9: {  	_ =	sdelay $0x3  }
0x1ea: {  	s0 =	smulhi.u32 $0xAAAAAAAB, s20;
	_ =	sdelay $0x1  }
0x1eb: {  	s0 =	sshrl.u32 s0, $0x1  }
0x1ec: {  	s0 =	smul.u32 $0x3, s0;
	_ =	sdelay $0x1  }
0x1ed: {  	s0 =	ssub.s32 s20, s0  }
0x1ee: {  	s21 =	simm.s32 $0x1;
	s0 =	smul.u32 $0x6C0, s0  }
.Ltmp3:
0x1ef: {  	s21 =	simm.s32 @!p0 $0x0;
	(pc) =	sbr.rel .LBB2_4-.Ltmp3, $4  }
0x1f0: {  	s31 =	smul.u32 $0x36000, s21  }
0x1f1: {  	p3 =	slt.s32 @!p2 s19, $0x1B0;
	s0 =	sshrl.u32 s0, $0x2  }
0x1f2: {  	p2 =	por !p3, p2;
	s20 =	sshrl.u32 s31, $0x2;
	s0 =	sadd.s32 $0x3878, s0  }
0x1f3: {  	s19 =	simm.s32 @p2 $0x1B0;
	s21 =	simm.s32 $0x0;
	s20 =	sadd.s32 $0x40E8, s20;
	v1 =	vmov s0  }
.LBB2_3:
0x1f4: {  	p2 =	sge.s32 s21, s19  }
.Ltmp4:
0x1f5: {  	_ = 	snop;
	(pc) =	sbr.rel @p2 .LBB2_7-.Ltmp4, $2  }
0x1f6: {  	_ =	sdelay $0x2  }
0x1f7: {  	s20 =	sadd.s32 $0x800, s20  }
.LBB2_4:
0x1f8: {  	p2 =	sle.s32 s19, s21  }
.Ltmp5:
0x1f9: {  	_ = 	snop;
	(pc) =	sbr.rel @p2 .LBB2_3-.Ltmp5, $2  }
0x1fa: {  	_ =	sdelay $0x2  }
0x1fb: {  	s22 =	smov.u32 s21;
	s21 =	sadd.s32 $0x10, s21  }
0x1fc: {  	s0 =	ssub.s32 s19, s22  }
0x1fd: {  	p2 =	slt.s32 s0, $0x10  }
0x1fe: {  	s0 =	simm.s32 @!p2 $0x10  }
0x1ff: {  	v2 =	vmov s0  }
0x200: {  	vm0 =	vgt.s32 v2, v0;
	_ =	sdelay $0x5  }
0x201: {  	v2 =	vld.idx.msk [tilespmem:v1+s22+$0x0 ss:$0x1], vm0;
	_ =	sdelay $0x2  }
0x202: {  	s23 =	smov.u32 s19;
	p2 =	slt.s32 s21, s19  }
0x203: {  	s24 =	smov.u32 s20;
	s25 =	simm.s32 $0x0;
	s23 =	smov.u32 @p2 s21  }
.LBB2_6:
0x204: {  	(v2sf) =	vpush v2, s25;
	_ =	sdelay $0xc  }
0x205: {  	s25 =	sadd.s32 $0x1, s25  }
0x206: {  	s31 =	sadd.s32 s25, s22  }
0x207: {  	p2 =	slt.s32 s31, s23;
	s0 =	spop (v2sf)  }
.Ltmp6:
0x208: {  	s0 =	sshll.u32 s0, $0x4;
	(pc) =	sbr.rel @p2 .LBB2_6-.Ltmp6, $4  }
0x209: {  	s0 =	sand.u32 $0x1FFFFFF0, s0  }
0x20a: {  	s0 =	sadd.s32 s7, s0  }
0x20b: {  	[tilespmem:s24], [sflag:$0x7] =	stream.linear.gather [hbm4b:s0+s13], $0x4, $0x38;
	[tilespmem:$0x1F0E8] =	vst v63  }
0x20c: {  	s24 =	sadd.s32 $0x80, s24  }
.Ltmp7:
0x20d: {  	_ = 	snop;
	(pc) =	sbr.rel .LBB2_3-.Ltmp7, $1  }
0x20e: {  	_ =	sdelay $0x3  }
.LBB2_7:
0x20f: {  	p2 =	slt.u32 s17, $0x2  }
.Ltmp8:
0x210: {  	_ = 	snop;
	(pc) =	sbr.rel @p2 .LBB2_20-.Ltmp8, $1  }
0x211: {  	_ =	sdelay $0x3  }
0x212: {  	p2 =	sgt.s32 s18, $0x50760;
	s0 =	smov.u32 s18  }
0x213: {  	s19 =	sshra.s32 s18, $0x1F;
	s20 =	ssub.s32 $0x50910, s18;
	s0 =	simm.s32 @!p2 $0x50760  }
0x214: {  	s19 =	sand.u32 s19, s18;
	p2 =	slt.s32 s20, $0x1B0;
	s21 =	smov.u32 s20  }
0x215: {  	s0 =	ssub.s32 s0, s19;
	s21 =	simm.s32 @!p2 $0x1B0  }
0x216: {  	s0 =	sadd.s32 $0xFFFAF8A0, s0;
	s26 =	sshll.u32 s21, $0x2  }
0x217: {  	s2 =	simm.s32 $0x7;
	s28 =	sshll.u32 s0, $0x2;
	s19 =	sand.u32 $0x3FFFFFFC, s26  }
0x218: {  	p2 =	sgt.s32 s0, $0x1AF;
	s29 =	ssub.s32 $0x6C0, s28;
	_ =	swait.ge [sflag:s2], s19  }
0x219: {  	s19 =	ssub.s32 $0x0, s19;
	[sflag:s2] =	ssyncset.done $0x0;
	s0 =	sshrl.u32 s29, $0x2  }
0x21a: {  	s30 =	simm.s32 $0x9;
	[sflag:s2] =	ssyncadd.s32 s19;
	s0 =	simm.s32 @p2 $0x0  }
0x21b: {  	_ =	swait.ge [sflag:s30], s0  }
0x21c: {  	s0 =	ssub.s32 $0x0, s0;
	[sflag:s30] =	ssyncset.done $0x0  }
0x21d: {  	[sflag:s30] =	ssyncadd.s32 s0  }
0x21e: {  	v1 =	vld [tilespmem:$0x3648];
	_ =	sdelay $0x4  }
0x21f: {  	(v2sf) =	vpush v1, $0x0  }
0x220: {  	(v2sf) =	vpush v1, $0x1  }
0x221: {  	(v2sf) =	vpush v1, $0x2;
	_ =	sdelay $0x3  }
0x222: {  	s0 =	sadd.s32 $0x1B0, s18  }
0x223: {  	p2 =	slt.s32 s4, s0  }
0x224: {  	s0 =	smov.u32 @p2 s4;
	p2 =	sgt.s32 s20, $0x0  }
0x225: {  	s22 =	ssub.s32 s0, s18;
	s20 =	simm.s32 @!p2 $0x0  }
0x226: {  	p2 =	slt.s32 s20, s22  }
0x227: {  	s22 =	smov.u32 @p2 s20  }
0x228: {  	s21 =	simm.s32 $0x1;
	p2 =	slt.s32 s22, $0x1  }
.Ltmp9:
0x229: {  	s21 =	simm.s32 @!p4 $0x0;
	(pc) =	sbr.rel @p2 .LBB2_12-.Ltmp9, $4  }
0x22a: {  	s31 =	smul.u32 $0x6C0, s21  }
0x22b: {  	s23 =	spop (v2sf)  }
0x22c: {  	s0 =	sshrl.u32 s31, $0x2;
	s25 =	spop (v2sf)  }
0x22d: {  	s19 =	sadd.s32 $0x3D88, s0;
	s18 =	spop (v2sf)  }
0x22e: {  	s0 =	smin.u32 s22, $0x10  }
0x22f: {  	v1 =	vmov s0  }
0x230: {  	p3 =	sgt.s32 s22, $0x10;
	vm1 =	vgt.u32 v1, v0  }
.Ltmp10:
0x231: {  	_ = 	snop;
	(pc) =	sbr.rel @!p3 .LBB2_11-.Ltmp10, $2  }
0x232: {  	_ =	sdelay $0x2  }
0x233: {  	s24 =	simm.s32 $0x10;
	s26 =	sadd.s32 $0xFFFFFFF0, s22;
	s20 =	smov.u32 s19;
	vm0 =	vmmov vm1  }
.LBB2_10:
0x234: {  	s0 =	smin.u32 s26, $0x10;
	s24 =	sadd.s32 $0x10, s24;
	v1 =	vld.msk [tilespmem:s20+$0x0 ss:$0x1], vm1  }
0x235: {  	v2 =	vmov s0;
	p3 =	slt.s32 s24, s22  }
0x236: {  	vm1 =	vgt.u32 v2, v0  }
.Ltmp11:
0x237: {  	(pc) =	sbr.rel @p3 .LBB2_10-.Ltmp11, $3  }
0x238: {  	_ =	sdelay $0x1  }
0x239: {  	v1 =	vshll.u32 v1, $0x4  }
0x23a: {  	s26 =	sadd.s32 $0xFFFFFFF0, s26;
	[tilespmem:s20+$0x0] =	vst.msk vm0, v1;
	s20 =	sadd.s32 $0x10, s20;
	vm0 =	vmmov vm1  }
.LBB2_11:
0x23b: {  	_ =	sdelay $0x4  }
0x23c: {  	v1 =	vld.msk [tilespmem:s20+$0x0 ss:$0x1], vm1;
	_ =	sdelay $0x4  }
0x23d: {  	v1 =	vshll.u32 v1, $0x4  }
0x23e: {  	[tilespmem:s20+$0x0] =	vst.msk vm0, v1  }
.LBB2_12:
0x23f: {  	s0 =	sand.u32 $0x1, s17  }
0x240: {  	s0 =	smul.u32 $0x1B0, s0  }
0x241: {  	p3 =	sne.s32 s25, $0xFFFFFFFF  }
0x242: {  	v1 =	vld.msk @!p3 [tilespmem:s0+$0x3D88], $0x1;
	_ =	sdelay $0x4  }
0x243: {  	(v2sf) =	vpush @!p3 v1, $0x0;
	_ =	sdelay $0xc  }
.Ltmp12:
0x244: {  	_ = 	snop;
	(pc) =	sbr.rel @p2 .LBB2_18-.Ltmp12, $4  }
0x245: {  	_ = 	snop  }
0x246: {  	s24 =	spop @!p3 (v2sf)  }
0x247: {  	s18 =	simm.s32 @!p3 $0x0;
	s20 =	smov.u32 s24  }
0x248: {  	[sflag:s14] =	ssyncpa.u1 $0x0;
	s24 =	smov.u32 @p3 s23;
	s20 =	smov.u32 @p3 s25  }
0x249: {  	v1 =	vld.msk [tilespmem:s19+$0x0], $0x1;
	_ =	sdelay $0x4  }
0x24a: {  	(v2sf) =	vpush v1, $0x0;
	_ =	sdelay $0xd  }
0x24b: {  	s0 =	simm.s32 @!p4 $0x0  }
0x24c: {  	s26 =	smul.u32 $0x36000, s21;
	s25 =	ssub.s32 $0x0, s22;
	s28 =	spop (v2sf)  }
0x24d: {  	s0 =	simm.s32 @p4 $0x1;
	s23 =	sadd.s32 $0x1, s25;
	p2 =	seq.s32 s24, s28  }
0x24e: {  	[smem:$0x7FD] =	sst s0;
	s0 =	sshrl.u32 s26, $0x2;
	p3 =	sgt.s32 @!p2 s24, $0x0  }
0x24f: {  	s21 =	sadd.s32 $0x40E8, s0;
	s0 =	smov.u32 s24;
	p3 =	por !p3, p2  }
0x250: {  	s0 =	simm.s32 @p3 $0x0;
	p3 =	seq.s32 s23, $0x0  }
.Ltmp13:
0x251: {  	_ = 	snop;
	(pc) =	sbr.rel @p3 .LBB2_15-.Ltmp13, $4  }
0x252: {  	s3 =	smov.u32 s8;
	s12 =	smov.u32 s5;
	s8 =	smov.u32 s6  }
0x253: {  	s22 =	simm.s32 $0x0;
	s29 =	simm.s32 @!p2 $0x1;
	s0 =	smin.u32 @!p2 s0, $0x270FF  }
0x254: {  	s30 =	simm.s32 @!p2 $0x1B38;
	s29 =	smov.u32 @p2 s22;
	s26 =	sand.u32 @!p2 $0x3FFF8, s0  }
0x255: {  	s31 =	sand.u32 @!p2 $0x7, s0;
	s0 =	sadd.s32 @!p2 s1, s26;
	s26 =	sadd.s32 $0x1, s19  }
.LBB2_14:
0x256: {  	s2 =	smov.u32 s29  }
0x257: {  	[tilespmem:s30], [sflag:$0x2] =	stream.linear.gather @!p2 [hbm4b:s0+s31], $0x4, $0x38;
	[tilespmem:$0x1F0E8] =	vst v63  }
0x258: {  	s23 =	sadd.s32 $0x1, s23;
	s0 =	smov.u32 s28;
	v1 =	vld.msk [tilespmem:s26+$0x0], $0x1  }
0x259: {  	p3 =	seq.s32 s23, $0x0;
	_ =	sdelay $0x3  }
0x25a: {  	(v2sf) =	vpush v1, $0x0;
	_ =	sdelay $0xe  }
0x25b: {  	s28 =	spop (v2sf)  }
0x25c: {  	p2 =	seq.s32 s0, s28  }
0x25d: {  	p4 =	sgt.s32 @!p2 s0, $0x0;
	s30 =	sshll.u32 @!p2 s29, $0x6;
	s29 =	sadd.s32 @!p2 $0x1, s29  }
.Ltmp14:
0x25e: {  	p4 =	por !p4, p2;
	s30 =	sshra.s32 @!p2 s30, $0x2;
	(pc) =	sbr.rel @!p3 .LBB2_14-.Ltmp14, $4  }
0x25f: {  	s29 =	smov.u32 @p2 s2;
	s0 =	simm.s32 @p4 $0x0;
	s30 =	sadd.s32 @!p2 $0x1B38, s30  }
0x260: {  	s0 =	smin.u32 @!p2 s0, $0x270FF  }
0x261: {  	s2 =	sand.u32 @!p2 $0x3FFF8, s0;
	s31 =	sand.u32 @!p2 $0x7, s0  }
0x262: {  	s26 =	sadd.s32 $0x1, s26;
	s0 =	sadd.s32 @!p2 s1, s2  }
.LBB2_15:
0x263: {  	[tilespmem:s30], [sflag:$0x2] =	stream.linear.gather @!p2 [hbm4b:s0+s31], $0x4, $0x38;
	[tilespmem:$0x1F0E8] =	vst v63  }
0x264: {  	s31 =	sshll.u32 s29, $0x2  }
0x265: {  	s2 =	simm.s32 $0x2;
	s0 =	sand.u32 $0x3FFFFFFC, s31  }
0x266: {  	_ =	swait.ge [sflag:s2], s0  }
0x267: {  	s0 =	ssub.s32 $0x0, s0;
	[sflag:s2] =	ssyncset.done $0x0  }
0x268: {  	[sflag:s2] =	ssyncadd.s32 s0  }
0x269: {  	v1 =	vld.msk [tilespmem:s19+$0x0], $0x1;
	_ =	sdelay $0x4  }
0x26a: {  	(v2sf) =	vpush v1, $0x0;
	_ =	sdelay $0xe  }
0x26b: {  	s23 =	spop (v2sf)  }
0x26c: {  	p2 =	sne.s32 s24, s23  }
0x26d: {  	p4 =	sne.s32 @p2 s24, s20  }
0x26e: {  	p3 =	por !p4, !p2  }
0x26f: {  	s0 =	simm.s32 @!p3 $0x0  }
0x270: {  	v1 =	vld.msk @!p3 [tilespmem:s0+$0x1B38], $0xf  }
0x271: {  	p5 =	sgt.u32 @!p3 s24, $0x270FF  }
0x272: {  	s2 =	sshll.u32 @!p3 s18, $0x6;
	p6 =	por @p2 p5, !p4  }
0x273: {  	s2 =	sshra.s32 @!p3 s2, $0x2;
	p1 =	por p6, !p2;
	p6 =	por p4, !p2  }
0x274: {  	s26 =	sadd.s32 @!p3 $0x28, s2;
	s28 =	sand.u32 @!p1 $0x3FFF8, s24;
	s29 =	sshll.u32 @!p6 s18, $0x6  }
0x275: {  	s24 =	sand.u32 @!p1 $0x7, s24;
	[tilespmem:s2+$0x28] =	vst.add.f32.msk @!p3 $0xf, v1;
	s2 =	sadd.s32 @!p1 s1, s28;
	s28 =	sshra.s32 @!p6 s29, $0x2  }
0x276: {  	[hbm4b:s2+s24] =	stream.linear.scatter @!p1 [tilespmem:s26], [sflag:$0xA], $0x4, $0x38;
	[tilespmem:$0x1F0E8] =	vst v63  }
0x277: {  	s0 =	rddreg [dreg:$0x2];
	s2 =	sadd.s32 @!p6 $0x28, s28;
	s24 =	simm.s32 @!p6 $0x1  }
0x278: {  	[spmem:s0] =	stream.linear.scatter @!p6 [tilespmem:s2], [sflag:$0x1], $0x4, $0x38;
	[tilespmem:$0x1F0E8] =	vst v63  }
0x279: {  	s0 =	sadd.s32 @p2 $0x1, s18;
	_ =	swait.ge @!p6 [sflag:s24], $0x4  }
0x27a: {  	s2 =	sshrl.u32 @p2 s0, $0x4;
	[sflag:s24] =	ssyncset.done @!p6 $0x0  }
0x27b: {  	s2 =	smulhi.u32 @p2 $0x97B425F, s2;
	[sflag:s24] =	ssyncadd.s32 @!p6 $0xFFFFFFFC  }
0x27c: {  	s24 =	sadd.s32 $0x1, s25;
	v1 =	vld.msk @p2 [tilespmem:s21+$0x0], $0xf  }
0x27d: {  	p1 =	por @p2 !p5, !p4;
	s2 =	smul.u32 @p2 $0x1B0, s2;
	p4 =	seq.s32 s24, $0x0  }
.Ltmp15:
0x27e: {  	p1 =	por !p1, !p2;
	s25 =	simm.s32 @!p3 $0x0;
	(pc) =	sbr.rel @p4 .LBB2_17-.Ltmp15, $4  }
0x27f: {  	s26 =	sshll.u32 @!p2 s18, $0x6;
	s25 =	simm.s32 @!p1 $0x10;
	s0 =	ssub.s32 @p2 s0, s2  }
0x280: {  	s26 =	sshra.s32 @!p2 s26, $0x2;
	s28 =	sadd.s32 @!p3 $0x0, s25;
	s29 =	sshll.u32 @p2 s0, $0x4  }
0x281: {  	s25 =	simm.s32 $0x0;
	s2 =	simm.s32 @p2 $0x1;
	s28 =	smov.u32 @p3 s22;
	[tilespmem:s29+$0x28] =	vst.msk @p2 $0xf, v1  }
0x282: {  	s18 =	smov.u32 @p2 s0;
	s25 =	smov.u32 @p2 s28;
	s22 =	smov.u32 @p2 s2;
	v1 =	vld.msk @!p2 [tilespmem:s21+$0x0], $0xf  }
.LBB2_16:
0x283: {  	_ =	sdelay $0x3  }
0x284: {  	s19 =	sadd.s32 $0x1, s19;
	[tilespmem:s26+$0x28] =	vst.add.f32.msk @!p2 $0xf, v1  }
0x285: {  	v1 =	vld.msk [tilespmem:s19+$0x0], $0x1;
	_ =	sdelay $0x4  }
0x286: {  	(v2sf) =	vpush v1, $0x0;
	_ =	sdelay $0xe  }
0x287: {  	s0 =	smov.u32 s23;
	s23 =	spop (v2sf)  }
0x288: {  	p2 =	sne.s32 s0, s23  }
0x289: {  	p5 =	sne.s32 @p2 s0, s20  }
0x28a: {  	p4 =	por !p5, !p2  }
0x28b: {  	s30 =	sshll.u32 @!p4 s22, $0x6  }
0x28c: {  	s30 =	sshra.s32 @!p4 s30, $0x2  }
0x28d: {  	p1 =	sgt.u32 @!p4 s0, $0x270FF;
	v1 =	vld.msk @!p4 [tilespmem:s30+$0x1B38], $0xf  }
0x28e: {  	s31 =	sshll.u32 @!p4 s18, $0x6;
	p6 =	por @p2 p1, !p5;
	p1 =	por @p2 !p1, !p5  }
0x28f: {  	s5 =	simm.s32 @!p4 $0x0;
	s31 =	sshra.s32 @!p4 s31, $0x2;
	p1 =	por !p1, !p2  }
0x290: {  	p5 =	por p5, !p2;
	s5 =	simm.s32 @!p1 $0x10;
	p1 =	por p6, !p2  }
0x291: {  	s30 =	sadd.s32 @!p4 $0x28, s31;
	s6 =	sshll.u32 @!p5 s18, $0x6;
	s10 =	sand.u32 @!p1 $0x3FFF8, s0  }
0x292: {  	s6 =	sshra.s32 @!p5 s6, $0x2;
	s0 =	sand.u32 @!p1 $0x7, s0;
	s10 =	sadd.s32 @!p1 s1, s10;
	[tilespmem:s31+$0x28] =	vst.add.f32.msk @!p4 $0xf, v1  }
0x293: {  	[hbm4b:s10+s0] =	stream.linear.scatter @!p1 [tilespmem:s30], [sflag:$0xA], $0x4, $0x38;
	[tilespmem:$0x1F0E8] =	vst v63  }
0x294: {  	s2 =	rddreg [dreg:$0x2];
	s0 =	sadd.s32 @!p5 $0x28, s6;
	s6 =	simm.s32 @!p5 $0x1  }
0x295: {  	[spmem:s2] =	stream.linear.scatter @!p5 [tilespmem:s0], [sflag:$0x1], $0x4, $0x38;
	[tilespmem:$0x1F0E8] =	vst v63  }
0x296: {  	s28 =	sadd.s32 @p2 $0x1, s18;
	_ =	swait.ge @!p5 [sflag:s6], $0x4  }
0x297: {  	s29 =	sshrl.u32 @p2 s28, $0x4;
	[sflag:s6] =	ssyncset.done @!p5 $0x0  }
0x298: {  	s21 =	sadd.s32 $0x80, s21;
	s29 =	smulhi.u32 @p2 $0x97B425F, s29;
	[sflag:s6] =	ssyncadd.s32 @!p5 $0xFFFFFFFC  }
0x299: {  	s24 =	sadd.s32 $0x1, s24;
	v1 =	vld.msk @p2 [tilespmem:s21+$0x0], $0xf  }
0x29a: {  	p3 =	seq.s32 s24, $0x0;
	s29 =	smul.u32 @p2 $0x1B0, s29  }
.Ltmp16:
0x29b: {  	_ = 	snop;
	(pc) =	sbr.rel @!p3 .LBB2_16-.Ltmp16, $4  }
0x29c: {  	s28 =	ssub.s32 @p2 s28, s29  }
0x29d: {  	s26 =	sshll.u32 @!p2 s18, $0x6;
	s5 =	sadd.s32 @!p4 s5, s25;
	s10 =	sshll.u32 @p2 s28, $0x4  }
0x29e: {  	s9 =	sadd.s32 @p2 $0x1, s22;
	s26 =	sshra.s32 @!p2 s26, $0x2;
	s5 =	smov.u32 @p4 s25;
	[tilespmem:s10+$0x28] =	vst.msk @p2 $0xf, v1  }
0x29f: {  	s22 =	smov.u32 @p2 s9;
	s18 =	smov.u32 @p2 s28;
	s25 =	smov.u32 @p2 s5;
	v1 =	vld.msk @!p2 [tilespmem:s21+$0x0], $0xf  }
.LBB2_17:
.Ltmp17:
0x2a0: {  	_ = 	snop;
	(pc) =	sbr.rel .LBB2_19-.Ltmp17, $4  }
0x2a1: {  	s2 =	sld [smem:$0x7FD]  }
0x2a2: {  	s0 =	sshrl.u32 s25, $0x2  }
0x2a3: {  	s24 =	smov.u32 s23;
	s6 =	smov.u32 s8;
	s5 =	smov.u32 s12  }
0x2a4: {  	s8 =	smov.u32 s3;
	s3 =	rddreg [dreg:$0x3];
	p4 =	seq.s32 s2, $0x1;
	[tilespmem:s26+$0x28] =	vst.add.f32.msk @!p2 $0xf, v1  }
.LBB2_21:
0x2a5: {  	_ =	sfence.sel $0x180000  }
0x2a6: {  	s0 =	simm.s32 $0x7;
	[bflag:$0x0] =	sbarrier.arrive $0xFFFF  }
0x2a7: {  	s25 =	simm.s32 $0x8;
	[sflag:s0] =	ssyncpa.u1 $0x1  }
0x2a8: {  	s26 =	simm.s32 $0x9;
	[sflag:s25] =	ssyncpa.u1 $0x1  }
0x2a9: {  	s28 =	simm.s32 $0x2;
	[sflag:s26] =	ssyncpa.u1 $0x1  }
0x2aa: {  	[sflag:s28] =	ssyncpa.u1 $0x1  }
0x2ab: {  	v0 =	vld [tilespmem:$0x3648];
	_ =	sdelay $0x4  }
0x2ac: {  	(v2sf) =	vpush v0, $0x0  }
0x2ad: {  	(v2sf) =	vpush v0, $0x1;
	_ =	sdelay $0x1  }
0x2ae: {  	(v2sf) =	vpush v0, $0x2;
	_ =	sdelay $0xb  }
0x2af: {  	s0 =	spop (v2sf)  }
0x2b0: {  	s2 =	spop (v2sf)  }
0x2b1: {  	s3 =	smov.u32 s0;
	p0 =	sne.s32 s0, s2  }
0x2b2: {  	s4 =	spop (v2sf);
	s3 =	simm.s32 @!p0 $0xFFFFFFFF  }
0x2b3: {  	v2 =	vimm.s32 $0x1;
	v3 =	vlaneseq.u32;
	p0 =	seq.s32 s4, $0xFFFFFFFF;
	v1 =	vmov s3  }
0x2b4: {  	s7 =	stileid.u32;
	v0 =	vperm.xlane v0, v2;
	p1 =	sne.s32 @!p0 s0, s2;
	v1 =	vperm.xlane v1, v3  }
0x2b5: {  	vm0 =	vcmask $0x3F04;
	s6 =	simm.s32 $0x3648;
	s0 =	simm.s32 @!p0 $0x1;
	p1 =	por !p1, p0  }
0x2b6: {  	s3 =	sshll.u32 s7, $0x1;
	s2 =	sshll.u32 @!p0 s4, $0x6;
	s0 =	simm.s32 @p1 $0x0;
	v0 =	vsel vm0, v1, v0  }
0x2b7: {  	s5 =	sor.u32 $0x200, s3;
	s2 =	sshra.s32 @!p0 s2, $0x2;
	s0 =	sor.u32 @!p0 s0, s3;
	[tilespmem:$0x3648] =	vst v0  }
0x2b8: {  	[spmem:s5] =	stream.linear.scatter [tilespmem:s6], [sflag:$0x1], $0x2, $0x38;
	[tilespmem:$0x1F0E8] =	vst v63  }
0x2b9: {  	s2 =	sadd.s32 @!p0 $0x28, s2;
	s0 =	sshll.u32 @!p0 s0, $0x4  }
0x2ba: {  	[spmem:s0] =	stream.linear.scatter @!p0 [tilespmem:s2], [sflag:$0x1], $0x10, $0x38;
	[tilespmem:$0x1F0E8] =	vst v63  }
0x2bb: {  	s0 =	simm.s32 @!p0 $0x12  }
0x2bc: {  	s3 =	simm.s32 $0x1;
	s0 =	simm.s32 @p0 $0x2  }
0x2bd: {  	_ =	swait.ge [sflag:s3], s0  }
0x2be: {  	s0 =	ssub.s32 $0x0, s0;
	[sflag:s3] =	ssyncset.done $0x0  }
0x2bf: {  	[sflag:s3] =	ssyncadd.s32 s0  }
0x2c0: {  	_ =	sfence.stream.spmem  }
0x2c1: {  	s29 =	simm.s32 $0x3;
	[bflag:$0x0] =	sbarrier.arrive $0xFFFF  }
0x2c2: {  	s30 =	simm.s32 $0x4;
	[sflag:s29] =	ssyncpa.u1 $0x1  }
0x2c3: {  	s31 =	simm.s32 $0x3C;
	[sflag:s30] =	ssyncpa.u1 $0x1  }
0x2c4: {  	p0 =	sne.s32 s7, $0x0;
	[sflag:s31] =	ssyncpa.u1 $0x1  }
0x2c5: {  	_ =	sfence @p0  }
0x2c6: {  	[sflag:s3] =	ssyncpa.u1 @p0 $0x1  }
0x2c7: {  	_ =	strace @p0 $0x90000050  }
0x2c8: {  	[bflag:$0x2] =	sbarrier.arrive @p0 $0xFFFF  }
0x2c9: {  	_ =	shalt @p0  }
.LBB2_22:
0x2ca: {  	_ =	sfence.stream.spmem;
	s0 =	simm.s32 $0x5  }
0x2cb: {  	s2 =	simm.s32 $0x200;
	s3 =	simm.s32 $0x3658;
	[sflag:s0] =	ssyncpa.u1 $0x0  }
0x2cc: {  	[tilespmem:s3], [sflag:$0x5] =	stream.linear.gather [spmem:s2], $0x20, $0x38;
	[tilespmem:$0x1F0E8] =	vst v63  }
0x2cd: {  	s30 =	simm.s32 $0x3678;
	s2 =	simm.s32 $0x0  }
0x2ce: {  	[tilespmem:s30], [sflag:$0x5] =	stream.linear.gather [spmem:s2], $0x200, $0x38;
	[tilespmem:$0x1F0E8] =	vst v63  }
.Ltmp18:
0x2cf: {  	_ = 	snop;
	(pc) =	sbr.rel .LBB2_23-.Ltmp18, $4  }
0x2d0: {  	_ =	swait.ge [sflag:s0], $0x220  }
0x2d1: {  	[sflag:s0] =	ssyncset.done $0x0  }
0x2d2: {  	s31 =	simm.s32 $0x6;
	[sflag:s0] =	ssyncadd.s32 $0xFFFFFDE0  }
0x2d3: {  	s3 =	simm.s32 $0x0;
	[sflag:s31] =	ssyncpa.u1 $0x0  }
.LBB2_28:
0x2d4: {  	p0 =	slt.u32 s4, $0x27100  }
0x2d5: {  	s0 =	sand.u32 @p0 $0x3FFF8, s4  }
0x2d6: {  	s4 =	sand.u32 @p0 $0x7, s4;
	s5 =	simm.s32 @p0 $0x3638;
	s0 =	sadd.s32 @p0 s1, s0  }
0x2d7: {  	[tilespmem:s5], [sflag:$0x6] =	stream.linear.gather @p0 [hbm4b:s0+s4], $0x4, $0x38;
	[tilespmem:$0x1F0E8] =	vst v63  }
0x2d8: {  	s0 =	simm.s32 @p0 $0x6  }
0x2d9: {  	_ =	swait.ge @p0 [sflag:s0], $0x4  }
0x2da: {  	[sflag:s0] =	ssyncset.done @p0 $0x0  }
0x2db: {  	[sflag:s0] =	ssyncadd.s32 @p0 $0xFFFFFFFC  }
0x2dc: {  	v1 =	vld @p0 [tilespmem:$0x3638];
	_ =	sdelay $0x2  }
0x2dd: {  	s0 =	sshll.u32 @p0 s3, $0x6  }
0x2de: {  	s5 =	sshll.u32 @!p0 s3, $0x6;
	s4 =	sshrl.u32 @p0 s0, $0x2  }
0x2df: {  	s5 =	smov.u32 @p0 s0;
	[tilespmem:s4+$0x3678] =	vst.add.f32.msk @p0 $0xffff, v1  }
0x2e0: {  	s0 =	sshrl.u32 s5, $0x2;
	[tilespmem:s2+$0x3658] =	vst.msk $0x1, v0  }
0x2e1: {  	v0 =	vld [tilespmem:s0+$0x3678];
	_ =	sdelay $0x2  }
0x2e2: {  	s31 =	sshll.u32 s2, $0x6  }
0x2e3: {  	s0 =	sshra.s32 s31, $0x2  }
0x2e4: {  	s2 =	sadd.s32 $0x1, s2;
	[tilespmem:s0+$0x3678] =	vst v0  }
.LBB2_30:
0x2e5: {  	s3 =	sadd.s32 $0x1, s3  }
0x2e6: {  	p0 =	sne.s32 s3, $0x20  }
.Ltmp19:
0x2e7: {  	_ = 	snop;
	(pc) =	sbr.rel @!p0 .LBB2_31-.Ltmp19, $1  }
0x2e8: {  	_ =	sdelay $0x3  }
.LBB2_23:
0x2e9: {  	v0 =	vld.msk [tilespmem:s3+$0x3658], $0x1;
	_ =	sdelay $0x4  }
0x2ea: {  	(v2sf) =	vpush v0, $0x0;
	_ =	sdelay $0xe  }
0x2eb: {  	s4 =	spop (v2sf)  }
0x2ec: {  	p0 =	seq.s32 s4, $0xFFFFFFFF  }
.Ltmp20:
0x2ed: {  	_ = 	snop;
	(pc) =	sbr.rel @p0 .LBB2_30-.Ltmp20, $1  }
0x2ee: {  	_ =	sdelay $0x3  }
0x2ef: {  	p0 =	slt.s32 s2, $0x1  }
.Ltmp21:
0x2f0: {  	_ = 	snop;
	(pc) =	sbr.rel @p0 .LBB2_28-.Ltmp21, $1  }
0x2f1: {  	_ =	sdelay $0x3  }
0x2f2: {  	s5 =	simm.s32 $0x3658;
	p0 =	por $0x0, $0x0  }
0x2f3: {  	v1 =	vld.msk @!p0 [tilespmem:s5+$0x0], $0x1;
	_ =	sdelay $0x4  }
0x2f4: {  	(v2sf) =	vpush @!p0 v1, $0x0;
	_ =	sdelay $0xd  }
0x2f5: {  	p2 =	sne.s32 s2, $0x1  }
.Ltmp22:
0x2f6: {  	s0 =	spop @!p0 (v2sf);
	(pc) =	sbr.rel @!p2 .LBB2_27-.Ltmp22, $4  }
0x2f7: {  	p1 =	seq.s32 @!p0 s4, s0  }
0x2f8: {  	s6 =	simm.s32 $0x0;
	p1 =	por !p1, p0  }
0x2f9: {  	s0 =	simm.s32 $0xFFFFFFFF;
	s6 =	simm.s32 @p1 $0xFFFFFFFF  }
0x2fa: {  	s7 =	simm.s32 $0x1;
	s6 =	smov.u32 @p0 s0  }
.LBB2_26:
0x2fb: {  	s0 =	smov.u32 s6;
	p0 =	sne.s32 s6, $0xFFFFFFFF  }
0x2fc: {  	s5 =	sadd.s32 $0x1, s5;
	s6 =	smov.u32 s7;
	s7 =	sadd.s32 $0x1, s7  }
0x2fd: {  	p1 =	sne.s32 s2, s7;
	v1 =	vld.msk @!p0 [tilespmem:s5+$0x0], $0x1;
	_ =	sdelay $0x4  }
0x2fe: {  	(v2sf) =	vpush @!p0 v1, $0x0;
	_ =	sdelay $0xe  }
.Ltmp23:
0x2ff: {  	s8 =	spop @!p0 (v2sf);
	(pc) =	sbr.rel @p1 .LBB2_26-.Ltmp23, $4  }
0x300: {  	p2 =	seq.s32 @!p0 s4, s8  }
0x301: {  	p2 =	por !p2, p0  }
0x302: {  	s6 =	simm.s32 @p2 $0xFFFFFFFF  }
0x303: {  	s6 =	smov.u32 @p0 s0  }
.LBB2_27:
0x304: {  	p0 =	sne.s32 s6, $0xFFFFFFFF  }
.Ltmp24:
0x305: {  	_ = 	snop;
	(pc) =	sbr.rel @!p0 .LBB2_28-.Ltmp24, $1  }
0x306: {  	_ =	sdelay $0x3  }
0x307: {  	s0 =	sshll.u32 s3, $0x4  }
0x308: {  	s0 =	sand.u32 $0x3FFFFFF0, s0  }
0x309: {  	v0 =	vld [tilespmem:s0+$0x3678]  }
.Ltmp25:
0x30a: {  	_ = 	snop;
	(pc) =	sbr.rel .LBB2_30-.Ltmp25, $4  }
0x30b: {  	_ = 	snop  }
0x30c: {  	s31 =	sshll.u32 s6, $0x6  }
0x30d: {  	s0 =	sshra.s32 s31, $0x2  }
0x30e: {  	[tilespmem:s0+$0x3678] =	vst.add.f32.msk $0xffff, v0  }
.LBB2_31:
0x30f: {  	p0 =	slt.s32 s2, $0x1  }
.Ltmp26:
0x310: {  	_ = 	snop;
	(pc) =	sbr.rel @p0 .LBB2_35-.Ltmp26, $3  }
0x311: {  	_ =	sdelay $0x1  }
0x312: {  	s0 =	simm.s32 $0x6  }
0x313: {  	s3 =	simm.s32 $0x0;
	[sflag:s0] =	ssyncpa.u1 $0x1  }
0x314: {  	s0 =	simm.s32 $0x3658  }
0x315: {  	v0 =	vld.msk [tilespmem:s0+$0x0], $0x1;
	_ =	sdelay $0x4  }
0x316: {  	(v2sf) =	vpush v0, $0x0;
	_ =	sdelay $0xd  }
0x317: {  	s2 =	sadd.s32 $0xFFFFFFFF, s2  }
0x318: {  	p1 =	sne.s32 s2, $0x0;
	s0 =	spop (v2sf)  }
.Ltmp27:
0x319: {  	p0 =	sgt.u32 s0, $0x270FF;
	(pc) =	sbr.rel @!p1 .LBB2_34-.Ltmp27, $4  }
0x31a: {  	s4 =	simm.s32 $0x3678;
	s5 =	sand.u32 @!p0 $0x3FFF8, s0  }
0x31b: {  	s6 =	simm.s32 $0x0;
	s0 =	sand.u32 @!p0 $0x7, s0;
	s5 =	sadd.s32 @!p0 s1, s5  }
0x31c: {  	[hbm4b:s5+s0] =	stream.linear.scatter @!p0 [tilespmem:s4], [sflag:$0x5], $0x4, $0x38;
	[tilespmem:$0x1F0E8] =	vst v63  }
0x31d: {  	s6 =	simm.s32 @!p0 $0x10;
	s5 =	simm.s32 $0x3659  }
.LBB2_33:
0x31e: {  	v0 =	vld.msk [tilespmem:s5+$0x0], $0x1;
	s2 =	sadd.s32 $0xFFFFFFFF, s2;
	s3 =	sadd.s32 s3, s6  }
0x31f: {  	p0 =	sne.s32 s2, $0x0;
	_ =	sdelay $0x3  }
0x320: {  	(v2sf) =	vpush v0, $0x0;
	_ =	sdelay $0xe  }
.Ltmp28:
0x321: {  	s0 =	spop (v2sf);
	(pc) =	sbr.rel @p0 .LBB2_33-.Ltmp28, $4  }
0x322: {  	s6 =	simm.s32 $0x0;
	p1 =	sgt.u32 s0, $0x270FF  }
0x323: {  	s4 =	sadd.s32 $0x10, s4;
	s6 =	simm.s32 @!p1 $0x10;
	s7 =	sand.u32 @!p1 $0x3FFF8, s0  }
0x324: {  	s5 =	sadd.s32 $0x1, s5;
	s0 =	sand.u32 @!p1 $0x7, s0;
	s7 =	sadd.s32 @!p1 s1, s7  }
0x325: {  	[hbm4b:s7+s0] =	stream.linear.scatter @!p1 [tilespmem:s4], [sflag:$0x5], $0x4, $0x38;
	[tilespmem:$0x1F0E8] =	vst v63  }
.LBB2_34:
0x326: {  	s0 =	sadd.s32 s3, s6  }
0x327: {  	s3 =	sshrl.u32 s0, $0x2  }
.LBB2_35:
0x328: {  	s0 =	simm.s32 $0x5  }
0x329: {  	_ =	swait.ge [sflag:s0], s3  }
0x32a: {  	s1 =	ssub.s32 $0x0, s3;
	[sflag:s0] =	ssyncset.done $0x0  }
0x32b: {  	[sflag:s0] =	ssyncadd.s32 s1  }
0x32c: {  	[sflag:s0] =	ssyncpa.u1 $0x1  }
0x32d: {  	s30 =	simm.s32 $0x1;
	_ =	sfence  }
0x32e: {  	[sflag:s30] =	ssyncpa.u1 $0x1  }
0x32f: {  	_ =	strace $0x90000050  }
0x330: {  	[bflag:$0x2] =	sbarrier.arrive $0xFFFF  }
0x331: {  	s31 =	rddreg [dreg:$0x1]  }
0x332: {  	s0 =	sadd.s32 $0x100000, s31  }
0x333: {  	[sflag:s0] =	ssyncadd.tile.s32 $0x1;
	_ =	shalt  }
.Lfunc_end2:
_tile_overlayer_lowered:
.L_overlay_start_2:
0x334: {  	(tag) =	ssettag $0x2  }
0x335: {  	s0 =	rddreg [dreg:$0x0];
	s2 =	stileid.u32  }
0x336: {  	s1 =	rddreg [dreg:$0x1];
	p0 =	sne.s32 s2, $0x0  }
0x337: {  	s3 =	rddreg [dreg:$0x2];
	[bflag:$0x3] =	sbarrier.arrive $0xFFFF;
	s2 =	simm.s32 @!p0 $0x1C01  }
0x338: {  	[timem:s3], [sflag:s2] =	dma.local @!p0 [hbm:s0], s1  }
0x339: {  	s0 =	simm.s32 @!p0 $0x1  }
0x33a: {  	_ =	swait.ge @!p0 [sflag:s0], s1  }
0x33b: {  	s1 =	ssub.s32 @!p0 $0x0, s1;
	[sflag:s0] =	ssyncset.done @!p0 $0x0  }
0x33c: {  	[sflag:s0] =	ssyncadd.s32 @!p0 s1  }
0x33d: {  	[bflag:$0x3] =	sbarrier.arrive $0xFFFF  }
0x33e: {  	_ =	shalt  }

// kernel: scatter_offload_async_start.4
scs
__scs_entry_jumppad:
0x0: {  	(pc) =	sbr.rel $0x88, $3  }
0x1: {  	(tag) =	ssettag $0x0;
	lr =	simm.s32 $0x1  }
0x2: {  	[smem:$0x3F86] =	sst lr;
	_ =	strace $0xD0000000  }
0x3: {  	_ = 	snop  }
0x4: {  	_ = 	snop  }
0x5: {  	_ = 	snop  }
0x6: {  	_ = 	snop  }
0x7: {  	_ = 	snop  }
__scs_overlays_trampoline_lowered:
0x8: {  	[smem:$0x3F95] =	sst s0  }
0x9: {  	[smem:$0x3F96] =	sst s1  }
0xa: {  	[smem:$0x3F97] =	sst s2  }
0xb: {  	[smem:$0x3F98] =	sst s3  }
0xc: {  	[smem:$0x3F99] =	sst s4  }
0xd: {  	[smem:$0x3F9A] =	sst s5  }
0xe: {  	[smem:$0x3F9B] =	sst s6  }
0xf: {  	[smem:$0x3F9C] =	sst s7  }
0x10: {  	[smem:$0x3F9D] =	sst s8  }
0x11: {  	[smem:$0x3F9E] =	sst s9;
	s0 =	simm.s32 @!p0 $0x0  }
0x12: {  	s1 =	sld [smem:$0x3F84];
	s0 =	simm.s32 @p0 $0x1  }
0x13: {  	[smem:$0x3F9F] =	sst s0;
	s0 =	simm.s32 @!p1 $0x0  }
0x14: {  	s2 =	sld [smem:$0x3F83];
	s0 =	simm.s32 @p1 $0x1  }
0x15: {  	[smem:$0x3FA0] =	sst s0;
	s0 =	simm.s32 @!p2 $0x0  }
0x16: {  	s3 =	sld [smem:$0x3FDB];
	s0 =	simm.s32 @p2 $0x1  }
0x17: {  	s4 =	simm.s32 $0x1BF5;
	[smem:$0x3FA2] =	sst s0  }
0x18: {  	s0 =	sld [smem:$0x3F85];
	_ =	swait.ge [sflag:s4], $0x0  }
0x19: {  	s7 =	sld [smem:$0x3F86]  }
0x1a: {  	s8 =	sadd.s32 $0xFFFFE003, lr  }
0x1b: {  	s9 =	sadd.s32 $0xFFFFFEF7, lr;
	s5 =	simm.s32 $0xFFFFFFFF;
	p2 =	slt.u32 s8, $0xFFFFF086  }
0x1c: {  	p1 =	slt.u32 s9, $0xF7A;
	s5 =	simm.s32 @!p2 $0x0  }
0x1d: {  	s5 =	simm.s32 @p1 $0x1;
	p0 =	seq.s32 s7, s2  }
0x1e: {  	s7 =	smul.u32 @!p0 $0xF7A, s2;
	p2 =	seq.s32 @!p0 s5, $0x0  }
0x1f: {  	s9 =	smul.u32 $0xF7A, s1;
	s8 =	simm.s32 @!p0 $0x1BF5;
	p2 =	por !p2, p0  }
0x20: {  	[sflag:s8] =	ssyncset.s32 @!p0 $0xFFFFF086;
	s6 =	sadd.s32 @!p0 s3, s7;
	s7 =	simm.s32 @!p0 $0x108  }
0x21: {  	s3 =	sadd.s32 s3, s9;
	s6 =	sadd.s32 @!p0 $0x88, s6;
	s7 =	simm.s32 @p2 $0x1082  }
0x22: {  	[simem:s7], [sflag:s8] =	dma.local @!p0 [hbm:s6], $0xF7A  }
0x23: {  	s9 =	sor.u32 $0xD0000000, s2;
	s6 =	simm.s32 $0x108;
	_ =	swait.ge @!p0 [sflag:s8], $0x0  }
0x24: {  	s3 =	sadd.s32 $0x88, s3;
	s6 =	simm.s32 @!p1 $0x1082;
	[sflag:s4] =	ssyncset.s32 $0xFFFFF086  }
0x25: {  	[simem:s6], [sflag:s4] =	dma.local [hbm:s3], $0xF7A  }
0x26: {  	[smem:$0x3F86] =	sst s1;
	(tag) =	ssettag s2;
	_ =	strace s9  }
0x27: {  	s1 =	sld [smem:$0x3F96]  }
0x28: {  	s2 =	sld [smem:$0x3F97]  }
0x29: {  	s4 =	sld [smem:$0x3F99]  }
0x2a: {  	p0 =	seq.s32 s5, $0x0;
	s5 =	sld [smem:$0x3F9A]  }
0x2b: {  	s6 =	sld [smem:$0x3F9B]  }
0x2c: {  	s7 =	sld [smem:$0x3F9C]  }
0x2d: {  	s3 =	simm.s32 $0x108;
	s8 =	sld [smem:$0x3F9D]  }
0x2e: {  	s3 =	simm.s32 @!p0 $0x1082;
	s9 =	sld [smem:$0x3F9E]  }
0x2f: {  	lr =	sadd.s32 s0, s3;
	s0 =	sld [smem:$0x3F95]  }
0x30: {  	s3 =	sld [smem:$0x3F98]  }
0x31: {  	[smem:$0x3FA1] =	sst s10  }
0x32: {  	s10 =	sld [smem:$0x3F9F];
	_ =	sdelay $0x3  }
0x33: {  	p0 =	seq.s32 s10, $0x1;
	s10 =	sld [smem:$0x3FA1];
	_ =	sdelay $0x3  }
0x34: {  	[smem:$0x3FA1] =	sst s10  }
0x35: {  	s10 =	sld [smem:$0x3FA0];
	_ =	sdelay $0x3  }
0x36: {  	p1 =	seq.s32 s10, $0x1;
	s10 =	sld [smem:$0x3FA1];
	_ =	sdelay $0x3  }
0x37: {  	[smem:$0x3FA1] =	sst s10  }
0x38: {  	s10 =	sld [smem:$0x3FA2]  }
0x39: {  	_ = 	snop;
	(pc) =	sbr.ind lr, $3  }
0x3a: {  	_ = 	snop  }
0x3b: {  	_ = 	snop  }
0x3c: {  	p2 =	seq.s32 s10, $0x1;
	s10 =	sld [smem:$0x3FA1]  }
0x3d: {  	_ =	shalt  }
0x3e: {  	_ =	shalt  }
0x3f: {  	_ =	shalt  }
0x40: {  	_ =	shalt  }
0x41: {  	_ =	shalt  }
0x42: {  	_ =	shalt  }
0x43: {  	_ =	shalt  }
0x44: {  	_ =	shalt  }
0x45: {  	_ =	shalt  }
0x46: {  	_ =	shalt  }
0x47: {  	_ =	shalt  }
0x48: {  	_ =	shalt  }
0x49: {  	_ =	shalt  }
0x4a: {  	_ =	shalt  }
0x4b: {  	_ =	shalt  }
0x4c: {  	_ =	shalt  }
0x4d: {  	_ =	shalt  }
0x4e: {  	_ =	shalt  }
0x4f: {  	_ =	shalt  }
0x50: {  	_ =	shalt  }
0x51: {  	_ =	shalt  }
0x52: {  	_ =	shalt  }
0x53: {  	_ =	shalt  }
0x54: {  	_ =	shalt  }
0x55: {  	_ =	shalt  }
0x56: {  	_ =	shalt  }
0x57: {  	_ =	shalt  }
0x58: {  	_ =	shalt  }
0x59: {  	_ =	shalt  }
0x5a: {  	_ =	shalt  }
0x5b: {  	_ =	shalt  }
0x5c: {  	_ =	shalt  }
0x5d: {  	_ =	shalt  }
0x5e: {  	_ =	shalt  }
0x5f: {  	_ =	shalt  }
0x60: {  	_ =	shalt  }
0x61: {  	_ =	shalt  }
0x62: {  	_ =	shalt  }
0x63: {  	_ =	shalt  }
0x64: {  	_ =	shalt  }
0x65: {  	_ =	shalt  }
0x66: {  	_ =	shalt  }
0x67: {  	_ =	shalt  }
0x68: {  	_ =	shalt  }
0x69: {  	_ =	shalt  }
0x6a: {  	_ =	shalt  }
0x6b: {  	_ =	shalt  }
0x6c: {  	_ =	shalt  }
0x6d: {  	_ =	shalt  }
0x6e: {  	_ =	shalt  }
0x6f: {  	_ =	shalt  }
0x70: {  	_ =	shalt  }
0x71: {  	_ =	shalt  }
0x72: {  	_ =	shalt  }
0x73: {  	_ =	shalt  }
0x74: {  	_ =	shalt  }
0x75: {  	_ =	shalt  }
0x76: {  	_ =	shalt  }
0x77: {  	_ =	shalt  }
0x78: {  	_ =	shalt  }
0x79: {  	_ =	shalt  }
0x7a: {  	_ =	shalt  }
0x7b: {  	_ =	shalt  }
0x7c: {  	_ =	shalt  }
0x7d: {  	_ =	shalt  }
0x7e: {  	_ =	shalt  }
0x7f: {  	_ =	shalt  }
0x80: {  	_ =	shalt  }
0x81: {  	_ =	shalt  }
0x82: {  	_ =	shalt  }
0x83: {  	_ =	shalt  }
0x84: {  	_ =	shalt  }
0x85: {  	_ =	shalt  }
0x86: {  	_ =	shalt  }
0x87: {  	_ =	shalt  }
.Lfunc_end0:
.L_simem_size_0:
called_computation.4_lowered:
.L_overlay_start_0:
0x88: {  	s0 =	sld [smem:$0x3FD9]  }
0x89: {  	s1 =	sld [smem:$0x3FFE];
	_ =	sdelay $0x3  }
0x8a: {  	s0 =	sadd.s32 s1, s0  }
0x8b: {  	[smem:$0x3FAD] =	sst s0  }
0x8c: {  	_ = 	snop  }
0x8d: {  	(tm) =	ssettm $0x1  }
0x8e: {  	s15 =	sld [smem:$0x3FFB];
	_ =	sdelay $0x3  }
0x8f: {  	_ =	strace s15  }
0x90: {  	s0 =	sld [smem:$0x3FFC];
	_ =	sdelay $0x3  }
0x91: {  	_ =	strace s0  }
0x92: {  	s0 =	sld [smem:$0x3FFD];
	_ =	sdelay $0x3  }
0x93: {  	_ =	strace s0  }
0x94: {  	_ =	strace $0x8FFFFFFF  }
0x95: {  	s16 =	sld [smem:$0x3FDB];
	_ =	sdelay $0x1  }
0x96: {  	s17 =	simm.s32 $_scs_section_size  }
0x97: {  	s2 =	simm.s32 $_size__tile_overlayer_lowered;
	s3 =	simm.s32 $_tile_overlayer_lowered  }
0x98: {  	s20 =	simm.s32 $0x1BFF;
	s19 =	sshll.u32 s3, $0x1;
	s0 =	sadd.s32 s17, s16  }
0x99: {  	s4 =	simm.s32 $0x0;
	s18 =	sshll.u32 s2, $0x1;
	s2 =	sadd.s32 s19, s0  }
0x9a: {  	[timem:s4], [sflag:s20] =	dma.local [hbm:s2], s18  }
0x9b: {  	_ =	swait.ge [sflag:s20], s18  }
0x9c: {  	s1 =	ssub.s32 $0x0, s18;
	[sflag:s20] =	ssyncset.done $0x0  }
0x9d: {  	[sflag:s20] =	ssyncadd.s32 s1;
	_ =	sdelay $0x1  }
0x9e: {  	s21 =	simm.s32 $0x1B8B  }
0x9f: {  	_ =	swait.ge [sflag:s21], $0x1  }
0xa0: {  	[sflag:s21] =	ssyncset.done $0x0  }
0xa1: {  	s23 =	simm.s32 $0x1B8E;
	s22 =	sld [smem:$0x3FFE];
	[sflag:s21] =	ssyncadd.s32 $0xFFFFFFFF  }
0xa2: {  	s24 =	simm.s32 $execute0_lowered;
	[smem:$0x3FD2] =	sst s23  }
0xa3: {  	s2 =	sshll.u32 s24, $0x1;
	_ =	strace $0x80000052;
	[dreg:$0x1] =	wrdreg $0xFFFFFFFF  }
0xa4: {  	s25 =	simm.s32 $_size_execute0_lowered;
	s0 =	sadd.s32 s0, s2;
	[dreg:$0x0] =	wrdreg $0x0  }
0xa5: {  	s2 =	sshll.u32 s25, $0x1;
	[dreg:$0x2] =	wrdreg s0  }
0xa6: {  	[dreg:$0x3] =	wrdreg s2  }
0xa7: {  	[dreg:$0x4] =	wrdreg $0xC0  }
0xa8: {  	_ =	task [dreg:s4], $0x5FFFF  }
0xa9: {  	[dreg:$0x1] =	wrdreg $0xFFFFFFFF  }
0xaa: {  	[dreg:$0x0] =	wrdreg $0x60  }
0xab: {  	[dreg:$0x2] =	wrdreg s22  }
0xac: {  	[dreg:$0x3] =	wrdreg $0x9  }
0xad: {  	_ =	task.clear_ibuf [dreg:s4], $0x4FFFF;
	_ =	strace $0x90000052  }
0xae: {  	s26 =	simm.s32 $0x9;
	_ =	strace $0x80000054  }
0xaf: {  	_ =	swait.ge [sflag:s26], $0x1  }
0xb0: {  	[sflag:s26] =	ssyncadd.s32 $0xFFFFFFFF  }
0xb1: {  	_ =	strace $0x90000054  }
0xb2: {  	_ =	sfence  }
0xb3: {  	s28 =	sld [smem:$0x0];
	_ =	sdelay $0x1  }
0xb4: {  	s29 =	srdreg.scid  }
0xb5: {  	s30 =	sshll.u32 s29, $0xD;
	s31 =	sshrl.u32 s29, $0x2  }
0xb6: {  	s1 =	sand.u32 $0x1, s29;
	s2 =	sand.u32 $0x4000, s30;
	s0 =	sadd.s32 s31, s28  }
0xb7: {  	s1 =	sor.u32 s2, s1;
	s0 =	sshll.u32 s0, $0x11  }
0xb8: {  	s0 =	sor.u32 s0, s1  }
0xb9: {  	s0 =	sadd.s32 $0x8F2B, s0  }
0xba: {  	[sflag:s0] =	ssyncadd.remote.s32 $0x1  }
0xbb: {  	_ =	sfence.sel $0xFFFF  }
0xbc: {  	[dreg:$0x0] =	wrdreg $0xFFFFFFFF;
	(pc) =	sbr.abs _section_cstart, $3  }
0xbd: {  	[dreg:$0x1] =	wrdreg $0xFFFFFFFF  }
0xbe: {  	_ =	task.clear_ibuf [dreg:s4], $0x2FFFF;
	_ =	strace $0x9FFFFFFF  }
0xbf: {  	(tm) =	ssettm $0x7FFFFFFF  }
tec
execute0_lowered:
.L_overlay_start_1:
0x0: {  	(tag) =	ssettag $0x1  }
0x1: {  	s1 =	rddreg [dreg:$0x0];
	_ =	strace $0x80000053;
	s0 =	simm.s32 $0x1  }
0x2: {  	s8 =	simm.s32 $0x108;
	v0 =	vimm.s32 $0x0;
	[sflag:s0] =	ssyncpa.u1 $0x0  }
0x3: {  	[tilespmem:s8+$0x70] =	vst v0  }
0x4: {  	[tilespmem:s8+$0x60] =	vst v0  }
0x5: {  	[tilespmem:s8+$0x50] =	vst v0  }
0x6: {  	[tilespmem:s8+$0x40] =	vst v0  }
0x7: {  	[tilespmem:s8+$0x30] =	vst v0  }
0x8: {  	s3 =	sadd.s32 $0x562600, s1;
	[tilespmem:s8+$0x20] =	vst v0  }
0x9: {  	s2 =	simm.s32 $0x40;
	s4 =	sadd.s32 $0x59400, s1;
	s5 =	sadd.s32 $0x56C800, s1;
	[tilespmem:s8+$0x10] =	vst v0  }
.LBB2_1:
0xa: {  	s2 =	sadd.s32 $0x40, s2;
	[tilespmem:s8+$0x0] =	vst v0;
	s8 =	sadd.s32 $0x80, s8  }
0xb: {  	p0 =	slt.u32 s2, $0x3C40;
	[tilespmem:s8+$0x70] =	vst v0  }
0xc: {  	[tilespmem:s8+$0x60] =	vst v0  }
.Ltmp0:
0xd: {  	[tilespmem:s8+$0x50] =	vst v0;
	(pc) =	sbr.rel @p0 .LBB2_1-.Ltmp0, $4  }
0xe: {  	[tilespmem:s8+$0x40] =	vst v0  }
0xf: {  	[tilespmem:s8+$0x30] =	vst v0  }
0x10: {  	[tilespmem:s8+$0x20] =	vst v0  }
0x11: {  	[tilespmem:s8+$0x10] =	vst v0  }
0x12: {  	s13 =	stileid.u32  }
0x13: {  	s0 =	simm.s32 $0x4FB0;
	s6 =	smul.u32 $0x50A0, s13;
	p0 =	seq.s32 s13, $0xF  }
0x14: {  	s0 =	simm.s32 @!p0 $0x50A0  }
0x15: {  	s0 =	sadd.s32 s6, s0  }
0x16: {  	s7 =	smin.u32 s0, $0x50910  }
0x17: {  	s0 =	ssub.s32 s7, s6  }
0x18: {  	p0 =	sgt.s32 s0, $0x0  }
0x19: {  	s0 =	simm.s32 @!p0 $0x0  }
0x1a: {  	s2 =	simm.s32 $0x2;
	s9 =	simm.s32 $0x7;
	s31 =	smulhi.u32 $0x1111112, s0  }
0x1b: {  	s10 =	simm.s32 $0x8;
	s19 =	simm.s32 $0x0;
	s15 =	simm.s32 $0xA  }
0x1c: {  	s17 =	simm.s32 $0x0;
	s18 =	simm.s32 $0x0;
	s11 =	smul.u32 $0xF0, s31  }
.Ltmp1:
0x1d: {  	[tilespmem:s8+$0x0] =	vst v0;
	v0 =	vimm.s32 $0xFFFFFFFF;
	[sflag:s2] =	ssyncpa.u1 $0x0;
	s13 =	sshll.u32 s13, $0x8;
	(pc) =	sbr.rel .LBB2_3-.Ltmp1, $4  }
0x1e: {  	[tilespmem:$0xF208] =	vst v0;
	[sflag:s9] =	ssyncpa.u1 $0x0;
	p0 =	sne.s32 s0, s11;
	s0 =	simm.s32 $0x1  }
0x1f: {  	[sflag:s10] =	ssyncpa.u1 $0x0;
	s10 =	simm.s32 $0x9;
	s0 =	simm.s32 @!p0 $0x0  }
0x20: {  	s16 =	smov.u32 s6;
	[sflag:s10] =	ssyncpa.u1 $0x0;
	s12 =	sadd.s32 s0, s31  }
0x21: {  	v0 =	vlaneseq.u32;
	s11 =	simm.s32 $0x1;
	p0 =	por $0x0, $0x0;
	s14 =	sadd.s32 $0x1, s12  }
.LBB2_18:
0x22: {  	s0 =	sshrl.u32 s28, $0x2  }
.LBB2_20:
0x23: {  	_ =	swait.ge [sflag:s15], s0  }
0x24: {  	s31 =	ssub.s32 $0x0, s0;
	v1 =	vmov s21;
	vm0 =	veq.s32 v0, $0x0;
	[sflag:s15] =	ssyncset.done $0x0  }
0x25: {  	vm15 =	veq.s32 v0, $0x2;
	v1 =	vsel vm0, s26, v1;
	[sflag:s15] =	ssyncadd.s32 s31  }
0x26: {  	v1 =	vsel vm15, s19, v1;
	[sflag:s15] =	ssyncpa.u1 $0x1  }
0x27: {  	[tilespmem:$0xF208] =	vst v1  }
.LBB2_21:
0x28: {  	s0 =	sadd.s32 $0xF0, s16  }
0x29: {  	s2 =	smov.u32 s6;
	p1 =	slt.s32 s0, s7  }
0x2a: {  	s2 =	smov.u32 @p1 s0;
	p1 =	sne.s32 s18, s14  }
.Ltmp2:
0x2b: {  	_ = 	snop;
	(pc) =	sbr.rel @!p1 .LBB2_22-.Ltmp2, $3  }
0x2c: {  	_ =	sdelay $0x1  }
0x2d: {  	s19 =	smov.u32 s17;
	s31 =	sadd.s32 $0x1, s18;
	s17 =	smov.u32 s16  }
0x2e: {  	p0 =	por !p0, !p0;
	s18 =	smov.u32 s31;
	s16 =	smov.u32 s2  }
.LBB2_3:
0x2f: {  	p1 =	sge.u32 s18, s12  }
0x30: {  	s0 =	smulhi.u32 @!p1 $0xAAAAAAAB, s18  }
0x31: {  	s2 =	smov.u32 s16;
	p2 =	sgt.s32 @!p1 s16, $0x50820  }
0x32: {  	s20 =	sshra.s32 @!p1 s16, $0x1F;
	p2 =	por !p2, p1;
	s0 =	sshrl.u32 @!p1 s0, $0x1  }
0x33: {  	s20 =	sand.u32 @!p1 s20, s16;
	s2 =	simm.s32 @p2 $0x50820;
	s0 =	smul.u32 @!p1 $0x3, s0  }
0x34: {  	s2 =	ssub.s32 @!p1 s2, s20  }
0x35: {  	s2 =	sadd.s32 @!p1 $0xFFFAF7E0, s2;
	s0 =	ssub.s32 @!p1 s18, s0  }
0x36: {  	s20 =	sshll.u32 @!p1 s2, $0x2;
	p2 =	sgt.s32 @!p1 s2, $0xEF;
	s0 =	smul.u32 @!p1 $0x3C0, s0  }
0x37: {  	s21 =	sand.u32 @!p1 $0x7, s16;
	s2 =	ssub.s32 @!p1 $0x3C0, s20;
	p2 =	por !p2, p1  }
0x38: {  	s20 =	sshrl.u32 @!p1 s16, $0x3;
	s2 =	sshrl.u32 @!p1 s2, $0x2;
	s0 =	sshrl.u32 @!p1 s0, $0x2  }
0x39: {  	s20 =	sadd.s32 @!p1 s5, s20;
	s2 =	simm.s32 @!p2 $0x0;
	s0 =	sadd.s32 @!p1 $0x10238, s0  }
0x3a: {  	[tilespmem:s0], [sflag:$0x8] =	stream.linear.gather @!p1 [hbm4b:s20+s21], s2, $0x38;
	[tilespmem:$0x1F6E8] =	vst v63  }
0x3b: {  	s0 =	sadd.s32 $0xFFFFFFFF, s18  }
0x3c: {  	p1 =	sge.u32 s0, s12  }
0x3d: {  	p2 =	sgt.s32 @!p1 s17, $0x50820  }
0x3e: {  	s2 =	smov.u32 s17;
	s20 =	sshra.s32 @!p1 s17, $0x1F;
	p2 =	por !p2, p1  }
0x3f: {  	s20 =	sand.u32 @!p1 s20, s17;
	s2 =	simm.s32 @p2 $0x50820  }
0x40: {  	s2 =	ssub.s32 @!p1 s2, s20  }
0x41: {  	s2 =	sadd.s32 @!p1 $0xFFFAF7E0, s2  }
0x42: {  	s21 =	smulhi.u32 @!p1 $0xAAAAAAAB, s0;
	s22 =	sand.u32 @!p1 $0x1, s0;
	s20 =	sshll.u32 @!p1 s2, $0x2  }
0x43: {  	s24 =	smul.u32 @!p1 $0x3C0, s22;
	p2 =	sgt.s32 @!p1 s2, $0xEF;
	s2 =	ssub.s32 @!p1 $0x3C0, s20  }
0x44: {  	p2 =	por !p2, p1;
	s20 =	sshrl.u32 @!p1 s21, $0x1;
	s2 =	sshrl.u32 @!p1 s2, $0x2  }
0x45: {  	s21 =	simm.s32 @!p1 $0x8;
	s20 =	smul.u32 @!p1 $0x3, s20;
	s2 =	simm.s32 @!p2 $0x0  }
0x46: {  	s22 =	smul.u32 @!p1 $0x1E000, s22;
	_ =	swait.ge @!p1 [sflag:s21], s2;
	s23 =	ssub.s32 @!p1 $0x0, s2  }
0x47: {  	s0 =	ssub.s32 @!p1 s0, s20;
	s20 =	sshrl.u32 @!p1 s17, $0x3;
	[sflag:s21] =	ssyncset.done @!p1 $0x0  }
0x48: {  	s20 =	sadd.s32 @!p1 s3, s20;
	[sflag:s21] =	ssyncadd.s32 @!p1 s23;
	s21 =	sshrl.u32 @!p1 s24, $0x2  }
0x49: {  	s0 =	smul.u32 @!p1 $0x3C0, s0;
	s23 =	sand.u32 @!p1 $0x7, s17;
	s21 =	sor.u32 @!p1 $0x10508, s21  }
0x4a: {  	[tilespmem:s21], [sflag:$0x9] =	stream.linear.gather @!p1 [hbm4b:s20+s23], s2, $0x38;
	[tilespmem:$0x1F6E8] =	vst v63  }
0x4b: {  	s0 =	sshrl.u32 @!p1 s0, $0x2;
	s2 =	sshrl.u32 @!p1 s22, $0x2  }
0x4c: {  	s0 =	sadd.s32 @!p1 $0x10238, s0;
	s20 =	simm.s32 @!p1 $0xF0;
	s2 =	sor.u32 @!p1 $0x106E8, s2  }
0x4d: {  	[tilespmem:s2], [sflag:$0x7] =	stream.indirect.gather @!p1 [hbm4b:s4+s20], $0x80, s0, s20, $0xb8;
	[tilespmem:$0x1F6E8] =	vst v63  }
0x4e: {  	p1 =	slt.u32 s18, $0x2  }
.Ltmp3:
0x4f: {  	_ = 	snop;
	(pc) =	sbr.rel @p1 .LBB2_21-.Ltmp3, $1  }
0x50: {  	_ =	sdelay $0x3  }
0x51: {  	p1 =	sgt.s32 s19, $0x50820;
	s0 =	smov.u32 s19;
	s2 =	sshra.s32 s19, $0x1F  }
0x52: {  	s0 =	simm.s32 @!p1 $0x50820;
	s2 =	sand.u32 s2, s19  }
0x53: {  	s0 =	ssub.s32 s0, s2  }
0x54: {  	s0 =	sadd.s32 $0xFFFAF7E0, s0  }
0x55: {  	s30 =	sshll.u32 s0, $0x2  }
0x56: {  	_ =	swait.ge [sflag:s9], $0x7800;
	s2 =	ssub.s32 $0x3C0, s30  }
0x57: {  	[sflag:s9] =	ssyncset.done $0x0;
	p1 =	sgt.s32 s0, $0xEF;
	s0 =	sshrl.u32 s2, $0x2  }
0x58: {  	[sflag:s9] =	ssyncadd.s32 $0xFFFF8800;
	s0 =	simm.s32 @p1 $0x0  }
0x59: {  	_ =	swait.ge [sflag:s10], s0  }
0x5a: {  	s0 =	ssub.s32 $0x0, s0;
	[sflag:s10] =	ssyncset.done $0x0  }
0x5b: {  	[sflag:s10] =	ssyncadd.s32 s0  }
0x5c: {  	v1 =	vld [tilespmem:$0xF208];
	_ =	sdelay $0x4  }
0x5d: {  	(v2sf) =	vpush v1, $0x0  }
0x5e: {  	(v2sf) =	vpush v1, $0x1  }
0x5f: {  	(v2sf) =	vpush v1, $0x2;
	_ =	sdelay $0x3  }
0x60: {  	s0 =	sadd.s32 $0xF0, s19  }
0x61: {  	s2 =	ssub.s32 $0x50910, s19;
	p1 =	slt.s32 s7, s0  }
0x62: {  	s0 =	smov.u32 @p1 s7;
	p1 =	sgt.s32 s2, $0x0  }
0x63: {  	s23 =	ssub.s32 s0, s19;
	s2 =	simm.s32 @!p1 $0x0  }
0x64: {  	p1 =	slt.s32 s2, s23  }
0x65: {  	s23 =	smov.u32 @p1 s2  }
0x66: {  	s22 =	simm.s32 $0x1;
	p1 =	slt.s32 s23, $0x1  }
.Ltmp4:
0x67: {  	s22 =	simm.s32 @!p0 $0x0;
	(pc) =	sbr.rel @p1 .LBB2_8-.Ltmp4, $4  }
0x68: {  	s31 =	smul.u32 $0x3C0, s22  }
0x69: {  	s24 =	spop (v2sf)  }
0x6a: {  	s0 =	sshrl.u32 s31, $0x2;
	s26 =	spop (v2sf)  }
0x6b: {  	s20 =	sor.u32 $0x10508, s0;
	s19 =	spop (v2sf)  }
0x6c: {  	s0 =	smin.u32 s23, $0x10  }
0x6d: {  	v1 =	vmov s0  }
0x6e: {  	p2 =	sgt.s32 s23, $0x10;
	vm1 =	vgt.u32 v1, v0  }
.Ltmp5:
0x6f: {  	_ = 	snop;
	(pc) =	sbr.rel @!p2 .LBB2_7-.Ltmp5, $2  }
0x70: {  	_ =	sdelay $0x2  }
0x71: {  	s25 =	simm.s32 $0x10;
	s28 =	sadd.s32 $0xFFFFFFF0, s23;
	s21 =	smov.u32 s20;
	vm0 =	vmmov vm1  }
.LBB2_6:
0x72: {  	s0 =	smin.u32 s28, $0x10;
	s25 =	sadd.s32 $0x10, s25;
	v1 =	vld.msk [tilespmem:s21+$0x0 ss:$0x1], vm1  }
0x73: {  	v2 =	vmov s0;
	p2 =	slt.s32 s25, s23  }
0x74: {  	vm1 =	vgt.u32 v2, v0  }
.Ltmp6:
0x75: {  	(pc) =	sbr.rel @p2 .LBB2_6-.Ltmp6, $3  }
0x76: {  	_ =	sdelay $0x1  }
0x77: {  	v1 =	vshll.u32 v1, $0x4  }
0x78: {  	s28 =	sadd.s32 $0xFFFFFFF0, s28;
	[tilespmem:s21+$0x0] =	vst.msk vm0, v1;
	s21 =	sadd.s32 $0x10, s21;
	vm0 =	vmmov vm1  }
.LBB2_7:
0x79: {  	_ =	sdelay $0x4  }
0x7a: {  	v1 =	vld.msk [tilespmem:s21+$0x0 ss:$0x1], vm1;
	_ =	sdelay $0x4  }
0x7b: {  	v1 =	vshll.u32 v1, $0x4  }
0x7c: {  	[tilespmem:s21+$0x0] =	vst.msk vm0, v1  }
.LBB2_8:
0x7d: {  	s0 =	sand.u32 $0x1, s18  }
0x7e: {  	s0 =	smul.u32 $0xF0, s0  }
0x7f: {  	p2 =	sne.s32 s26, $0xFFFFFFFF  }
0x80: {  	v1 =	vld.msk @!p2 [tilespmem:s0+$0x10508], $0x1;
	_ =	sdelay $0x4  }
0x81: {  	(v2sf) =	vpush @!p2 v1, $0x0;
	_ =	sdelay $0xc  }
.Ltmp7:
0x82: {  	_ = 	snop;
	(pc) =	sbr.rel @p1 .LBB2_19-.Ltmp7, $4  }
0x83: {  	_ = 	snop  }
0x84: {  	s25 =	spop @!p2 (v2sf)  }
0x85: {  	s19 =	simm.s32 @!p2 $0x0;
	s21 =	smov.u32 s25  }
0x86: {  	[sflag:s15] =	ssyncpa.u1 $0x0;
	s25 =	smov.u32 @p2 s24;
	s21 =	smov.u32 @p2 s26  }
0x87: {  	v1 =	vld.msk [tilespmem:s20+$0x0], $0x1;
	_ =	sdelay $0x4  }
0x88: {  	(v2sf) =	vpush v1, $0x0;
	_ =	sdelay $0xe  }
0x89: {  	s0 =	smul.u32 $0x1E000, s22;
	s29 =	spop (v2sf)  }
0x8a: {  	s23 =	ssub.s32 $0x0, s23;
	p1 =	seq.s32 s25, s29  }
0x8b: {  	s26 =	sadd.s32 $0x1, s23;
	s0 =	sshrl.u32 s0, $0x2;
	p2 =	sgt.s32 @!p1 s25, $0x0  }
0x8c: {  	s22 =	sor.u32 $0x10728, s0;
	s0 =	smov.u32 s25;
	p2 =	por !p2, p1  }
0x8d: {  	s0 =	simm.s32 @p2 $0x0;
	p2 =	seq.s32 s26, $0x0  }
.Ltmp8:
0x8e: {  	_ = 	snop;
	(pc) =	sbr.rel @p2 .LBB2_11-.Ltmp8, $4  }
0x8f: {  	_ = 	snop  }
0x90: {  	s24 =	simm.s32 $0x0;
	s28 =	sadd.s32 $0x1, s20;
	s0 =	smin.u32 @!p1 s0, $0x270F0  }
0x91: {  	s30 =	simm.s32 @!p1 $0x1;
	s31 =	simm.s32 @!p1 $0x7988;
	s2 =	sand.u32 @!p1 $0x3FFF8, s0  }
0x92: {  	s30 =	smov.u32 @p1 s24;
	s0 =	sand.u32 @!p1 $0x7, s0;
	s2 =	sadd.s32 @!p1 s1, s2  }
.LBB2_10:
0x93: {  	s8 =	smov.u32 s30  }
0x94: {  	[tilespmem:s31], [sflag:$0x2] =	stream.linear.gather @!p1 [hbm4b:s2+s0], $0x80, $0x38;
	[tilespmem:$0x1F6E8] =	vst v63  }
0x95: {  	s26 =	sadd.s32 $0x1, s26;
	s0 =	smov.u32 s29;
	v1 =	vld.msk [tilespmem:s28+$0x0], $0x1  }
0x96: {  	p2 =	seq.s32 s26, $0x0;
	_ =	sdelay $0x3  }
0x97: {  	(v2sf) =	vpush v1, $0x0;
	_ =	sdelay $0xe  }
0x98: {  	s29 =	spop (v2sf)  }
0x99: {  	p1 =	seq.s32 s0, s29  }
0x9a: {  	p3 =	sgt.s32 @!p1 s0, $0x0;
	s2 =	sshll.u32 @!p1 s30, $0x9;
	s30 =	sadd.s32 @!p1 $0x1, s30  }
.Ltmp9:
0x9b: {  	p3 =	por !p3, p1;
	s2 =	sshra.s32 @!p1 s2, $0x2;
	(pc) =	sbr.rel @!p2 .LBB2_10-.Ltmp9, $4  }
0x9c: {  	s30 =	smov.u32 @p1 s8;
	s0 =	simm.s32 @p3 $0x0;
	s31 =	sadd.s32 @!p1 $0x7988, s2  }
0x9d: {  	s0 =	smin.u32 @!p1 s0, $0x270F0  }
0x9e: {  	s2 =	sand.u32 @!p1 $0x3FFF8, s0;
	s0 =	sand.u32 @!p1 $0x7, s0  }
0x9f: {  	s28 =	sadd.s32 $0x1, s28;
	s2 =	sadd.s32 @!p1 s1, s2  }
.LBB2_11:
0xa0: {  	[tilespmem:s31], [sflag:$0x2] =	stream.linear.gather @!p1 [hbm4b:s2+s0], $0x80, $0x38;
	[tilespmem:$0x1F6E8] =	vst v63  }
.Ltmp10:
0xa1: {  	s30 =	sshll.u32 s30, $0x7;
	(pc) =	sbr.rel .LBB2_12-.Ltmp10, $4  }
0xa2: {  	s31 =	simm.s32 $0x2;
	s0 =	sand.u32 $0x3FFFFF80, s30  }
0xa3: {  	_ =	swait.ge [sflag:s31], s0  }
0xa4: {  	s0 =	ssub.s32 $0x0, s0;
	[sflag:s31] =	ssyncset.done $0x0  }
0xa5: {  	s28 =	simm.s32 $0x0;
	[sflag:s31] =	ssyncadd.s32 s0  }
.LBB2_13:
0xa6: {  	v1 =	vld [tilespmem:s22+$0xFFFFFFC0];
	_ =	sdelay $0x3  }
0xa7: {  	s0 =	sshra.s32 s0, $0x2  }
0xa8: {  	[tilespmem:s0+$0x108] =	vst.add.f32.msk $0xffff, v1  }
0xa9: {  	v1 =	vld [tilespmem:s22+$0xFFFFFFD0];
	_ =	sdelay $0x4  }
0xaa: {  	[tilespmem:s0+$0x118] =	vst.add.f32.msk $0xffff, v1  }
0xab: {  	v1 =	vld [tilespmem:s22+$0xFFFFFFE0];
	_ =	sdelay $0x4  }
0xac: {  	[tilespmem:s0+$0x128] =	vst.add.f32.msk $0xffff, v1  }
0xad: {  	v1 =	vld [tilespmem:s22+$0xFFFFFFF0];
	_ =	sdelay $0x4  }
0xae: {  	[tilespmem:s0+$0x138] =	vst.add.f32.msk $0xffff, v1  }
0xaf: {  	v1 =	vld [tilespmem:s22+$0x0];
	_ =	sdelay $0x4  }
0xb0: {  	[tilespmem:s0+$0x148] =	vst.add.f32.msk $0xffff, v1  }
0xb1: {  	v1 =	vld [tilespmem:s22+$0x10];
	_ =	sdelay $0x4  }
0xb2: {  	[tilespmem:s0+$0x158] =	vst.add.f32.msk $0xffff, v1  }
0xb3: {  	v1 =	vld [tilespmem:s22+$0x20];
	_ =	sdelay $0x4  }
0xb4: {  	[tilespmem:s0+$0x168] =	vst.add.f32.msk $0xffff, v1  }
0xb5: {  	v1 =	vld [tilespmem:s22+$0x30];
	_ =	sdelay $0x4  }
0xb6: {  	[tilespmem:s0+$0x178] =	vst.add.f32.msk $0xffff, v1  }
.LBB2_17:
0xb7: {  	s23 =	sadd.s32 $0x1, s23  }
0xb8: {  	p1 =	seq.s32 s23, $0x0  }
.Ltmp11:
0xb9: {  	_ = 	snop;
	(pc) =	sbr.rel @p1 .LBB2_18-.Ltmp11, $2  }
0xba: {  	_ =	sdelay $0x2  }
0xbb: {  	s20 =	sadd.s32 $0x1, s20;
	s22 =	sadd.s32 $0x80, s22;
	s25 =	smov.u32 s26  }
.LBB2_12:
0xbc: {  	v1 =	vld.msk [tilespmem:s20+$0x0], $0x1;
	_ =	sdelay $0x4  }
0xbd: {  	(v2sf) =	vpush v1, $0x0;
	_ =	sdelay $0xe  }
0xbe: {  	s26 =	spop (v2sf)  }
0xbf: {  	p1 =	sne.s32 s25, s26  }
.Ltmp12:
0xc0: {  	_ = 	snop;
	(pc) =	sbr.rel @!p1 .LBB2_13-.Ltmp12, $2  }
0xc1: {  	_ =	sdelay $0x2  }
0xc2: {  	s0 =	sshll.u32 s19, $0x9  }
0xc3: {  	p1 =	seq.s32 s25, s21  }
.Ltmp13:
0xc4: {  	_ = 	snop;
	(pc) =	sbr.rel @!p1 .LBB2_15-.Ltmp13, $1  }
0xc5: {  	_ =	sdelay $0x3  }
0xc6: {  	s0 =	sshra.s32 s0, $0x2  }
.Ltmp14:
0xc7: {  	s0 =	sadd.s32 $0x108, s0;
	(pc) =	sbr.rel .LBB2_16-.Ltmp14, $4  }
0xc8: {  	[spmem:s13] =	stream.linear.scatter [tilespmem:s0], [sflag:$0x1], $0x80, $0x38;
	[tilespmem:$0x1F6E8] =	vst v63  }
0xc9: {  	_ =	swait.ge [sflag:s11], $0x80  }
0xca: {  	[sflag:s11] =	ssyncset.done $0x0  }
0xcb: {  	[sflag:s11] =	ssyncadd.s32 $0xFFFFFF80  }
.LBB2_15:
0xcc: {  	s2 =	sshll.u32 s24, $0x9  }
0xcd: {  	s2 =	sshra.s32 s2, $0x2  }
0xce: {  	v1 =	vld [tilespmem:s2+$0x7988];
	_ =	sdelay $0x3  }
0xcf: {  	s0 =	sshra.s32 s0, $0x2  }
0xd0: {  	[tilespmem:s0+$0x108] =	vst.add.f32.msk $0xffff, v1  }
0xd1: {  	v1 =	vld [tilespmem:s2+$0x7998];
	_ =	sdelay $0x4  }
0xd2: {  	[tilespmem:s0+$0x118] =	vst.add.f32.msk $0xffff, v1  }
0xd3: {  	v1 =	vld [tilespmem:s2+$0x79A8];
	_ =	sdelay $0x4  }
0xd4: {  	[tilespmem:s0+$0x128] =	vst.add.f32.msk $0xffff, v1  }
0xd5: {  	v1 =	vld [tilespmem:s2+$0x79B8];
	_ =	sdelay $0x4  }
0xd6: {  	[tilespmem:s0+$0x138] =	vst.add.f32.msk $0xffff, v1  }
0xd7: {  	v1 =	vld [tilespmem:s2+$0x79C8];
	_ =	sdelay $0x4  }
0xd8: {  	[tilespmem:s0+$0x148] =	vst.add.f32.msk $0xffff, v1  }
0xd9: {  	v1 =	vld [tilespmem:s2+$0x79D8];
	_ =	sdelay $0x4  }
0xda: {  	[tilespmem:s0+$0x158] =	vst.add.f32.msk $0xffff, v1  }
0xdb: {  	v1 =	vld [tilespmem:s2+$0x79E8];
	_ =	sdelay $0x4  }
0xdc: {  	[tilespmem:s0+$0x168] =	vst.add.f32.msk $0xffff, v1  }
0xdd: {  	v1 =	vld [tilespmem:s2+$0x79F8];
	_ =	sdelay $0x2  }
0xde: {  	p1 =	sgt.u32 s25, $0x270F0  }
0xdf: {  	s2 =	sand.u32 @!p1 $0x3FFF8, s25  }
0xe0: {  	s8 =	sadd.s32 $0x108, s0;
	[tilespmem:s0+$0x178] =	vst.add.f32.msk $0xffff, v1;
	s0 =	sadd.s32 @!p1 s1, s2;
	s2 =	sand.u32 @!p1 $0x7, s25  }
0xe1: {  	[hbm4b:s0+s2] =	stream.linear.scatter @!p1 [tilespmem:s8], [sflag:$0xA], $0x80, $0x38;
	[tilespmem:$0x1F6E8] =	vst v63  }
0xe2: {  	s0 =	simm.s32 $0x0  }
0xe3: {  	s0 =	simm.s32 @!p1 $0x200  }
0xe4: {  	s28 =	sadd.s32 s0, s28  }
.LBB2_16:
0xe5: {  	s0 =	sadd.s32 $0x1, s19  }
0xe6: {  	s2 =	smulhi.u32 $0x88888889, s0;
	_ =	sdelay $0x1  }
0xe7: {  	v1 =	vld [tilespmem:s22+$0xFFFFFFC0];
	s2 =	sshrl.u32 s2, $0x7  }
0xe8: {  	s2 =	smul.u32 $0xF0, s2;
	_ =	sdelay $0x1  }
0xe9: {  	s19 =	ssub.s32 s0, s2  }
0xea: {  	s0 =	sshll.u32 s19, $0x7  }
0xeb: {  	[tilespmem:s0+$0x108] =	vst v1  }
0xec: {  	v1 =	vld [tilespmem:s22+$0xFFFFFFD0];
	_ =	sdelay $0x4  }
0xed: {  	[tilespmem:s0+$0x118] =	vst v1  }
0xee: {  	v1 =	vld [tilespmem:s22+$0xFFFFFFE0];
	_ =	sdelay $0x4  }
0xef: {  	[tilespmem:s0+$0x128] =	vst v1  }
0xf0: {  	v1 =	vld [tilespmem:s22+$0xFFFFFFF0];
	_ =	sdelay $0x4  }
0xf1: {  	[tilespmem:s0+$0x138] =	vst v1  }
0xf2: {  	v1 =	vld [tilespmem:s22+$0x0];
	_ =	sdelay $0x4  }
0xf3: {  	[tilespmem:s0+$0x148] =	vst v1  }
0xf4: {  	v1 =	vld [tilespmem:s22+$0x10];
	_ =	sdelay $0x4  }
0xf5: {  	[tilespmem:s0+$0x158] =	vst v1  }
0xf6: {  	v1 =	vld [tilespmem:s22+$0x20];
	_ =	sdelay $0x4  }
0xf7: {  	[tilespmem:s0+$0x168] =	vst v1  }
0xf8: {  	v1 =	vld [tilespmem:s22+$0x30]  }
.Ltmp15:
0xf9: {  	_ = 	snop;
	(pc) =	sbr.rel .LBB2_17-.Ltmp15, $2  }
0xfa: {  	_ =	sdelay $0x2  }
0xfb: {  	s24 =	sadd.s32 $0x1, s24;
	[tilespmem:s0+$0x178] =	vst v1  }
.LBB2_19:
.Ltmp16:
0xfc: {  	(pc) =	sbr.rel .LBB2_20-.Ltmp16, $4  }
0xfd: {  	_ = 	snop  }
0xfe: {  	s0 =	simm.s32 $0x2  }
0xff: {  	_ =	swait.ge [sflag:s0], $0x0  }
0x100: {  	s26 =	smov.u32 s25;
	[sflag:s0] =	ssyncset.done $0x0;
	s0 =	simm.s32 $0x0  }
.LBB2_22:
0x101: {  	_ =	sfence.sel $0x180000  }
0x102: {  	s0 =	simm.s32 $0x7;
	[bflag:$0x0] =	sbarrier.arrive $0xFFFF  }
0x103: {  	s25 =	simm.s32 $0x8;
	[sflag:s0] =	ssyncpa.u1 $0x1  }
0x104: {  	s26 =	simm.s32 $0x9;
	[sflag:s25] =	ssyncpa.u1 $0x1  }
0x105: {  	s28 =	simm.s32 $0x2;
	[sflag:s26] =	ssyncpa.u1 $0x1  }
0x106: {  	[sflag:s28] =	ssyncpa.u1 $0x1  }
0x107: {  	v0 =	vld [tilespmem:$0xF208];
	_ =	sdelay $0x4  }
0x108: {  	(v2sf) =	vpush v0, $0x0  }
0x109: {  	(v2sf) =	vpush v0, $0x1;
	_ =	sdelay $0x1  }
0x10a: {  	(v2sf) =	vpush v0, $0x2;
	_ =	sdelay $0xb  }
0x10b: {  	s0 =	spop (v2sf)  }
0x10c: {  	s2 =	spop (v2sf)  }
0x10d: {  	s3 =	smov.u32 s0;
	p0 =	sne.s32 s0, s2  }
0x10e: {  	s4 =	spop (v2sf);
	s3 =	simm.s32 @!p0 $0xFFFFFFFF  }
0x10f: {  	v2 =	vimm.s32 $0x1;
	v3 =	vlaneseq.u32;
	p0 =	seq.s32 s4, $0xFFFFFFFF;
	v1 =	vmov s3  }
0x110: {  	s7 =	stileid.u32;
	v0 =	vperm.xlane v0, v2;
	p1 =	sne.s32 @!p0 s0, s2;
	v1 =	vperm.xlane v1, v3  }
0x111: {  	vm0 =	vcmask $0x3F04;
	s6 =	simm.s32 $0xF208;
	s0 =	simm.s32 @!p0 $0x1;
	p1 =	por !p1, p0  }
0x112: {  	s3 =	sshll.u32 s7, $0x1;
	s2 =	sshll.u32 @!p0 s4, $0x9;
	s0 =	simm.s32 @p1 $0x0;
	v0 =	vsel vm0, v1, v0  }
0x113: {  	s5 =	sor.u32 $0x1000, s3;
	s2 =	sshra.s32 @!p0 s2, $0x2;
	s0 =	sor.u32 @!p0 s0, s3;
	[tilespmem:$0xF208] =	vst v0  }
0x114: {  	[spmem:s5] =	stream.linear.scatter [tilespmem:s6], [sflag:$0x1], $0x2, $0x38;
	[tilespmem:$0x1F6E8] =	vst v63  }
0x115: {  	s2 =	sadd.s32 @!p0 $0x108, s2;
	s0 =	sshll.u32 @!p0 s0, $0x7  }
0x116: {  	[spmem:s0] =	stream.linear.scatter @!p0 [tilespmem:s2], [sflag:$0x1], $0x80, $0x38;
	[tilespmem:$0x1F6E8] =	vst v63  }
0x117: {  	s0 =	simm.s32 @!p0 $0x82  }
0x118: {  	s3 =	simm.s32 $0x1;
	s0 =	simm.s32 @p0 $0x2  }
0x119: {  	_ =	swait.ge [sflag:s3], s0  }
0x11a: {  	s0 =	ssub.s32 $0x0, s0;
	[sflag:s3] =	ssyncset.done $0x0  }
0x11b: {  	[sflag:s3] =	ssyncadd.s32 s0  }
0x11c: {  	_ =	sfence.stream.spmem  }
0x11d: {  	s29 =	simm.s32 $0x3;
	[bflag:$0x0] =	sbarrier.arrive $0xFFFF  }
0x11e: {  	s30 =	simm.s32 $0x4;
	[sflag:s29] =	ssyncpa.u1 $0x1  }
0x11f: {  	s31 =	simm.s32 $0x3C;
	[sflag:s30] =	ssyncpa.u1 $0x1  }
0x120: {  	p0 =	sne.s32 s7, $0x0;
	[sflag:s31] =	ssyncpa.u1 $0x1  }
0x121: {  	_ =	sfence @p0  }
0x122: {  	[sflag:s3] =	ssyncpa.u1 @p0 $0x1  }
0x123: {  	_ =	strace @p0 $0x90000053  }
0x124: {  	[bflag:$0x2] =	sbarrier.arrive @p0 $0xFFFF  }
0x125: {  	_ =	shalt @p0  }
.LBB2_23:
0x126: {  	_ =	sfence.stream.spmem;
	s0 =	simm.s32 $0x5  }
0x127: {  	s2 =	simm.s32 $0x1000;
	s3 =	simm.s32 $0xF218;
	[sflag:s0] =	ssyncpa.u1 $0x0  }
0x128: {  	[tilespmem:s3], [sflag:$0x5] =	stream.linear.gather [spmem:s2], $0x20, $0x38;
	[tilespmem:$0x1F6E8] =	vst v63  }
0x129: {  	s30 =	simm.s32 $0xF238;
	s2 =	simm.s32 $0x0  }
0x12a: {  	[tilespmem:s30], [sflag:$0x5] =	stream.linear.gather [spmem:s2], $0x1000, $0x38;
	[tilespmem:$0x1F6E8] =	vst v63  }
.Ltmp17:
0x12b: {  	_ = 	snop;
	(pc) =	sbr.rel .LBB2_24-.Ltmp17, $4  }
0x12c: {  	_ =	swait.ge [sflag:s0], $0x1020  }
0x12d: {  	[sflag:s0] =	ssyncset.done $0x0  }
0x12e: {  	s31 =	simm.s32 $0x6;
	[sflag:s0] =	ssyncadd.s32 $0xFFFFEFE0  }
0x12f: {  	s3 =	simm.s32 $0x0;
	[sflag:s31] =	ssyncpa.u1 $0x0  }
.LBB2_30:
0x130: {  	p0 =	slt.u32 s4, $0x270F1  }
0x131: {  	s0 =	sand.u32 @p0 $0x3FFF8, s4  }
0x132: {  	s4 =	sand.u32 @p0 $0x7, s4;
	s5 =	simm.s32 @p0 $0xF188;
	s0 =	sadd.s32 @p0 s1, s0  }
0x133: {  	[tilespmem:s5], [sflag:$0x6] =	stream.linear.gather @p0 [hbm4b:s0+s4], $0x80, $0x38;
	[tilespmem:$0x1F6E8] =	vst v63  }
0x134: {  	s0 =	simm.s32 @p0 $0x6  }
0x135: {  	_ =	swait.ge @p0 [sflag:s0], $0x80  }
0x136: {  	[sflag:s0] =	ssyncset.done @p0 $0x0  }
0x137: {  	[sflag:s0] =	ssyncadd.s32 @p0 $0xFFFFFF80  }
0x138: {  	v1 =	vld @p0 [tilespmem:$0xF188];
	_ =	sdelay $0x2  }
0x139: {  	s0 =	sshll.u32 @p0 s3, $0x9  }
0x13a: {  	s4 =	sshrl.u32 @p0 s0, $0x2  }
0x13b: {  	[tilespmem:s4+$0xF238] =	vst.add.f32.msk @p0 $0xffff, v1  }
0x13c: {  	v1 =	vld @p0 [tilespmem:$0xF198];
	_ =	sdelay $0x4  }
0x13d: {  	[tilespmem:s4+$0xF248] =	vst.add.f32.msk @p0 $0xffff, v1  }
0x13e: {  	v1 =	vld @p0 [tilespmem:$0xF1A8];
	_ =	sdelay $0x4  }
0x13f: {  	[tilespmem:s4+$0xF258] =	vst.add.f32.msk @p0 $0xffff, v1  }
0x140: {  	v1 =	vld @p0 [tilespmem:$0xF1B8];
	_ =	sdelay $0x4  }
0x141: {  	[tilespmem:s4+$0xF268] =	vst.add.f32.msk @p0 $0xffff, v1  }
0x142: {  	v1 =	vld @p0 [tilespmem:$0xF1C8];
	_ =	sdelay $0x4  }
0x143: {  	[tilespmem:s4+$0xF278] =	vst.add.f32.msk @p0 $0xffff, v1  }
0x144: {  	v1 =	vld @p0 [tilespmem:$0xF1D8];
	_ =	sdelay $0x4  }
0x145: {  	[tilespmem:s4+$0xF288] =	vst.add.f32.msk @p0 $0xffff, v1  }
0x146: {  	v1 =	vld @p0 [tilespmem:$0xF1E8];
	_ =	sdelay $0x4  }
0x147: {  	[tilespmem:s4+$0xF298] =	vst.add.f32.msk @p0 $0xffff, v1  }
0x148: {  	v1 =	vld @p0 [tilespmem:$0xF1F8];
	_ =	sdelay $0x3  }
0x149: {  	s5 =	sshll.u32 @!p0 s3, $0x9  }
0x14a: {  	s5 =	smov.u32 @p0 s0;
	[tilespmem:s4+$0xF2A8] =	vst.add.f32.msk @p0 $0xffff, v1  }
0x14b: {  	s0 =	sshrl.u32 s5, $0x2;
	[tilespmem:s2+$0xF218] =	vst.msk $0x1, v0  }
0x14c: {  	v0 =	vld [tilespmem:s0+$0xF238];
	_ =	sdelay $0x2  }
0x14d: {  	s31 =	sshll.u32 s2, $0x9  }
0x14e: {  	s4 =	sshra.s32 s31, $0x2  }
0x14f: {  	[tilespmem:s4+$0xF238] =	vst v0  }
0x150: {  	v0 =	vld [tilespmem:s0+$0xF248];
	_ =	sdelay $0x4  }
0x151: {  	[tilespmem:s4+$0xF248] =	vst v0  }
0x152: {  	v0 =	vld [tilespmem:s0+$0xF258];
	_ =	sdelay $0x4  }
0x153: {  	[tilespmem:s4+$0xF258] =	vst v0  }
0x154: {  	v0 =	vld [tilespmem:s0+$0xF268];
	_ =	sdelay $0x4  }
0x155: {  	[tilespmem:s4+$0xF268] =	vst v0  }
0x156: {  	v0 =	vld [tilespmem:s0+$0xF278];
	_ =	sdelay $0x4  }
0x157: {  	[tilespmem:s4+$0xF278] =	vst v0  }
0x158: {  	v0 =	vld [tilespmem:s0+$0xF288];
	_ =	sdelay $0x4  }
0x159: {  	[tilespmem:s4+$0xF288] =	vst v0  }
0x15a: {  	v0 =	vld [tilespmem:s0+$0xF298];
	_ =	sdelay $0x4  }
0x15b: {  	[tilespmem:s4+$0xF298] =	vst v0  }
0x15c: {  	v0 =	vld [tilespmem:s0+$0xF2A8];
	_ =	sdelay $0x4  }
0x15d: {  	s2 =	sadd.s32 $0x1, s2;
	[tilespmem:s4+$0xF2A8] =	vst v0  }
.LBB2_31:
0x15e: {  	s3 =	sadd.s32 $0x1, s3  }
0x15f: {  	p0 =	sne.s32 s3, $0x20  }
.Ltmp18:
0x160: {  	_ = 	snop;
	(pc) =	sbr.rel @!p0 .LBB2_32-.Ltmp18, $1  }
0x161: {  	_ =	sdelay $0x3  }
.LBB2_24:
0x162: {  	v0 =	vld.msk [tilespmem:s3+$0xF218], $0x1;
	_ =	sdelay $0x4  }
0x163: {  	(v2sf) =	vpush v0, $0x0;
	_ =	sdelay $0xe  }
0x164: {  	s4 =	spop (v2sf)  }
0x165: {  	p0 =	seq.s32 s4, $0xFFFFFFFF  }
.Ltmp19:
0x166: {  	_ = 	snop;
	(pc) =	sbr.rel @p0 .LBB2_31-.Ltmp19, $1  }
0x167: {  	_ =	sdelay $0x3  }
0x168: {  	p0 =	slt.s32 s2, $0x1  }
.Ltmp20:
0x169: {  	_ = 	snop;
	(pc) =	sbr.rel @p0 .LBB2_30-.Ltmp20, $1  }
0x16a: {  	_ =	sdelay $0x3  }
0x16b: {  	s5 =	simm.s32 $0xF218;
	p0 =	por $0x0, $0x0  }
0x16c: {  	v1 =	vld.msk @!p0 [tilespmem:s5+$0x0], $0x1;
	_ =	sdelay $0x4  }
0x16d: {  	(v2sf) =	vpush @!p0 v1, $0x0;
	_ =	sdelay $0xd  }
0x16e: {  	p2 =	sne.s32 s2, $0x1  }
.Ltmp21:
0x16f: {  	s0 =	spop @!p0 (v2sf);
	(pc) =	sbr.rel @!p2 .LBB2_28-.Ltmp21, $4  }
0x170: {  	p1 =	seq.s32 @!p0 s4, s0  }
0x171: {  	s6 =	simm.s32 $0x0;
	p1 =	por !p1, p0  }
0x172: {  	s0 =	simm.s32 $0xFFFFFFFF;
	s6 =	simm.s32 @p1 $0xFFFFFFFF  }
0x173: {  	s7 =	simm.s32 $0x1;
	s6 =	smov.u32 @p0 s0  }
.LBB2_27:
0x174: {  	s0 =	smov.u32 s6;
	p0 =	sne.s32 s6, $0xFFFFFFFF  }
0x175: {  	s5 =	sadd.s32 $0x1, s5;
	s6 =	smov.u32 s7;
	s7 =	sadd.s32 $0x1, s7  }
0x176: {  	p1 =	sne.s32 s2, s7;
	v1 =	vld.msk @!p0 [tilespmem:s5+$0x0], $0x1;
	_ =	sdelay $0x4  }
0x177: {  	(v2sf) =	vpush @!p0 v1, $0x0;
	_ =	sdelay $0xe  }
.Ltmp22:
0x178: {  	s8 =	spop @!p0 (v2sf);
	(pc) =	sbr.rel @p1 .LBB2_27-.Ltmp22, $4  }
0x179: {  	p2 =	seq.s32 @!p0 s4, s8  }
0x17a: {  	p2 =	por !p2, p0  }
0x17b: {  	s6 =	simm.s32 @p2 $0xFFFFFFFF  }
0x17c: {  	s6 =	smov.u32 @p0 s0  }
.LBB2_28:
0x17d: {  	p0 =	seq.s32 s6, $0xFFFFFFFF  }
.Ltmp23:
0x17e: {  	_ = 	snop;
	(pc) =	sbr.rel @p0 .LBB2_30-.Ltmp23, $1  }
0x17f: {  	_ =	sdelay $0x3  }
0x180: {  	s0 =	sshll.u32 s3, $0x7  }
0x181: {  	s0 =	sand.u32 $0x3FFFFF80, s0  }
0x182: {  	v0 =	vld [tilespmem:s0+$0xF238];
	_ =	sdelay $0x2  }
0x183: {  	s4 =	sshll.u32 s6, $0x9  }
0x184: {  	s4 =	sshra.s32 s4, $0x2  }
0x185: {  	[tilespmem:s4+$0xF238] =	vst.add.f32.msk $0xffff, v0  }
0x186: {  	v0 =	vld [tilespmem:s0+$0xF248];
	_ =	sdelay $0x4  }
0x187: {  	[tilespmem:s4+$0xF248] =	vst.add.f32.msk $0xffff, v0  }
0x188: {  	v0 =	vld [tilespmem:s0+$0xF258];
	_ =	sdelay $0x4  }
0x189: {  	[tilespmem:s4+$0xF258] =	vst.add.f32.msk $0xffff, v0  }
0x18a: {  	v0 =	vld [tilespmem:s0+$0xF268];
	_ =	sdelay $0x4  }
0x18b: {  	[tilespmem:s4+$0xF268] =	vst.add.f32.msk $0xffff, v0  }
0x18c: {  	v0 =	vld [tilespmem:s0+$0xF278];
	_ =	sdelay $0x4  }
0x18d: {  	[tilespmem:s4+$0xF278] =	vst.add.f32.msk $0xffff, v0  }
0x18e: {  	v0 =	vld [tilespmem:s0+$0xF288];
	_ =	sdelay $0x4  }
0x18f: {  	[tilespmem:s4+$0xF288] =	vst.add.f32.msk $0xffff, v0  }
0x190: {  	v0 =	vld [tilespmem:s0+$0xF298];
	_ =	sdelay $0x4  }
0x191: {  	[tilespmem:s4+$0xF298] =	vst.add.f32.msk $0xffff, v0  }
0x192: {  	v0 =	vld [tilespmem:s0+$0xF2A8]  }
.Ltmp24:
0x193: {  	_ = 	snop;
	(pc) =	sbr.rel .LBB2_31-.Ltmp24, $2  }
0x194: {  	_ =	sdelay $0x2  }
0x195: {  	[tilespmem:s4+$0xF2A8] =	vst.add.f32.msk $0xffff, v0  }
.LBB2_32:
0x196: {  	p0 =	slt.s32 s2, $0x1  }
.Ltmp25:
0x197: {  	_ = 	snop;
	(pc) =	sbr.rel @p0 .LBB2_36-.Ltmp25, $3  }
0x198: {  	_ =	sdelay $0x1  }
0x199: {  	s0 =	simm.s32 $0x6  }
0x19a: {  	s3 =	simm.s32 $0x0;
	[sflag:s0] =	ssyncpa.u1 $0x1  }
0x19b: {  	s0 =	simm.s32 $0xF218  }
0x19c: {  	v0 =	vld.msk [tilespmem:s0+$0x0], $0x1;
	_ =	sdelay $0x4  }
0x19d: {  	(v2sf) =	vpush v0, $0x0;
	_ =	sdelay $0xd  }
0x19e: {  	s2 =	sadd.s32 $0xFFFFFFFF, s2  }
0x19f: {  	p1 =	sne.s32 s2, $0x0;
	s0 =	spop (v2sf)  }
.Ltmp26:
0x1a0: {  	p0 =	sgt.u32 s0, $0x270F0;
	(pc) =	sbr.rel @!p1 .LBB2_35-.Ltmp26, $4  }
0x1a1: {  	s4 =	simm.s32 $0xF238;
	s5 =	sand.u32 @!p0 $0x3FFF8, s0  }
0x1a2: {  	s6 =	simm.s32 $0x0;
	s0 =	sand.u32 @!p0 $0x7, s0;
	s5 =	sadd.s32 @!p0 s1, s5  }
0x1a3: {  	[hbm4b:s5+s0] =	stream.linear.scatter @!p0 [tilespmem:s4], [sflag:$0x5], $0x80, $0x38;
	[tilespmem:$0x1F6E8] =	vst v63  }
0x1a4: {  	s6 =	simm.s32 @!p0 $0x200;
	s5 =	simm.s32 $0xF219  }
.LBB2_34:
0x1a5: {  	v0 =	vld.msk [tilespmem:s5+$0x0], $0x1;
	s2 =	sadd.s32 $0xFFFFFFFF, s2;
	s3 =	sadd.s32 s3, s6  }
0x1a6: {  	p0 =	sne.s32 s2, $0x0;
	_ =	sdelay $0x3  }
0x1a7: {  	(v2sf) =	vpush v0, $0x0;
	_ =	sdelay $0xe  }
.Ltmp27:
0x1a8: {  	s0 =	spop (v2sf);
	(pc) =	sbr.rel @p0 .LBB2_34-.Ltmp27, $4  }
0x1a9: {  	s6 =	simm.s32 $0x0;
	p1 =	sgt.u32 s0, $0x270F0  }
0x1aa: {  	s4 =	sadd.s32 $0x80, s4;
	s6 =	simm.s32 @!p1 $0x200;
	s7 =	sand.u32 @!p1 $0x3FFF8, s0  }
0x1ab: {  	s5 =	sadd.s32 $0x1, s5;
	s0 =	sand.u32 @!p1 $0x7, s0;
	s7 =	sadd.s32 @!p1 s1, s7  }
0x1ac: {  	[hbm4b:s7+s0] =	stream.linear.scatter @!p1 [tilespmem:s4], [sflag:$0x5], $0x80, $0x38;
	[tilespmem:$0x1F6E8] =	vst v63  }
.LBB2_35:
0x1ad: {  	s0 =	sadd.s32 s3, s6  }
0x1ae: {  	s3 =	sshrl.u32 s0, $0x2  }
.LBB2_36:
0x1af: {  	s0 =	simm.s32 $0x5  }
0x1b0: {  	_ =	swait.ge [sflag:s0], s3  }
0x1b1: {  	s1 =	ssub.s32 $0x0, s3;
	[sflag:s0] =	ssyncset.done $0x0  }
0x1b2: {  	[sflag:s0] =	ssyncadd.s32 s1  }
0x1b3: {  	[sflag:s0] =	ssyncpa.u1 $0x1  }
0x1b4: {  	s30 =	simm.s32 $0x1;
	_ =	sfence  }
0x1b5: {  	[sflag:s30] =	ssyncpa.u1 $0x1  }
0x1b6: {  	_ =	strace $0x90000053  }
0x1b7: {  	[bflag:$0x2] =	sbarrier.arrive $0xFFFF  }
0x1b8: {  	s31 =	rddreg [dreg:$0x1]  }
0x1b9: {  	s0 =	sadd.s32 $0x100000, s31  }
0x1ba: {  	[sflag:s0] =	ssyncadd.tile.s32 $0x1;
	_ =	shalt  }
.Lfunc_end2:
_tile_overlayer_lowered:
.L_overlay_start_2:
0x1bb: {  	(tag) =	ssettag $0x2  }
0x1bc: {  	s0 =	rddreg [dreg:$0x0];
	s2 =	stileid.u32  }
0x1bd: {  	s1 =	rddreg [dreg:$0x1];
	p0 =	sne.s32 s2, $0x0  }
0x1be: {  	s3 =	rddreg [dreg:$0x2];
	[bflag:$0x3] =	sbarrier.arrive $0xFFFF;
	s2 =	simm.s32 @!p0 $0x1C01  }
0x1bf: {  	[timem:s3], [sflag:s2] =	dma.local @!p0 [hbm:s0], s1  }
0x1c0: {  	s0 =	simm.s32 @!p0 $0x1  }
0x1c1: {  	_ =	swait.ge @!p0 [sflag:s0], s1  }
0x1c2: {  	s1 =	ssub.s32 @!p0 $0x0, s1;
	[sflag:s0] =	ssyncset.done @!p0 $0x0  }
0x1c3: {  	[sflag:s0] =	ssyncadd.s32 @!p0 s1  }
0x1c4: {  	[bflag:$0x3] =	sbarrier.arrive $0xFFFF  }
0x1c5: {  	_ =	shalt  }

// kernel: scatter_offload_async_start
scs
__scs_entry_jumppad:
0x0: {  	(pc) =	sbr.rel $0x88, $3  }
0x1: {  	(tag) =	ssettag $0x0;
	lr =	simm.s32 $0x1  }
0x2: {  	[smem:$0x3F86] =	sst lr;
	_ =	strace $0xD0000000  }
0x3: {  	_ = 	snop  }
0x4: {  	_ = 	snop  }
0x5: {  	_ = 	snop  }
0x6: {  	_ = 	snop  }
0x7: {  	_ = 	snop  }
__scs_overlays_trampoline_lowered:
0x8: {  	[smem:$0x3F95] =	sst s0  }
0x9: {  	[smem:$0x3F96] =	sst s1  }
0xa: {  	[smem:$0x3F97] =	sst s2  }
0xb: {  	[smem:$0x3F98] =	sst s3  }
0xc: {  	[smem:$0x3F99] =	sst s4  }
0xd: {  	[smem:$0x3F9A] =	sst s5  }
0xe: {  	[smem:$0x3F9B] =	sst s6  }
0xf: {  	[smem:$0x3F9C] =	sst s7  }
0x10: {  	[smem:$0x3F9D] =	sst s8  }
0x11: {  	[smem:$0x3F9E] =	sst s9;
	s0 =	simm.s32 @!p0 $0x0  }
0x12: {  	s1 =	sld [smem:$0x3F84];
	s0 =	simm.s32 @p0 $0x1  }
0x13: {  	[smem:$0x3F9F] =	sst s0;
	s0 =	simm.s32 @!p1 $0x0  }
0x14: {  	s2 =	sld [smem:$0x3F83];
	s0 =	simm.s32 @p1 $0x1  }
0x15: {  	[smem:$0x3FA0] =	sst s0;
	s0 =	simm.s32 @!p2 $0x0  }
0x16: {  	s3 =	sld [smem:$0x3FDB];
	s0 =	simm.s32 @p2 $0x1  }
0x17: {  	s4 =	simm.s32 $0x1BF5;
	[smem:$0x3FA2] =	sst s0  }
0x18: {  	s0 =	sld [smem:$0x3F85];
	_ =	swait.ge [sflag:s4], $0x0  }
0x19: {  	s7 =	sld [smem:$0x3F86]  }
0x1a: {  	s8 =	sadd.s32 $0xFFFFE003, lr  }
0x1b: {  	s9 =	sadd.s32 $0xFFFFFEF7, lr;
	s5 =	simm.s32 $0xFFFFFFFF;
	p2 =	slt.u32 s8, $0xFFFFF086  }
0x1c: {  	p1 =	slt.u32 s9, $0xF7A;
	s5 =	simm.s32 @!p2 $0x0  }
0x1d: {  	s5 =	simm.s32 @p1 $0x1;
	p0 =	seq.s32 s7, s2  }
0x1e: {  	s7 =	smul.u32 @!p0 $0xF7A, s2;
	p2 =	seq.s32 @!p0 s5, $0x0  }
0x1f: {  	s9 =	smul.u32 $0xF7A, s1;
	s8 =	simm.s32 @!p0 $0x1BF5;
	p2 =	por !p2, p0  }
0x20: {  	[sflag:s8] =	ssyncset.s32 @!p0 $0xFFFFF086;
	s6 =	sadd.s32 @!p0 s3, s7;
	s7 =	simm.s32 @!p0 $0x108  }
0x21: {  	s3 =	sadd.s32 s3, s9;
	s6 =	sadd.s32 @!p0 $0x88, s6;
	s7 =	simm.s32 @p2 $0x1082  }
0x22: {  	[simem:s7], [sflag:s8] =	dma.local @!p0 [hbm:s6], $0xF7A  }
0x23: {  	s9 =	sor.u32 $0xD0000000, s2;
	s6 =	simm.s32 $0x108;
	_ =	swait.ge @!p0 [sflag:s8], $0x0  }
0x24: {  	s3 =	sadd.s32 $0x88, s3;
	s6 =	simm.s32 @!p1 $0x1082;
	[sflag:s4] =	ssyncset.s32 $0xFFFFF086  }
0x25: {  	[simem:s6], [sflag:s4] =	dma.local [hbm:s3], $0xF7A  }
0x26: {  	[smem:$0x3F86] =	sst s1;
	(tag) =	ssettag s2;
	_ =	strace s9  }
0x27: {  	s1 =	sld [smem:$0x3F96]  }
0x28: {  	s2 =	sld [smem:$0x3F97]  }
0x29: {  	s4 =	sld [smem:$0x3F99]  }
0x2a: {  	p0 =	seq.s32 s5, $0x0;
	s5 =	sld [smem:$0x3F9A]  }
0x2b: {  	s6 =	sld [smem:$0x3F9B]  }
0x2c: {  	s7 =	sld [smem:$0x3F9C]  }
0x2d: {  	s3 =	simm.s32 $0x108;
	s8 =	sld [smem:$0x3F9D]  }
0x2e: {  	s3 =	simm.s32 @!p0 $0x1082;
	s9 =	sld [smem:$0x3F9E]  }
0x2f: {  	lr =	sadd.s32 s0, s3;
	s0 =	sld [smem:$0x3F95]  }
0x30: {  	s3 =	sld [smem:$0x3F98]  }
0x31: {  	[smem:$0x3FA1] =	sst s10  }
0x32: {  	s10 =	sld [smem:$0x3F9F];
	_ =	sdelay $0x3  }
0x33: {  	p0 =	seq.s32 s10, $0x1;
	s10 =	sld [smem:$0x3FA1];
	_ =	sdelay $0x3  }
0x34: {  	[smem:$0x3FA1] =	sst s10  }
0x35: {  	s10 =	sld [smem:$0x3FA0];
	_ =	sdelay $0x3  }
0x36: {  	p1 =	seq.s32 s10, $0x1;
	s10 =	sld [smem:$0x3FA1];
	_ =	sdelay $0x3  }
0x37: {  	[smem:$0x3FA1] =	sst s10  }
0x38: {  	s10 =	sld [smem:$0x3FA2]  }
0x39: {  	_ = 	snop;
	(pc) =	sbr.ind lr, $3  }
0x3a: {  	_ = 	snop  }
0x3b: {  	_ = 	snop  }
0x3c: {  	p2 =	seq.s32 s10, $0x1;
	s10 =	sld [smem:$0x3FA1]  }
0x3d: {  	_ =	shalt  }
0x3e: {  	_ =	shalt  }
0x3f: {  	_ =	shalt  }
0x40: {  	_ =	shalt  }
0x41: {  	_ =	shalt  }
0x42: {  	_ =	shalt  }
0x43: {  	_ =	shalt  }
0x44: {  	_ =	shalt  }
0x45: {  	_ =	shalt  }
0x46: {  	_ =	shalt  }
0x47: {  	_ =	shalt  }
0x48: {  	_ =	shalt  }
0x49: {  	_ =	shalt  }
0x4a: {  	_ =	shalt  }
0x4b: {  	_ =	shalt  }
0x4c: {  	_ =	shalt  }
0x4d: {  	_ =	shalt  }
0x4e: {  	_ =	shalt  }
0x4f: {  	_ =	shalt  }
0x50: {  	_ =	shalt  }
0x51: {  	_ =	shalt  }
0x52: {  	_ =	shalt  }
0x53: {  	_ =	shalt  }
0x54: {  	_ =	shalt  }
0x55: {  	_ =	shalt  }
0x56: {  	_ =	shalt  }
0x57: {  	_ =	shalt  }
0x58: {  	_ =	shalt  }
0x59: {  	_ =	shalt  }
0x5a: {  	_ =	shalt  }
0x5b: {  	_ =	shalt  }
0x5c: {  	_ =	shalt  }
0x5d: {  	_ =	shalt  }
0x5e: {  	_ =	shalt  }
0x5f: {  	_ =	shalt  }
0x60: {  	_ =	shalt  }
0x61: {  	_ =	shalt  }
0x62: {  	_ =	shalt  }
0x63: {  	_ =	shalt  }
0x64: {  	_ =	shalt  }
0x65: {  	_ =	shalt  }
0x66: {  	_ =	shalt  }
0x67: {  	_ =	shalt  }
0x68: {  	_ =	shalt  }
0x69: {  	_ =	shalt  }
0x6a: {  	_ =	shalt  }
0x6b: {  	_ =	shalt  }
0x6c: {  	_ =	shalt  }
0x6d: {  	_ =	shalt  }
0x6e: {  	_ =	shalt  }
0x6f: {  	_ =	shalt  }
0x70: {  	_ =	shalt  }
0x71: {  	_ =	shalt  }
0x72: {  	_ =	shalt  }
0x73: {  	_ =	shalt  }
0x74: {  	_ =	shalt  }
0x75: {  	_ =	shalt  }
0x76: {  	_ =	shalt  }
0x77: {  	_ =	shalt  }
0x78: {  	_ =	shalt  }
0x79: {  	_ =	shalt  }
0x7a: {  	_ =	shalt  }
0x7b: {  	_ =	shalt  }
0x7c: {  	_ =	shalt  }
0x7d: {  	_ =	shalt  }
0x7e: {  	_ =	shalt  }
0x7f: {  	_ =	shalt  }
0x80: {  	_ =	shalt  }
0x81: {  	_ =	shalt  }
0x82: {  	_ =	shalt  }
0x83: {  	_ =	shalt  }
0x84: {  	_ =	shalt  }
0x85: {  	_ =	shalt  }
0x86: {  	_ =	shalt  }
0x87: {  	_ =	shalt  }
.Lfunc_end0:
.L_simem_size_0:
called_computation_lowered:
.L_overlay_start_0:
0x88: {  	s0 =	sld [smem:$0x3FD9]  }
0x89: {  	s1 =	sld [smem:$0x3FFE];
	_ =	sdelay $0x3  }
0x8a: {  	s0 =	sadd.s32 s1, s0  }
0x8b: {  	[smem:$0x3FAD] =	sst s0  }
0x8c: {  	_ = 	snop  }
0x8d: {  	s0 =	sld [smem:$0x3FD0];
	(tm) =	ssettm $0x1  }
0x8e: {  	s16 =	sld [smem:$0x3FFB];
	_ =	sdelay $0x3  }
0x8f: {  	_ =	strace s16  }
0x90: {  	s1 =	sld [smem:$0x3FFC];
	_ =	sdelay $0x3  }
0x91: {  	_ =	strace s1  }
0x92: {  	s1 =	sld [smem:$0x3FFD];
	_ =	sdelay $0x3  }
0x93: {  	_ =	strace s1  }
0x94: {  	_ =	strace $0x8FFFFFFF  }
0x95: {  	s17 =	sld [smem:$0x3FDB];
	_ =	sdelay $0x1  }
0x96: {  	s2 =	simm.s32 $_scs_section_size  }
0x97: {  	s3 =	simm.s32 $_size__tile_overlayer_lowered;
	s4 =	simm.s32 $_tile_overlayer_lowered  }
0x98: {  	s20 =	simm.s32 $0x1BFF;
	s19 =	sshll.u32 s4, $0x1;
	s1 =	sadd.s32 s2, s17  }
0x99: {  	s5 =	simm.s32 $0x0;
	s18 =	sshll.u32 s3, $0x1;
	s3 =	sadd.s32 s19, s1  }
0x9a: {  	[timem:s5], [sflag:s20] =	dma.local [hbm:s3], s18  }
0x9b: {  	_ =	swait.ge [sflag:s20], s18  }
0x9c: {  	s2 =	ssub.s32 $0x0, s18;
	[sflag:s20] =	ssyncset.done $0x0  }
0x9d: {  	[sflag:s20] =	ssyncadd.s32 s2;
	_ =	sdelay $0x1  }
0x9e: {  	s21 =	simm.s32 $0x1B8B  }
0x9f: {  	_ =	swait.ge [sflag:s21], $0x1  }
0xa0: {  	[sflag:s21] =	ssyncset.done $0x0  }
0xa1: {  	s23 =	simm.s32 $0x1B8E;
	s22 =	sld [smem:$0x3FFE];
	[sflag:s21] =	ssyncadd.s32 $0xFFFFFFFF  }
0xa2: {  	s24 =	simm.s32 $execute0_lowered;
	[smem:$0x3FD2] =	sst s23  }
0xa3: {  	s3 =	sshll.u32 s24, $0x1;
	_ =	strace $0x80000046;
	[dreg:$0x1] =	wrdreg $0xFFFFFFFF  }
0xa4: {  	s25 =	simm.s32 $_size_execute0_lowered;
	s1 =	sadd.s32 s1, s3;
	[dreg:$0x0] =	wrdreg $0x0  }
0xa5: {  	s3 =	sshll.u32 s25, $0x1;
	[dreg:$0x2] =	wrdreg s1  }
0xa6: {  	[dreg:$0x3] =	wrdreg s3  }
0xa7: {  	[dreg:$0x4] =	wrdreg $0xC0  }
0xa8: {  	_ =	task [dreg:s5], $0x5FFFF  }
0xa9: {  	[dreg:$0x1] =	wrdreg $0xFFFFFFFF  }
0xaa: {  	[dreg:$0x0] =	wrdreg $0x60  }
0xab: {  	[dreg:$0x2] =	wrdreg s0  }
0xac: {  	[dreg:$0x3] =	wrdreg s22  }
0xad: {  	[dreg:$0x4] =	wrdreg $0x9  }
0xae: {  	_ =	task.clear_ibuf [dreg:s5], $0x5FFFF;
	_ =	strace $0x90000046  }
0xaf: {  	s26 =	simm.s32 $0x9;
	_ =	strace $0x80000048  }
0xb0: {  	_ =	swait.ge [sflag:s26], $0x1  }
0xb1: {  	[sflag:s26] =	ssyncadd.s32 $0xFFFFFFFF  }
0xb2: {  	_ =	strace $0x90000048  }
0xb3: {  	_ =	sfence  }
0xb4: {  	s28 =	sld [smem:$0x0];
	_ =	sdelay $0x1  }
0xb5: {  	s29 =	srdreg.scid  }
0xb6: {  	s30 =	sshll.u32 s29, $0xD;
	s31 =	sshrl.u32 s29, $0x2  }
0xb7: {  	s2 =	sand.u32 $0x4000, s30;
	s1 =	sand.u32 $0x1, s29;
	s0 =	sadd.s32 s31, s28  }
0xb8: {  	s1 =	sor.u32 s2, s1;
	s0 =	sshll.u32 s0, $0x11  }
0xb9: {  	s0 =	sor.u32 s0, s1  }
0xba: {  	s0 =	sadd.s32 $0x8F2B, s0  }
0xbb: {  	[sflag:s0] =	ssyncadd.remote.s32 $0x1  }
0xbc: {  	_ =	sfence.sel $0xFFFF  }
0xbd: {  	[dreg:$0x0] =	wrdreg $0xFFFFFFFF;
	(pc) =	sbr.abs _section_cstart, $3  }
0xbe: {  	[dreg:$0x1] =	wrdreg $0xFFFFFFFF  }
0xbf: {  	_ =	task.clear_ibuf [dreg:s5], $0x2FFFF;
	_ =	strace $0x9FFFFFFF  }
0xc0: {  	(tm) =	ssettm $0x7FFFFFFF  }
0xc1: {  	_ =	shalt  }
tec
execute0_lowered:
.L_overlay_start_1:
0x0: {  	(tag) =	ssettag $0x1  }
0x1: {  	s1 =	rddreg [dreg:$0x0]  }
0x2: {  	s3 =	rddreg [dreg:$0x1];
	_ =	strace $0x80000047;
	s15 =	stileid.u32  }
0x3: {  	s0 =	simm.s32 $0x1;
	s2 =	smin.u32 s15, $0x8;
	s4 =	sshll.u32 s15, $0x1  }
0x4: {  	[sflag:s0] =	ssyncpa.u1 $0x0;
	s2 =	sadd.s32 s2, s4  }
0x5: {  	v1 =	vimm.s32 $0xFFFFFFFF;
	p0 =	slt.u32 s15, $0x8;
	s5 =	smul.u32 $0x1F40, s2;
	s2 =	simm.s32 $0x5DC0  }
0x6: {  	[tilespmem:$0x10] =	vst v1;
	s2 =	simm.s32 @!p0 $0x3E80  }
0x7: {  	v0 =	vimm.f32 $0.0e+00;
	[tilespmem:$0x20] =	vst v1;
	s2 =	sadd.s32 s2, s5  }
0x8: {  	[tilespmem:$0x30] =	vst v0;
	s6 =	smin.u32 s2, $0x4E200  }
0x9: {  	[tilespmem:$0x40] =	vst v0;
	s2 =	ssub.s32 s6, s5  }
0xa: {  	s30 =	simm.s32 $0x2;
	s8 =	simm.s32 $0x8;
	[tilespmem:$0x50] =	vst v0;
	p0 =	sgt.s32 s2, $0x0  }
0xb: {  	s31 =	simm.s32 $0x9;
	s16 =	simm.s32 $0x0;
	[tilespmem:$0x60] =	vst v1;
	s2 =	simm.s32 @!p0 $0x0  }
0xc: {  	s17 =	simm.s32 $0xF0;
	s18 =	simm.s32 $0xFFFFFFFF;
	[tilespmem:$0x70] =	vst v1;
	s7 =	smulhi.u32 $0x10624DD3, s2  }
0xd: {  	s19 =	simm.s32 $0xFFFFC280;
	s20 =	simm.s32 $0xFFFFFFFE;
	s21 =	simm.s32 $0xF;
	[tilespmem:$0x80] =	vst v1  }
0xe: {  	s25 =	simm.s32 $0x0;
	s24 =	simm.s32 $0x0;
	v1 =	vimm.s32 $0x0;
	[tilespmem:$0xB0] =	vst v0;
	s10 =	sshrl.u32 s7, $0x9  }
0xf: {  	s15 =	sshllo.u32 s15, $0x1;
	s13 =	sor.u32 $0x80, s4;
	[tilespmem:$0x90] =	vst v1;
	s9 =	smul.u32 $0x1F40, s10  }
.Ltmp0:
0x10: {  	[tilespmem:$0xA0] =	vst v1;
	[sflag:s30] =	ssyncpa.u1 $0x0;
	s7 =	simm.s32 $0x7;
	(pc) =	sbr.rel .LBB2_1-.Ltmp0, $4  }
0x11: {  	s14 =	sor.u32 $0x81, s4;
	[sflag:s7] =	ssyncpa.u1 $0x0;
	p0 =	sne.s32 s2, s9  }
0x12: {  	s23 =	smov.u32 s5;
	[sflag:s8] =	ssyncpa.u1 $0x0;
	s0 =	simm.s32 @!p0 $0x0  }
0x13: {  	vm0 =	vmmov $0xffff;
	v2 =	vlaneseq.u32;
	s9 =	sadd.s32 $0x9E00, s3;
	[sflag:s31] =	ssyncpa.u1 $0x0;
	s10 =	sadd.s32 s0, s10  }
0x14: {  	vm1 =	vmxor vm1, vm1;
	vm2 =	vmmov $0x1;
	vm3 =	vcmask $0x3F3C;
	p0 =	por $0x0, $0x0;
	s11 =	sadd.s32 $0x1, s10;
	s12 =	sadd.s32 $0x2, s10  }
.LBB2_9:
0x15: {  	p1 =	slt.u32 s24, $0x3  }
0x16: {  	s0 =	simm.s32 @!p1 $0x2  }
0x17: {  	_ =	swait.ge @!p1 [sflag:s0], $0x1F40  }
0x18: {  	[sflag:s0] =	ssyncset.done @!p1 $0x0  }
0x19: {  	[sflag:s0] =	ssyncadd.s32 @!p1 $0xFFFFE0C0;
	s0 =	simm.s32 @!p1 $0x9  }
0x1a: {  	_ =	swait.ge @!p1 [sflag:s0], $0x10  }
0x1b: {  	[sflag:s0] =	ssyncset.done @!p1 $0x0  }
0x1c: {  	[sflag:s0] =	ssyncadd.s32 @!p1 $0xFFFFFFF0;
	p1 =	sne.s32 s24, s12  }
.Ltmp1:
0x1d: {  	s2 =	sadd.s32 $0x1F40, s23;
	(pc) =	sbr.rel @!p1 .LBB2_10-.Ltmp1, $4  }
0x1e: {  	s22 =	smov.u32 s5;
	s31 =	sadd.s32 $0x1, s24;
	s17 =	sadd.s32 $0x1F40, s17  }
0x1f: {  	s18 =	sadd.s32 $0x1, s18;
	s25 =	smov.u32 s23;
	p2 =	slt.s32 s2, s6  }
0x20: {  	p0 =	por !p0, !p0;
	s19 =	sadd.s32 $0x1F40, s19;
	s22 =	smov.u32 @p2 s2  }
0x21: {  	s20 =	sadd.s32 $0x1, s20;
	s23 =	smov.u32 s22;
	s24 =	smov.u32 s31  }
.LBB2_1:
0x22: {  	p1 =	sge.u32 s24, s10  }
0x23: {  	s0 =	smulhi.u32 @!p1 $0xAAAAAAAB, s24;
	_ =	sdelay $0x1  }
0x24: {  	s0 =	sshrl.u32 @!p1 s0, $0x1  }
0x25: {  	s0 =	smul.u32 @!p1 $0x3, s0;
	_ =	sdelay $0x1  }
0x26: {  	s0 =	ssub.s32 @!p1 s24, s0  }
0x27: {  	s0 =	smul.u32 @!p1 $0x7D00, s0;
	_ =	sdelay $0x1  }
0x28: {  	s2 =	sshrl.u32 @!p1 s23, $0x3;
	s0 =	sshrl.u32 @!p1 s0, $0x2  }
0x29: {  	s22 =	sand.u32 @!p1 $0x7, s23;
	s2 =	sadd.s32 @!p1 s3, s2;
	s0 =	sadd.s32 @!p1 $0x100, s0  }
0x2a: {  	[tilespmem:s0], [sflag:$0x7] =	stream.linear.gather @!p1 [hbm4b:s2+s22], $0x1F40, $0x38;
	[tilespmem:$0x11A60] =	vst v63  }
0x2b: {  	s0 =	sadd.s32 $0xFFFFFFFF, s24  }
0x2c: {  	p1 =	sge.u32 s0, s10  }
.Ltmp2:
0x2d: {  	_ = 	snop;
	(pc) =	sbr.rel @p1 .LBB2_5-.Ltmp2, $1  }
0x2e: {  	_ =	sdelay $0x3  }
0x2f: {  	s2 =	smulhi.u32 $0xAAAAAAAB, s0;
	_ =	sdelay $0x1  }
0x30: {  	s2 =	sshrl.u32 s2, $0x1  }
0x31: {  	s2 =	smul.u32 $0x3, s2;
	_ =	sdelay $0x1  }
0x32: {  	s2 =	ssub.s32 s0, s2  }
0x33: {  	s2 =	smul.u32 $0x7D00, s2  }
0x34: {  	_ =	swait.ge [sflag:s7], $0x1F40  }
0x35: {  	[sflag:s7] =	ssyncset.done $0x0;
	s2 =	sshrl.u32 s2, $0x2  }
0x36: {  	[sflag:s7] =	ssyncadd.s32 $0xFFFFE0C0;
	(ifvalue) =	ssetifvalue $0xFFFFFFFF;
	v3 =	vld.msk [tilespmem:s2+$0x100 ss:$0x1], $0xffff;
	_ =	sdelay $0x2  }
0x37: {  	s30 =	smulhi.u32 $0xAAAAAAAB, s18;
	p1 =	sne.s32 s24, $0x1  }
0x38: {  	v4 =	vimm.s32 @!p1 $0x0  }
0x39: {  	s2 =	sshrl.u32 s30, $0x1;
	v4 =	vperm.xlane @!p1 v3, v4  }
0x3a: {  	s22 =	sshll.u32 s24, $0x4;
	s2 =	smul.u32 $0xFFFE8900, s2;
	vm4 =	vlt.u32 v3, $0x2800  }
0x3b: {  	s22 =	sand.u32 $0x10, s22;
	v3 =	vnsel vm4, $0xFFFFFFFE, v3;
	vm4 =	vlt.u32 @!p1 v4, $0x2800  }
0x3c: {  	s2 =	sshra.s32 s2, $0x2;
	[tilespmem:s22+$0x60] =	vst v3;
	v3 =	vnsel @!p1 vm4, $0xFFFFFFFE, v4  }
0x3d: {  	s28 =	sadd.s32 s2, s17;
	[tilespmem:$0x80] =	vst @!p1 v3  }
0x3e: {  	v3 =	vld.msk [tilespmem:s28+$0x0 ss:$0x1], $0xffff;
	_ =	sdelay $0x4  }
0x3f: {  	(xrf1) =	vunique.msk.u32 $0xffff, v3;
	_ =	sdelay $0xd  }
0x40: {  	v4 =	vimm.s32 $0xFFFFFFFF;
	v5, _, _ =	vpop (xrf1)  }
0x41: {  	vm5 =	vne.s32 v3, v4;
	vm4 =	veq.s32 v5, v2  }
0x42: {  	vm6 =	vlt.u32 v3, $0x2800;
	vm4 =	vmand vm5, vm4  }
0x43: {  	vm4 =	vmand vm6, vm4  }
0x44: {  	v4 =	vnsel vm4, $0xFFFFFFFF, v3  }
0x45: {  	s31 =	sand.u32 $0x1, s0  }
0x46: {  	s0 =	simm.s32 $0x1F40;
	p1 =	seq.s32 s31, $0x1  }
0x47: {  	s0 =	simm.s32 @!p1 $0x0  }
0x48: {  	s26 =	sadd.s32 $0x7DF0, s0;
	(ifvalue) =	ssetifvalue $0xFFFFFFFF  }
0x49: {  	v3 =	vperm.xlane v3, v1;
	[tilespmem:s26], [sflag:$0x8] =	stream.indirect_vreg.gather [hbm4b:s1+s16], $0x1, v4, vm0, $0x4038;
	v4 =	vnsel vm6, $0xFFFFFFFE, v4;
	[tilespmem:$0x11A60] =	vst v63  }
0x4a: {  	s2 =	simm.s32 $0x0;
	s22 =	sadd.s32 $0xFFFFFFF0, s28;
	[tilespmem:s28+$0x0] =	vst v4  }
.LBB2_3:
0x4b: {  	v4 =	vld.msk [tilespmem:s22+$0x0 ss:$0x1], $0xffff;
	s2 =	sadd.s32 $0x10, s2;
	v5 =	vmov v3;
	s28 =	smov.u32 s22  }
0x4c: {  	p1 =	slt.u32 s2, $0x1F30;
	_ =	sdelay $0x4  }
0x4d: {  	v3 =	vperm.xlane v4, v1;
	(xrf1) =	vunique.msk.u32 $0xffff, v4;
	_ =	sdelay $0xd  }
0x4e: {  	v6, _, _ =	vpop (xrf1)  }
0x4f: {  	vm5 =	vne.s32 v4, v5;
	vm4 =	veq.s32 v6, v2  }
0x50: {  	vm6 =	vlt.u32 v4, $0x2800;
	vm4 =	vmand vm5, vm4  }
0x51: {  	vm4 =	vmand vm6, vm4  }
0x52: {  	v4 =	vnsel vm4, $0xFFFFFFFF, v4  }
.Ltmp3:
0x53: {  	v5 =	vnsel vm6, $0xFFFFFFFE, v4;
	(pc) =	sbr.rel @p1 .LBB2_3-.Ltmp3, $3  }
0x54: {  	_ =	sdelay $0x1  }
0x55: {  	s22 =	sadd.s32 $0xFFFFFFF0, s22;
	s26 =	sadd.s32 $0xFFFFFFF0, s26;
	(ifvalue) =	ssetifvalue $0xFFFFFFFF  }
0x56: {  	[tilespmem:s26], [sflag:$0x8] =	stream.indirect_vreg.gather [hbm4b:s1+s16], $0x1, v4, vm0, $0x4038;
	[tilespmem:s28+$0x0] =	vst v5  }
0x57: {  	s2 =	sshrl.u32 s25, $0x3  }
0x58: {  	s0 =	sadd.s32 $0x9D40, s0;
	s2 =	sadd.s32 s9, s2  }
0x59: {  	[tilespmem:s0], [sflag:$0x8] =	stream.linear.gather [hbm:s2], $0x1F40, $0x38;
	[tilespmem:$0x11A60] =	vst v63  }
.LBB2_5:
0x5a: {  	p1 =	slt.u32 s24, $0x2  }
0x5b: {  	p2 =	sge.u32 @!p1 s24, s12  }
0x5c: {  	p1 =	por p1, p2  }
.Ltmp4:
0x5d: {  	_ = 	snop;
	(pc) =	sbr.rel @p1 .LBB2_9-.Ltmp4, $1  }
0x5e: {  	_ =	sdelay $0x3  }
0x5f: {  	s0 =	sadd.s32 $0xFFFFFFFE, s24  }
0x60: {  	s2 =	smulhi.u32 $0xAAAAAAAB, s0;
	_ =	sdelay $0x1  }
0x61: {  	s2 =	sshrl.u32 s2, $0x1  }
0x62: {  	s2 =	smul.u32 $0x3, s2;
	_ =	sdelay $0x1  }
0x63: {  	s0 =	ssub.s32 s0, s2  }
0x64: {  	_ =	swait.ge [sflag:s8], $0x3E80;
	s0 =	smul.u32 $0x1F40, s0  }
0x65: {  	p1 =	sne.s32 s24, s11;
	[sflag:s8] =	ssyncset.done $0x0  }
0x66: {  	[sflag:s8] =	ssyncadd.s32 $0xFFFFC180;
	s2 =	sadd.s32 @!p1 $0x203F, s0  }
0x67: {  	[spmem:s14] =	stream.linear.scatter @!p1 [tilespmem:s2], [sflag:$0x1], $0x1, $0x38;
	[tilespmem:$0x11A60] =	vst v63  }
0x68: {  	s2 =	simm.s32 @!p1 $0x1  }
0x69: {  	_ =	swait.ge @!p1 [sflag:s2], $0x1  }
0x6a: {  	s22 =	sshll.u32 s24, $0x4;
	[sflag:s2] =	ssyncset.done @!p1 $0x0  }
0x6b: {  	s25 =	sand.u32 $0x10, s22;
	[sflag:s2] =	ssyncadd.s32 @!p1 $0xFFFFFFFF  }
0x6c: {  	s2 =	sxor.u32 $0x10, s25;
	v4 =	vld [tilespmem:s25+$0x10]  }
0x6d: {  	v5 =	vld [tilespmem:s2+$0x60]  }
0x6e: {  	v3 =	vld [tilespmem:$0x80];
	_ =	sdelay $0x2  }
0x6f: {  	(v2sf) =	vpush v4, $0x0  }
0x70: {  	(v2sf) =	vpush v5, $0x0  }
0x71: {  	(v2sf) =	vpush v3, $0x0;
	_ =	sdelay $0xc  }
0x72: {  	s22 =	spop (v2sf)  }
0x73: {  	s26 =	spop (v2sf)  }
0x74: {  	s28 =	spop (v2sf)  }
0x75: {  	p2 =	seq.s32 s22, s26;
	p3 =	seq.s32 s28, s22  }
0x76: {  	p3 =	por p2, p3  }
0x77: {  	s26 =	sand.u32 $0x1, s24;
	v4 =	vpsel p3, $0xFFFFFFFF, v4  }
0x78: {  	s29 =	smul.u32 $0x1F40, s26;
	[tilespmem:s25+$0x10] =	vst.msk $0x1, v4  }
0x79: {  	v4 =	vld [tilespmem:$0x30]  }
0x7a: {  	v5 =	vld [tilespmem:s29+$0x9D40]  }
0x7b: {  	v6 =	vld [tilespmem:s25+$0x40];
	_ =	sdelay $0x3  }
0x7c: {  	vm4 =	vmmov vm1;
	v5 =	vadd.f32 v5, v4  }
0x7d: {  	vm5 =	vmmov vm2;
	vm4 =	vmmov @p2 vm2;
	s22 =	sshll.u32 s26, $0x4;
	v4 =	vadd.f32 v6, v4  }
0x7e: {  	s26 =	sor.u32 $0x11A40, s22;
	vm5 =	vmmov @p3 vm1;
	[tilespmem:s29+$0x9D40] =	vst.msk vm4, v5  }
0x7f: {  	[tilespmem:s26+$0x0] =	vst.msk vm5, v4  }
0x80: {  	v4 =	vld [tilespmem:s29+$0x7DF0];
	_ =	sdelay $0x3  }
0x81: {  	v5 =	vimm.f32 $0.0e+00  }
0x82: {  	v4 =	vshift.insert v4, v5, s21  }
0x83: {  	s22 =	sor.u32 $0x40, s2  }
0x84: {  	[tilespmem:s22+$0x0] =	vst.msk $0x1, v4  }
0x85: {  	[tilespmem:s29+$0x7DFF] =	vst.msk $0x1, v5  }
0x86: {  	v4 =	vld [tilespmem:s0+$0x2030];
	_ =	sdelay $0x1  }
0x87: {  	s22 =	smulhi.u32 $0xAAAAAAAB, s20;
	s0 =	simm.s32 $0x1  }
0x88: {  	s0 =	simm.s32 @!p0 $0x0  }
0x89: {  	s22 =	sshrl.u32 s22, $0x1;
	s0 =	smul.u32 $0x7D00, s0  }
0x8a: {  	s22 =	smul.u32 $0xFFFE8900, s22;
	v4 =	vshift.insert v4, v1, s21  }
0x8b: {  	s0 =	sshrl.u32 s0, $0x2  }
0x8c: {  	s22 =	sshra.s32 s22, $0x2;
	s30 =	sadd.s32 $0x9D40, s0;
	[tilespmem:s2+$0x10] =	vst.msk $0x1, v4  }
0x8d: {  	s22 =	sadd.s32 s22, s19;
	v6 =	vld [tilespmem:s30+$0x0]  }
0x8e: {  	v7 =	vld [tilespmem:s22+$0x0];
	_ =	sdelay $0x3  }
0x8f: {  	v5 =	vadd.f32 v6, v5  }
0x90: {  	vm4 =	vne.s32 v7, $0xFFFFFFFF  }
0x91: {  	(xrf2) =	vadd.seg.scan.f32 vm4, v5;
	_ =	sdelay $0x3  }
0x92: {  	s31 =	sadd.s32 $0x5EC0, s0;
	v5 =	vperm.xlane v4, v1  }
0x93: {  	v6 =	vld [tilespmem:s31+$0x0]  }
0x94: {  	vm5 =	veq.s32 v7, v3;
	vm6 =	veq.s32 v7, v5  }
0x95: {  	vm7 =	vgt.u32 v7, $0xFFFFFFFD;
	vm6 =	vmor vm6, vm5  }
0x96: {  	vm6 =	vmor vm6, vm7  }
0x97: {  	v9 =	vld [tilespmem:$0xA0];
	v7 =	vsel vm6, $0xFFFFFFFF, v7  }
0x98: {  	v10 =	vld [tilespmem:$0x90];
	v6 =	vsel vm5, $0x0, v6;
	v8, _, _ =	vpop (xrf2)  }
0x99: {  	v6 =	vadd.f32 v8, v6  }
0x9a: {  	s0 =	sadd.s32 $0xDBC0, s0  }
0x9b: {  	vm4 =	vmand vm4, vm3;
	[tilespmem:s0+$0x0] =	vst v6;
	(ifvalue) =	ssetifvalue $0xFFFFFFFF  }
0x9c: {  	vm6 =	veq.s32 v9, $0x1;
	[hbm4b:s1+s16] =	stream.indirect_vreg.scatter [tilespmem:s0], [sflag:$0x2], $0x1, v7, vm0, $0x4038;
	v7 =	vsel vm4, $0x0, v8;
	[tilespmem:$0x11A60] =	vst v63  }
0x9d: {  	s2 =	simm.s32 $0x0;
	s22 =	sadd.s32 $0x10, s22;
	vm4 =	vmor vm6, vm5;
	v6 =	vsel vm5, v8, v10;
	v7 =	vshift.insert v7, v0, s21  }
.LBB2_7:
0x9e: {  	v8 =	vld [tilespmem:s22+$0x0];
	s30 =	sadd.s32 $0x10, s30  }
0x9f: {  	s31 =	sadd.s32 $0x10, s31;
	v9 =	vld [tilespmem:s30+$0x0]  }
0xa0: {  	s2 =	sadd.s32 $0x10, s2;
	v10 =	vld [tilespmem:s31+$0x0]  }
0xa1: {  	p2 =	slt.u32 s2, $0x1F30;
	_ =	sdelay $0x2  }
0xa2: {  	v7 =	vadd.f32 v9, v7  }
0xa3: {  	vm5 =	vne.s32 v8, $0xFFFFFFFF  }
0xa4: {  	vm6 =	vmand vm5, vm3;
	(xrf2) =	vadd.seg.scan.f32 vm5, v7;
	_ =	sdelay $0x5  }
0xa5: {  	vm7 =	veq.s32 v8, v5;
	vm5 =	veq.s32 v8, v3  }
0xa6: {  	vm8 =	vgt.u32 v8, $0xFFFFFFFD;
	vm4 =	vmor vm4, vm5;
	vm7 =	vmor vm7, vm5  }
0xa7: {  	vm7 =	vmor vm7, vm8  }
0xa8: {  	v8 =	vsel vm7, $0xFFFFFFFF, v8  }
.Ltmp5:
0xa9: {  	v7 =	vsel vm5, $0x0, v10;
	v9, _, _ =	vpop (xrf2);
	(pc) =	sbr.rel @p2 .LBB2_7-.Ltmp5, $4  }
0xaa: {  	v6 =	vsel vm5, v9, v6;
	v10 =	vadd.f32 v9, v7;
	v7 =	vsel vm6, $0x0, v9  }
0xab: {  	s0 =	sadd.s32 $0x10, s0;
	v7 =	vshift.insert v7, v0, s21  }
0xac: {  	s22 =	sadd.s32 $0x10, s22;
	[tilespmem:s0+$0x0] =	vst v10;
	(ifvalue) =	ssetifvalue $0xFFFFFFFF  }
0xad: {  	[hbm4b:s1+s16] =	stream.indirect_vreg.scatter [tilespmem:s0], [sflag:$0x2], $0x1, v8, vm0, $0x4038;
	[tilespmem:$0x11A60] =	vst v63  }
0xae: {  	v3 =	vld [tilespmem:s29+$0xFAF0];
	_ =	sdelay $0x4  }
0xaf: {  	v3 =	vshift.insert v3, v0, s21  }
0xb0: {  	s0 =	simm.s32 $0x30  }
0xb1: {  	[tilespmem:s0+$0x0] =	vst.msk $0x1, v3  }
0xb2: {  	v3 =	vsel vm4, $0x1, v1;
	[tilespmem:$0x90] =	vst v6  }
0xb3: {  	s0 =	sadd.s32 @!p1 $0xFAFF, s29;
	[tilespmem:$0xA0] =	vst v3  }
0xb4: {  	[spmem:s15] =	stream.linear.scatter @!p1 [tilespmem:s0], [sflag:$0x1], $0x1, $0x38;
	[tilespmem:$0x11A60] =	vst v63  }
0xb5: {  	s0 =	simm.s32 @!p1 $0x1  }
0xb6: {  	v3 =	vmctz.xlane @!p1 vm4;
	_ =	swait.ge @!p1 [sflag:s0], $0x1  }
0xb7: {  	(v2sf) =	vpush @!p1 v4, $0x0  }
0xb8: {  	(v2sf) =	vpush @!p1 v3, $0x0;
	_ =	sdelay $0xd  }
0xb9: {  	s2 =	spop @!p1 (v2sf)  }
0xba: {  	s22 =	spop @!p1 (v2sf)  }
0xbb: {  	p2 =	sne.s32 @!p1 s28, s2;
	p3 =	slt.s32 @!p1 s22, $0xF  }
0xbc: {  	[sflag:s0] =	ssyncset.done @!p1 $0x0;
	p2 =	por p2, p1;
	p3 =	por !p3, p1  }
0xbd: {  	[sflag:s0] =	ssyncadd.s32 @!p1 $0xFFFFFFFF;
	v3 =	vimm.s32 @!p2 $0xFFFFFFFF;
	s22 =	simm.s32 @p3 $0xF  }
0xbe: {  	[tilespmem:$0x80] =	vst @!p2 v3;
	s2 =	sadd.s32 @!p1 $0x90, s22  }
0xbf: {  	[spmem:s4] =	stream.linear.scatter @!p1 [tilespmem:s2], [sflag:$0x1], $0x1, $0x38;
	[tilespmem:$0x11A60] =	vst v63  }
0xc0: {  	_ =	swait.ge @!p1 [sflag:s0], $0x1  }
0xc1: {  	[sflag:s0] =	ssyncset.done @!p1 $0x0  }
0xc2: {  	s2 =	simm.s32 @!p1 $0x80;
	[sflag:s0] =	ssyncadd.s32 @!p1 $0xFFFFFFFF  }
0xc3: {  	[spmem:s13] =	stream.linear.scatter @!p1 [tilespmem:s2], [sflag:$0x1], $0x1, $0x38;
	[tilespmem:$0x11A60] =	vst v63  }
0xc4: {  	_ =	swait.ge @!p1 [sflag:s0], $0x1  }
0xc5: {  	[sflag:s0] =	ssyncset.done @!p1 $0x0  }
0xc6: {  	[sflag:s0] =	ssyncadd.s32 @!p1 $0xFFFFFFFF;
	(ifvalue) =	ssetifvalue $0xFFFFFFFF;
	v3 =	vld [tilespmem:s25+$0x10];
	_ =	sdelay $0x3  }
.Ltmp6:
0xc7: {  	_ = 	snop;
	(pc) =	sbr.rel .LBB2_9-.Ltmp6, $3  }
0xc8: {  	_ =	sdelay $0x1  }
0xc9: {  	(ifvalue) =	ssetifvalue $0xFFFFFFFF  }
0xca: {  	[hbm4b:s1+s16] =	stream.indirect_vreg.scatter [tilespmem:s26], [sflag:$0x9], $0x1, v3, vm0, $0x4038;
	[tilespmem:$0x11A60] =	vst v63  }
.LBB2_10:
0xcb: {  	_ =	sfence.sel $0x180000  }
0xcc: {  	s0 =	simm.s32 $0x7;
	[bflag:$0x0] =	sbarrier.arrive $0xFFFF  }
0xcd: {  	s26 =	simm.s32 $0x8;
	[sflag:s0] =	ssyncpa.u1 $0x1  }
0xce: {  	s28 =	simm.s32 $0x9;
	[sflag:s26] =	ssyncpa.u1 $0x1  }
0xcf: {  	[sflag:s28] =	ssyncpa.u1 $0x1  }
0xd0: {  	_ =	sfence.stream.spmem  }
0xd1: {  	s29 =	simm.s32 $0x3;
	[bflag:$0x0] =	sbarrier.arrive $0xFFFF  }
0xd2: {  	s30 =	simm.s32 $0x4;
	[sflag:s29] =	ssyncpa.u1 $0x1  }
0xd3: {  	s31 =	simm.s32 $0x3C;
	s2 =	stileid.u32;
	[sflag:s30] =	ssyncpa.u1 $0x1  }
0xd4: {  	p0 =	sne.s32 s2, $0x0;
	[sflag:s31] =	ssyncpa.u1 $0x1  }
0xd5: {  	s0 =	simm.s32 @p0 $0x1;
	_ =	sfence @p0  }
0xd6: {  	[sflag:s0] =	ssyncpa.u1 @p0 $0x1;
	s0 =	simm.s32 @p0 $0x2  }
0xd7: {  	[sflag:s0] =	ssyncpa.u1 @p0 $0x1  }
0xd8: {  	_ =	strace @p0 $0x90000047  }
0xd9: {  	[bflag:$0x2] =	sbarrier.arrive @p0 $0xFFFF  }
0xda: {  	_ =	shalt @p0  }
.LBB2_11:
0xdb: {  	_ =	sfence.stream.spmem;
	s0 =	simm.s32 $0x5  }
0xdc: {  	s2 =	simm.s32 $0x80;
	s3 =	simm.s32 $0xC0;
	[sflag:s0] =	ssyncpa.u1 $0x0  }
0xdd: {  	[tilespmem:s3], [sflag:$0x5] =	stream.linear.gather [spmem:s2], $0x20, $0x38;
	[tilespmem:$0x11A60] =	vst v63  }
0xde: {  	s2 =	simm.s32 $0x0;
	s3 =	simm.s32 $0xE0  }
0xdf: {  	[tilespmem:s3], [sflag:$0x5] =	stream.linear.gather [spmem:s2], $0x20, $0x38;
	[tilespmem:$0x11A60] =	vst v63  }
.Ltmp7:
0xe0: {  	_ = 	snop;
	(pc) =	sbr.rel .LBB2_12-.Ltmp7, $4  }
0xe1: {  	_ =	swait.ge [sflag:s0], $0x40  }
0xe2: {  	[sflag:s0] =	ssyncset.done $0x0  }
0xe3: {  	s31 =	simm.s32 $0x6;
	[sflag:s0] =	ssyncadd.s32 $0xFFFFFFC0  }
0xe4: {  	s4 =	simm.s32 $0x0;
	[sflag:s31] =	ssyncpa.u1 $0x0  }
.LBB2_17:
0xe5: {  	p0 =	sgt.u32 s5, $0x27FF  }
0xe6: {  	s0 =	sshrl.u32 @!p0 s5, $0x3  }
0xe7: {  	s5 =	sand.u32 @!p0 $0x7, s5;
	s6 =	simm.s32 @!p0 $0xB0;
	s0 =	sadd.s32 @!p0 s1, s0  }
0xe8: {  	[tilespmem:s6], [sflag:$0x6] =	stream.linear.gather @!p0 [hbm4b:s0+s5], $0x1, $0x38;
	[tilespmem:$0x11A60] =	vst v63  }
0xe9: {  	s0 =	simm.s32 @!p0 $0x6  }
0xea: {  	_ =	swait.ge @!p0 [sflag:s0], $0x1  }
0xeb: {  	[sflag:s0] =	ssyncset.done @!p0 $0x0  }
0xec: {  	[sflag:s0] =	ssyncadd.s32 @!p0 $0xFFFFFFFF  }
0xed: {  	v2 =	vmov @!p0 s4;
	v1 =	vld.msk @!p0 [tilespmem:$0xB0], $0x1;
	_ =	sdelay $0x3  }
0xee: {  	s0 =	simm.s32 @!p0 $0xE0  }
0xef: {  	[tilespmem:v2+s0+$0x0], v1 =	vst.idx.ret.add.f32.msk @!p0 $0x1, v1  }
0xf0: {  	[tilespmem:s2+$0xC0] =	vst.msk $0x1, v0  }
0xf1: {  	v0 =	vld.msk [tilespmem:s4+$0xE0], $0x1;
	_ =	sdelay $0x4  }
0xf2: {  	[tilespmem:s2+$0xE0] =	vst.msk $0x1, v0;
	s2 =	sadd.s32 $0x1, s2  }
.LBB2_19:
0xf3: {  	s4 =	sadd.s32 $0x1, s4  }
0xf4: {  	p0 =	sne.s32 s4, $0x20  }
.Ltmp8:
0xf5: {  	_ = 	snop;
	(pc) =	sbr.rel @!p0 .LBB2_20-.Ltmp8, $1  }
0xf6: {  	_ =	sdelay $0x3  }
.LBB2_12:
0xf7: {  	v0 =	vld.msk [tilespmem:s4+$0xC0], $0x1;
	_ =	sdelay $0x4  }
0xf8: {  	(v2sf) =	vpush v0, $0x0;
	_ =	sdelay $0xe  }
0xf9: {  	s5 =	spop (v2sf)  }
0xfa: {  	p0 =	seq.s32 s5, $0xFFFFFFFF  }
.Ltmp9:
0xfb: {  	_ = 	snop;
	(pc) =	sbr.rel @p0 .LBB2_19-.Ltmp9, $1  }
0xfc: {  	_ =	sdelay $0x3  }
0xfd: {  	p0 =	slt.s32 s2, $0x1  }
.Ltmp10:
0xfe: {  	_ = 	snop;
	(pc) =	sbr.rel @p0 .LBB2_17-.Ltmp10, $1  }
0xff: {  	_ =	sdelay $0x3  }
0x100: {  	s0 =	simm.s32 $0xC0;
	p0 =	por $0x0, $0x0  }
0x101: {  	v1 =	vld.msk @!p0 [tilespmem:s0+$0x0], $0x1;
	_ =	sdelay $0x4  }
0x102: {  	(v2sf) =	vpush @!p0 v1, $0x0;
	_ =	sdelay $0xd  }
0x103: {  	p2 =	sne.s32 s2, $0x1  }
.Ltmp11:
0x104: {  	s6 =	spop @!p0 (v2sf);
	(pc) =	sbr.rel @!p2 .LBB2_16-.Ltmp11, $4  }
0x105: {  	p1 =	seq.s32 @!p0 s5, s6  }
0x106: {  	s6 =	simm.s32 $0x0;
	p1 =	por !p1, p0  }
0x107: {  	s8 =	simm.s32 $0xFFFFFFFF;
	s6 =	simm.s32 @p1 $0xFFFFFFFF  }
0x108: {  	s7 =	simm.s32 $0x1;
	s6 =	smov.u32 @p0 s8  }
.LBB2_15:
0x109: {  	s8 =	smov.u32 s6;
	p0 =	sne.s32 s6, $0xFFFFFFFF  }
0x10a: {  	s0 =	sadd.s32 $0x1, s0;
	s6 =	smov.u32 s7;
	s7 =	sadd.s32 $0x1, s7  }
0x10b: {  	p1 =	sne.s32 s2, s7;
	v1 =	vld.msk @!p0 [tilespmem:s0+$0x0], $0x1;
	_ =	sdelay $0x4  }
0x10c: {  	(v2sf) =	vpush @!p0 v1, $0x0;
	_ =	sdelay $0xe  }
.Ltmp12:
0x10d: {  	s9 =	spop @!p0 (v2sf);
	(pc) =	sbr.rel @p1 .LBB2_15-.Ltmp12, $4  }
0x10e: {  	p2 =	seq.s32 @!p0 s5, s9  }
0x10f: {  	p2 =	por !p2, p0  }
0x110: {  	s6 =	simm.s32 @p2 $0xFFFFFFFF  }
0x111: {  	s6 =	smov.u32 @p0 s8  }
.LBB2_16:
0x112: {  	p0 =	sne.s32 s6, $0xFFFFFFFF  }
.Ltmp13:
0x113: {  	_ = 	snop;
	(pc) =	sbr.rel @!p0 .LBB2_17-.Ltmp13, $1  }
0x114: {  	_ =	sdelay $0x3  }
0x115: {  	v0 =	vld.msk [tilespmem:s4+$0xE0], $0x1;
	v1 =	vmov s6  }
.Ltmp14:
0x116: {  	_ = 	snop;
	(pc) =	sbr.rel .LBB2_19-.Ltmp14, $2  }
0x117: {  	_ =	sdelay $0x2  }
0x118: {  	[tilespmem:v1+s3+$0x0], v0 =	vst.idx.ret.add.f32.msk $0x1, v0  }
.LBB2_20:
0x119: {  	p0 =	slt.s32 s2, $0x1  }
.Ltmp15:
0x11a: {  	_ = 	snop;
	(pc) =	sbr.rel @p0 .LBB2_24-.Ltmp15, $3  }
0x11b: {  	_ =	sdelay $0x1  }
0x11c: {  	s0 =	simm.s32 $0x6  }
0x11d: {  	s3 =	simm.s32 $0x0;
	[sflag:s0] =	ssyncpa.u1 $0x1  }
0x11e: {  	s0 =	simm.s32 $0xC0  }
0x11f: {  	v0 =	vld.msk [tilespmem:s0+$0x0], $0x1;
	_ =	sdelay $0x4  }
0x120: {  	(v2sf) =	vpush v0, $0x0;
	_ =	sdelay $0xe  }
0x121: {  	s2 =	sadd.s32 $0xFFFFFFFF, s2;
	s4 =	spop (v2sf)  }
0x122: {  	p1 =	sne.s32 s2, $0x0;
	p0 =	sgt.u32 s4, $0x27FF  }
.Ltmp16:
0x123: {  	s5 =	sshrl.u32 @!p0 s4, $0x3;
	(pc) =	sbr.rel @!p1 .LBB2_23-.Ltmp16, $4  }
0x124: {  	s0 =	simm.s32 $0xE0;
	s4 =	sand.u32 @!p0 $0x7, s4;
	s5 =	sadd.s32 @!p0 s1, s5  }
0x125: {  	[hbm4b:s5+s4] =	stream.linear.scatter @!p0 [tilespmem:s0], [sflag:$0x5], $0x1, $0x38;
	[tilespmem:$0x11A60] =	vst v63  }
0x126: {  	s5 =	simm.s32 $0x0  }
0x127: {  	s4 =	simm.s32 $0xC1;
	s5 =	simm.s32 @!p0 $0x4  }
.LBB2_22:
0x128: {  	v0 =	vld.msk [tilespmem:s4+$0x0], $0x1;
	s2 =	sadd.s32 $0xFFFFFFFF, s2;
	s3 =	sadd.s32 s3, s5  }
0x129: {  	p0 =	sne.s32 s2, $0x0;
	_ =	sdelay $0x3  }
0x12a: {  	(v2sf) =	vpush v0, $0x0;
	_ =	sdelay $0xe  }
.Ltmp17:
0x12b: {  	s6 =	spop (v2sf);
	(pc) =	sbr.rel @p0 .LBB2_22-.Ltmp17, $4  }
0x12c: {  	s5 =	simm.s32 $0x0;
	p1 =	sgt.u32 s6, $0x27FF  }
0x12d: {  	s0 =	sadd.s32 $0x1, s0;
	s5 =	simm.s32 @!p1 $0x4;
	s7 =	sshrl.u32 @!p1 s6, $0x3  }
0x12e: {  	s4 =	sadd.s32 $0x1, s4;
	s6 =	sand.u32 @!p1 $0x7, s6;
	s7 =	sadd.s32 @!p1 s1, s7  }
0x12f: {  	[hbm4b:s7+s6] =	stream.linear.scatter @!p1 [tilespmem:s0], [sflag:$0x5], $0x1, $0x38;
	[tilespmem:$0x11A60] =	vst v63  }
.LBB2_23:
0x130: {  	s0 =	sadd.s32 s3, s5  }
0x131: {  	s3 =	sshrl.u32 s0, $0x2  }
.LBB2_24:
0x132: {  	s0 =	simm.s32 $0x5  }
0x133: {  	_ =	swait.ge [sflag:s0], s3  }
0x134: {  	s1 =	ssub.s32 $0x0, s3;
	[sflag:s0] =	ssyncset.done $0x0  }
0x135: {  	[sflag:s0] =	ssyncadd.s32 s1  }
0x136: {  	[sflag:s0] =	ssyncpa.u1 $0x1  }
0x137: {  	s29 =	simm.s32 $0x1;
	_ =	sfence  }
0x138: {  	s30 =	simm.s32 $0x2;
	[sflag:s29] =	ssyncpa.u1 $0x1  }
0x139: {  	[sflag:s30] =	ssyncpa.u1 $0x1  }
0x13a: {  	_ =	strace $0x90000047  }
0x13b: {  	[bflag:$0x2] =	sbarrier.arrive $0xFFFF  }
0x13c: {  	s31 =	rddreg [dreg:$0x2]  }
0x13d: {  	s0 =	sadd.s32 $0x100000, s31  }
0x13e: {  	[sflag:s0] =	ssyncadd.tile.s32 $0x1;
	_ =	shalt  }
.Lfunc_end2:
_tile_overlayer_lowered:
.L_overlay_start_2:
0x13f: {  	(tag) =	ssettag $0x2  }
0x140: {  	s0 =	rddreg [dreg:$0x0];
	s2 =	stileid.u32  }
0x141: {  	s1 =	rddreg [dreg:$0x1];
	p0 =	sne.s32 s2, $0x0  }
0x142: {  	s3 =	rddreg [dreg:$0x2];
	[bflag:$0x3] =	sbarrier.arrive $0xFFFF;
	s2 =	simm.s32 @!p0 $0x1C01  }
0x143: {  	[timem:s3], [sflag:s2] =	dma.local @!p0 [hbm:s0], s1  }
0x144: {  	s0 =	simm.s32 @!p0 $0x1  }
0x145: {  	_ =	swait.ge @!p0 [sflag:s0], s1  }
0x146: {  	s1 =	ssub.s32 @!p0 $0x0, s1;
	[sflag:s0] =	ssyncset.done @!p0 $0x0  }
0x147: {  	[sflag:s0] =	ssyncadd.s32 @!p0 s1  }
0x148: {  	[bflag:$0x3] =	sbarrier.arrive $0xFFFF  }
0x149: {  	_ =	shalt  }

</sc_bundles>
